<compile_context>
chip_gen: v7x
topology: tpu7x:2x2x1
jax: 0.10.2.dev20260603
libtpu: 0.0.44.dev20260713+nightly
codegen_flags: <defaults>
</compile_context>

<pallas_src>
import functools

import jax
import jax.numpy as jnp
from jax import lax
from jax.experimental import pallas as pl
from jax.experimental.pallas import tpu as pltpu
from jax.experimental.pallas import tpu_sc as plsc

_BETA = 0.25
_EPS = 1e-12


_ROW_TILE = 256
_COL_CHUNK = 128


def _vq_tc_body(z_ref, cb_ref, idx_ref, part_ref):
    z = z_ref[...]
    br = z.shape[0]
    k = cb_ref.shape[0]
    sumsq = jnp.sum(z * z, axis=1, keepdims=True)
    n = jnp.sqrt(sumsq)
    z_n = z / jnp.maximum(n, _EPS)
    znorm2 = jnp.sum(z_n * z_n, axis=1)
    cb = cb_ref[...]

    @pl.when(pl.program_id(0) == 0)
    def _():
        part_ref[0, 0] = 0.0

    n_chunks = k // _COL_CHUNK
    part = jnp.float32(0.0)
    for rt in range(br // _ROW_TILE):
        r0 = rt * _ROW_TILE
        sim = lax.dot_general(
            z_n[r0:r0 + _ROW_TILE, :], cb, (((1,), (1,)), ((), ())),
            preferred_element_type=jnp.float32)
        lane = lax.broadcasted_iota(jnp.int32, (_ROW_TILE, _COL_CHUNK), 1)
        runmax = jnp.full((_ROW_TILE, _COL_CHUNK), -2.0, jnp.float32)
        rung = jnp.zeros((_ROW_TILE, _COL_CHUNK), jnp.int32)
        for g in range(n_chunks):
            s = sim[:, g * _COL_CHUNK:(g + 1) * _COL_CHUNK]
            gt = s > runmax
            rung = jnp.where(gt, jnp.int32(g), rung)
            runmax = jnp.maximum(runmax, s)
        maxv = jnp.max(runmax, axis=1)
        cand = rung * _COL_CHUNK + lane
        idx = jnp.min(jnp.where(runmax == maxv[:, None], cand, jnp.int32(k)),
                      axis=1)
        idx_ref[0, 0, r0:r0 + _ROW_TILE] = idx
        part += jnp.sum((1.0 - 2.0 * maxv) + znorm2[r0:r0 + _ROW_TILE])
    part_ref[0, 0] += part


def _argmax_sim(z_flat, codebook, block_rows):
    rows, d = z_flat.shape
    k = codebook.shape[0]
    grid = (rows // block_rows,)
    idx3, part = pl.pallas_call(
        _vq_tc_body,
        grid=grid,
        in_specs=[
            pl.BlockSpec((block_rows, d), lambda i: (i, 0)),
            pl.BlockSpec((k, d), lambda i: (0, 0)),
        ],
        out_specs=[
            pl.BlockSpec((1, 1, block_rows), lambda i: (i, 0, 0)),
            pl.BlockSpec((1, 1), lambda i: (0, 0),
                         memory_space=pltpu.SMEM),
        ],
        out_shape=[
            jax.ShapeDtypeStruct((rows // block_rows, 1, block_rows),
                                 jnp.int32),
            jax.ShapeDtypeStruct((1, 1), jnp.float32),
        ],
    )(z_flat, codebook)
    return idx3.reshape(rows), part[0, 0]


@functools.cache
def _make_sc_gather(n_embed, d, rows):
    info = plsc.get_sparse_core_info()
    nw = info.num_cores * info.num_subcores
    assert rows % (8 * nw) == 0
    b_per_w = rows // nw
    ch = 128
    n_ch = b_per_w // ch
    mesh = plsc.VectorSubcoreMesh(core_axis_name="c", subcore_axis_name="s")

    @functools.partial(
        pl.kernel, mesh=mesh,
        out_type=jax.ShapeDtypeStruct((rows, d), jnp.float32),
        scratch_types=[
            pltpu.VMEM((n_ch, ch), jnp.int32),
            pltpu.VMEM((b_per_w, d), jnp.float32),
            pltpu.SemaphoreType.DMA,
        ],
        compiler_params=pltpu.CompilerParams(use_tc_tiling_on_sc=False),
    )
    def gather(table_hbm, idx_hbm, out_hbm, idx_v, rows_v, sem):
        wid = lax.axis_index("s") * info.num_cores + lax.axis_index("c")
        pltpu.sync_copy(idx_hbm.at[pl.ds(wid * n_ch, n_ch)], idx_v)
        copies = [
            pltpu.async_copy(table_hbm.at[idx_v.at[j]],
                             rows_v.at[pl.ds(j * ch, ch)], sem)
            for j in range(n_ch)
        ]
        for c in copies:
            c.wait()
        pltpu.sync_copy(rows_v, out_hbm.at[pl.ds(wid * b_per_w, b_per_w)])

    return gather


def kernel(z, codebook):
    b, n, d = z.shape
    k = codebook.shape[0]
    rows = b * n
    z_flat = z.reshape(rows, d)
    idx_flat, part = _argmax_sim(z_flat, codebook, block_rows=2048)
    z_q = _make_sc_gather(k, d, rows)(codebook,
                                      idx_flat.reshape(rows // 128, 128))
    loss = (_BETA / (rows * d)) * part
    return z_q.reshape(b, n, d), loss, idx_flat.reshape(b, n)

# --- scband reference (transcript-rebuilt; emitter-appended) ---
"""Pipeline reference for scband-norm-emamsvector-quantizer-69733089017862 (READ-ONLY COPY).

The authoritative reference and input builder live on the scoring server;
editing this copy changes nothing except your own understanding.
"""

import jax, jax.numpy as jnp
import numpy as np

BETA = 0.25
N_EMBED = 8192
CODE_DIM = 64

def l2norm(x, eps=1e-12):
    n = jnp.linalg.norm(x, axis=-1, keepdims=True)
    return x / jnp.maximum(n, eps)

def setup_inputs(seed: int = 0) -> dict:
    key = jax.random.key(seed)
    k1, k2 = jax.random.split(key)
    z = jax.random.normal(k1, (64, 256, CODE_DIM), dtype=jnp.float32)
    # EmbeddingEMA with kmeans_init=False: weight = l2norm(randn(num_tokens, codebook_dim))
    codebook = l2norm(jax.random.normal(k2, (N_EMBED, CODE_DIM), dtype=jnp.float32))
    return {"z": z, "codebook": codebook}

def reference(z, codebook):
    # Norm-EMA vector quantization (cosine-similarity codebook, l2-normalized inputs)
    B, N, D = z.shape
    z_n = l2norm(z)
    z_flat = z_n.reshape(-1, D)
    # cosine similarity -> nearest code = argmax
    sim = z_flat @ codebook.T                      # [B*N, K]
    encoding_indices = jnp.argmax(sim, axis=-1)    # [B*N]
    z_q = jnp.take(codebook, encoding_indices, axis=0).reshape(B, N, D)
    # commitment loss: beta * || sg[z_q] - z_n ||^2
    loss = BETA * jnp.mean((jax.lax.stop_gradient(z_q) - z_n) ** 2)
    # straight-through estimator
    z_q_st = z_n + jax.lax.stop_gradient(z_q - z_n)
    return z_q_st, loss, encoding_indices.reshape(B, N)

if __name__ == "__main__":
    import jax
    _d = setup_inputs()
    print(jax.jit(kernel)(*tuple(_d.values())))

</pallas_src>

<mosaic_0001>
#map = affine_map<(d0, d1) -> (0, 0)>
module attributes {stable_mosaic.version = 14 : i64} {
  func.func @gather(%arg0: i32, %arg1: i32, %arg2: memref<8192x64xf32, #tpu.memory_space<hbm>>, %arg3: memref<128x128xi32, #tpu.memory_space<hbm>>, %arg4: memref<16384x64xf32, #tpu.memory_space<hbm>>, %arg5: memref<4x128xi32, #tpu.memory_space<vmem>>, %arg6: memref<512x64xf32, #tpu.memory_space<vmem>>, %arg7: memref<!tpu.dma_semaphore, #tpu.memory_space<semaphore_mem>>) attributes {dimension_semantics = [#tpu.dimension_semantics<core_parallel>, #tpu.dimension_semantics<subcore_parallel>], iteration_bounds = array<i64: 2, 16>, scalar_prefetch = 0 : i64, scratch_operands = 3 : i64, tpu.core_type = #tpu.core_type<sc_vector_subcore>, window_params = [{transform_indices = #map}, {transform_indices = #map}, {transform_indices = #map}]} {
    %mul3A = arith.constant 2 : i32
    %mul3A_0 = arith.muli %arg1, %mul3A : i32
    %add3A = arith.addi %mul3A_0, %arg0 : i32
    %mul3A_1 = arith.constant 4 : i32
    %mul3A_2 = arith.muli %add3A, %mul3A_1 : i32
    "tpu.region"() ({
      %run_scoped3A = tpu.sem_alloc : memref<!tpu.dma_semaphore, #tpu.memory_space<semaphore_mem>>
      %dma_start3A_83 = arith.constant 0 : i32
      %dma_start3A_84 = tpu.memref_slice %arg3[%mul3A_2, %dma_start3A_83] : memref<128x128xi32, #tpu.memory_space<hbm>> -> memref<4x128xi32, #tpu.memory_space<hbm>>
      %dma_start3A_85 = arith.constant 0 : i32
      %dma_start3A_86 = tpu.memref_slice %arg3[%mul3A_2, %dma_start3A_85] : memref<128x128xi32, #tpu.memory_space<hbm>> -> memref<4x128xi32, #tpu.memory_space<hbm>>
      tpu.enqueue_dma source(%dma_start3A_86 : memref<4x128xi32, #tpu.memory_space<hbm>>) target(%arg5 : memref<4x128xi32, #tpu.memory_space<vmem>>) target_semaphore(%run_scoped3A : memref<!tpu.dma_semaphore, #tpu.memory_space<semaphore_mem>>)
      %dma_wait3A_87 = arith.constant 0 : i32
      %dma_wait3A_88 = tpu.memref_slice %arg3[%mul3A_2, %dma_wait3A_87] : memref<128x128xi32, #tpu.memory_space<hbm>> -> memref<4x128xi32, #tpu.memory_space<hbm>>
      %dma_wait3A_89 = arith.constant 0 : i32
      %dma_wait3A_90 = tpu.memref_slice %arg3[%mul3A_2, %dma_wait3A_89] : memref<128x128xi32, #tpu.memory_space<hbm>> -> memref<4x128xi32, #tpu.memory_space<hbm>>
      tpu.wait_dma2 semaphore(%run_scoped3A : memref<!tpu.dma_semaphore, #tpu.memory_space<semaphore_mem>>) src(%dma_wait3A_90 : memref<4x128xi32, #tpu.memory_space<hbm>>) dst(%arg5 : memref<4x128xi32, #tpu.memory_space<vmem>>)
      tpu.yield
    }) : () -> ()
    %dma_start3A = arith.constant 0 : i32
    %dma_start3A_3 = arith.constant 0 : i32
    %dma_start3A_4 = arith.constant 0 : i32
    %dma_start3A_5 = tpu.memref_slice %arg6[%dma_start3A_3, %dma_start3A_4] : memref<512x64xf32, #tpu.memory_space<vmem>> -> memref<128x64xf32, #tpu.memory_space<vmem>>
    %dma_start3A_6 = arith.constant 0 : i32
    %dma_start3A_7 = tpu.memref_slice %arg5[%dma_start3A, %dma_start3A_6] : memref<4x128xi32, #tpu.memory_space<vmem>> -> memref<1x128xi32, #tpu.memory_space<vmem>>
    %dma_start3A_8 = tpu.memref_squeeze %dma_start3A_7 : memref<1x128xi32, #tpu.memory_space<vmem>> -> memref<128xi32, #tpu.memory_space<vmem>>
    %dma_start3A_9 = arith.constant 0 : i32
    %dma_start3A_10 = arith.constant 0 : i32
    %dma_start3A_11 = tpu.memref_slice %arg2[%dma_start3A_9, %dma_start3A_10] : memref<8192x64xf32, #tpu.memory_space<hbm>> -> memref<8192x64xf32, #tpu.memory_space<hbm>>
    tpu.enqueue_indirect_dma source(%dma_start3A_11 : memref<8192x64xf32, #tpu.memory_space<hbm>>) target(%dma_start3A_5 : memref<128x64xf32, #tpu.memory_space<vmem>>) offsets(%dma_start3A_8 : memref<128xi32, #tpu.memory_space<vmem>>) semaphore(%arg7 : memref<!tpu.dma_semaphore, #tpu.memory_space<semaphore_mem>>)
    %dma_start3A_12 = arith.constant 1 : i32
    %dma_start3A_13 = arith.constant 128 : i32
    %dma_start3A_14 = arith.constant 0 : i32
    %dma_start3A_15 = tpu.memref_slice %arg6[%dma_start3A_13, %dma_start3A_14] : memref<512x64xf32, #tpu.memory_space<vmem>> -> memref<128x64xf32, #tpu.memory_space<vmem>>
    %dma_start3A_16 = arith.constant 0 : i32
    %dma_start3A_17 = tpu.memref_slice %arg5[%dma_start3A_12, %dma_start3A_16] : memref<4x128xi32, #tpu.memory_space<vmem>> -> memref<1x128xi32, #tpu.memory_space<vmem>>
    %dma_start3A_18 = tpu.memref_squeeze %dma_start3A_17 : memref<1x128xi32, #tpu.memory_space<vmem>> -> memref<128xi32, #tpu.memory_space<vmem>>
    %dma_start3A_19 = arith.constant 0 : i32
    %dma_start3A_20 = arith.constant 0 : i32
    %dma_start3A_21 = tpu.memref_slice %arg2[%dma_start3A_19, %dma_start3A_20] : memref<8192x64xf32, #tpu.memory_space<hbm>> -> memref<8192x64xf32, #tpu.memory_space<hbm>>
    tpu.enqueue_indirect_dma source(%dma_start3A_21 : memref<8192x64xf32, #tpu.memory_space<hbm>>) target(%dma_start3A_15 : memref<128x64xf32, #tpu.memory_space<vmem>>) offsets(%dma_start3A_18 : memref<128xi32, #tpu.memory_space<vmem>>) semaphore(%arg7 : memref<!tpu.dma_semaphore, #tpu.memory_space<semaphore_mem>>)
    %dma_start3A_22 = arith.constant 2 : i32
    %dma_start3A_23 = arith.constant 256 : i32
    %dma_start3A_24 = arith.constant 0 : i32
    %dma_start3A_25 = tpu.memref_slice %arg6[%dma_start3A_23, %dma_start3A_24] : memref<512x64xf32, #tpu.memory_space<vmem>> -> memref<128x64xf32, #tpu.memory_space<vmem>>
    %dma_start3A_26 = arith.constant 0 : i32
    %dma_start3A_27 = tpu.memref_slice %arg5[%dma_start3A_22, %dma_start3A_26] : memref<4x128xi32, #tpu.memory_space<vmem>> -> memref<1x128xi32, #tpu.memory_space<vmem>>
    %dma_start3A_28 = tpu.memref_squeeze %dma_start3A_27 : memref<1x128xi32, #tpu.memory_space<vmem>> -> memref<128xi32, #tpu.memory_space<vmem>>
    %dma_start3A_29 = arith.constant 0 : i32
    %dma_start3A_30 = arith.constant 0 : i32
    %dma_start3A_31 = tpu.memref_slice %arg2[%dma_start3A_29, %dma_start3A_30] : memref<8192x64xf32, #tpu.memory_space<hbm>> -> memref<8192x64xf32, #tpu.memory_space<hbm>>
    tpu.enqueue_indirect_dma source(%dma_start3A_31 : memref<8192x64xf32, #tpu.memory_space<hbm>>) target(%dma_start3A_25 : memref<128x64xf32, #tpu.memory_space<vmem>>) offsets(%dma_start3A_28 : memref<128xi32, #tpu.memory_space<vmem>>) semaphore(%arg7 : memref<!tpu.dma_semaphore, #tpu.memory_space<semaphore_mem>>)
    %dma_start3A_32 = arith.constant 3 : i32
    %dma_start3A_33 = arith.constant 384 : i32
    %dma_start3A_34 = arith.constant 0 : i32
    %dma_start3A_35 = tpu.memref_slice %arg6[%dma_start3A_33, %dma_start3A_34] : memref<512x64xf32, #tpu.memory_space<vmem>> -> memref<128x64xf32, #tpu.memory_space<vmem>>
    %dma_start3A_36 = arith.constant 0 : i32
    %dma_start3A_37 = tpu.memref_slice %arg5[%dma_start3A_32, %dma_start3A_36] : memref<4x128xi32, #tpu.memory_space<vmem>> -> memref<1x128xi32, #tpu.memory_space<vmem>>
    %dma_start3A_38 = tpu.memref_squeeze %dma_start3A_37 : memref<1x128xi32, #tpu.memory_space<vmem>> -> memref<128xi32, #tpu.memory_space<vmem>>
    %dma_start3A_39 = arith.constant 0 : i32
    %dma_start3A_40 = arith.constant 0 : i32
    %dma_start3A_41 = tpu.memref_slice %arg2[%dma_start3A_39, %dma_start3A_40] : memref<8192x64xf32, #tpu.memory_space<hbm>> -> memref<8192x64xf32, #tpu.memory_space<hbm>>
    tpu.enqueue_indirect_dma source(%dma_start3A_41 : memref<8192x64xf32, #tpu.memory_space<hbm>>) target(%dma_start3A_35 : memref<128x64xf32, #tpu.memory_space<vmem>>) offsets(%dma_start3A_38 : memref<128xi32, #tpu.memory_space<vmem>>) semaphore(%arg7 : memref<!tpu.dma_semaphore, #tpu.memory_space<semaphore_mem>>)
    %dma_wait3A = arith.constant 0 : i32
    %dma_wait3A_42 = arith.constant 0 : i32
    %dma_wait3A_43 = arith.constant 0 : i32
    %dma_wait3A_44 = tpu.memref_slice %arg6[%dma_wait3A_42, %dma_wait3A_43] : memref<512x64xf32, #tpu.memory_space<vmem>> -> memref<128x64xf32, #tpu.memory_space<vmem>>
    %dma_wait3A_45 = arith.constant 0 : i32
    %dma_wait3A_46 = tpu.memref_slice %arg5[%dma_wait3A, %dma_wait3A_45] : memref<4x128xi32, #tpu.memory_space<vmem>> -> memref<1x128xi32, #tpu.memory_space<vmem>>
    %dma_wait3A_47 = tpu.memref_squeeze %dma_wait3A_46 : memref<1x128xi32, #tpu.memory_space<vmem>> -> memref<128xi32, #tpu.memory_space<vmem>>
    %dma_wait3A_48 = arith.constant 0 : i32
    %dma_wait3A_49 = arith.constant 0 : i32
    %dma_wait3A_50 = tpu.memref_slice %arg2[%dma_wait3A_48, %dma_wait3A_49] : memref<8192x64xf32, #tpu.memory_space<hbm>> -> memref<8192x64xf32, #tpu.memory_space<hbm>>
    tpu.wait_indirect_dma semaphore(%arg7 : memref<!tpu.dma_semaphore, #tpu.memory_space<semaphore_mem>>) src(%dma_wait3A_50 : memref<8192x64xf32, #tpu.memory_space<hbm>>) dst(%dma_wait3A_44 : memref<128x64xf32, #tpu.memory_space<vmem>>)
    %dma_wait3A_51 = arith.constant 1 : i32
    %dma_wait3A_52 = arith.constant 128 : i32
    %dma_wait3A_53 = arith.constant 0 : i32
    %dma_wait3A_54 = tpu.memref_slice %arg6[%dma_wait3A_52, %dma_wait3A_53] : memref<512x64xf32, #tpu.memory_space<vmem>> -> memref<128x64xf32, #tpu.memory_space<vmem>>
    %dma_wait3A_55 = arith.constant 0 : i32
    %dma_wait3A_56 = tpu.memref_slice %arg5[%dma_wait3A_51, %dma_wait3A_55] : memref<4x128xi32, #tpu.memory_space<vmem>> -> memref<1x128xi32, #tpu.memory_space<vmem>>
    %dma_wait3A_57 = tpu.memref_squeeze %dma_wait3A_56 : memref<1x128xi32, #tpu.memory_space<vmem>> -> memref<128xi32, #tpu.memory_space<vmem>>
    %dma_wait3A_58 = arith.constant 0 : i32
    %dma_wait3A_59 = arith.constant 0 : i32
    %dma_wait3A_60 = tpu.memref_slice %arg2[%dma_wait3A_58, %dma_wait3A_59] : memref<8192x64xf32, #tpu.memory_space<hbm>> -> memref<8192x64xf32, #tpu.memory_space<hbm>>
    tpu.wait_indirect_dma semaphore(%arg7 : memref<!tpu.dma_semaphore, #tpu.memory_space<semaphore_mem>>) src(%dma_wait3A_60 : memref<8192x64xf32, #tpu.memory_space<hbm>>) dst(%dma_wait3A_54 : memref<128x64xf32, #tpu.memory_space<vmem>>)
    %dma_wait3A_61 = arith.constant 2 : i32
    %dma_wait3A_62 = arith.constant 256 : i32
    %dma_wait3A_63 = arith.constant 0 : i32
    %dma_wait3A_64 = tpu.memref_slice %arg6[%dma_wait3A_62, %dma_wait3A_63] : memref<512x64xf32, #tpu.memory_space<vmem>> -> memref<128x64xf32, #tpu.memory_space<vmem>>
    %dma_wait3A_65 = arith.constant 0 : i32
    %dma_wait3A_66 = tpu.memref_slice %arg5[%dma_wait3A_61, %dma_wait3A_65] : memref<4x128xi32, #tpu.memory_space<vmem>> -> memref<1x128xi32, #tpu.memory_space<vmem>>
    %dma_wait3A_67 = tpu.memref_squeeze %dma_wait3A_66 : memref<1x128xi32, #tpu.memory_space<vmem>> -> memref<128xi32, #tpu.memory_space<vmem>>
    %dma_wait3A_68 = arith.constant 0 : i32
    %dma_wait3A_69 = arith.constant 0 : i32
    %dma_wait3A_70 = tpu.memref_slice %arg2[%dma_wait3A_68, %dma_wait3A_69] : memref<8192x64xf32, #tpu.memory_space<hbm>> -> memref<8192x64xf32, #tpu.memory_space<hbm>>
    tpu.wait_indirect_dma semaphore(%arg7 : memref<!tpu.dma_semaphore, #tpu.memory_space<semaphore_mem>>) src(%dma_wait3A_70 : memref<8192x64xf32, #tpu.memory_space<hbm>>) dst(%dma_wait3A_64 : memref<128x64xf32, #tpu.memory_space<vmem>>)
    %dma_wait3A_71 = arith.constant 3 : i32
    %dma_wait3A_72 = arith.constant 384 : i32
    %dma_wait3A_73 = arith.constant 0 : i32
    %dma_wait3A_74 = tpu.memref_slice %arg6[%dma_wait3A_72, %dma_wait3A_73] : memref<512x64xf32, #tpu.memory_space<vmem>> -> memref<128x64xf32, #tpu.memory_space<vmem>>
    %dma_wait3A_75 = arith.constant 0 : i32
    %dma_wait3A_76 = tpu.memref_slice %arg5[%dma_wait3A_71, %dma_wait3A_75] : memref<4x128xi32, #tpu.memory_space<vmem>> -> memref<1x128xi32, #tpu.memory_space<vmem>>
    %dma_wait3A_77 = tpu.memref_squeeze %dma_wait3A_76 : memref<1x128xi32, #tpu.memory_space<vmem>> -> memref<128xi32, #tpu.memory_space<vmem>>
    %dma_wait3A_78 = arith.constant 0 : i32
    %dma_wait3A_79 = arith.constant 0 : i32
    %dma_wait3A_80 = tpu.memref_slice %arg2[%dma_wait3A_78, %dma_wait3A_79] : memref<8192x64xf32, #tpu.memory_space<hbm>> -> memref<8192x64xf32, #tpu.memory_space<hbm>>
    tpu.wait_indirect_dma semaphore(%arg7 : memref<!tpu.dma_semaphore, #tpu.memory_space<semaphore_mem>>) src(%dma_wait3A_80 : memref<8192x64xf32, #tpu.memory_space<hbm>>) dst(%dma_wait3A_74 : memref<128x64xf32, #tpu.memory_space<vmem>>)
    %mul3A_81 = arith.constant 512 : i32
    %mul3A_82 = arith.muli %add3A, %mul3A_81 : i32
    "tpu.region"() ({
      %run_scoped3A = tpu.sem_alloc : memref<!tpu.dma_semaphore, #tpu.memory_space<semaphore_mem>>
      %dma_start3A_83 = arith.constant 0 : i32
      %dma_start3A_84 = tpu.memref_slice %arg4[%mul3A_82, %dma_start3A_83] : memref<16384x64xf32, #tpu.memory_space<hbm>> -> memref<512x64xf32, #tpu.memory_space<hbm>>
      %dma_start3A_85 = arith.constant 0 : i32
      %dma_start3A_86 = tpu.memref_slice %arg4[%mul3A_82, %dma_start3A_85] : memref<16384x64xf32, #tpu.memory_space<hbm>> -> memref<512x64xf32, #tpu.memory_space<hbm>>
      tpu.enqueue_dma source(%arg6 : memref<512x64xf32, #tpu.memory_space<vmem>>) target(%dma_start3A_86 : memref<512x64xf32, #tpu.memory_space<hbm>>) target_semaphore(%run_scoped3A : memref<!tpu.dma_semaphore, #tpu.memory_space<semaphore_mem>>)
      %dma_wait3A_87 = arith.constant 0 : i32
      %dma_wait3A_88 = tpu.memref_slice %arg4[%mul3A_82, %dma_wait3A_87] : memref<16384x64xf32, #tpu.memory_space<hbm>> -> memref<512x64xf32, #tpu.memory_space<hbm>>
      %dma_wait3A_89 = arith.constant 0 : i32
      %dma_wait3A_90 = tpu.memref_slice %arg4[%mul3A_82, %dma_wait3A_89] : memref<16384x64xf32, #tpu.memory_space<hbm>> -> memref<512x64xf32, #tpu.memory_space<hbm>>
      tpu.wait_dma2 semaphore(%run_scoped3A : memref<!tpu.dma_semaphore, #tpu.memory_space<semaphore_mem>>) src(%arg6 : memref<512x64xf32, #tpu.memory_space<vmem>>) dst(%dma_wait3A_90 : memref<512x64xf32, #tpu.memory_space<hbm>>)
      tpu.yield
    }) : () -> ()
    return
  }
}

module attributes {stable_mosaic.version = 14 : i64} {
  func.func @_vq_tc_body(%arg0: i32, %arg1: memref<2048x64xf32, #tpu.memory_space<vmem>>, %arg2: memref<8192x64xf32, #tpu.memory_space<vmem>>, %arg3: memref<1x1x2048xi32, #tpu.memory_space<vmem>>, %arg4: memref<1x1xf32, #tpu.memory_space<smem>>) attributes {dimension_semantics = [#tpu.dimension_semantics<arbitrary>], iteration_bounds = array<i64: 8>, scalar_prefetch = 0 : i64, scratch_operands = 0 : i64, tpu.core_type = #tpu.core_type<tc>, window_params = [{transform_indices = @transform_0, window_bounds = array<i64: 2048, 64>}, {pipeline_mode = #tpu.pipeline_mode<synchronous>, transform_indices = @transform_1, window_bounds = array<i64: 8192, 64>}, {transform_indices = @transform_2, window_bounds = array<i64: 1, 1, 2048>}, {transform_indices = @transform_3, window_bounds = array<i64: 1, 1>}]} {
    %get3A = arith.constant 0 : index
    %get3A_0 = arith.constant 0 : index
    %get3A_1 = vector.load %arg1[%get3A, %get3A_0] : memref<2048x64xf32, #tpu.memory_space<vmem>>, vector<2048x64xf32>
    %mul3A = arith.mulf %get3A_1, %get3A_1 : vector<2048x64xf32>
    %reduce_sum3A = arith.constant dense<0.000000e+00> : vector<2048xf32>
    %reduce_sum3A_2 = vector.multi_reduction <add>, %mul3A, %reduce_sum3A [1] : vector<2048x64xf32> to vector<2048xf32>
    %broadcast_in_dim3A = vector.shape_cast %reduce_sum3A_2 : vector<2048xf32> to vector<2048x1xf32>
    %sqrt3A = math.sqrt %broadcast_in_dim3A : vector<2048x1xf32>
    %max3A = arith.constant 9.99999996E-13 : f32
    %max3A_3 = vector.broadcast %max3A : f32 to vector<2048x1xf32>
    %max3A_4 = arith.maximumf %sqrt3A, %max3A_3 : vector<2048x1xf32>
    %div3A = vector.broadcast %max3A_4 : vector<2048x1xf32> to vector<2048x64xf32>
    %div3A_5 = arith.divf %get3A_1, %div3A : vector<2048x64xf32>
    %mul3A_6 = arith.mulf %div3A_5, %div3A_5 : vector<2048x64xf32>
    %reduce_sum3A_7 = arith.constant dense<0.000000e+00> : vector<2048xf32>
    %reduce_sum3A_8 = vector.multi_reduction <add>, %mul3A_6, %reduce_sum3A_7 [1] : vector<2048x64xf32> to vector<2048xf32>
    %get3A_9 = arith.constant 0 : index
    %get3A_10 = arith.constant 0 : index
    %get3A_11 = vector.load %arg2[%get3A_9, %get3A_10] : memref<8192x64xf32, #tpu.memory_space<vmem>>, vector<8192x64xf32>
    %eq3A = arith.constant 0 : i32
    %eq3A_12 = arith.cmpi eq, %arg0, %eq3A : i32
    %convert_element_type3A = arith.extui %eq3A_12 : i1 to i32
    %cond3A = arith.constant 0 : i32
    %cond3A_13 = arith.cmpi ne, %convert_element_type3A, %cond3A : i32
    scf.if %cond3A_13 {
      %swap3A_3419 = arith.constant 0.000000e+00 : f32
      %swap3A_3420 = arith.constant 0 : index
      %swap3A_3421 = arith.constant 0 : index
      %swap3A_3422 = memref.load %arg4[%swap3A_3420, %swap3A_3421] : memref<1x1xf32, #tpu.memory_space<smem>>
      memref.store %swap3A_3419, %arg4[%swap3A_3420, %swap3A_3421] : memref<1x1xf32, #tpu.memory_space<smem>>
    } else {
    }
    %slice3A = vector.extract_strided_slice %div3A_5 {offsets = [0, 0], sizes = [256, 64], strides = [1, 1]} : vector<2048x64xf32> to vector<256x64xf32>
    %dot_general3A = arith.constant dense<0.000000e+00> : vector<256x8192xf32>
    %dot_general3A_14 = tpu.matmul %slice3A, %get3A_11, %dot_general3A {dimension_numbers = #tpu.dot_dimension_numbers<[1], [1], [0], [0], [0, 0, 1, 0], [], []>, transpose_lhs_hint = false} : vector<256x64xf32>, vector<8192x64xf32>, vector<256x8192xf32> -> vector<256x8192xf32>
    %iota3A = tpu.iota {dimensions = array<i32: 1>} : vector<256x128xi32>
    %broadcast_in_dim3A_15 = arith.constant -2.000000e+00 : f32
    %broadcast_in_dim3A_16 = vector.broadcast %broadcast_in_dim3A_15 : f32 to vector<256x128xf32>
    %broadcast_in_dim3A_17 = arith.constant 0 : i32
    %broadcast_in_dim3A_18 = vector.broadcast %broadcast_in_dim3A_17 : i32 to vector<256x128xi32>
    %slice3A_19 = vector.extract_strided_slice %dot_general3A_14 {offsets = [0, 0], sizes = [256, 128], strides = [1, 1]} : vector<256x8192xf32> to vector<256x128xf32>
    %gt3A = arith.cmpf ogt, %slice3A_19, %broadcast_in_dim3A_16 : vector<256x128xf32>
    %jit3A = arith.constant 0 : i32
    %broadcast_in_dim3A_20 = vector.broadcast %jit3A : i32 to vector<256x128xi32>
    %select_n3A = arith.select %gt3A, %broadcast_in_dim3A_20, %broadcast_in_dim3A_18 : vector<256x128xi1>, vector<256x128xi32>
    %max3A_21 = arith.maximumf %broadcast_in_dim3A_16, %slice3A_19 : vector<256x128xf32>
    %slice3A_22 = vector.extract_strided_slice %dot_general3A_14 {offsets = [0, 128], sizes = [256, 128], strides = [1, 1]} : vector<256x8192xf32> to vector<256x128xf32>
    %gt3A_23 = arith.cmpf ogt, %slice3A_22, %max3A_21 : vector<256x128xf32>
    %jit3A_24 = arith.constant 1 : i32
    %broadcast_in_dim3A_25 = vector.broadcast %jit3A_24 : i32 to vector<256x128xi32>
    %select_n3A_26 = arith.select %gt3A_23, %broadcast_in_dim3A_25, %select_n3A : vector<256x128xi1>, vector<256x128xi32>
    %max3A_27 = arith.maximumf %max3A_21, %slice3A_22 : vector<256x128xf32>
    %slice3A_28 = vector.extract_strided_slice %dot_general3A_14 {offsets = [0, 256], sizes = [256, 128], strides = [1, 1]} : vector<256x8192xf32> to vector<256x128xf32>
    %gt3A_29 = arith.cmpf ogt, %slice3A_28, %max3A_27 : vector<256x128xf32>
    %jit3A_30 = arith.constant 2 : i32
    %broadcast_in_dim3A_31 = vector.broadcast %jit3A_30 : i32 to vector<256x128xi32>
    %select_n3A_32 = arith.select %gt3A_29, %broadcast_in_dim3A_31, %select_n3A_26 : vector<256x128xi1>, vector<256x128xi32>
    %max3A_33 = arith.maximumf %max3A_27, %slice3A_28 : vector<256x128xf32>
    %slice3A_34 = vector.extract_strided_slice %dot_general3A_14 {offsets = [0, 384], sizes = [256, 128], strides = [1, 1]} : vector<256x8192xf32> to vector<256x128xf32>
    %gt3A_35 = arith.cmpf ogt, %slice3A_34, %max3A_33 : vector<256x128xf32>
    %jit3A_36 = arith.constant 3 : i32
    %broadcast_in_dim3A_37 = vector.broadcast %jit3A_36 : i32 to vector<256x128xi32>
    %select_n3A_38 = arith.select %gt3A_35, %broadcast_in_dim3A_37, %select_n3A_32 : vector<256x128xi1>, vector<256x128xi32>
    %max3A_39 = arith.maximumf %max3A_33, %slice3A_34 : vector<256x128xf32>
    %slice3A_40 = vector.extract_strided_slice %dot_general3A_14 {offsets = [0, 512], sizes = [256, 128], strides = [1, 1]} : vector<256x8192xf32> to vector<256x128xf32>
    %gt3A_41 = arith.cmpf ogt, %slice3A_40, %max3A_39 : vector<256x128xf32>
    %jit3A_42 = arith.constant 4 : i32
    %broadcast_in_dim3A_43 = vector.broadcast %jit3A_42 : i32 to vector<256x128xi32>
    %select_n3A_44 = arith.select %gt3A_41, %broadcast_in_dim3A_43, %select_n3A_38 : vector<256x128xi1>, vector<256x128xi32>
    %max3A_45 = arith.maximumf %max3A_39, %slice3A_40 : vector<256x128xf32>
    %slice3A_46 = vector.extract_strided_slice %dot_general3A_14 {offsets = [0, 640], sizes = [256, 128], strides = [1, 1]} : vector<256x8192xf32> to vector<256x128xf32>
    %gt3A_47 = arith.cmpf ogt, %slice3A_46, %max3A_45 : vector<256x128xf32>
    %jit3A_48 = arith.constant 5 : i32
    %broadcast_in_dim3A_49 = vector.broadcast %jit3A_48 : i32 to vector<256x128xi32>
    %select_n3A_50 = arith.select %gt3A_47, %broadcast_in_dim3A_49, %select_n3A_44 : vector<256x128xi1>, vector<256x128xi32>
    %max3A_51 = arith.maximumf %max3A_45, %slice3A_46 : vector<256x128xf32>
    %slice3A_52 = vector.extract_strided_slice %dot_general3A_14 {offsets = [0, 768], sizes = [256, 128], strides = [1, 1]} : vector<256x8192xf32> to vector<256x128xf32>
    %gt3A_53 = arith.cmpf ogt, %slice3A_52, %max3A_51 : vector<256x128xf32>
    %jit3A_54 = arith.constant 6 : i32
    %broadcast_in_dim3A_55 = vector.broadcast %jit3A_54 : i32 to vector<256x128xi32>
    %select_n3A_56 = arith.select %gt3A_53, %broadcast_in_dim3A_55, %select_n3A_50 : vector<256x128xi1>, vector<256x128xi32>
    %max3A_57 = arith.maximumf %max3A_51, %slice3A_52 : vector<256x128xf32>
    %slice3A_58 = vector.extract_strided_slice %dot_general3A_14 {offsets = [0, 896], sizes = [256, 128], strides = [1, 1]} : vector<256x8192xf32> to vector<256x128xf32>
    %gt3A_59 = arith.cmpf ogt, %slice3A_58, %max3A_57 : vector<256x128xf32>
    %jit3A_60 = arith.constant 7 : i32
    %broadcast_in_dim3A_61 = vector.broadcast %jit3A_60 : i32 to vector<256x128xi32>
    %select_n3A_62 = arith.select %gt3A_59, %broadcast_in_dim3A_61, %select_n3A_56 : vector<256x128xi1>, vector<256x128xi32>
    %max3A_63 = arith.maximumf %max3A_57, %slice3A_58 : vector<256x128xf32>
    %slice3A_64 = vector.extract_strided_slice %dot_general3A_14 {offsets = [0, 1024], sizes = [256, 128], strides = [1, 1]} : vector<256x8192xf32> to vector<256x128xf32>
    %gt3A_65 = arith.cmpf ogt, %slice3A_64, %max3A_63 : vector<256x128xf32>
    %jit3A_66 = arith.constant 8 : i32
    %broadcast_in_dim3A_67 = vector.broadcast %jit3A_66 : i32 to vector<256x128xi32>
    %select_n3A_68 = arith.select %gt3A_65, %broadcast_in_dim3A_67, %select_n3A_62 : vector<256x128xi1>, vector<256x128xi32>
    %max3A_69 = arith.maximumf %max3A_63, %slice3A_64 : vector<256x128xf32>
    %slice3A_70 = vector.extract_strided_slice %dot_general3A_14 {offsets = [0, 1152], sizes = [256, 128], strides = [1, 1]} : vector<256x8192xf32> to vector<256x128xf32>
    %gt3A_71 = arith.cmpf ogt, %slice3A_70, %max3A_69 : vector<256x128xf32>
    %jit3A_72 = arith.constant 9 : i32
    %broadcast_in_dim3A_73 = vector.broadcast %jit3A_72 : i32 to vector<256x128xi32>
    %select_n3A_74 = arith.select %gt3A_71, %broadcast_in_dim3A_73, %select_n3A_68 : vector<256x128xi1>, vector<256x128xi32>
    %max3A_75 = arith.maximumf %max3A_69, %slice3A_70 : vector<256x128xf32>
    %slice3A_76 = vector.extract_strided_slice %dot_general3A_14 {offsets = [0, 1280], sizes = [256, 128], strides = [1, 1]} : vector<256x8192xf32> to vector<256x128xf32>
    %gt3A_77 = arith.cmpf ogt, %slice3A_76, %max3A_75 : vector<256x128xf32>
    %jit3A_78 = arith.constant 10 : i32
    %broadcast_in_dim3A_79 = vector.broadcast %jit3A_78 : i32 to vector<256x128xi32>
    %select_n3A_80 = arith.select %gt3A_77, %broadcast_in_dim3A_79, %select_n3A_74 : vector<256x128xi1>, vector<256x128xi32>
    %max3A_81 = arith.maximumf %max3A_75, %slice3A_76 : vector<256x128xf32>
    %slice3A_82 = vector.extract_strided_slice %dot_general3A_14 {offsets = [0, 1408], sizes = [256, 128], strides = [1, 1]} : vector<256x8192xf32> to vector<256x128xf32>
    %gt3A_83 = arith.cmpf ogt, %slice3A_82, %max3A_81 : vector<256x128xf32>
    %jit3A_84 = arith.constant 11 : i32
    %broadcast_in_dim3A_85 = vector.broadcast %jit3A_84 : i32 to vector<256x128xi32>
    %select_n3A_86 = arith.select %gt3A_83, %broadcast_in_dim3A_85, %select_n3A_80 : vector<256x128xi1>, vector<256x128xi32>
    %max3A_87 = arith.maximumf %max3A_81, %slice3A_82 : vector<256x128xf32>
    %slice3A_88 = vector.extract_strided_slice %dot_general3A_14 {offsets = [0, 1536], sizes = [256, 128], strides = [1, 1]} : vector<256x8192xf32> to vector<256x128xf32>
    %gt3A_89 = arith.cmpf ogt, %slice3A_88, %max3A_87 : vector<256x128xf32>
    %jit3A_90 = arith.constant 12 : i32
    %broadcast_in_dim3A_91 = vector.broadcast %jit3A_90 : i32 to vector<256x128xi32>
    %select_n3A_92 = arith.select %gt3A_89, %broadcast_in_dim3A_91, %select_n3A_86 : vector<256x128xi1>, vector<256x128xi32>
    %max3A_93 = arith.maximumf %max3A_87, %slice3A_88 : vector<256x128xf32>
    %slice3A_94 = vector.extract_strided_slice %dot_general3A_14 {offsets = [0, 1664], sizes = [256, 128], strides = [1, 1]} : vector<256x8192xf32> to vector<256x128xf32>
    %gt3A_95 = arith.cmpf ogt, %slice3A_94, %max3A_93 : vector<256x128xf32>
    %jit3A_96 = arith.constant 13 : i32
    %broadcast_in_dim3A_97 = vector.broadcast %jit3A_96 : i32 to vector<256x128xi32>
    %select_n3A_98 = arith.select %gt3A_95, %broadcast_in_dim3A_97, %select_n3A_92 : vector<256x128xi1>, vector<256x128xi32>
    %max3A_99 = arith.maximumf %max3A_93, %slice3A_94 : vector<256x128xf32>
    %slice3A_100 = vector.extract_strided_slice %dot_general3A_14 {offsets = [0, 1792], sizes = [256, 128], strides = [1, 1]} : vector<256x8192xf32> to vector<256x128xf32>
    %gt3A_101 = arith.cmpf ogt, %slice3A_100, %max3A_99 : vector<256x128xf32>
    %jit3A_102 = arith.constant 14 : i32
    %broadcast_in_dim3A_103 = vector.broadcast %jit3A_102 : i32 to vector<256x128xi32>
    %select_n3A_104 = arith.select %gt3A_101, %broadcast_in_dim3A_103, %select_n3A_98 : vector<256x128xi1>, vector<256x128xi32>
    %max3A_105 = arith.maximumf %max3A_99, %slice3A_100 : vector<256x128xf32>
    %slice3A_106 = vector.extract_strided_slice %dot_general3A_14 {offsets = [0, 1920], sizes = [256, 128], strides = [1, 1]} : vector<256x8192xf32> to vector<256x128xf32>
    %gt3A_107 = arith.cmpf ogt, %slice3A_106, %max3A_105 : vector<256x128xf32>
    %jit3A_108 = arith.constant 15 : i32
    %broadcast_in_dim3A_109 = vector.broadcast %jit3A_108 : i32 to vector<256x128xi32>
    %select_n3A_110 = arith.select %gt3A_107, %broadcast_in_dim3A_109, %select_n3A_104 : vector<256x128xi1>, vector<256x128xi32>
    %max3A_111 = arith.maximumf %max3A_105, %slice3A_106 : vector<256x128xf32>
    %slice3A_112 = vector.extract_strided_slice %dot_general3A_14 {offsets = [0, 2048], sizes = [256, 128], strides = [1, 1]} : vector<256x8192xf32> to vector<256x128xf32>
    %gt3A_113 = arith.cmpf ogt, %slice3A_112, %max3A_111 : vector<256x128xf32>
    %jit3A_114 = arith.constant 16 : i32
    %broadcast_in_dim3A_115 = vector.broadcast %jit3A_114 : i32 to vector<256x128xi32>
    %select_n3A_116 = arith.select %gt3A_113, %broadcast_in_dim3A_115, %select_n3A_110 : vector<256x128xi1>, vector<256x128xi32>
    %max3A_117 = arith.maximumf %max3A_111, %slice3A_112 : vector<256x128xf32>
    %slice3A_118 = vector.extract_strided_slice %dot_general3A_14 {offsets = [0, 2176], sizes = [256, 128], strides = [1, 1]} : vector<256x8192xf32> to vector<256x128xf32>
    %gt3A_119 = arith.cmpf ogt, %slice3A_118, %max3A_117 : vector<256x128xf32>
    %jit3A_120 = arith.constant 17 : i32
    %broadcast_in_dim3A_121 = vector.broadcast %jit3A_120 : i32 to vector<256x128xi32>
    %select_n3A_122 = arith.select %gt3A_119, %broadcast_in_dim3A_121, %select_n3A_116 : vector<256x128xi1>, vector<256x128xi32>
    %max3A_123 = arith.maximumf %max3A_117, %slice3A_118 : vector<256x128xf32>
    %slice3A_124 = vector.extract_strided_slice %dot_general3A_14 {offsets = [0, 2304], sizes = [256, 128], strides = [1, 1]} : vector<256x8192xf32> to vector<256x128xf32>
    %gt3A_125 = arith.cmpf ogt, %slice3A_124, %max3A_123 : vector<256x128xf32>
    %jit3A_126 = arith.constant 18 : i32
    %broadcast_in_dim3A_127 = vector.broadcast %jit3A_126 : i32 to vector<256x128xi32>
    %select_n3A_128 = arith.select %gt3A_125, %broadcast_in_dim3A_127, %select_n3A_122 : vector<256x128xi1>, vector<256x128xi32>
    %max3A_129 = arith.maximumf %max3A_123, %slice3A_124 : vector<256x128xf32>
    %slice3A_130 = vector.extract_strided_slice %dot_general3A_14 {offsets = [0, 2432], sizes = [256, 128], strides = [1, 1]} : vector<256x8192xf32> to vector<256x128xf32>
    %gt3A_131 = arith.cmpf ogt, %slice3A_130, %max3A_129 : vector<256x128xf32>
    %jit3A_132 = arith.constant 19 : i32
    %broadcast_in_dim3A_133 = vector.broadcast %jit3A_132 : i32 to vector<256x128xi32>
    %select_n3A_134 = arith.select %gt3A_131, %broadcast_in_dim3A_133, %select_n3A_128 : vector<256x128xi1>, vector<256x128xi32>
    %max3A_135 = arith.maximumf %max3A_129, %slice3A_130 : vector<256x128xf32>
    %slice3A_136 = vector.extract_strided_slice %dot_general3A_14 {offsets = [0, 2560], sizes = [256, 128], strides = [1, 1]} : vector<256x8192xf32> to vector<256x128xf32>
    %gt3A_137 = arith.cmpf ogt, %slice3A_136, %max3A_135 : vector<256x128xf32>
    %jit3A_138 = arith.constant 20 : i32
    %broadcast_in_dim3A_139 = vector.broadcast %jit3A_138 : i32 to vector<256x128xi32>
    %select_n3A_140 = arith.select %gt3A_137, %broadcast_in_dim3A_139, %select_n3A_134 : vector<256x128xi1>, vector<256x128xi32>
    %max3A_141 = arith.maximumf %max3A_135, %slice3A_136 : vector<256x128xf32>
    %slice3A_142 = vector.extract_strided_slice %dot_general3A_14 {offsets = [0, 2688], sizes = [256, 128], strides = [1, 1]} : vector<256x8192xf32> to vector<256x128xf32>
    %gt3A_143 = arith.cmpf ogt, %slice3A_142, %max3A_141 : vector<256x128xf32>
    %jit3A_144 = arith.constant 21 : i32
    %broadcast_in_dim3A_145 = vector.broadcast %jit3A_144 : i32 to vector<256x128xi32>
    %select_n3A_146 = arith.select %gt3A_143, %broadcast_in_dim3A_145, %select_n3A_140 : vector<256x128xi1>, vector<256x128xi32>
    %max3A_147 = arith.maximumf %max3A_141, %slice3A_142 : vector<256x128xf32>
    %slice3A_148 = vector.extract_strided_slice %dot_general3A_14 {offsets = [0, 2816], sizes = [256, 128], strides = [1, 1]} : vector<256x8192xf32> to vector<256x128xf32>
    %gt3A_149 = arith.cmpf ogt, %slice3A_148, %max3A_147 : vector<256x128xf32>
    %jit3A_150 = arith.constant 22 : i32
    %broadcast_in_dim3A_151 = vector.broadcast %jit3A_150 : i32 to vector<256x128xi32>
    %select_n3A_152 = arith.select %gt3A_149, %broadcast_in_dim3A_151, %select_n3A_146 : vector<256x128xi1>, vector<256x128xi32>
    %max3A_153 = arith.maximumf %max3A_147, %slice3A_148 : vector<256x128xf32>
    %slice3A_154 = vector.extract_strided_slice %dot_general3A_14 {offsets = [0, 2944], sizes = [256, 128], strides = [1, 1]} : vector<256x8192xf32> to vector<256x128xf32>
    %gt3A_155 = arith.cmpf ogt, %slice3A_154, %max3A_153 : vector<256x128xf32>
    %jit3A_156 = arith.constant 23 : i32
    %broadcast_in_dim3A_157 = vector.broadcast %jit3A_156 : i32 to vector<256x128xi32>
    %select_n3A_158 = arith.select %gt3A_155, %broadcast_in_dim3A_157, %select_n3A_152 : vector<256x128xi1>, vector<256x128xi32>
    %max3A_159 = arith.maximumf %max3A_153, %slice3A_154 : vector<256x128xf32>
    %slice3A_160 = vector.extract_strided_slice %dot_general3A_14 {offsets = [0, 3072], sizes = [256, 128], strides = [1, 1]} : vector<256x8192xf32> to vector<256x128xf32>
    %gt3A_161 = arith.cmpf ogt, %slice3A_160, %max3A_159 : vector<256x128xf32>
    %jit3A_162 = arith.constant 24 : i32
    %broadcast_in_dim3A_163 = vector.broadcast %jit3A_162 : i32 to vector<256x128xi32>
    %select_n3A_164 = arith.select %gt3A_161, %broadcast_in_dim3A_163, %select_n3A_158 : vector<256x128xi1>, vector<256x128xi32>
    %max3A_165 = arith.maximumf %max3A_159, %slice3A_160 : vector<256x128xf32>
    %slice3A_166 = vector.extract_strided_slice %dot_general3A_14 {offsets = [0, 3200], sizes = [256, 128], strides = [1, 1]} : vector<256x8192xf32> to vector<256x128xf32>
    %gt3A_167 = arith.cmpf ogt, %slice3A_166, %max3A_165 : vector<256x128xf32>
    %jit3A_168 = arith.constant 25 : i32
    %broadcast_in_dim3A_169 = vector.broadcast %jit3A_168 : i32 to vector<256x128xi32>
    %select_n3A_170 = arith.select %gt3A_167, %broadcast_in_dim3A_169, %select_n3A_164 : vector<256x128xi1>, vector<256x128xi32>
    %max3A_171 = arith.maximumf %max3A_165, %slice3A_166 : vector<256x128xf32>
    %slice3A_172 = vector.extract_strided_slice %dot_general3A_14 {offsets = [0, 3328], sizes = [256, 128], strides = [1, 1]} : vector<256x8192xf32> to vector<256x128xf32>
    %gt3A_173 = arith.cmpf ogt, %slice3A_172, %max3A_171 : vector<256x128xf32>
    %jit3A_174 = arith.constant 26 : i32
    %broadcast_in_dim3A_175 = vector.broadcast %jit3A_174 : i32 to vector<256x128xi32>
    %select_n3A_176 = arith.select %gt3A_173, %broadcast_in_dim3A_175, %select_n3A_170 : vector<256x128xi1>, vector<256x128xi32>
    %max3A_177 = arith.maximumf %max3A_171, %slice3A_172 : vector<256x128xf32>
    %slice3A_178 = vector.extract_strided_slice %dot_general3A_14 {offsets = [0, 3456], sizes = [256, 128], strides = [1, 1]} : vector<256x8192xf32> to vector<256x128xf32>
    %gt3A_179 = arith.cmpf ogt, %slice3A_178, %max3A_177 : vector<256x128xf32>
    %jit3A_180 = arith.constant 27 : i32
    %broadcast_in_dim3A_181 = vector.broadcast %jit3A_180 : i32 to vector<256x128xi32>
    %select_n3A_182 = arith.select %gt3A_179, %broadcast_in_dim3A_181, %select_n3A_176 : vector<256x128xi1>, vector<256x128xi32>
    %max3A_183 = arith.maximumf %max3A_177, %slice3A_178 : vector<256x128xf32>
    %slice3A_184 = vector.extract_strided_slice %dot_general3A_14 {offsets = [0, 3584], sizes = [256, 128], strides = [1, 1]} : vector<256x8192xf32> to vector<256x128xf32>
    %gt3A_185 = arith.cmpf ogt, %slice3A_184, %max3A_183 : vector<256x128xf32>
    %jit3A_186 = arith.constant 28 : i32
    %broadcast_in_dim3A_187 = vector.broadcast %jit3A_186 : i32 to vector<256x128xi32>
    %select_n3A_188 = arith.select %gt3A_185, %broadcast_in_dim3A_187, %select_n3A_182 : vector<256x128xi1>, vector<256x128xi32>
    %max3A_189 = arith.maximumf %max3A_183, %slice3A_184 : vector<256x128xf32>
    %slice3A_190 = vector.extract_strided_slice %dot_general3A_14 {offsets = [0, 3712], sizes = [256, 128], strides = [1, 1]} : vector<256x8192xf32> to vector<256x128xf32>
    %gt3A_191 = arith.cmpf ogt, %slice3A_190, %max3A_189 : vector<256x128xf32>
    %jit3A_192 = arith.constant 29 : i32
    %broadcast_in_dim3A_193 = vector.broadcast %jit3A_192 : i32 to vector<256x128xi32>
    %select_n3A_194 = arith.select %gt3A_191, %broadcast_in_dim3A_193, %select_n3A_188 : vector<256x128xi1>, vector<256x128xi32>
    %max3A_195 = arith.maximumf %max3A_189, %slice3A_190 : vector<256x128xf32>
    %slice3A_196 = vector.extract_strided_slice %dot_general3A_14 {offsets = [0, 3840], sizes = [256, 128], strides = [1, 1]} : vector<256x8192xf32> to vector<256x128xf32>
    %gt3A_197 = arith.cmpf ogt, %slice3A_196, %max3A_195 : vector<256x128xf32>
    %jit3A_198 = arith.constant 30 : i32
    %broadcast_in_dim3A_199 = vector.broadcast %jit3A_198 : i32 to vector<256x128xi32>
    %select_n3A_200 = arith.select %gt3A_197, %broadcast_in_dim3A_199, %select_n3A_194 : vector<256x128xi1>, vector<256x128xi32>
    %max3A_201 = arith.maximumf %max3A_195, %slice3A_196 : vector<256x128xf32>
    %slice3A_202 = vector.extract_strided_slice %dot_general3A_14 {offsets = [0, 3968], sizes = [256, 128], strides = [1, 1]} : vector<256x8192xf32> to vector<256x128xf32>
    %gt3A_203 = arith.cmpf ogt, %slice3A_202, %max3A_201 : vector<256x128xf32>
    %jit3A_204 = arith.constant 31 : i32
    %broadcast_in_dim3A_205 = vector.broadcast %jit3A_204 : i32 to vector<256x128xi32>
    %select_n3A_206 = arith.select %gt3A_203, %broadcast_in_dim3A_205, %select_n3A_200 : vector<256x128xi1>, vector<256x128xi32>
    %max3A_207 = arith.maximumf %max3A_201, %slice3A_202 : vector<256x128xf32>
    %slice3A_208 = vector.extract_strided_slice %dot_general3A_14 {offsets = [0, 4096], sizes = [256, 128], strides = [1, 1]} : vector<256x8192xf32> to vector<256x128xf32>
    %gt3A_209 = arith.cmpf ogt, %slice3A_208, %max3A_207 : vector<256x128xf32>
    %jit3A_210 = arith.constant 32 : i32
    %broadcast_in_dim3A_211 = vector.broadcast %jit3A_210 : i32 to vector<256x128xi32>
    %select_n3A_212 = arith.select %gt3A_209, %broadcast_in_dim3A_211, %select_n3A_206 : vector<256x128xi1>, vector<256x128xi32>
    %max3A_213 = arith.maximumf %max3A_207, %slice3A_208 : vector<256x128xf32>
    %slice3A_214 = vector.extract_strided_slice %dot_general3A_14 {offsets = [0, 4224], sizes = [256, 128], strides = [1, 1]} : vector<256x8192xf32> to vector<256x128xf32>
    %gt3A_215 = arith.cmpf ogt, %slice3A_214, %max3A_213 : vector<256x128xf32>
    %jit3A_216 = arith.constant 33 : i32
    %broadcast_in_dim3A_217 = vector.broadcast %jit3A_216 : i32 to vector<256x128xi32>
    %select_n3A_218 = arith.select %gt3A_215, %broadcast_in_dim3A_217, %select_n3A_212 : vector<256x128xi1>, vector<256x128xi32>
    %max3A_219 = arith.maximumf %max3A_213, %slice3A_214 : vector<256x128xf32>
    %slice3A_220 = vector.extract_strided_slice %dot_general3A_14 {offsets = [0, 4352], sizes = [256, 128], strides = [1, 1]} : vector<256x8192xf32> to vector<256x128xf32>
    %gt3A_221 = arith.cmpf ogt, %slice3A_220, %max3A_219 : vector<256x128xf32>
    %jit3A_222 = arith.constant 34 : i32
    %broadcast_in_dim3A_223 = vector.broadcast %jit3A_222 : i32 to vector<256x128xi32>
    %select_n3A_224 = arith.select %gt3A_221, %broadcast_in_dim3A_223, %select_n3A_218 : vector<256x128xi1>, vector<256x128xi32>
    %max3A_225 = arith.maximumf %max3A_219, %slice3A_220 : vector<256x128xf32>
    %slice3A_226 = vector.extract_strided_slice %dot_general3A_14 {offsets = [0, 4480], sizes = [256, 128], strides = [1, 1]} : vector<256x8192xf32> to vector<256x128xf32>
    %gt3A_227 = arith.cmpf ogt, %slice3A_226, %max3A_225 : vector<256x128xf32>
    %jit3A_228 = arith.constant 35 : i32
    %broadcast_in_dim3A_229 = vector.broadcast %jit3A_228 : i32 to vector<256x128xi32>
    %select_n3A_230 = arith.select %gt3A_227, %broadcast_in_dim3A_229, %select_n3A_224 : vector<256x128xi1>, vector<256x128xi32>
    %max3A_231 = arith.maximumf %max3A_225, %slice3A_226 : vector<256x128xf32>
    %slice3A_232 = vector.extract_strided_slice %dot_general3A_14 {offsets = [0, 4608], sizes = [256, 128], strides = [1, 1]} : vector<256x8192xf32> to vector<256x128xf32>
    %gt3A_233 = arith.cmpf ogt, %slice3A_232, %max3A_231 : vector<256x128xf32>
    %jit3A_234 = arith.constant 36 : i32
    %broadcast_in_dim3A_235 = vector.broadcast %jit3A_234 : i32 to vector<256x128xi32>
    %select_n3A_236 = arith.select %gt3A_233, %broadcast_in_dim3A_235, %select_n3A_230 : vector<256x128xi1>, vector<256x128xi32>
    %max3A_237 = arith.maximumf %max3A_231, %slice3A_232 : vector<256x128xf32>
    %slice3A_238 = vector.extract_strided_slice %dot_general3A_14 {offsets = [0, 4736], sizes = [256, 128], strides = [1, 1]} : vector<256x8192xf32> to vector<256x128xf32>
    %gt3A_239 = arith.cmpf ogt, %slice3A_238, %max3A_237 : vector<256x128xf32>
    %jit3A_240 = arith.constant 37 : i32
    %broadcast_in_dim3A_241 = vector.broadcast %jit3A_240 : i32 to vector<256x128xi32>
    %select_n3A_242 = arith.select %gt3A_239, %broadcast_in_dim3A_241, %select_n3A_236 : vector<256x128xi1>, vector<256x128xi32>
    %max3A_243 = arith.maximumf %max3A_237, %slice3A_238 : vector<256x128xf32>
    %slice3A_244 = vector.extract_strided_slice %dot_general3A_14 {offsets = [0, 4864], sizes = [256, 128], strides = [1, 1]} : vector<256x8192xf32> to vector<256x128xf32>
    %gt3A_245 = arith.cmpf ogt, %slice3A_244, %max3A_243 : vector<256x128xf32>
    %jit3A_246 = arith.constant 38 : i32
    %broadcast_in_dim3A_247 = vector.broadcast %jit3A_246 : i32 to vector<256x128xi32>
    %select_n3A_248 = arith.select %gt3A_245, %broadcast_in_dim3A_247, %select_n3A_242 : vector<256x128xi1>, vector<256x128xi32>
    %max3A_249 = arith.maximumf %max3A_243, %slice3A_244 : vector<256x128xf32>
    %slice3A_250 = vector.extract_strided_slice %dot_general3A_14 {offsets = [0, 4992], sizes = [256, 128], strides = [1, 1]} : vector<256x8192xf32> to vector<256x128xf32>
    %gt3A_251 = arith.cmpf ogt, %slice3A_250, %max3A_249 : vector<256x128xf32>
    %jit3A_252 = arith.constant 39 : i32
    %broadcast_in_dim3A_253 = vector.broadcast %jit3A_252 : i32 to vector<256x128xi32>
    %select_n3A_254 = arith.select %gt3A_251, %broadcast_in_dim3A_253, %select_n3A_248 : vector<256x128xi1>, vector<256x128xi32>
    %max3A_255 = arith.maximumf %max3A_249, %slice3A_250 : vector<256x128xf32>
    %slice3A_256 = vector.extract_strided_slice %dot_general3A_14 {offsets = [0, 5120], sizes = [256, 128], strides = [1, 1]} : vector<256x8192xf32> to vector<256x128xf32>
    %gt3A_257 = arith.cmpf ogt, %slice3A_256, %max3A_255 : vector<256x128xf32>
    %jit3A_258 = arith.constant 40 : i32
    %broadcast_in_dim3A_259 = vector.broadcast %jit3A_258 : i32 to vector<256x128xi32>
    %select_n3A_260 = arith.select %gt3A_257, %broadcast_in_dim3A_259, %select_n3A_254 : vector<256x128xi1>, vector<256x128xi32>
    %max3A_261 = arith.maximumf %max3A_255, %slice3A_256 : vector<256x128xf32>
    %slice3A_262 = vector.extract_strided_slice %dot_general3A_14 {offsets = [0, 5248], sizes = [256, 128], strides = [1, 1]} : vector<256x8192xf32> to vector<256x128xf32>
    %gt3A_263 = arith.cmpf ogt, %slice3A_262, %max3A_261 : vector<256x128xf32>
    %jit3A_264 = arith.constant 41 : i32
    %broadcast_in_dim3A_265 = vector.broadcast %jit3A_264 : i32 to vector<256x128xi32>
    %select_n3A_266 = arith.select %gt3A_263, %broadcast_in_dim3A_265, %select_n3A_260 : vector<256x128xi1>, vector<256x128xi32>
    %max3A_267 = arith.maximumf %max3A_261, %slice3A_262 : vector<256x128xf32>
    %slice3A_268 = vector.extract_strided_slice %dot_general3A_14 {offsets = [0, 5376], sizes = [256, 128], strides = [1, 1]} : vector<256x8192xf32> to vector<256x128xf32>
    %gt3A_269 = arith.cmpf ogt, %slice3A_268, %max3A_267 : vector<256x128xf32>
    %jit3A_270 = arith.constant 42 : i32
    %broadcast_in_dim3A_271 = vector.broadcast %jit3A_270 : i32 to vector<256x128xi32>
    %select_n3A_272 = arith.select %gt3A_269, %broadcast_in_dim3A_271, %select_n3A_266 : vector<256x128xi1>, vector<256x128xi32>
    %max3A_273 = arith.maximumf %max3A_267, %slice3A_268 : vector<256x128xf32>
    %slice3A_274 = vector.extract_strided_slice %dot_general3A_14 {offsets = [0, 5504], sizes = [256, 128], strides = [1, 1]} : vector<256x8192xf32> to vector<256x128xf32>
    %gt3A_275 = arith.cmpf ogt, %slice3A_274, %max3A_273 : vector<256x128xf32>
    %jit3A_276 = arith.constant 43 : i32
    %broadcast_in_dim3A_277 = vector.broadcast %jit3A_276 : i32 to vector<256x128xi32>
    %select_n3A_278 = arith.select %gt3A_275, %broadcast_in_dim3A_277, %select_n3A_272 : vector<256x128xi1>, vector<256x128xi32>
    %max3A_279 = arith.maximumf %max3A_273, %slice3A_274 : vector<256x128xf32>
    %slice3A_280 = vector.extract_strided_slice %dot_general3A_14 {offsets = [0, 5632], sizes = [256, 128], strides = [1, 1]} : vector<256x8192xf32> to vector<256x128xf32>
    %gt3A_281 = arith.cmpf ogt, %slice3A_280, %max3A_279 : vector<256x128xf32>
    %jit3A_282 = arith.constant 44 : i32
    %broadcast_in_dim3A_283 = vector.broadcast %jit3A_282 : i32 to vector<256x128xi32>
    %select_n3A_284 = arith.select %gt3A_281, %broadcast_in_dim3A_283, %select_n3A_278 : vector<256x128xi1>, vector<256x128xi32>
    %max3A_285 = arith.maximumf %max3A_279, %slice3A_280 : vector<256x128xf32>
    %slice3A_286 = vector.extract_strided_slice %dot_general3A_14 {offsets = [0, 5760], sizes = [256, 128], strides = [1, 1]} : vector<256x8192xf32> to vector<256x128xf32>
    %gt3A_287 = arith.cmpf ogt, %slice3A_286, %max3A_285 : vector<256x128xf32>
    %jit3A_288 = arith.constant 45 : i32
    %broadcast_in_dim3A_289 = vector.broadcast %jit3A_288 : i32 to vector<256x128xi32>
    %select_n3A_290 = arith.select %gt3A_287, %broadcast_in_dim3A_289, %select_n3A_284 : vector<256x128xi1>, vector<256x128xi32>
    %max3A_291 = arith.maximumf %max3A_285, %slice3A_286 : vector<256x128xf32>
    %slice3A_292 = vector.extract_strided_slice %dot_general3A_14 {offsets = [0, 5888], sizes = [256, 128], strides = [1, 1]} : vector<256x8192xf32> to vector<256x128xf32>
    %gt3A_293 = arith.cmpf ogt, %slice3A_292, %max3A_291 : vector<256x128xf32>
    %jit3A_294 = arith.constant 46 : i32
    %broadcast_in_dim3A_295 = vector.broadcast %jit3A_294 : i32 to vector<256x128xi32>
    %select_n3A_296 = arith.select %gt3A_293, %broadcast_in_dim3A_295, %select_n3A_290 : vector<256x128xi1>, vector<256x128xi32>
    %max3A_297 = arith.maximumf %max3A_291, %slice3A_292 : vector<256x128xf32>
    %slice3A_298 = vector.extract_strided_slice %dot_general3A_14 {offsets = [0, 6016], sizes = [256, 128], strides = [1, 1]} : vector<256x8192xf32> to vector<256x128xf32>
    %gt3A_299 = arith.cmpf ogt, %slice3A_298, %max3A_297 : vector<256x128xf32>
    %jit3A_300 = arith.constant 47 : i32
    %broadcast_in_dim3A_301 = vector.broadcast %jit3A_300 : i32 to vector<256x128xi32>
    %select_n3A_302 = arith.select %gt3A_299, %broadcast_in_dim3A_301, %select_n3A_296 : vector<256x128xi1>, vector<256x128xi32>
    %max3A_303 = arith.maximumf %max3A_297, %slice3A_298 : vector<256x128xf32>
    %slice3A_304 = vector.extract_strided_slice %dot_general3A_14 {offsets = [0, 6144], sizes = [256, 128], strides = [1, 1]} : vector<256x8192xf32> to vector<256x128xf32>
    %gt3A_305 = arith.cmpf ogt, %slice3A_304, %max3A_303 : vector<256x128xf32>
    %jit3A_306 = arith.constant 48 : i32
    %broadcast_in_dim3A_307 = vector.broadcast %jit3A_306 : i32 to vector<256x128xi32>
    %select_n3A_308 = arith.select %gt3A_305, %broadcast_in_dim3A_307, %select_n3A_302 : vector<256x128xi1>, vector<256x128xi32>
    %max3A_309 = arith.maximumf %max3A_303, %slice3A_304 : vector<256x128xf32>
    %slice3A_310 = vector.extract_strided_slice %dot_general3A_14 {offsets = [0, 6272], sizes = [256, 128], strides = [1, 1]} : vector<256x8192xf32> to vector<256x128xf32>
    %gt3A_311 = arith.cmpf ogt, %slice3A_310, %max3A_309 : vector<256x128xf32>
    %jit3A_312 = arith.constant 49 : i32
    %broadcast_in_dim3A_313 = vector.broadcast %jit3A_312 : i32 to vector<256x128xi32>
    %select_n3A_314 = arith.select %gt3A_311, %broadcast_in_dim3A_313, %select_n3A_308 : vector<256x128xi1>, vector<256x128xi32>
    %max3A_315 = arith.maximumf %max3A_309, %slice3A_310 : vector<256x128xf32>
    %slice3A_316 = vector.extract_strided_slice %dot_general3A_14 {offsets = [0, 6400], sizes = [256, 128], strides = [1, 1]} : vector<256x8192xf32> to vector<256x128xf32>
    %gt3A_317 = arith.cmpf ogt, %slice3A_316, %max3A_315 : vector<256x128xf32>
    %jit3A_318 = arith.constant 50 : i32
    %broadcast_in_dim3A_319 = vector.broadcast %jit3A_318 : i32 to vector<256x128xi32>
    %select_n3A_320 = arith.select %gt3A_317, %broadcast_in_dim3A_319, %select_n3A_314 : vector<256x128xi1>, vector<256x128xi32>
    %max3A_321 = arith.maximumf %max3A_315, %slice3A_316 : vector<256x128xf32>
    %slice3A_322 = vector.extract_strided_slice %dot_general3A_14 {offsets = [0, 6528], sizes = [256, 128], strides = [1, 1]} : vector<256x8192xf32> to vector<256x128xf32>
    %gt3A_323 = arith.cmpf ogt, %slice3A_322, %max3A_321 : vector<256x128xf32>
    %jit3A_324 = arith.constant 51 : i32
    %broadcast_in_dim3A_325 = vector.broadcast %jit3A_324 : i32 to vector<256x128xi32>
    %select_n3A_326 = arith.select %gt3A_323, %broadcast_in_dim3A_325, %select_n3A_320 : vector<256x128xi1>, vector<256x128xi32>
    %max3A_327 = arith.maximumf %max3A_321, %slice3A_322 : vector<256x128xf32>
    %slice3A_328 = vector.extract_strided_slice %dot_general3A_14 {offsets = [0, 6656], sizes = [256, 128], strides = [1, 1]} : vector<256x8192xf32> to vector<256x128xf32>
    %gt3A_329 = arith.cmpf ogt, %slice3A_328, %max3A_327 : vector<256x128xf32>
    %jit3A_330 = arith.constant 52 : i32
    %broadcast_in_dim3A_331 = vector.broadcast %jit3A_330 : i32 to vector<256x128xi32>
    %select_n3A_332 = arith.select %gt3A_329, %broadcast_in_dim3A_331, %select_n3A_326 : vector<256x128xi1>, vector<256x128xi32>
    %max3A_333 = arith.maximumf %max3A_327, %slice3A_328 : vector<256x128xf32>
    %slice3A_334 = vector.extract_strided_slice %dot_general3A_14 {offsets = [0, 6784], sizes = [256, 128], strides = [1, 1]} : vector<256x8192xf32> to vector<256x128xf32>
    %gt3A_335 = arith.cmpf ogt, %slice3A_334, %max3A_333 : vector<256x128xf32>
    %jit3A_336 = arith.constant 53 : i32
    %broadcast_in_dim3A_337 = vector.broadcast %jit3A_336 : i32 to vector<256x128xi32>
    %select_n3A_338 = arith.select %gt3A_335, %broadcast_in_dim3A_337, %select_n3A_332 : vector<256x128xi1>, vector<256x128xi32>
    %max3A_339 = arith.maximumf %max3A_333, %slice3A_334 : vector<256x128xf32>
    %slice3A_340 = vector.extract_strided_slice %dot_general3A_14 {offsets = [0, 6912], sizes = [256, 128], strides = [1, 1]} : vector<256x8192xf32> to vector<256x128xf32>
    %gt3A_341 = arith.cmpf ogt, %slice3A_340, %max3A_339 : vector<256x128xf32>
    %jit3A_342 = arith.constant 54 : i32
    %broadcast_in_dim3A_343 = vector.broadcast %jit3A_342 : i32 to vector<256x128xi32>
    %select_n3A_344 = arith.select %gt3A_341, %broadcast_in_dim3A_343, %select_n3A_338 : vector<256x128xi1>, vector<256x128xi32>
    %max3A_345 = arith.maximumf %max3A_339, %slice3A_340 : vector<256x128xf32>
    %slice3A_346 = vector.extract_strided_slice %dot_general3A_14 {offsets = [0, 7040], sizes = [256, 128], strides = [1, 1]} : vector<256x8192xf32> to vector<256x128xf32>
    %gt3A_347 = arith.cmpf ogt, %slice3A_346, %max3A_345 : vector<256x128xf32>
    %jit3A_348 = arith.constant 55 : i32
    %broadcast_in_dim3A_349 = vector.broadcast %jit3A_348 : i32 to vector<256x128xi32>
    %select_n3A_350 = arith.select %gt3A_347, %broadcast_in_dim3A_349, %select_n3A_344 : vector<256x128xi1>, vector<256x128xi32>
    %max3A_351 = arith.maximumf %max3A_345, %slice3A_346 : vector<256x128xf32>
    %slice3A_352 = vector.extract_strided_slice %dot_general3A_14 {offsets = [0, 7168], sizes = [256, 128], strides = [1, 1]} : vector<256x8192xf32> to vector<256x128xf32>
    %gt3A_353 = arith.cmpf ogt, %slice3A_352, %max3A_351 : vector<256x128xf32>
    %jit3A_354 = arith.constant 56 : i32
    %broadcast_in_dim3A_355 = vector.broadcast %jit3A_354 : i32 to vector<256x128xi32>
    %select_n3A_356 = arith.select %gt3A_353, %broadcast_in_dim3A_355, %select_n3A_350 : vector<256x128xi1>, vector<256x128xi32>
    %max3A_357 = arith.maximumf %max3A_351, %slice3A_352 : vector<256x128xf32>
    %slice3A_358 = vector.extract_strided_slice %dot_general3A_14 {offsets = [0, 7296], sizes = [256, 128], strides = [1, 1]} : vector<256x8192xf32> to vector<256x128xf32>
    %gt3A_359 = arith.cmpf ogt, %slice3A_358, %max3A_357 : vector<256x128xf32>
    %jit3A_360 = arith.constant 57 : i32
    %broadcast_in_dim3A_361 = vector.broadcast %jit3A_360 : i32 to vector<256x128xi32>
    %select_n3A_362 = arith.select %gt3A_359, %broadcast_in_dim3A_361, %select_n3A_356 : vector<256x128xi1>, vector<256x128xi32>
    %max3A_363 = arith.maximumf %max3A_357, %slice3A_358 : vector<256x128xf32>
    %slice3A_364 = vector.extract_strided_slice %dot_general3A_14 {offsets = [0, 7424], sizes = [256, 128], strides = [1, 1]} : vector<256x8192xf32> to vector<256x128xf32>
    %gt3A_365 = arith.cmpf ogt, %slice3A_364, %max3A_363 : vector<256x128xf32>
    %jit3A_366 = arith.constant 58 : i32
    %broadcast_in_dim3A_367 = vector.broadcast %jit3A_366 : i32 to vector<256x128xi32>
    %select_n3A_368 = arith.select %gt3A_365, %broadcast_in_dim3A_367, %select_n3A_362 : vector<256x128xi1>, vector<256x128xi32>
    %max3A_369 = arith.maximumf %max3A_363, %slice3A_364 : vector<256x128xf32>
    %slice3A_370 = vector.extract_strided_slice %dot_general3A_14 {offsets = [0, 7552], sizes = [256, 128], strides = [1, 1]} : vector<256x8192xf32> to vector<256x128xf32>
    %gt3A_371 = arith.cmpf ogt, %slice3A_370, %max3A_369 : vector<256x128xf32>
    %jit3A_372 = arith.constant 59 : i32
    %broadcast_in_dim3A_373 = vector.broadcast %jit3A_372 : i32 to vector<256x128xi32>
    %select_n3A_374 = arith.select %gt3A_371, %broadcast_in_dim3A_373, %select_n3A_368 : vector<256x128xi1>, vector<256x128xi32>
    %max3A_375 = arith.maximumf %max3A_369, %slice3A_370 : vector<256x128xf32>
    %slice3A_376 = vector.extract_strided_slice %dot_general3A_14 {offsets = [0, 7680], sizes = [256, 128], strides = [1, 1]} : vector<256x8192xf32> to vector<256x128xf32>
    %gt3A_377 = arith.cmpf ogt, %slice3A_376, %max3A_375 : vector<256x128xf32>
    %jit3A_378 = arith.constant 60 : i32
    %broadcast_in_dim3A_379 = vector.broadcast %jit3A_378 : i32 to vector<256x128xi32>
    %select_n3A_380 = arith.select %gt3A_377, %broadcast_in_dim3A_379, %select_n3A_374 : vector<256x128xi1>, vector<256x128xi32>
    %max3A_381 = arith.maximumf %max3A_375, %slice3A_376 : vector<256x128xf32>
    %slice3A_382 = vector.extract_strided_slice %dot_general3A_14 {offsets = [0, 7808], sizes = [256, 128], strides = [1, 1]} : vector<256x8192xf32> to vector<256x128xf32>
    %gt3A_383 = arith.cmpf ogt, %slice3A_382, %max3A_381 : vector<256x128xf32>
    %jit3A_384 = arith.constant 61 : i32
    %broadcast_in_dim3A_385 = vector.broadcast %jit3A_384 : i32 to vector<256x128xi32>
    %select_n3A_386 = arith.select %gt3A_383, %broadcast_in_dim3A_385, %select_n3A_380 : vector<256x128xi1>, vector<256x128xi32>
    %max3A_387 = arith.maximumf %max3A_381, %slice3A_382 : vector<256x128xf32>
    %slice3A_388 = vector.extract_strided_slice %dot_general3A_14 {offsets = [0, 7936], sizes = [256, 128], strides = [1, 1]} : vector<256x8192xf32> to vector<256x128xf32>
    %gt3A_389 = arith.cmpf ogt, %slice3A_388, %max3A_387 : vector<256x128xf32>
    %jit3A_390 = arith.constant 62 : i32
    %broadcast_in_dim3A_391 = vector.broadcast %jit3A_390 : i32 to vector<256x128xi32>
    %select_n3A_392 = arith.select %gt3A_389, %broadcast_in_dim3A_391, %select_n3A_386 : vector<256x128xi1>, vector<256x128xi32>
    %max3A_393 = arith.maximumf %max3A_387, %slice3A_388 : vector<256x128xf32>
    %slice3A_394 = vector.extract_strided_slice %dot_general3A_14 {offsets = [0, 8064], sizes = [256, 128], strides = [1, 1]} : vector<256x8192xf32> to vector<256x128xf32>
    %gt3A_395 = arith.cmpf ogt, %slice3A_394, %max3A_393 : vector<256x128xf32>
    %jit3A_396 = arith.constant 63 : i32
    %broadcast_in_dim3A_397 = vector.broadcast %jit3A_396 : i32 to vector<256x128xi32>
    %select_n3A_398 = arith.select %gt3A_395, %broadcast_in_dim3A_397, %select_n3A_392 : vector<256x128xi1>, vector<256x128xi32>
    %max3A_399 = arith.maximumf %max3A_393, %slice3A_394 : vector<256x128xf32>
    %reduce_max3A = arith.constant dense<0xFF800000> : vector<256xf32>
    %reduce_max3A_400 = vector.multi_reduction <maximumf>, %max3A_399, %reduce_max3A [1] : vector<256x128xf32> to vector<256xf32>
    %mul3A_401 = arith.constant 128 : i32
    %mul3A_402 = vector.broadcast %mul3A_401 : i32 to vector<256x128xi32>
    %mul3A_403 = arith.muli %select_n3A_398, %mul3A_402 : vector<256x128xi32>
    %add3A = arith.addi %mul3A_403, %iota3A : vector<256x128xi32>
    %broadcast_in_dim3A_404 = vector.shape_cast %reduce_max3A_400 : vector<256xf32> to vector<256x1xf32>
    %eq3A_405 = vector.broadcast %broadcast_in_dim3A_404 : vector<256x1xf32> to vector<256x128xf32>
    %eq3A_406 = arith.cmpf oeq, %max3A_399, %eq3A_405 : vector<256x128xf32>
    %jit3A_407 = arith.constant 8192 : i32
    %broadcast_in_dim3A_408 = vector.broadcast %jit3A_407 : i32 to vector<256x128xi32>
    %select_n3A_409 = arith.select %eq3A_406, %add3A, %broadcast_in_dim3A_408 : vector<256x128xi1>, vector<256x128xi32>
    %reduce_min3A = arith.constant dense<2147483647> : vector<256xi32>
    %reduce_min3A_410 = vector.multi_reduction <minsi>, %select_n3A_409, %reduce_min3A [1] : vector<256x128xi32> to vector<256xi32>
    %swap3A = arith.constant 0 : index
    %swap3A_411 = arith.constant 0 : index
    %swap3A_412 = arith.constant 0 : index
    %swap3A_413 = vector.load %arg3[%swap3A, %swap3A_411, %swap3A_412] : memref<1x1x2048xi32, #tpu.memory_space<vmem>>, vector<1x1x256xi32>
    %swap3A_414 = vector.shape_cast %swap3A_413 : vector<1x1x256xi32> to vector<256xi32>
    %swap3A_415 = vector.shape_cast %reduce_min3A_410 : vector<256xi32> to vector<1x1x256xi32>
    tpu.vector_store %arg3[%swap3A, %swap3A_411, %swap3A_412], %swap3A_415 {strides = array<i32>} : memref<1x1x2048xi32, #tpu.memory_space<vmem>>, vector<1x1x256xi32>,
    %mul3A_416 = arith.constant 2.000000e+00 : f32
    %mul3A_417 = vector.broadcast %mul3A_416 : f32 to vector<256xf32>
    %mul3A_418 = arith.mulf %mul3A_417, %reduce_max3A_400 : vector<256xf32>
    %sub3A = arith.constant 1.000000e+00 : f32
    %sub3A_419 = vector.broadcast %sub3A : f32 to vector<256xf32>
    %sub3A_420 = arith.subf %sub3A_419, %mul3A_418 : vector<256xf32>
    %slice3A_421 = vector.extract_strided_slice %reduce_sum3A_8 {offsets = [0], sizes = [256], strides = [1]} : vector<2048xf32> to vector<256xf32>
    %add3A_422 = arith.addf %sub3A_420, %slice3A_421 : vector<256xf32>
    %reduce_sum3A_423 = vector.shape_cast %add3A_422 : vector<256xf32> to vector<1x256xf32>
    %reduce_sum3A_424 = arith.constant dense<0.000000e+00> : vector<1xf32>
    %reduce_sum3A_425 = vector.multi_reduction <add>, %reduce_sum3A_423, %reduce_sum3A_424 [1] : vector<1x256xf32> to vector<1xf32>
    %reduce_sum3A_426 = vector.shape_cast %reduce_sum3A_425 : vector<1xf32> to vector<1x1xf32>
    %reduce_sum3A_427 = vector.extract %reduce_sum3A_426[0, 0] : f32 from vector<1x1xf32>
    %add3A_428 = arith.constant 0.000000e+00 : f32
    %add3A_429 = arith.addf %add3A_428, %reduce_sum3A_427 : f32
    %slice3A_430 = vector.extract_strided_slice %div3A_5 {offsets = [256, 0], sizes = [256, 64], strides = [1, 1]} : vector<2048x64xf32> to vector<256x64xf32>
    %dot_general3A_431 = arith.constant dense<0.000000e+00> : vector<256x8192xf32>
    %dot_general3A_432 = tpu.matmul %slice3A_430, %get3A_11, %dot_general3A_431 {dimension_numbers = #tpu.dot_dimension_numbers<[1], [1], [0], [0], [0, 0, 1, 0], [], []>, transpose_lhs_hint = false} : vector<256x64xf32>, vector<8192x64xf32>, vector<256x8192xf32> -> vector<256x8192xf32>
    %iota3A_433 = tpu.iota {dimensions = array<i32: 1>} : vector<256x128xi32>
    %broadcast_in_dim3A_434 = arith.constant -2.000000e+00 : f32
    %broadcast_in_dim3A_435 = vector.broadcast %broadcast_in_dim3A_434 : f32 to vector<256x128xf32>
    %broadcast_in_dim3A_436 = arith.constant 0 : i32
    %broadcast_in_dim3A_437 = vector.broadcast %broadcast_in_dim3A_436 : i32 to vector<256x128xi32>
    %slice3A_438 = vector.extract_strided_slice %dot_general3A_432 {offsets = [0, 0], sizes = [256, 128], strides = [1, 1]} : vector<256x8192xf32> to vector<256x128xf32>
    %gt3A_439 = arith.cmpf ogt, %slice3A_438, %broadcast_in_dim3A_435 : vector<256x128xf32>
    %jit3A_440 = arith.constant 0 : i32
    %broadcast_in_dim3A_441 = vector.broadcast %jit3A_440 : i32 to vector<256x128xi32>
    %select_n3A_442 = arith.select %gt3A_439, %broadcast_in_dim3A_441, %broadcast_in_dim3A_437 : vector<256x128xi1>, vector<256x128xi32>
    %max3A_443 = arith.maximumf %broadcast_in_dim3A_435, %slice3A_438 : vector<256x128xf32>
    %slice3A_444 = vector.extract_strided_slice %dot_general3A_432 {offsets = [0, 128], sizes = [256, 128], strides = [1, 1]} : vector<256x8192xf32> to vector<256x128xf32>
    %gt3A_445 = arith.cmpf ogt, %slice3A_444, %max3A_443 : vector<256x128xf32>
    %jit3A_446 = arith.constant 1 : i32
    %broadcast_in_dim3A_447 = vector.broadcast %jit3A_446 : i32 to vector<256x128xi32>
    %select_n3A_448 = arith.select %gt3A_445, %broadcast_in_dim3A_447, %select_n3A_442 : vector<256x128xi1>, vector<256x128xi32>
    %max3A_449 = arith.maximumf %max3A_443, %slice3A_444 : vector<256x128xf32>
    %slice3A_450 = vector.extract_strided_slice %dot_general3A_432 {offsets = [0, 256], sizes = [256, 128], strides = [1, 1]} : vector<256x8192xf32> to vector<256x128xf32>
    %gt3A_451 = arith.cmpf ogt, %slice3A_450, %max3A_449 : vector<256x128xf32>
    %jit3A_452 = arith.constant 2 : i32
    %broadcast_in_dim3A_453 = vector.broadcast %jit3A_452 : i32 to vector<256x128xi32>
    %select_n3A_454 = arith.select %gt3A_451, %broadcast_in_dim3A_453, %select_n3A_448 : vector<256x128xi1>, vector<256x128xi32>
    %max3A_455 = arith.maximumf %max3A_449, %slice3A_450 : vector<256x128xf32>
    %slice3A_456 = vector.extract_strided_slice %dot_general3A_432 {offsets = [0, 384], sizes = [256, 128], strides = [1, 1]} : vector<256x8192xf32> to vector<256x128xf32>
    %gt3A_457 = arith.cmpf ogt, %slice3A_456, %max3A_455 : vector<256x128xf32>
    %jit3A_458 = arith.constant 3 : i32
    %broadcast_in_dim3A_459 = vector.broadcast %jit3A_458 : i32 to vector<256x128xi32>
    %select_n3A_460 = arith.select %gt3A_457, %broadcast_in_dim3A_459, %select_n3A_454 : vector<256x128xi1>, vector<256x128xi32>
    %max3A_461 = arith.maximumf %max3A_455, %slice3A_456 : vector<256x128xf32>
    %slice3A_462 = vector.extract_strided_slice %dot_general3A_432 {offsets = [0, 512], sizes = [256, 128], strides = [1, 1]} : vector<256x8192xf32> to vector<256x128xf32>
    %gt3A_463 = arith.cmpf ogt, %slice3A_462, %max3A_461 : vector<256x128xf32>
    %jit3A_464 = arith.constant 4 : i32
    %broadcast_in_dim3A_465 = vector.broadcast %jit3A_464 : i32 to vector<256x128xi32>
    %select_n3A_466 = arith.select %gt3A_463, %broadcast_in_dim3A_465, %select_n3A_460 : vector<256x128xi1>, vector<256x128xi32>
    %max3A_467 = arith.maximumf %max3A_461, %slice3A_462 : vector<256x128xf32>
    %slice3A_468 = vector.extract_strided_slice %dot_general3A_432 {offsets = [0, 640], sizes = [256, 128], strides = [1, 1]} : vector<256x8192xf32> to vector<256x128xf32>
    %gt3A_469 = arith.cmpf ogt, %slice3A_468, %max3A_467 : vector<256x128xf32>
    %jit3A_470 = arith.constant 5 : i32
    %broadcast_in_dim3A_471 = vector.broadcast %jit3A_470 : i32 to vector<256x128xi32>
    %select_n3A_472 = arith.select %gt3A_469, %broadcast_in_dim3A_471, %select_n3A_466 : vector<256x128xi1>, vector<256x128xi32>
    %max3A_473 = arith.maximumf %max3A_467, %slice3A_468 : vector<256x128xf32>
    %slice3A_474 = vector.extract_strided_slice %dot_general3A_432 {offsets = [0, 768], sizes = [256, 128], strides = [1, 1]} : vector<256x8192xf32> to vector<256x128xf32>
    %gt3A_475 = arith.cmpf ogt, %slice3A_474, %max3A_473 : vector<256x128xf32>
    %jit3A_476 = arith.constant 6 : i32
    %broadcast_in_dim3A_477 = vector.broadcast %jit3A_476 : i32 to vector<256x128xi32>
    %select_n3A_478 = arith.select %gt3A_475, %broadcast_in_dim3A_477, %select_n3A_472 : vector<256x128xi1>, vector<256x128xi32>
    %max3A_479 = arith.maximumf %max3A_473, %slice3A_474 : vector<256x128xf32>
    %slice3A_480 = vector.extract_strided_slice %dot_general3A_432 {offsets = [0, 896], sizes = [256, 128], strides = [1, 1]} : vector<256x8192xf32> to vector<256x128xf32>
    %gt3A_481 = arith.cmpf ogt, %slice3A_480, %max3A_479 : vector<256x128xf32>
    %jit3A_482 = arith.constant 7 : i32
    %broadcast_in_dim3A_483 = vector.broadcast %jit3A_482 : i32 to vector<256x128xi32>
    %select_n3A_484 = arith.select %gt3A_481, %broadcast_in_dim3A_483, %select_n3A_478 : vector<256x128xi1>, vector<256x128xi32>
    %max3A_485 = arith.maximumf %max3A_479, %slice3A_480 : vector<256x128xf32>
    %slice3A_486 = vector.extract_strided_slice %dot_general3A_432 {offsets = [0, 1024], sizes = [256, 128], strides = [1, 1]} : vector<256x8192xf32> to vector<256x128xf32>
    %gt3A_487 = arith.cmpf ogt, %slice3A_486, %max3A_485 : vector<256x128xf32>
    %jit3A_488 = arith.constant 8 : i32
    %broadcast_in_dim3A_489 = vector.broadcast %jit3A_488 : i32 to vector<256x128xi32>
    %select_n3A_490 = arith.select %gt3A_487, %broadcast_in_dim3A_489, %select_n3A_484 : vector<256x128xi1>, vector<256x128xi32>
    %max3A_491 = arith.maximumf %max3A_485, %slice3A_486 : vector<256x128xf32>
    %slice3A_492 = vector.extract_strided_slice %dot_general3A_432 {offsets = [0, 1152], sizes = [256, 128], strides = [1, 1]} : vector<256x8192xf32> to vector<256x128xf32>
    %gt3A_493 = arith.cmpf ogt, %slice3A_492, %max3A_491 : vector<256x128xf32>
    %jit3A_494 = arith.constant 9 : i32
    %broadcast_in_dim3A_495 = vector.broadcast %jit3A_494 : i32 to vector<256x128xi32>
    %select_n3A_496 = arith.select %gt3A_493, %broadcast_in_dim3A_495, %select_n3A_490 : vector<256x128xi1>, vector<256x128xi32>
    %max3A_497 = arith.maximumf %max3A_491, %slice3A_492 : vector<256x128xf32>
    %slice3A_498 = vector.extract_strided_slice %dot_general3A_432 {offsets = [0, 1280], sizes = [256, 128], strides = [1, 1]} : vector<256x8192xf32> to vector<256x128xf32>
    %gt3A_499 = arith.cmpf ogt, %slice3A_498, %max3A_497 : vector<256x128xf32>
    %jit3A_500 = arith.constant 10 : i32
    %broadcast_in_dim3A_501 = vector.broadcast %jit3A_500 : i32 to vector<256x128xi32>
    %select_n3A_502 = arith.select %gt3A_499, %broadcast_in_dim3A_501, %select_n3A_496 : vector<256x128xi1>, vector<256x128xi32>
    %max3A_503 = arith.maximumf %max3A_497, %slice3A_498 : vector<256x128xf32>
    %slice3A_504 = vector.extract_strided_slice %dot_general3A_432 {offsets = [0, 1408], sizes = [256, 128], strides = [1, 1]} : vector<256x8192xf32> to vector<256x128xf32>
    %gt3A_505 = arith.cmpf ogt, %slice3A_504, %max3A_503 : vector<256x128xf32>
    %jit3A_506 = arith.constant 11 : i32
    %broadcast_in_dim3A_507 = vector.broadcast %jit3A_506 : i32 to vector<256x128xi32>
    %select_n3A_508 = arith.select %gt3A_505, %broadcast_in_dim3A_507, %select_n3A_502 : vector<256x128xi1>, vector<256x128xi32>
    %max3A_509 = arith.maximumf %max3A_503, %slice3A_504 : vector<256x128xf32>
    %slice3A_510 = vector.extract_strided_slice %dot_general3A_432 {offsets = [0, 1536], sizes = [256, 128], strides = [1, 1]} : vector<256x8192xf32> to vector<256x128xf32>
    %gt3A_511 = arith.cmpf ogt, %slice3A_510, %max3A_509 : vector<256x128xf32>
    %jit3A_512 = arith.constant 12 : i32
    %broadcast_in_dim3A_513 = vector.broadcast %jit3A_512 : i32 to vector<256x128xi32>
    %select_n3A_514 = arith.select %gt3A_511, %broadcast_in_dim3A_513, %select_n3A_508 : vector<256x128xi1>, vector<256x128xi32>
    %max3A_515 = arith.maximumf %max3A_509, %slice3A_510 : vector<256x128xf32>
    %slice3A_516 = vector.extract_strided_slice %dot_general3A_432 {offsets = [0, 1664], sizes = [256, 128], strides = [1, 1]} : vector<256x8192xf32> to vector<256x128xf32>
    %gt3A_517 = arith.cmpf ogt, %slice3A_516, %max3A_515 : vector<256x128xf32>
    %jit3A_518 = arith.constant 13 : i32
    %broadcast_in_dim3A_519 = vector.broadcast %jit3A_518 : i32 to vector<256x128xi32>
    %select_n3A_520 = arith.select %gt3A_517, %broadcast_in_dim3A_519, %select_n3A_514 : vector<256x128xi1>, vector<256x128xi32>
    %max3A_521 = arith.maximumf %max3A_515, %slice3A_516 : vector<256x128xf32>
    %slice3A_522 = vector.extract_strided_slice %dot_general3A_432 {offsets = [0, 1792], sizes = [256, 128], strides = [1, 1]} : vector<256x8192xf32> to vector<256x128xf32>
    %gt3A_523 = arith.cmpf ogt, %slice3A_522, %max3A_521 : vector<256x128xf32>
    %jit3A_524 = arith.constant 14 : i32
    %broadcast_in_dim3A_525 = vector.broadcast %jit3A_524 : i32 to vector<256x128xi32>
    %select_n3A_526 = arith.select %gt3A_523, %broadcast_in_dim3A_525, %select_n3A_520 : vector<256x128xi1>, vector<256x128xi32>
    %max3A_527 = arith.maximumf %max3A_521, %slice3A_522 : vector<256x128xf32>
    %slice3A_528 = vector.extract_strided_slice %dot_general3A_432 {offsets = [0, 1920], sizes = [256, 128], strides = [1, 1]} : vector<256x8192xf32> to vector<256x128xf32>
    %gt3A_529 = arith.cmpf ogt, %slice3A_528, %max3A_527 : vector<256x128xf32>
    %jit3A_530 = arith.constant 15 : i32
    %broadcast_in_dim3A_531 = vector.broadcast %jit3A_530 : i32 to vector<256x128xi32>
    %select_n3A_532 = arith.select %gt3A_529, %broadcast_in_dim3A_531, %select_n3A_526 : vector<256x128xi1>, vector<256x128xi32>
    %max3A_533 = arith.maximumf %max3A_527, %slice3A_528 : vector<256x128xf32>
    %slice3A_534 = vector.extract_strided_slice %dot_general3A_432 {offsets = [0, 2048], sizes = [256, 128], strides = [1, 1]} : vector<256x8192xf32> to vector<256x128xf32>
    %gt3A_535 = arith.cmpf ogt, %slice3A_534, %max3A_533 : vector<256x128xf32>
    %jit3A_536 = arith.constant 16 : i32
    %broadcast_in_dim3A_537 = vector.broadcast %jit3A_536 : i32 to vector<256x128xi32>
    %select_n3A_538 = arith.select %gt3A_535, %broadcast_in_dim3A_537, %select_n3A_532 : vector<256x128xi1>, vector<256x128xi32>
    %max3A_539 = arith.maximumf %max3A_533, %slice3A_534 : vector<256x128xf32>
    %slice3A_540 = vector.extract_strided_slice %dot_general3A_432 {offsets = [0, 2176], sizes = [256, 128], strides = [1, 1]} : vector<256x8192xf32> to vector<256x128xf32>
    %gt3A_541 = arith.cmpf ogt, %slice3A_540, %max3A_539 : vector<256x128xf32>
    %jit3A_542 = arith.constant 17 : i32
    %broadcast_in_dim3A_543 = vector.broadcast %jit3A_542 : i32 to vector<256x128xi32>
    %select_n3A_544 = arith.select %gt3A_541, %broadcast_in_dim3A_543, %select_n3A_538 : vector<256x128xi1>, vector<256x128xi32>
    %max3A_545 = arith.maximumf %max3A_539, %slice3A_540 : vector<256x128xf32>
    %slice3A_546 = vector.extract_strided_slice %dot_general3A_432 {offsets = [0, 2304], sizes = [256, 128], strides = [1, 1]} : vector<256x8192xf32> to vector<256x128xf32>
    %gt3A_547 = arith.cmpf ogt, %slice3A_546, %max3A_545 : vector<256x128xf32>
    %jit3A_548 = arith.constant 18 : i32
    %broadcast_in_dim3A_549 = vector.broadcast %jit3A_548 : i32 to vector<256x128xi32>
    %select_n3A_550 = arith.select %gt3A_547, %broadcast_in_dim3A_549, %select_n3A_544 : vector<256x128xi1>, vector<256x128xi32>
    %max3A_551 = arith.maximumf %max3A_545, %slice3A_546 : vector<256x128xf32>
    %slice3A_552 = vector.extract_strided_slice %dot_general3A_432 {offsets = [0, 2432], sizes = [256, 128], strides = [1, 1]} : vector<256x8192xf32> to vector<256x128xf32>
    %gt3A_553 = arith.cmpf ogt, %slice3A_552, %max3A_551 : vector<256x128xf32>
    %jit3A_554 = arith.constant 19 : i32
    %broadcast_in_dim3A_555 = vector.broadcast %jit3A_554 : i32 to vector<256x128xi32>
    %select_n3A_556 = arith.select %gt3A_553, %broadcast_in_dim3A_555, %select_n3A_550 : vector<256x128xi1>, vector<256x128xi32>
    %max3A_557 = arith.maximumf %max3A_551, %slice3A_552 : vector<256x128xf32>
    %slice3A_558 = vector.extract_strided_slice %dot_general3A_432 {offsets = [0, 2560], sizes = [256, 128], strides = [1, 1]} : vector<256x8192xf32> to vector<256x128xf32>
    %gt3A_559 = arith.cmpf ogt, %slice3A_558, %max3A_557 : vector<256x128xf32>
    %jit3A_560 = arith.constant 20 : i32
    %broadcast_in_dim3A_561 = vector.broadcast %jit3A_560 : i32 to vector<256x128xi32>
    %select_n3A_562 = arith.select %gt3A_559, %broadcast_in_dim3A_561, %select_n3A_556 : vector<256x128xi1>, vector<256x128xi32>
    %max3A_563 = arith.maximumf %max3A_557, %slice3A_558 : vector<256x128xf32>
    %slice3A_564 = vector.extract_strided_slice %dot_general3A_432 {offsets = [0, 2688], sizes = [256, 128], strides = [1, 1]} : vector<256x8192xf32> to vector<256x128xf32>
    %gt3A_565 = arith.cmpf ogt, %slice3A_564, %max3A_563 : vector<256x128xf32>
    %jit3A_566 = arith.constant 21 : i32
    %broadcast_in_dim3A_567 = vector.broadcast %jit3A_566 : i32 to vector<256x128xi32>
    %select_n3A_568 = arith.select %gt3A_565, %broadcast_in_dim3A_567, %select_n3A_562 : vector<256x128xi1>, vector<256x128xi32>
    %max3A_569 = arith.maximumf %max3A_563, %slice3A_564 : vector<256x128xf32>
    %slice3A_570 = vector.extract_strided_slice %dot_general3A_432 {offsets = [0, 2816], sizes = [256, 128], strides = [1, 1]} : vector<256x8192xf32> to vector<256x128xf32>
    %gt3A_571 = arith.cmpf ogt, %slice3A_570, %max3A_569 : vector<256x128xf32>
    %jit3A_572 = arith.constant 22 : i32
    %broadcast_in_dim3A_573 = vector.broadcast %jit3A_572 : i32 to vector<256x128xi32>
    %select_n3A_574 = arith.select %gt3A_571, %broadcast_in_dim3A_573, %select_n3A_568 : vector<256x128xi1>, vector<256x128xi32>
    %max3A_575 = arith.maximumf %max3A_569, %slice3A_570 : vector<256x128xf32>
    %slice3A_576 = vector.extract_strided_slice %dot_general3A_432 {offsets = [0, 2944], sizes = [256, 128], strides = [1, 1]} : vector<256x8192xf32> to vector<256x128xf32>
    %gt3A_577 = arith.cmpf ogt, %slice3A_576, %max3A_575 : vector<256x128xf32>
    %jit3A_578 = arith.constant 23 : i32
    %broadcast_in_dim3A_579 = vector.broadcast %jit3A_578 : i32 to vector<256x128xi32>
    %select_n3A_580 = arith.select %gt3A_577, %broadcast_in_dim3A_579, %select_n3A_574 : vector<256x128xi1>, vector<256x128xi32>
    %max3A_581 = arith.maximumf %max3A_575, %slice3A_576 : vector<256x128xf32>
    %slice3A_582 = vector.extract_strided_slice %dot_general3A_432 {offsets = [0, 3072], sizes = [256, 128], strides = [1, 1]} : vector<256x8192xf32> to vector<256x128xf32>
    %gt3A_583 = arith.cmpf ogt, %slice3A_582, %max3A_581 : vector<256x128xf32>
    %jit3A_584 = arith.constant 24 : i32
    %broadcast_in_dim3A_585 = vector.broadcast %jit3A_584 : i32 to vector<256x128xi32>
    %select_n3A_586 = arith.select %gt3A_583, %broadcast_in_dim3A_585, %select_n3A_580 : vector<256x128xi1>, vector<256x128xi32>
    %max3A_587 = arith.maximumf %max3A_581, %slice3A_582 : vector<256x128xf32>
    %slice3A_588 = vector.extract_strided_slice %dot_general3A_432 {offsets = [0, 3200], sizes = [256, 128], strides = [1, 1]} : vector<256x8192xf32> to vector<256x128xf32>
    %gt3A_589 = arith.cmpf ogt, %slice3A_588, %max3A_587 : vector<256x128xf32>
    %jit3A_590 = arith.constant 25 : i32
    %broadcast_in_dim3A_591 = vector.broadcast %jit3A_590 : i32 to vector<256x128xi32>
    %select_n3A_592 = arith.select %gt3A_589, %broadcast_in_dim3A_591, %select_n3A_586 : vector<256x128xi1>, vector<256x128xi32>
    %max3A_593 = arith.maximumf %max3A_587, %slice3A_588 : vector<256x128xf32>
    %slice3A_594 = vector.extract_strided_slice %dot_general3A_432 {offsets = [0, 3328], sizes = [256, 128], strides = [1, 1]} : vector<256x8192xf32> to vector<256x128xf32>
    %gt3A_595 = arith.cmpf ogt, %slice3A_594, %max3A_593 : vector<256x128xf32>
    %jit3A_596 = arith.constant 26 : i32
    %broadcast_in_dim3A_597 = vector.broadcast %jit3A_596 : i32 to vector<256x128xi32>
    %select_n3A_598 = arith.select %gt3A_595, %broadcast_in_dim3A_597, %select_n3A_592 : vector<256x128xi1>, vector<256x128xi32>
    %max3A_599 = arith.maximumf %max3A_593, %slice3A_594 : vector<256x128xf32>
    %slice3A_600 = vector.extract_strided_slice %dot_general3A_432 {offsets = [0, 3456], sizes = [256, 128], strides = [1, 1]} : vector<256x8192xf32> to vector<256x128xf32>
    %gt3A_601 = arith.cmpf ogt, %slice3A_600, %max3A_599 : vector<256x128xf32>
    %jit3A_602 = arith.constant 27 : i32
    %broadcast_in_dim3A_603 = vector.broadcast %jit3A_602 : i32 to vector<256x128xi32>
    %select_n3A_604 = arith.select %gt3A_601, %broadcast_in_dim3A_603, %select_n3A_598 : vector<256x128xi1>, vector<256x128xi32>
    %max3A_605 = arith.maximumf %max3A_599, %slice3A_600 : vector<256x128xf32>
    %slice3A_606 = vector.extract_strided_slice %dot_general3A_432 {offsets = [0, 3584], sizes = [256, 128], strides = [1, 1]} : vector<256x8192xf32> to vector<256x128xf32>
    %gt3A_607 = arith.cmpf ogt, %slice3A_606, %max3A_605 : vector<256x128xf32>
    %jit3A_608 = arith.constant 28 : i32
    %broadcast_in_dim3A_609 = vector.broadcast %jit3A_608 : i32 to vector<256x128xi32>
    %select_n3A_610 = arith.select %gt3A_607, %broadcast_in_dim3A_609, %select_n3A_604 : vector<256x128xi1>, vector<256x128xi32>
    %max3A_611 = arith.maximumf %max3A_605, %slice3A_606 : vector<256x128xf32>
    %slice3A_612 = vector.extract_strided_slice %dot_general3A_432 {offsets = [0, 3712], sizes = [256, 128], strides = [1, 1]} : vector<256x8192xf32> to vector<256x128xf32>
    %gt3A_613 = arith.cmpf ogt, %slice3A_612, %max3A_611 : vector<256x128xf32>
    %jit3A_614 = arith.constant 29 : i32
    %broadcast_in_dim3A_615 = vector.broadcast %jit3A_614 : i32 to vector<256x128xi32>
    %select_n3A_616 = arith.select %gt3A_613, %broadcast_in_dim3A_615, %select_n3A_610 : vector<256x128xi1>, vector<256x128xi32>
    %max3A_617 = arith.maximumf %max3A_611, %slice3A_612 : vector<256x128xf32>
    %slice3A_618 = vector.extract_strided_slice %dot_general3A_432 {offsets = [0, 3840], sizes = [256, 128], strides = [1, 1]} : vector<256x8192xf32> to vector<256x128xf32>
    %gt3A_619 = arith.cmpf ogt, %slice3A_618, %max3A_617 : vector<256x128xf32>
    %jit3A_620 = arith.constant 30 : i32
    %broadcast_in_dim3A_621 = vector.broadcast %jit3A_620 : i32 to vector<256x128xi32>
    %select_n3A_622 = arith.select %gt3A_619, %broadcast_in_dim3A_621, %select_n3A_616 : vector<256x128xi1>, vector<256x128xi32>
    %max3A_623 = arith.maximumf %max3A_617, %slice3A_618 : vector<256x128xf32>
    %slice3A_624 = vector.extract_strided_slice %dot_general3A_432 {offsets = [0, 3968], sizes = [256, 128], strides = [1, 1]} : vector<256x8192xf32> to vector<256x128xf32>
    %gt3A_625 = arith.cmpf ogt, %slice3A_624, %max3A_623 : vector<256x128xf32>
    %jit3A_626 = arith.constant 31 : i32
    %broadcast_in_dim3A_627 = vector.broadcast %jit3A_626 : i32 to vector<256x128xi32>
    %select_n3A_628 = arith.select %gt3A_625, %broadcast_in_dim3A_627, %select_n3A_622 : vector<256x128xi1>, vector<256x128xi32>
    %max3A_629 = arith.maximumf %max3A_623, %slice3A_624 : vector<256x128xf32>
    %slice3A_630 = vector.extract_strided_slice %dot_general3A_432 {offsets = [0, 4096], sizes = [256, 128], strides = [1, 1]} : vector<256x8192xf32> to vector<256x128xf32>
    %gt3A_631 = arith.cmpf ogt, %slice3A_630, %max3A_629 : vector<256x128xf32>
    %jit3A_632 = arith.constant 32 : i32
    %broadcast_in_dim3A_633 = vector.broadcast %jit3A_632 : i32 to vector<256x128xi32>
    %select_n3A_634 = arith.select %gt3A_631, %broadcast_in_dim3A_633, %select_n3A_628 : vector<256x128xi1>, vector<256x128xi32>
    %max3A_635 = arith.maximumf %max3A_629, %slice3A_630 : vector<256x128xf32>
    %slice3A_636 = vector.extract_strided_slice %dot_general3A_432 {offsets = [0, 4224], sizes = [256, 128], strides = [1, 1]} : vector<256x8192xf32> to vector<256x128xf32>
    %gt3A_637 = arith.cmpf ogt, %slice3A_636, %max3A_635 : vector<256x128xf32>
    %jit3A_638 = arith.constant 33 : i32
    %broadcast_in_dim3A_639 = vector.broadcast %jit3A_638 : i32 to vector<256x128xi32>
    %select_n3A_640 = arith.select %gt3A_637, %broadcast_in_dim3A_639, %select_n3A_634 : vector<256x128xi1>, vector<256x128xi32>
    %max3A_641 = arith.maximumf %max3A_635, %slice3A_636 : vector<256x128xf32>
    %slice3A_642 = vector.extract_strided_slice %dot_general3A_432 {offsets = [0, 4352], sizes = [256, 128], strides = [1, 1]} : vector<256x8192xf32> to vector<256x128xf32>
    %gt3A_643 = arith.cmpf ogt, %slice3A_642, %max3A_641 : vector<256x128xf32>
    %jit3A_644 = arith.constant 34 : i32
    %broadcast_in_dim3A_645 = vector.broadcast %jit3A_644 : i32 to vector<256x128xi32>
    %select_n3A_646 = arith.select %gt3A_643, %broadcast_in_dim3A_645, %select_n3A_640 : vector<256x128xi1>, vector<256x128xi32>
    %max3A_647 = arith.maximumf %max3A_641, %slice3A_642 : vector<256x128xf32>
    %slice3A_648 = vector.extract_strided_slice %dot_general3A_432 {offsets = [0, 4480], sizes = [256, 128], strides = [1, 1]} : vector<256x8192xf32> to vector<256x128xf32>
    %gt3A_649 = arith.cmpf ogt, %slice3A_648, %max3A_647 : vector<256x128xf32>
    %jit3A_650 = arith.constant 35 : i32
    %broadcast_in_dim3A_651 = vector.broadcast %jit3A_650 : i32 to vector<256x128xi32>
    %select_n3A_652 = arith.select %gt3A_649, %broadcast_in_dim3A_651, %select_n3A_646 : vector<256x128xi1>, vector<256x128xi32>
    %max3A_653 = arith.maximumf %max3A_647, %slice3A_648 : vector<256x128xf32>
    %slice3A_654 = vector.extract_strided_slice %dot_general3A_432 {offsets = [0, 4608], sizes = [256, 128], strides = [1, 1]} : vector<256x8192xf32> to vector<256x128xf32>
    %gt3A_655 = arith.cmpf ogt, %slice3A_654, %max3A_653 : vector<256x128xf32>
    %jit3A_656 = arith.constant 36 : i32
    %broadcast_in_dim3A_657 = vector.broadcast %jit3A_656 : i32 to vector<256x128xi32>
    %select_n3A_658 = arith.select %gt3A_655, %broadcast_in_dim3A_657, %select_n3A_652 : vector<256x128xi1>, vector<256x128xi32>
    %max3A_659 = arith.maximumf %max3A_653, %slice3A_654 : vector<256x128xf32>
    %slice3A_660 = vector.extract_strided_slice %dot_general3A_432 {offsets = [0, 4736], sizes = [256, 128], strides = [1, 1]} : vector<256x8192xf32> to vector<256x128xf32>
    %gt3A_661 = arith.cmpf ogt, %slice3A_660, %max3A_659 : vector<256x128xf32>
    %jit3A_662 = arith.constant 37 : i32
    %broadcast_in_dim3A_663 = vector.broadcast %jit3A_662 : i32 to vector<256x128xi32>
    %select_n3A_664 = arith.select %gt3A_661, %broadcast_in_dim3A_663, %select_n3A_658 : vector<256x128xi1>, vector<256x128xi32>
    %max3A_665 = arith.maximumf %max3A_659, %slice3A_660 : vector<256x128xf32>
    %slice3A_666 = vector.extract_strided_slice %dot_general3A_432 {offsets = [0, 4864], sizes = [256, 128], strides = [1, 1]} : vector<256x8192xf32> to vector<256x128xf32>
    %gt3A_667 = arith.cmpf ogt, %slice3A_666, %max3A_665 : vector<256x128xf32>
    %jit3A_668 = arith.constant 38 : i32
    %broadcast_in_dim3A_669 = vector.broadcast %jit3A_668 : i32 to vector<256x128xi32>
    %select_n3A_670 = arith.select %gt3A_667, %broadcast_in_dim3A_669, %select_n3A_664 : vector<256x128xi1>, vector<256x128xi32>
    %max3A_671 = arith.maximumf %max3A_665, %slice3A_666 : vector<256x128xf32>
    %slice3A_672 = vector.extract_strided_slice %dot_general3A_432 {offsets = [0, 4992], sizes = [256, 128], strides = [1, 1]} : vector<256x8192xf32> to vector<256x128xf32>
    %gt3A_673 = arith.cmpf ogt, %slice3A_672, %max3A_671 : vector<256x128xf32>
    %jit3A_674 = arith.constant 39 : i32
    %broadcast_in_dim3A_675 = vector.broadcast %jit3A_674 : i32 to vector<256x128xi32>
    %select_n3A_676 = arith.select %gt3A_673, %broadcast_in_dim3A_675, %select_n3A_670 : vector<256x128xi1>, vector<256x128xi32>
    %max3A_677 = arith.maximumf %max3A_671, %slice3A_672 : vector<256x128xf32>
    %slice3A_678 = vector.extract_strided_slice %dot_general3A_432 {offsets = [0, 5120], sizes = [256, 128], strides = [1, 1]} : vector<256x8192xf32> to vector<256x128xf32>
    %gt3A_679 = arith.cmpf ogt, %slice3A_678, %max3A_677 : vector<256x128xf32>
    %jit3A_680 = arith.constant 40 : i32
    %broadcast_in_dim3A_681 = vector.broadcast %jit3A_680 : i32 to vector<256x128xi32>
    %select_n3A_682 = arith.select %gt3A_679, %broadcast_in_dim3A_681, %select_n3A_676 : vector<256x128xi1>, vector<256x128xi32>
    %max3A_683 = arith.maximumf %max3A_677, %slice3A_678 : vector<256x128xf32>
    %slice3A_684 = vector.extract_strided_slice %dot_general3A_432 {offsets = [0, 5248], sizes = [256, 128], strides = [1, 1]} : vector<256x8192xf32> to vector<256x128xf32>
    %gt3A_685 = arith.cmpf ogt, %slice3A_684, %max3A_683 : vector<256x128xf32>
    %jit3A_686 = arith.constant 41 : i32
    %broadcast_in_dim3A_687 = vector.broadcast %jit3A_686 : i32 to vector<256x128xi32>
    %select_n3A_688 = arith.select %gt3A_685, %broadcast_in_dim3A_687, %select_n3A_682 : vector<256x128xi1>, vector<256x128xi32>
    %max3A_689 = arith.maximumf %max3A_683, %slice3A_684 : vector<256x128xf32>
    %slice3A_690 = vector.extract_strided_slice %dot_general3A_432 {offsets = [0, 5376], sizes = [256, 128], strides = [1, 1]} : vector<256x8192xf32> to vector<256x128xf32>
    %gt3A_691 = arith.cmpf ogt, %slice3A_690, %max3A_689 : vector<256x128xf32>
    %jit3A_692 = arith.constant 42 : i32
    %broadcast_in_dim3A_693 = vector.broadcast %jit3A_692 : i32 to vector<256x128xi32>
    %select_n3A_694 = arith.select %gt3A_691, %broadcast_in_dim3A_693, %select_n3A_688 : vector<256x128xi1>, vector<256x128xi32>
    %max3A_695 = arith.maximumf %max3A_689, %slice3A_690 : vector<256x128xf32>
    %slice3A_696 = vector.extract_strided_slice %dot_general3A_432 {offsets = [0, 5504], sizes = [256, 128], strides = [1, 1]} : vector<256x8192xf32> to vector<256x128xf32>
    %gt3A_697 = arith.cmpf ogt, %slice3A_696, %max3A_695 : vector<256x128xf32>
    %jit3A_698 = arith.constant 43 : i32
    %broadcast_in_dim3A_699 = vector.broadcast %jit3A_698 : i32 to vector<256x128xi32>
    %select_n3A_700 = arith.select %gt3A_697, %broadcast_in_dim3A_699, %select_n3A_694 : vector<256x128xi1>, vector<256x128xi32>
    %max3A_701 = arith.maximumf %max3A_695, %slice3A_696 : vector<256x128xf32>
    %slice3A_702 = vector.extract_strided_slice %dot_general3A_432 {offsets = [0, 5632], sizes = [256, 128], strides = [1, 1]} : vector<256x8192xf32> to vector<256x128xf32>
    %gt3A_703 = arith.cmpf ogt, %slice3A_702, %max3A_701 : vector<256x128xf32>
    %jit3A_704 = arith.constant 44 : i32
    %broadcast_in_dim3A_705 = vector.broadcast %jit3A_704 : i32 to vector<256x128xi32>
    %select_n3A_706 = arith.select %gt3A_703, %broadcast_in_dim3A_705, %select_n3A_700 : vector<256x128xi1>, vector<256x128xi32>
    %max3A_707 = arith.maximumf %max3A_701, %slice3A_702 : vector<256x128xf32>
    %slice3A_708 = vector.extract_strided_slice %dot_general3A_432 {offsets = [0, 5760], sizes = [256, 128], strides = [1, 1]} : vector<256x8192xf32> to vector<256x128xf32>
    %gt3A_709 = arith.cmpf ogt, %slice3A_708, %max3A_707 : vector<256x128xf32>
    %jit3A_710 = arith.constant 45 : i32
    %broadcast_in_dim3A_711 = vector.broadcast %jit3A_710 : i32 to vector<256x128xi32>
    %select_n3A_712 = arith.select %gt3A_709, %broadcast_in_dim3A_711, %select_n3A_706 : vector<256x128xi1>, vector<256x128xi32>
    %max3A_713 = arith.maximumf %max3A_707, %slice3A_708 : vector<256x128xf32>
    %slice3A_714 = vector.extract_strided_slice %dot_general3A_432 {offsets = [0, 5888], sizes = [256, 128], strides = [1, 1]} : vector<256x8192xf32> to vector<256x128xf32>
    %gt3A_715 = arith.cmpf ogt, %slice3A_714, %max3A_713 : vector<256x128xf32>
    %jit3A_716 = arith.constant 46 : i32
    %broadcast_in_dim3A_717 = vector.broadcast %jit3A_716 : i32 to vector<256x128xi32>
    %select_n3A_718 = arith.select %gt3A_715, %broadcast_in_dim3A_717, %select_n3A_712 : vector<256x128xi1>, vector<256x128xi32>
    %max3A_719 = arith.maximumf %max3A_713, %slice3A_714 : vector<256x128xf32>
    %slice3A_720 = vector.extract_strided_slice %dot_general3A_432 {offsets = [0, 6016], sizes = [256, 128], strides = [1, 1]} : vector<256x8192xf32> to vector<256x128xf32>
    %gt3A_721 = arith.cmpf ogt, %slice3A_720, %max3A_719 : vector<256x128xf32>
    %jit3A_722 = arith.constant 47 : i32
    %broadcast_in_dim3A_723 = vector.broadcast %jit3A_722 : i32 to vector<256x128xi32>
    %select_n3A_724 = arith.select %gt3A_721, %broadcast_in_dim3A_723, %select_n3A_718 : vector<256x128xi1>, vector<256x128xi32>
    %max3A_725 = arith.maximumf %max3A_719, %slice3A_720 : vector<256x128xf32>
    %slice3A_726 = vector.extract_strided_slice %dot_general3A_432 {offsets = [0, 6144], sizes = [256, 128], strides = [1, 1]} : vector<256x8192xf32> to vector<256x128xf32>
    %gt3A_727 = arith.cmpf ogt, %slice3A_726, %max3A_725 : vector<256x128xf32>
    %jit3A_728 = arith.constant 48 : i32
    %broadcast_in_dim3A_729 = vector.broadcast %jit3A_728 : i32 to vector<256x128xi32>
    %select_n3A_730 = arith.select %gt3A_727, %broadcast_in_dim3A_729, %select_n3A_724 : vector<256x128xi1>, vector<256x128xi32>
    %max3A_731 = arith.maximumf %max3A_725, %slice3A_726 : vector<256x128xf32>
    %slice3A_732 = vector.extract_strided_slice %dot_general3A_432 {offsets = [0, 6272], sizes = [256, 128], strides = [1, 1]} : vector<256x8192xf32> to vector<256x128xf32>
    %gt3A_733 = arith.cmpf ogt, %slice3A_732, %max3A_731 : vector<256x128xf32>
    %jit3A_734 = arith.constant 49 : i32
    %broadcast_in_dim3A_735 = vector.broadcast %jit3A_734 : i32 to vector<256x128xi32>
    %select_n3A_736 = arith.select %gt3A_733, %broadcast_in_dim3A_735, %select_n3A_730 : vector<256x128xi1>, vector<256x128xi32>
    %max3A_737 = arith.maximumf %max3A_731, %slice3A_732 : vector<256x128xf32>
    %slice3A_738 = vector.extract_strided_slice %dot_general3A_432 {offsets = [0, 6400], sizes = [256, 128], strides = [1, 1]} : vector<256x8192xf32> to vector<256x128xf32>
    %gt3A_739 = arith.cmpf ogt, %slice3A_738, %max3A_737 : vector<256x128xf32>
    %jit3A_740 = arith.constant 50 : i32
    %broadcast_in_dim3A_741 = vector.broadcast %jit3A_740 : i32 to vector<256x128xi32>
    %select_n3A_742 = arith.select %gt3A_739, %broadcast_in_dim3A_741, %select_n3A_736 : vector<256x128xi1>, vector<256x128xi32>
    %max3A_743 = arith.maximumf %max3A_737, %slice3A_738 : vector<256x128xf32>
    %slice3A_744 = vector.extract_strided_slice %dot_general3A_432 {offsets = [0, 6528], sizes = [256, 128], strides = [1, 1]} : vector<256x8192xf32> to vector<256x128xf32>
    %gt3A_745 = arith.cmpf ogt, %slice3A_744, %max3A_743 : vector<256x128xf32>
    %jit3A_746 = arith.constant 51 : i32
    %broadcast_in_dim3A_747 = vector.broadcast %jit3A_746 : i32 to vector<256x128xi32>
    %select_n3A_748 = arith.select %gt3A_745, %broadcast_in_dim3A_747, %select_n3A_742 : vector<256x128xi1>, vector<256x128xi32>
    %max3A_749 = arith.maximumf %max3A_743, %slice3A_744 : vector<256x128xf32>
    %slice3A_750 = vector.extract_strided_slice %dot_general3A_432 {offsets = [0, 6656], sizes = [256, 128], strides = [1, 1]} : vector<256x8192xf32> to vector<256x128xf32>
    %gt3A_751 = arith.cmpf ogt, %slice3A_750, %max3A_749 : vector<256x128xf32>
    %jit3A_752 = arith.constant 52 : i32
    %broadcast_in_dim3A_753 = vector.broadcast %jit3A_752 : i32 to vector<256x128xi32>
    %select_n3A_754 = arith.select %gt3A_751, %broadcast_in_dim3A_753, %select_n3A_748 : vector<256x128xi1>, vector<256x128xi32>
    %max3A_755 = arith.maximumf %max3A_749, %slice3A_750 : vector<256x128xf32>
    %slice3A_756 = vector.extract_strided_slice %dot_general3A_432 {offsets = [0, 6784], sizes = [256, 128], strides = [1, 1]} : vector<256x8192xf32> to vector<256x128xf32>
    %gt3A_757 = arith.cmpf ogt, %slice3A_756, %max3A_755 : vector<256x128xf32>
    %jit3A_758 = arith.constant 53 : i32
    %broadcast_in_dim3A_759 = vector.broadcast %jit3A_758 : i32 to vector<256x128xi32>
    %select_n3A_760 = arith.select %gt3A_757, %broadcast_in_dim3A_759, %select_n3A_754 : vector<256x128xi1>, vector<256x128xi32>
    %max3A_761 = arith.maximumf %max3A_755, %slice3A_756 : vector<256x128xf32>
    %slice3A_762 = vector.extract_strided_slice %dot_general3A_432 {offsets = [0, 6912], sizes = [256, 128], strides = [1, 1]} : vector<256x8192xf32> to vector<256x128xf32>
    %gt3A_763 = arith.cmpf ogt, %slice3A_762, %max3A_761 : vector<256x128xf32>
    %jit3A_764 = arith.constant 54 : i32
    %broadcast_in_dim3A_765 = vector.broadcast %jit3A_764 : i32 to vector<256x128xi32>
    %select_n3A_766 = arith.select %gt3A_763, %broadcast_in_dim3A_765, %select_n3A_760 : vector<256x128xi1>, vector<256x128xi32>
    %max3A_767 = arith.maximumf %max3A_761, %slice3A_762 : vector<256x128xf32>
    %slice3A_768 = vector.extract_strided_slice %dot_general3A_432 {offsets = [0, 7040], sizes = [256, 128], strides = [1, 1]} : vector<256x8192xf32> to vector<256x128xf32>
    %gt3A_769 = arith.cmpf ogt, %slice3A_768, %max3A_767 : vector<256x128xf32>
    %jit3A_770 = arith.constant 55 : i32
    %broadcast_in_dim3A_771 = vector.broadcast %jit3A_770 : i32 to vector<256x128xi32>
    %select_n3A_772 = arith.select %gt3A_769, %broadcast_in_dim3A_771, %select_n3A_766 : vector<256x128xi1>, vector<256x128xi32>
    %max3A_773 = arith.maximumf %max3A_767, %slice3A_768 : vector<256x128xf32>
    %slice3A_774 = vector.extract_strided_slice %dot_general3A_432 {offsets = [0, 7168], sizes = [256, 128], strides = [1, 1]} : vector<256x8192xf32> to vector<256x128xf32>
    %gt3A_775 = arith.cmpf ogt, %slice3A_774, %max3A_773 : vector<256x128xf32>
    %jit3A_776 = arith.constant 56 : i32
    %broadcast_in_dim3A_777 = vector.broadcast %jit3A_776 : i32 to vector<256x128xi32>
    %select_n3A_778 = arith.select %gt3A_775, %broadcast_in_dim3A_777, %select_n3A_772 : vector<256x128xi1>, vector<256x128xi32>
    %max3A_779 = arith.maximumf %max3A_773, %slice3A_774 : vector<256x128xf32>
    %slice3A_780 = vector.extract_strided_slice %dot_general3A_432 {offsets = [0, 7296], sizes = [256, 128], strides = [1, 1]} : vector<256x8192xf32> to vector<256x128xf32>
    %gt3A_781 = arith.cmpf ogt, %slice3A_780, %max3A_779 : vector<256x128xf32>
    %jit3A_782 = arith.constant 57 : i32
    %broadcast_in_dim3A_783 = vector.broadcast %jit3A_782 : i32 to vector<256x128xi32>
    %select_n3A_784 = arith.select %gt3A_781, %broadcast_in_dim3A_783, %select_n3A_778 : vector<256x128xi1>, vector<256x128xi32>
    %max3A_785 = arith.maximumf %max3A_779, %slice3A_780 : vector<256x128xf32>
    %slice3A_786 = vector.extract_strided_slice %dot_general3A_432 {offsets = [0, 7424], sizes = [256, 128], strides = [1, 1]} : vector<256x8192xf32> to vector<256x128xf32>
    %gt3A_787 = arith.cmpf ogt, %slice3A_786, %max3A_785 : vector<256x128xf32>
    %jit3A_788 = arith.constant 58 : i32
    %broadcast_in_dim3A_789 = vector.broadcast %jit3A_788 : i32 to vector<256x128xi32>
    %select_n3A_790 = arith.select %gt3A_787, %broadcast_in_dim3A_789, %select_n3A_784 : vector<256x128xi1>, vector<256x128xi32>
    %max3A_791 = arith.maximumf %max3A_785, %slice3A_786 : vector<256x128xf32>
    %slice3A_792 = vector.extract_strided_slice %dot_general3A_432 {offsets = [0, 7552], sizes = [256, 128], strides = [1, 1]} : vector<256x8192xf32> to vector<256x128xf32>
    %gt3A_793 = arith.cmpf ogt, %slice3A_792, %max3A_791 : vector<256x128xf32>
    %jit3A_794 = arith.constant 59 : i32
    %broadcast_in_dim3A_795 = vector.broadcast %jit3A_794 : i32 to vector<256x128xi32>
    %select_n3A_796 = arith.select %gt3A_793, %broadcast_in_dim3A_795, %select_n3A_790 : vector<256x128xi1>, vector<256x128xi32>
    %max3A_797 = arith.maximumf %max3A_791, %slice3A_792 : vector<256x128xf32>
    %slice3A_798 = vector.extract_strided_slice %dot_general3A_432 {offsets = [0, 7680], sizes = [256, 128], strides = [1, 1]} : vector<256x8192xf32> to vector<256x128xf32>
    %gt3A_799 = arith.cmpf ogt, %slice3A_798, %max3A_797 : vector<256x128xf32>
    %jit3A_800 = arith.constant 60 : i32
    %broadcast_in_dim3A_801 = vector.broadcast %jit3A_800 : i32 to vector<256x128xi32>
    %select_n3A_802 = arith.select %gt3A_799, %broadcast_in_dim3A_801, %select_n3A_796 : vector<256x128xi1>, vector<256x128xi32>
    %max3A_803 = arith.maximumf %max3A_797, %slice3A_798 : vector<256x128xf32>
    %slice3A_804 = vector.extract_strided_slice %dot_general3A_432 {offsets = [0, 7808], sizes = [256, 128], strides = [1, 1]} : vector<256x8192xf32> to vector<256x128xf32>
    %gt3A_805 = arith.cmpf ogt, %slice3A_804, %max3A_803 : vector<256x128xf32>
    %jit3A_806 = arith.constant 61 : i32
    %broadcast_in_dim3A_807 = vector.broadcast %jit3A_806 : i32 to vector<256x128xi32>
    %select_n3A_808 = arith.select %gt3A_805, %broadcast_in_dim3A_807, %select_n3A_802 : vector<256x128xi1>, vector<256x128xi32>
    %max3A_809 = arith.maximumf %max3A_803, %slice3A_804 : vector<256x128xf32>
    %slice3A_810 = vector.extract_strided_slice %dot_general3A_432 {offsets = [0, 7936], sizes = [256, 128], strides = [1, 1]} : vector<256x8192xf32> to vector<256x128xf32>
    %gt3A_811 = arith.cmpf ogt, %slice3A_810, %max3A_809 : vector<256x128xf32>
    %jit3A_812 = arith.constant 62 : i32
    %broadcast_in_dim3A_813 = vector.broadcast %jit3A_812 : i32 to vector<256x128xi32>
    %select_n3A_814 = arith.select %gt3A_811, %broadcast_in_dim3A_813, %select_n3A_808 : vector<256x128xi1>, vector<256x128xi32>
    %max3A_815 = arith.maximumf %max3A_809, %slice3A_810 : vector<256x128xf32>
    %slice3A_816 = vector.extract_strided_slice %dot_general3A_432 {offsets = [0, 8064], sizes = [256, 128], strides = [1, 1]} : vector<256x8192xf32> to vector<256x128xf32>
    %gt3A_817 = arith.cmpf ogt, %slice3A_816, %max3A_815 : vector<256x128xf32>
    %jit3A_818 = arith.constant 63 : i32
    %broadcast_in_dim3A_819 = vector.broadcast %jit3A_818 : i32 to vector<256x128xi32>
    %select_n3A_820 = arith.select %gt3A_817, %broadcast_in_dim3A_819, %select_n3A_814 : vector<256x128xi1>, vector<256x128xi32>
    %max3A_821 = arith.maximumf %max3A_815, %slice3A_816 : vector<256x128xf32>
    %reduce_max3A_822 = arith.constant dense<0xFF800000> : vector<256xf32>
    %reduce_max3A_823 = vector.multi_reduction <maximumf>, %max3A_821, %reduce_max3A_822 [1] : vector<256x128xf32> to vector<256xf32>
    %mul3A_824 = arith.constant 128 : i32
    %mul3A_825 = vector.broadcast %mul3A_824 : i32 to vector<256x128xi32>
    %mul3A_826 = arith.muli %select_n3A_820, %mul3A_825 : vector<256x128xi32>
    %add3A_827 = arith.addi %mul3A_826, %iota3A_433 : vector<256x128xi32>
    %broadcast_in_dim3A_828 = vector.shape_cast %reduce_max3A_823 : vector<256xf32> to vector<256x1xf32>
    %eq3A_829 = vector.broadcast %broadcast_in_dim3A_828 : vector<256x1xf32> to vector<256x128xf32>
    %eq3A_830 = arith.cmpf oeq, %max3A_821, %eq3A_829 : vector<256x128xf32>
    %jit3A_831 = arith.constant 8192 : i32
    %broadcast_in_dim3A_832 = vector.broadcast %jit3A_831 : i32 to vector<256x128xi32>
    %select_n3A_833 = arith.select %eq3A_830, %add3A_827, %broadcast_in_dim3A_832 : vector<256x128xi1>, vector<256x128xi32>
    %reduce_min3A_834 = arith.constant dense<2147483647> : vector<256xi32>
    %reduce_min3A_835 = vector.multi_reduction <minsi>, %select_n3A_833, %reduce_min3A_834 [1] : vector<256x128xi32> to vector<256xi32>
    %swap3A_836 = arith.constant 0 : index
    %swap3A_837 = arith.constant 0 : index
    %swap3A_838 = arith.constant 256 : index
    %swap3A_839 = vector.load %arg3[%swap3A_836, %swap3A_837, %swap3A_838] : memref<1x1x2048xi32, #tpu.memory_space<vmem>>, vector<1x1x256xi32>
    %swap3A_840 = vector.shape_cast %swap3A_839 : vector<1x1x256xi32> to vector<256xi32>
    %swap3A_841 = vector.shape_cast %reduce_min3A_835 : vector<256xi32> to vector<1x1x256xi32>
    tpu.vector_store %arg3[%swap3A_836, %swap3A_837, %swap3A_838], %swap3A_841 {strides = array<i32>} : memref<1x1x2048xi32, #tpu.memory_space<vmem>>, vector<1x1x256xi32>,
    %mul3A_842 = arith.constant 2.000000e+00 : f32
    %mul3A_843 = vector.broadcast %mul3A_842 : f32 to vector<256xf32>
    %mul3A_844 = arith.mulf %mul3A_843, %reduce_max3A_823 : vector<256xf32>
    %sub3A_845 = arith.constant 1.000000e+00 : f32
    %sub3A_846 = vector.broadcast %sub3A_845 : f32 to vector<256xf32>
    %sub3A_847 = arith.subf %sub3A_846, %mul3A_844 : vector<256xf32>
    %slice3A_848 = vector.extract_strided_slice %reduce_sum3A_8 {offsets = [256], sizes = [256], strides = [1]} : vector<2048xf32> to vector<256xf32>
    %add3A_849 = arith.addf %sub3A_847, %slice3A_848 : vector<256xf32>
    %reduce_sum3A_850 = vector.shape_cast %add3A_849 : vector<256xf32> to vector<1x256xf32>
    %reduce_sum3A_851 = arith.constant dense<0.000000e+00> : vector<1xf32>
    %reduce_sum3A_852 = vector.multi_reduction <add>, %reduce_sum3A_850, %reduce_sum3A_851 [1] : vector<1x256xf32> to vector<1xf32>
    %reduce_sum3A_853 = vector.shape_cast %reduce_sum3A_852 : vector<1xf32> to vector<1x1xf32>
    %reduce_sum3A_854 = vector.extract %reduce_sum3A_853[0, 0] : f32 from vector<1x1xf32>
    %add3A_855 = arith.addf %add3A_429, %reduce_sum3A_854 : f32
    %slice3A_856 = vector.extract_strided_slice %div3A_5 {offsets = [512, 0], sizes = [256, 64], strides = [1, 1]} : vector<2048x64xf32> to vector<256x64xf32>
    %dot_general3A_857 = arith.constant dense<0.000000e+00> : vector<256x8192xf32>
    %dot_general3A_858 = tpu.matmul %slice3A_856, %get3A_11, %dot_general3A_857 {dimension_numbers = #tpu.dot_dimension_numbers<[1], [1], [0], [0], [0, 0, 1, 0], [], []>, transpose_lhs_hint = false} : vector<256x64xf32>, vector<8192x64xf32>, vector<256x8192xf32> -> vector<256x8192xf32>
    %iota3A_859 = tpu.iota {dimensions = array<i32: 1>} : vector<256x128xi32>
    %broadcast_in_dim3A_860 = arith.constant -2.000000e+00 : f32
    %broadcast_in_dim3A_861 = vector.broadcast %broadcast_in_dim3A_860 : f32 to vector<256x128xf32>
    %broadcast_in_dim3A_862 = arith.constant 0 : i32
    %broadcast_in_dim3A_863 = vector.broadcast %broadcast_in_dim3A_862 : i32 to vector<256x128xi32>
    %slice3A_864 = vector.extract_strided_slice %dot_general3A_858 {offsets = [0, 0], sizes = [256, 128], strides = [1, 1]} : vector<256x8192xf32> to vector<256x128xf32>
    %gt3A_865 = arith.cmpf ogt, %slice3A_864, %broadcast_in_dim3A_861 : vector<256x128xf32>
    %jit3A_866 = arith.constant 0 : i32
    %broadcast_in_dim3A_867 = vector.broadcast %jit3A_866 : i32 to vector<256x128xi32>
    %select_n3A_868 = arith.select %gt3A_865, %broadcast_in_dim3A_867, %broadcast_in_dim3A_863 : vector<256x128xi1>, vector<256x128xi32>
    %max3A_869 = arith.maximumf %broadcast_in_dim3A_861, %slice3A_864 : vector<256x128xf32>
    %slice3A_870 = vector.extract_strided_slice %dot_general3A_858 {offsets = [0, 128], sizes = [256, 128], strides = [1, 1]} : vector<256x8192xf32> to vector<256x128xf32>
    %gt3A_871 = arith.cmpf ogt, %slice3A_870, %max3A_869 : vector<256x128xf32>
    %jit3A_872 = arith.constant 1 : i32
    %broadcast_in_dim3A_873 = vector.broadcast %jit3A_872 : i32 to vector<256x128xi32>
    %select_n3A_874 = arith.select %gt3A_871, %broadcast_in_dim3A_873, %select_n3A_868 : vector<256x128xi1>, vector<256x128xi32>
    %max3A_875 = arith.maximumf %max3A_869, %slice3A_870 : vector<256x128xf32>
    %slice3A_876 = vector.extract_strided_slice %dot_general3A_858 {offsets = [0, 256], sizes = [256, 128], strides = [1, 1]} : vector<256x8192xf32> to vector<256x128xf32>
    %gt3A_877 = arith.cmpf ogt, %slice3A_876, %max3A_875 : vector<256x128xf32>
    %jit3A_878 = arith.constant 2 : i32
    %broadcast_in_dim3A_879 = vector.broadcast %jit3A_878 : i32 to vector<256x128xi32>
    %select_n3A_880 = arith.select %gt3A_877, %broadcast_in_dim3A_879, %select_n3A_874 : vector<256x128xi1>, vector<256x128xi32>
    %max3A_881 = arith.maximumf %max3A_875, %slice3A_876 : vector<256x128xf32>
    %slice3A_882 = vector.extract_strided_slice %dot_general3A_858 {offsets = [0, 384], sizes = [256, 128], strides = [1, 1]} : vector<256x8192xf32> to vector<256x128xf32>
    %gt3A_883 = arith.cmpf ogt, %slice3A_882, %max3A_881 : vector<256x128xf32>
    %jit3A_884 = arith.constant 3 : i32
    %broadcast_in_dim3A_885 = vector.broadcast %jit3A_884 : i32 to vector<256x128xi32>
    %select_n3A_886 = arith.select %gt3A_883, %broadcast_in_dim3A_885, %select_n3A_880 : vector<256x128xi1>, vector<256x128xi32>
    %max3A_887 = arith.maximumf %max3A_881, %slice3A_882 : vector<256x128xf32>
    %slice3A_888 = vector.extract_strided_slice %dot_general3A_858 {offsets = [0, 512], sizes = [256, 128], strides = [1, 1]} : vector<256x8192xf32> to vector<256x128xf32>
    %gt3A_889 = arith.cmpf ogt, %slice3A_888, %max3A_887 : vector<256x128xf32>
    %jit3A_890 = arith.constant 4 : i32
    %broadcast_in_dim3A_891 = vector.broadcast %jit3A_890 : i32 to vector<256x128xi32>
    %select_n3A_892 = arith.select %gt3A_889, %broadcast_in_dim3A_891, %select_n3A_886 : vector<256x128xi1>, vector<256x128xi32>
    %max3A_893 = arith.maximumf %max3A_887, %slice3A_888 : vector<256x128xf32>
    %slice3A_894 = vector.extract_strided_slice %dot_general3A_858 {offsets = [0, 640], sizes = [256, 128], strides = [1, 1]} : vector<256x8192xf32> to vector<256x128xf32>
    %gt3A_895 = arith.cmpf ogt, %slice3A_894, %max3A_893 : vector<256x128xf32>
    %jit3A_896 = arith.constant 5 : i32
    %broadcast_in_dim3A_897 = vector.broadcast %jit3A_896 : i32 to vector<256x128xi32>
    %select_n3A_898 = arith.select %gt3A_895, %broadcast_in_dim3A_897, %select_n3A_892 : vector<256x128xi1>, vector<256x128xi32>
    %max3A_899 = arith.maximumf %max3A_893, %slice3A_894 : vector<256x128xf32>
    %slice3A_900 = vector.extract_strided_slice %dot_general3A_858 {offsets = [0, 768], sizes = [256, 128], strides = [1, 1]} : vector<256x8192xf32> to vector<256x128xf32>
    %gt3A_901 = arith.cmpf ogt, %slice3A_900, %max3A_899 : vector<256x128xf32>
    %jit3A_902 = arith.constant 6 : i32
    %broadcast_in_dim3A_903 = vector.broadcast %jit3A_902 : i32 to vector<256x128xi32>
    %select_n3A_904 = arith.select %gt3A_901, %broadcast_in_dim3A_903, %select_n3A_898 : vector<256x128xi1>, vector<256x128xi32>
    %max3A_905 = arith.maximumf %max3A_899, %slice3A_900 : vector<256x128xf32>
    %slice3A_906 = vector.extract_strided_slice %dot_general3A_858 {offsets = [0, 896], sizes = [256, 128], strides = [1, 1]} : vector<256x8192xf32> to vector<256x128xf32>
    %gt3A_907 = arith.cmpf ogt, %slice3A_906, %max3A_905 : vector<256x128xf32>
    %jit3A_908 = arith.constant 7 : i32
    %broadcast_in_dim3A_909 = vector.broadcast %jit3A_908 : i32 to vector<256x128xi32>
    %select_n3A_910 = arith.select %gt3A_907, %broadcast_in_dim3A_909, %select_n3A_904 : vector<256x128xi1>, vector<256x128xi32>
    %max3A_911 = arith.maximumf %max3A_905, %slice3A_906 : vector<256x128xf32>
    %slice3A_912 = vector.extract_strided_slice %dot_general3A_858 {offsets = [0, 1024], sizes = [256, 128], strides = [1, 1]} : vector<256x8192xf32> to vector<256x128xf32>
    %gt3A_913 = arith.cmpf ogt, %slice3A_912, %max3A_911 : vector<256x128xf32>
    %jit3A_914 = arith.constant 8 : i32
    %broadcast_in_dim3A_915 = vector.broadcast %jit3A_914 : i32 to vector<256x128xi32>
    %select_n3A_916 = arith.select %gt3A_913, %broadcast_in_dim3A_915, %select_n3A_910 : vector<256x128xi1>, vector<256x128xi32>
    %max3A_917 = arith.maximumf %max3A_911, %slice3A_912 : vector<256x128xf32>
    %slice3A_918 = vector.extract_strided_slice %dot_general3A_858 {offsets = [0, 1152], sizes = [256, 128], strides = [1, 1]} : vector<256x8192xf32> to vector<256x128xf32>
    %gt3A_919 = arith.cmpf ogt, %slice3A_918, %max3A_917 : vector<256x128xf32>
    %jit3A_920 = arith.constant 9 : i32
    %broadcast_in_dim3A_921 = vector.broadcast %jit3A_920 : i32 to vector<256x128xi32>
    %select_n3A_922 = arith.select %gt3A_919, %broadcast_in_dim3A_921, %select_n3A_916 : vector<256x128xi1>, vector<256x128xi32>
    %max3A_923 = arith.maximumf %max3A_917, %slice3A_918 : vector<256x128xf32>
    %slice3A_924 = vector.extract_strided_slice %dot_general3A_858 {offsets = [0, 1280], sizes = [256, 128], strides = [1, 1]} : vector<256x8192xf32> to vector<256x128xf32>
    %gt3A_925 = arith.cmpf ogt, %slice3A_924, %max3A_923 : vector<256x128xf32>
    %jit3A_926 = arith.constant 10 : i32
    %broadcast_in_dim3A_927 = vector.broadcast %jit3A_926 : i32 to vector<256x128xi32>
    %select_n3A_928 = arith.select %gt3A_925, %broadcast_in_dim3A_927, %select_n3A_922 : vector<256x128xi1>, vector<256x128xi32>
    %max3A_929 = arith.maximumf %max3A_923, %slice3A_924 : vector<256x128xf32>
    %slice3A_930 = vector.extract_strided_slice %dot_general3A_858 {offsets = [0, 1408], sizes = [256, 128], strides = [1, 1]} : vector<256x8192xf32> to vector<256x128xf32>
    %gt3A_931 = arith.cmpf ogt, %slice3A_930, %max3A_929 : vector<256x128xf32>
    %jit3A_932 = arith.constant 11 : i32
    %broadcast_in_dim3A_933 = vector.broadcast %jit3A_932 : i32 to vector<256x128xi32>
    %select_n3A_934 = arith.select %gt3A_931, %broadcast_in_dim3A_933, %select_n3A_928 : vector<256x128xi1>, vector<256x128xi32>
    %max3A_935 = arith.maximumf %max3A_929, %slice3A_930 : vector<256x128xf32>
    %slice3A_936 = vector.extract_strided_slice %dot_general3A_858 {offsets = [0, 1536], sizes = [256, 128], strides = [1, 1]} : vector<256x8192xf32> to vector<256x128xf32>
    %gt3A_937 = arith.cmpf ogt, %slice3A_936, %max3A_935 : vector<256x128xf32>
    %jit3A_938 = arith.constant 12 : i32
    %broadcast_in_dim3A_939 = vector.broadcast %jit3A_938 : i32 to vector<256x128xi32>
    %select_n3A_940 = arith.select %gt3A_937, %broadcast_in_dim3A_939, %select_n3A_934 : vector<256x128xi1>, vector<256x128xi32>
    %max3A_941 = arith.maximumf %max3A_935, %slice3A_936 : vector<256x128xf32>
    %slice3A_942 = vector.extract_strided_slice %dot_general3A_858 {offsets = [0, 1664], sizes = [256, 128], strides = [1, 1]} : vector<256x8192xf32> to vector<256x128xf32>
    %gt3A_943 = arith.cmpf ogt, %slice3A_942, %max3A_941 : vector<256x128xf32>
    %jit3A_944 = arith.constant 13 : i32
    %broadcast_in_dim3A_945 = vector.broadcast %jit3A_944 : i32 to vector<256x128xi32>
    %select_n3A_946 = arith.select %gt3A_943, %broadcast_in_dim3A_945, %select_n3A_940 : vector<256x128xi1>, vector<256x128xi32>
    %max3A_947 = arith.maximumf %max3A_941, %slice3A_942 : vector<256x128xf32>
    %slice3A_948 = vector.extract_strided_slice %dot_general3A_858 {offsets = [0, 1792], sizes = [256, 128], strides = [1, 1]} : vector<256x8192xf32> to vector<256x128xf32>
    %gt3A_949 = arith.cmpf ogt, %slice3A_948, %max3A_947 : vector<256x128xf32>
    %jit3A_950 = arith.constant 14 : i32
    %broadcast_in_dim3A_951 = vector.broadcast %jit3A_950 : i32 to vector<256x128xi32>
    %select_n3A_952 = arith.select %gt3A_949, %broadcast_in_dim3A_951, %select_n3A_946 : vector<256x128xi1>, vector<256x128xi32>
    %max3A_953 = arith.maximumf %max3A_947, %slice3A_948 : vector<256x128xf32>
    %slice3A_954 = vector.extract_strided_slice %dot_general3A_858 {offsets = [0, 1920], sizes = [256, 128], strides = [1, 1]} : vector<256x8192xf32> to vector<256x128xf32>
    %gt3A_955 = arith.cmpf ogt, %slice3A_954, %max3A_953 : vector<256x128xf32>
    %jit3A_956 = arith.constant 15 : i32
    %broadcast_in_dim3A_957 = vector.broadcast %jit3A_956 : i32 to vector<256x128xi32>
    %select_n3A_958 = arith.select %gt3A_955, %broadcast_in_dim3A_957, %select_n3A_952 : vector<256x128xi1>, vector<256x128xi32>
    %max3A_959 = arith.maximumf %max3A_953, %slice3A_954 : vector<256x128xf32>
    %slice3A_960 = vector.extract_strided_slice %dot_general3A_858 {offsets = [0, 2048], sizes = [256, 128], strides = [1, 1]} : vector<256x8192xf32> to vector<256x128xf32>
    %gt3A_961 = arith.cmpf ogt, %slice3A_960, %max3A_959 : vector<256x128xf32>
    %jit3A_962 = arith.constant 16 : i32
    %broadcast_in_dim3A_963 = vector.broadcast %jit3A_962 : i32 to vector<256x128xi32>
    %select_n3A_964 = arith.select %gt3A_961, %broadcast_in_dim3A_963, %select_n3A_958 : vector<256x128xi1>, vector<256x128xi32>
    %max3A_965 = arith.maximumf %max3A_959, %slice3A_960 : vector<256x128xf32>
    %slice3A_966 = vector.extract_strided_slice %dot_general3A_858 {offsets = [0, 2176], sizes = [256, 128], strides = [1, 1]} : vector<256x8192xf32> to vector<256x128xf32>
    %gt3A_967 = arith.cmpf ogt, %slice3A_966, %max3A_965 : vector<256x128xf32>
    %jit3A_968 = arith.constant 17 : i32
    %broadcast_in_dim3A_969 = vector.broadcast %jit3A_968 : i32 to vector<256x128xi32>
    %select_n3A_970 = arith.select %gt3A_967, %broadcast_in_dim3A_969, %select_n3A_964 : vector<256x128xi1>, vector<256x128xi32>
    %max3A_971 = arith.maximumf %max3A_965, %slice3A_966 : vector<256x128xf32>
    %slice3A_972 = vector.extract_strided_slice %dot_general3A_858 {offsets = [0, 2304], sizes = [256, 128], strides = [1, 1]} : vector<256x8192xf32> to vector<256x128xf32>
    %gt3A_973 = arith.cmpf ogt, %slice3A_972, %max3A_971 : vector<256x128xf32>
    %jit3A_974 = arith.constant 18 : i32
    %broadcast_in_dim3A_975 = vector.broadcast %jit3A_974 : i32 to vector<256x128xi32>
    %select_n3A_976 = arith.select %gt3A_973, %broadcast_in_dim3A_975, %select_n3A_970 : vector<256x128xi1>, vector<256x128xi32>
    %max3A_977 = arith.maximumf %max3A_971, %slice3A_972 : vector<256x128xf32>
    %slice3A_978 = vector.extract_strided_slice %dot_general3A_858 {offsets = [0, 2432], sizes = [256, 128], strides = [1, 1]} : vector<256x8192xf32> to vector<256x128xf32>
    %gt3A_979 = arith.cmpf ogt, %slice3A_978, %max3A_977 : vector<256x128xf32>
    %jit3A_980 = arith.constant 19 : i32
    %broadcast_in_dim3A_981 = vector.broadcast %jit3A_980 : i32 to vector<256x128xi32>
    %select_n3A_982 = arith.select %gt3A_979, %broadcast_in_dim3A_981, %select_n3A_976 : vector<256x128xi1>, vector<256x128xi32>
    %max3A_983 = arith.maximumf %max3A_977, %slice3A_978 : vector<256x128xf32>
    %slice3A_984 = vector.extract_strided_slice %dot_general3A_858 {offsets = [0, 2560], sizes = [256, 128], strides = [1, 1]} : vector<256x8192xf32> to vector<256x128xf32>
    %gt3A_985 = arith.cmpf ogt, %slice3A_984, %max3A_983 : vector<256x128xf32>
    %jit3A_986 = arith.constant 20 : i32
    %broadcast_in_dim3A_987 = vector.broadcast %jit3A_986 : i32 to vector<256x128xi32>
    %select_n3A_988 = arith.select %gt3A_985, %broadcast_in_dim3A_987, %select_n3A_982 : vector<256x128xi1>, vector<256x128xi32>
    %max3A_989 = arith.maximumf %max3A_983, %slice3A_984 : vector<256x128xf32>
    %slice3A_990 = vector.extract_strided_slice %dot_general3A_858 {offsets = [0, 2688], sizes = [256, 128], strides = [1, 1]} : vector<256x8192xf32> to vector<256x128xf32>
    %gt3A_991 = arith.cmpf ogt, %slice3A_990, %max3A_989 : vector<256x128xf32>
    %jit3A_992 = arith.constant 21 : i32
    %broadcast_in_dim3A_993 = vector.broadcast %jit3A_992 : i32 to vector<256x128xi32>
    %select_n3A_994 = arith.select %gt3A_991, %broadcast_in_dim3A_993, %select_n3A_988 : vector<256x128xi1>, vector<256x128xi32>
    %max3A_995 = arith.maximumf %max3A_989, %slice3A_990 : vector<256x128xf32>
    %slice3A_996 = vector.extract_strided_slice %dot_general3A_858 {offsets = [0, 2816], sizes = [256, 128], strides = [1, 1]} : vector<256x8192xf32> to vector<256x128xf32>
    %gt3A_997 = arith.cmpf ogt, %slice3A_996, %max3A_995 : vector<256x128xf32>
    %jit3A_998 = arith.constant 22 : i32
    %broadcast_in_dim3A_999 = vector.broadcast %jit3A_998 : i32 to vector<256x128xi32>
    %select_n3A_1000 = arith.select %gt3A_997, %broadcast_in_dim3A_999, %select_n3A_994 : vector<256x128xi1>, vector<256x128xi32>
    %max3A_1001 = arith.maximumf %max3A_995, %slice3A_996 : vector<256x128xf32>
    %slice3A_1002 = vector.extract_strided_slice %dot_general3A_858 {offsets = [0, 2944], sizes = [256, 128], strides = [1, 1]} : vector<256x8192xf32> to vector<256x128xf32>
    %gt3A_1003 = arith.cmpf ogt, %slice3A_1002, %max3A_1001 : vector<256x128xf32>
    %jit3A_1004 = arith.constant 23 : i32
    %broadcast_in_dim3A_1005 = vector.broadcast %jit3A_1004 : i32 to vector<256x128xi32>
    %select_n3A_1006 = arith.select %gt3A_1003, %broadcast_in_dim3A_1005, %select_n3A_1000 : vector<256x128xi1>, vector<256x128xi32>
    %max3A_1007 = arith.maximumf %max3A_1001, %slice3A_1002 : vector<256x128xf32>
    %slice3A_1008 = vector.extract_strided_slice %dot_general3A_858 {offsets = [0, 3072], sizes = [256, 128], strides = [1, 1]} : vector<256x8192xf32> to vector<256x128xf32>
    %gt3A_1009 = arith.cmpf ogt, %slice3A_1008, %max3A_1007 : vector<256x128xf32>
    %jit3A_1010 = arith.constant 24 : i32
    %broadcast_in_dim3A_1011 = vector.broadcast %jit3A_1010 : i32 to vector<256x128xi32>
    %select_n3A_1012 = arith.select %gt3A_1009, %broadcast_in_dim3A_1011, %select_n3A_1006 : vector<256x128xi1>, vector<256x128xi32>
    %max3A_1013 = arith.maximumf %max3A_1007, %slice3A_1008 : vector<256x128xf32>
    %slice3A_1014 = vector.extract_strided_slice %dot_general3A_858 {offsets = [0, 3200], sizes = [256, 128], strides = [1, 1]} : vector<256x8192xf32> to vector<256x128xf32>
    %gt3A_1015 = arith.cmpf ogt, %slice3A_1014, %max3A_1013 : vector<256x128xf32>
    %jit3A_1016 = arith.constant 25 : i32
    %broadcast_in_dim3A_1017 = vector.broadcast %jit3A_1016 : i32 to vector<256x128xi32>
    %select_n3A_1018 = arith.select %gt3A_1015, %broadcast_in_dim3A_1017, %select_n3A_1012 : vector<256x128xi1>, vector<256x128xi32>
    %max3A_1019 = arith.maximumf %max3A_1013, %slice3A_1014 : vector<256x128xf32>
    %slice3A_1020 = vector.extract_strided_slice %dot_general3A_858 {offsets = [0, 3328], sizes = [256, 128], strides = [1, 1]} : vector<256x8192xf32> to vector<256x128xf32>
    %gt3A_1021 = arith.cmpf ogt, %slice3A_1020, %max3A_1019 : vector<256x128xf32>
    %jit3A_1022 = arith.constant 26 : i32
    %broadcast_in_dim3A_1023 = vector.broadcast %jit3A_1022 : i32 to vector<256x128xi32>
    %select_n3A_1024 = arith.select %gt3A_1021, %broadcast_in_dim3A_1023, %select_n3A_1018 : vector<256x128xi1>, vector<256x128xi32>
    %max3A_1025 = arith.maximumf %max3A_1019, %slice3A_1020 : vector<256x128xf32>
    %slice3A_1026 = vector.extract_strided_slice %dot_general3A_858 {offsets = [0, 3456], sizes = [256, 128], strides = [1, 1]} : vector<256x8192xf32> to vector<256x128xf32>
    %gt3A_1027 = arith.cmpf ogt, %slice3A_1026, %max3A_1025 : vector<256x128xf32>
    %jit3A_1028 = arith.constant 27 : i32
    %broadcast_in_dim3A_1029 = vector.broadcast %jit3A_1028 : i32 to vector<256x128xi32>
    %select_n3A_1030 = arith.select %gt3A_1027, %broadcast_in_dim3A_1029, %select_n3A_1024 : vector<256x128xi1>, vector<256x128xi32>
    %max3A_1031 = arith.maximumf %max3A_1025, %slice3A_1026 : vector<256x128xf32>
    %slice3A_1032 = vector.extract_strided_slice %dot_general3A_858 {offsets = [0, 3584], sizes = [256, 128], strides = [1, 1]} : vector<256x8192xf32> to vector<256x128xf32>
    %gt3A_1033 = arith.cmpf ogt, %slice3A_1032, %max3A_1031 : vector<256x128xf32>
    %jit3A_1034 = arith.constant 28 : i32
    %broadcast_in_dim3A_1035 = vector.broadcast %jit3A_1034 : i32 to vector<256x128xi32>
    %select_n3A_1036 = arith.select %gt3A_1033, %broadcast_in_dim3A_1035, %select_n3A_1030 : vector<256x128xi1>, vector<256x128xi32>
    %max3A_1037 = arith.maximumf %max3A_1031, %slice3A_1032 : vector<256x128xf32>
    %slice3A_1038 = vector.extract_strided_slice %dot_general3A_858 {offsets = [0, 3712], sizes = [256, 128], strides = [1, 1]} : vector<256x8192xf32> to vector<256x128xf32>
    %gt3A_1039 = arith.cmpf ogt, %slice3A_1038, %max3A_1037 : vector<256x128xf32>
    %jit3A_1040 = arith.constant 29 : i32
    %broadcast_in_dim3A_1041 = vector.broadcast %jit3A_1040 : i32 to vector<256x128xi32>
    %select_n3A_1042 = arith.select %gt3A_1039, %broadcast_in_dim3A_1041, %select_n3A_1036 : vector<256x128xi1>, vector<256x128xi32>
    %max3A_1043 = arith.maximumf %max3A_1037, %slice3A_1038 : vector<256x128xf32>
    %slice3A_1044 = vector.extract_strided_slice %dot_general3A_858 {offsets = [0, 3840], sizes = [256, 128], strides = [1, 1]} : vector<256x8192xf32> to vector<256x128xf32>
    %gt3A_1045 = arith.cmpf ogt, %slice3A_1044, %max3A_1043 : vector<256x128xf32>
    %jit3A_1046 = arith.constant 30 : i32
    %broadcast_in_dim3A_1047 = vector.broadcast %jit3A_1046 : i32 to vector<256x128xi32>
    %select_n3A_1048 = arith.select %gt3A_1045, %broadcast_in_dim3A_1047, %select_n3A_1042 : vector<256x128xi1>, vector<256x128xi32>
    %max3A_1049 = arith.maximumf %max3A_1043, %slice3A_1044 : vector<256x128xf32>
    %slice3A_1050 = vector.extract_strided_slice %dot_general3A_858 {offsets = [0, 3968], sizes = [256, 128], strides = [1, 1]} : vector<256x8192xf32> to vector<256x128xf32>
    %gt3A_1051 = arith.cmpf ogt, %slice3A_1050, %max3A_1049 : vector<256x128xf32>
    %jit3A_1052 = arith.constant 31 : i32
    %broadcast_in_dim3A_1053 = vector.broadcast %jit3A_1052 : i32 to vector<256x128xi32>
    %select_n3A_1054 = arith.select %gt3A_1051, %broadcast_in_dim3A_1053, %select_n3A_1048 : vector<256x128xi1>, vector<256x128xi32>
    %max3A_1055 = arith.maximumf %max3A_1049, %slice3A_1050 : vector<256x128xf32>
    %slice3A_1056 = vector.extract_strided_slice %dot_general3A_858 {offsets = [0, 4096], sizes = [256, 128], strides = [1, 1]} : vector<256x8192xf32> to vector<256x128xf32>
    %gt3A_1057 = arith.cmpf ogt, %slice3A_1056, %max3A_1055 : vector<256x128xf32>
    %jit3A_1058 = arith.constant 32 : i32
    %broadcast_in_dim3A_1059 = vector.broadcast %jit3A_1058 : i32 to vector<256x128xi32>
    %select_n3A_1060 = arith.select %gt3A_1057, %broadcast_in_dim3A_1059, %select_n3A_1054 : vector<256x128xi1>, vector<256x128xi32>
    %max3A_1061 = arith.maximumf %max3A_1055, %slice3A_1056 : vector<256x128xf32>
    %slice3A_1062 = vector.extract_strided_slice %dot_general3A_858 {offsets = [0, 4224], sizes = [256, 128], strides = [1, 1]} : vector<256x8192xf32> to vector<256x128xf32>
    %gt3A_1063 = arith.cmpf ogt, %slice3A_1062, %max3A_1061 : vector<256x128xf32>
    %jit3A_1064 = arith.constant 33 : i32
    %broadcast_in_dim3A_1065 = vector.broadcast %jit3A_1064 : i32 to vector<256x128xi32>
    %select_n3A_1066 = arith.select %gt3A_1063, %broadcast_in_dim3A_1065, %select_n3A_1060 : vector<256x128xi1>, vector<256x128xi32>
    %max3A_1067 = arith.maximumf %max3A_1061, %slice3A_1062 : vector<256x128xf32>
    %slice3A_1068 = vector.extract_strided_slice %dot_general3A_858 {offsets = [0, 4352], sizes = [256, 128], strides = [1, 1]} : vector<256x8192xf32> to vector<256x128xf32>
    %gt3A_1069 = arith.cmpf ogt, %slice3A_1068, %max3A_1067 : vector<256x128xf32>
    %jit3A_1070 = arith.constant 34 : i32
    %broadcast_in_dim3A_1071 = vector.broadcast %jit3A_1070 : i32 to vector<256x128xi32>
    %select_n3A_1072 = arith.select %gt3A_1069, %broadcast_in_dim3A_1071, %select_n3A_1066 : vector<256x128xi1>, vector<256x128xi32>
    %max3A_1073 = arith.maximumf %max3A_1067, %slice3A_1068 : vector<256x128xf32>
    %slice3A_1074 = vector.extract_strided_slice %dot_general3A_858 {offsets = [0, 4480], sizes = [256, 128], strides = [1, 1]} : vector<256x8192xf32> to vector<256x128xf32>
    %gt3A_1075 = arith.cmpf ogt, %slice3A_1074, %max3A_1073 : vector<256x128xf32>
    %jit3A_1076 = arith.constant 35 : i32
    %broadcast_in_dim3A_1077 = vector.broadcast %jit3A_1076 : i32 to vector<256x128xi32>
    %select_n3A_1078 = arith.select %gt3A_1075, %broadcast_in_dim3A_1077, %select_n3A_1072 : vector<256x128xi1>, vector<256x128xi32>
    %max3A_1079 = arith.maximumf %max3A_1073, %slice3A_1074 : vector<256x128xf32>
    %slice3A_1080 = vector.extract_strided_slice %dot_general3A_858 {offsets = [0, 4608], sizes = [256, 128], strides = [1, 1]} : vector<256x8192xf32> to vector<256x128xf32>
    %gt3A_1081 = arith.cmpf ogt, %slice3A_1080, %max3A_1079 : vector<256x128xf32>
    %jit3A_1082 = arith.constant 36 : i32
    %broadcast_in_dim3A_1083 = vector.broadcast %jit3A_1082 : i32 to vector<256x128xi32>
    %select_n3A_1084 = arith.select %gt3A_1081, %broadcast_in_dim3A_1083, %select_n3A_1078 : vector<256x128xi1>, vector<256x128xi32>
    %max3A_1085 = arith.maximumf %max3A_1079, %slice3A_1080 : vector<256x128xf32>
    %slice3A_1086 = vector.extract_strided_slice %dot_general3A_858 {offsets = [0, 4736], sizes = [256, 128], strides = [1, 1]} : vector<256x8192xf32> to vector<256x128xf32>
    %gt3A_1087 = arith.cmpf ogt, %slice3A_1086, %max3A_1085 : vector<256x128xf32>
    %jit3A_1088 = arith.constant 37 : i32
    %broadcast_in_dim3A_1089 = vector.broadcast %jit3A_1088 : i32 to vector<256x128xi32>
    %select_n3A_1090 = arith.select %gt3A_1087, %broadcast_in_dim3A_1089, %select_n3A_1084 : vector<256x128xi1>, vector<256x128xi32>
    %max3A_1091 = arith.maximumf %max3A_1085, %slice3A_1086 : vector<256x128xf32>
    %slice3A_1092 = vector.extract_strided_slice %dot_general3A_858 {offsets = [0, 4864], sizes = [256, 128], strides = [1, 1]} : vector<256x8192xf32> to vector<256x128xf32>
    %gt3A_1093 = arith.cmpf ogt, %slice3A_1092, %max3A_1091 : vector<256x128xf32>
    %jit3A_1094 = arith.constant 38 : i32
    %broadcast_in_dim3A_1095 = vector.broadcast %jit3A_1094 : i32 to vector<256x128xi32>
    %select_n3A_1096 = arith.select %gt3A_1093, %broadcast_in_dim3A_1095, %select_n3A_1090 : vector<256x128xi1>, vector<256x128xi32>
    %max3A_1097 = arith.maximumf %max3A_1091, %slice3A_1092 : vector<256x128xf32>
    %slice3A_1098 = vector.extract_strided_slice %dot_general3A_858 {offsets = [0, 4992], sizes = [256, 128], strides = [1, 1]} : vector<256x8192xf32> to vector<256x128xf32>
    %gt3A_1099 = arith.cmpf ogt, %slice3A_1098, %max3A_1097 : vector<256x128xf32>
    %jit3A_1100 = arith.constant 39 : i32
    %broadcast_in_dim3A_1101 = vector.broadcast %jit3A_1100 : i32 to vector<256x128xi32>
    %select_n3A_1102 = arith.select %gt3A_1099, %broadcast_in_dim3A_1101, %select_n3A_1096 : vector<256x128xi1>, vector<256x128xi32>
    %max3A_1103 = arith.maximumf %max3A_1097, %slice3A_1098 : vector<256x128xf32>
    %slice3A_1104 = vector.extract_strided_slice %dot_general3A_858 {offsets = [0, 5120], sizes = [256, 128], strides = [1, 1]} : vector<256x8192xf32> to vector<256x128xf32>
    %gt3A_1105 = arith.cmpf ogt, %slice3A_1104, %max3A_1103 : vector<256x128xf32>
    %jit3A_1106 = arith.constant 40 : i32
    %broadcast_in_dim3A_1107 = vector.broadcast %jit3A_1106 : i32 to vector<256x128xi32>
    %select_n3A_1108 = arith.select %gt3A_1105, %broadcast_in_dim3A_1107, %select_n3A_1102 : vector<256x128xi1>, vector<256x128xi32>
    %max3A_1109 = arith.maximumf %max3A_1103, %slice3A_1104 : vector<256x128xf32>
    %slice3A_1110 = vector.extract_strided_slice %dot_general3A_858 {offsets = [0, 5248], sizes = [256, 128], strides = [1, 1]} : vector<256x8192xf32> to vector<256x128xf32>
    %gt3A_1111 = arith.cmpf ogt, %slice3A_1110, %max3A_1109 : vector<256x128xf32>
    %jit3A_1112 = arith.constant 41 : i32
    %broadcast_in_dim3A_1113 = vector.broadcast %jit3A_1112 : i32 to vector<256x128xi32>
    %select_n3A_1114 = arith.select %gt3A_1111, %broadcast_in_dim3A_1113, %select_n3A_1108 : vector<256x128xi1>, vector<256x128xi32>
    %max3A_1115 = arith.maximumf %max3A_1109, %slice3A_1110 : vector<256x128xf32>
    %slice3A_1116 = vector.extract_strided_slice %dot_general3A_858 {offsets = [0, 5376], sizes = [256, 128], strides = [1, 1]} : vector<256x8192xf32> to vector<256x128xf32>
    %gt3A_1117 = arith.cmpf ogt, %slice3A_1116, %max3A_1115 : vector<256x128xf32>
    %jit3A_1118 = arith.constant 42 : i32
    %broadcast_in_dim3A_1119 = vector.broadcast %jit3A_1118 : i32 to vector<256x128xi32>
    %select_n3A_1120 = arith.select %gt3A_1117, %broadcast_in_dim3A_1119, %select_n3A_1114 : vector<256x128xi1>, vector<256x128xi32>
    %max3A_1121 = arith.maximumf %max3A_1115, %slice3A_1116 : vector<256x128xf32>
    %slice3A_1122 = vector.extract_strided_slice %dot_general3A_858 {offsets = [0, 5504], sizes = [256, 128], strides = [1, 1]} : vector<256x8192xf32> to vector<256x128xf32>
    %gt3A_1123 = arith.cmpf ogt, %slice3A_1122, %max3A_1121 : vector<256x128xf32>
    %jit3A_1124 = arith.constant 43 : i32
    %broadcast_in_dim3A_1125 = vector.broadcast %jit3A_1124 : i32 to vector<256x128xi32>
    %select_n3A_1126 = arith.select %gt3A_1123, %broadcast_in_dim3A_1125, %select_n3A_1120 : vector<256x128xi1>, vector<256x128xi32>
    %max3A_1127 = arith.maximumf %max3A_1121, %slice3A_1122 : vector<256x128xf32>
    %slice3A_1128 = vector.extract_strided_slice %dot_general3A_858 {offsets = [0, 5632], sizes = [256, 128], strides = [1, 1]} : vector<256x8192xf32> to vector<256x128xf32>
    %gt3A_1129 = arith.cmpf ogt, %slice3A_1128, %max3A_1127 : vector<256x128xf32>
    %jit3A_1130 = arith.constant 44 : i32
    %broadcast_in_dim3A_1131 = vector.broadcast %jit3A_1130 : i32 to vector<256x128xi32>
    %select_n3A_1132 = arith.select %gt3A_1129, %broadcast_in_dim3A_1131, %select_n3A_1126 : vector<256x128xi1>, vector<256x128xi32>
    %max3A_1133 = arith.maximumf %max3A_1127, %slice3A_1128 : vector<256x128xf32>
    %slice3A_1134 = vector.extract_strided_slice %dot_general3A_858 {offsets = [0, 5760], sizes = [256, 128], strides = [1, 1]} : vector<256x8192xf32> to vector<256x128xf32>
    %gt3A_1135 = arith.cmpf ogt, %slice3A_1134, %max3A_1133 : vector<256x128xf32>
    %jit3A_1136 = arith.constant 45 : i32
    %broadcast_in_dim3A_1137 = vector.broadcast %jit3A_1136 : i32 to vector<256x128xi32>
    %select_n3A_1138 = arith.select %gt3A_1135, %broadcast_in_dim3A_1137, %select_n3A_1132 : vector<256x128xi1>, vector<256x128xi32>
    %max3A_1139 = arith.maximumf %max3A_1133, %slice3A_1134 : vector<256x128xf32>
    %slice3A_1140 = vector.extract_strided_slice %dot_general3A_858 {offsets = [0, 5888], sizes = [256, 128], strides = [1, 1]} : vector<256x8192xf32> to vector<256x128xf32>
    %gt3A_1141 = arith.cmpf ogt, %slice3A_1140, %max3A_1139 : vector<256x128xf32>
    %jit3A_1142 = arith.constant 46 : i32
    %broadcast_in_dim3A_1143 = vector.broadcast %jit3A_1142 : i32 to vector<256x128xi32>
    %select_n3A_1144 = arith.select %gt3A_1141, %broadcast_in_dim3A_1143, %select_n3A_1138 : vector<256x128xi1>, vector<256x128xi32>
    %max3A_1145 = arith.maximumf %max3A_1139, %slice3A_1140 : vector<256x128xf32>
    %slice3A_1146 = vector.extract_strided_slice %dot_general3A_858 {offsets = [0, 6016], sizes = [256, 128], strides = [1, 1]} : vector<256x8192xf32> to vector<256x128xf32>
    %gt3A_1147 = arith.cmpf ogt, %slice3A_1146, %max3A_1145 : vector<256x128xf32>
    %jit3A_1148 = arith.constant 47 : i32
    %broadcast_in_dim3A_1149 = vector.broadcast %jit3A_1148 : i32 to vector<256x128xi32>
    %select_n3A_1150 = arith.select %gt3A_1147, %broadcast_in_dim3A_1149, %select_n3A_1144 : vector<256x128xi1>, vector<256x128xi32>
    %max3A_1151 = arith.maximumf %max3A_1145, %slice3A_1146 : vector<256x128xf32>
    %slice3A_1152 = vector.extract_strided_slice %dot_general3A_858 {offsets = [0, 6144], sizes = [256, 128], strides = [1, 1]} : vector<256x8192xf32> to vector<256x128xf32>
    %gt3A_1153 = arith.cmpf ogt, %slice3A_1152, %max3A_1151 : vector<256x128xf32>
    %jit3A_1154 = arith.constant 48 : i32
    %broadcast_in_dim3A_1155 = vector.broadcast %jit3A_1154 : i32 to vector<256x128xi32>
    %select_n3A_1156 = arith.select %gt3A_1153, %broadcast_in_dim3A_1155, %select_n3A_1150 : vector<256x128xi1>, vector<256x128xi32>
    %max3A_1157 = arith.maximumf %max3A_1151, %slice3A_1152 : vector<256x128xf32>
    %slice3A_1158 = vector.extract_strided_slice %dot_general3A_858 {offsets = [0, 6272], sizes = [256, 128], strides = [1, 1]} : vector<256x8192xf32> to vector<256x128xf32>
    %gt3A_1159 = arith.cmpf ogt, %slice3A_1158, %max3A_1157 : vector<256x128xf32>
    %jit3A_1160 = arith.constant 49 : i32
    %broadcast_in_dim3A_1161 = vector.broadcast %jit3A_1160 : i32 to vector<256x128xi32>
    %select_n3A_1162 = arith.select %gt3A_1159, %broadcast_in_dim3A_1161, %select_n3A_1156 : vector<256x128xi1>, vector<256x128xi32>
    %max3A_1163 = arith.maximumf %max3A_1157, %slice3A_1158 : vector<256x128xf32>
    %slice3A_1164 = vector.extract_strided_slice %dot_general3A_858 {offsets = [0, 6400], sizes = [256, 128], strides = [1, 1]} : vector<256x8192xf32> to vector<256x128xf32>
    %gt3A_1165 = arith.cmpf ogt, %slice3A_1164, %max3A_1163 : vector<256x128xf32>
    %jit3A_1166 = arith.constant 50 : i32
    %broadcast_in_dim3A_1167 = vector.broadcast %jit3A_1166 : i32 to vector<256x128xi32>
    %select_n3A_1168 = arith.select %gt3A_1165, %broadcast_in_dim3A_1167, %select_n3A_1162 : vector<256x128xi1>, vector<256x128xi32>
    %max3A_1169 = arith.maximumf %max3A_1163, %slice3A_1164 : vector<256x128xf32>
    %slice3A_1170 = vector.extract_strided_slice %dot_general3A_858 {offsets = [0, 6528], sizes = [256, 128], strides = [1, 1]} : vector<256x8192xf32> to vector<256x128xf32>
    %gt3A_1171 = arith.cmpf ogt, %slice3A_1170, %max3A_1169 : vector<256x128xf32>
    %jit3A_1172 = arith.constant 51 : i32
    %broadcast_in_dim3A_1173 = vector.broadcast %jit3A_1172 : i32 to vector<256x128xi32>
    %select_n3A_1174 = arith.select %gt3A_1171, %broadcast_in_dim3A_1173, %select_n3A_1168 : vector<256x128xi1>, vector<256x128xi32>
    %max3A_1175 = arith.maximumf %max3A_1169, %slice3A_1170 : vector<256x128xf32>
    %slice3A_1176 = vector.extract_strided_slice %dot_general3A_858 {offsets = [0, 6656], sizes = [256, 128], strides = [1, 1]} : vector<256x8192xf32> to vector<256x128xf32>
    %gt3A_1177 = arith.cmpf ogt, %slice3A_1176, %max3A_1175 : vector<256x128xf32>
    %jit3A_1178 = arith.constant 52 : i32
    %broadcast_in_dim3A_1179 = vector.broadcast %jit3A_1178 : i32 to vector<256x128xi32>
    %select_n3A_1180 = arith.select %gt3A_1177, %broadcast_in_dim3A_1179, %select_n3A_1174 : vector<256x128xi1>, vector<256x128xi32>
    %max3A_1181 = arith.maximumf %max3A_1175, %slice3A_1176 : vector<256x128xf32>
    %slice3A_1182 = vector.extract_strided_slice %dot_general3A_858 {offsets = [0, 6784], sizes = [256, 128], strides = [1, 1]} : vector<256x8192xf32> to vector<256x128xf32>
    %gt3A_1183 = arith.cmpf ogt, %slice3A_1182, %max3A_1181 : vector<256x128xf32>
    %jit3A_1184 = arith.constant 53 : i32
    %broadcast_in_dim3A_1185 = vector.broadcast %jit3A_1184 : i32 to vector<256x128xi32>
    %select_n3A_1186 = arith.select %gt3A_1183, %broadcast_in_dim3A_1185, %select_n3A_1180 : vector<256x128xi1>, vector<256x128xi32>
    %max3A_1187 = arith.maximumf %max3A_1181, %slice3A_1182 : vector<256x128xf32>
    %slice3A_1188 = vector.extract_strided_slice %dot_general3A_858 {offsets = [0, 6912], sizes = [256, 128], strides = [1, 1]} : vector<256x8192xf32> to vector<256x128xf32>
    %gt3A_1189 = arith.cmpf ogt, %slice3A_1188, %max3A_1187 : vector<256x128xf32>
    %jit3A_1190 = arith.constant 54 : i32
    %broadcast_in_dim3A_1191 = vector.broadcast %jit3A_1190 : i32 to vector<256x128xi32>
    %select_n3A_1192 = arith.select %gt3A_1189, %broadcast_in_dim3A_1191, %select_n3A_1186 : vector<256x128xi1>, vector<256x128xi32>
    %max3A_1193 = arith.maximumf %max3A_1187, %slice3A_1188 : vector<256x128xf32>
    %slice3A_1194 = vector.extract_strided_slice %dot_general3A_858 {offsets = [0, 7040], sizes = [256, 128], strides = [1, 1]} : vector<256x8192xf32> to vector<256x128xf32>
    %gt3A_1195 = arith.cmpf ogt, %slice3A_1194, %max3A_1193 : vector<256x128xf32>
    %jit3A_1196 = arith.constant 55 : i32
    %broadcast_in_dim3A_1197 = vector.broadcast %jit3A_1196 : i32 to vector<256x128xi32>
    %select_n3A_1198 = arith.select %gt3A_1195, %broadcast_in_dim3A_1197, %select_n3A_1192 : vector<256x128xi1>, vector<256x128xi32>
    %max3A_1199 = arith.maximumf %max3A_1193, %slice3A_1194 : vector<256x128xf32>
    %slice3A_1200 = vector.extract_strided_slice %dot_general3A_858 {offsets = [0, 7168], sizes = [256, 128], strides = [1, 1]} : vector<256x8192xf32> to vector<256x128xf32>
    %gt3A_1201 = arith.cmpf ogt, %slice3A_1200, %max3A_1199 : vector<256x128xf32>
    %jit3A_1202 = arith.constant 56 : i32
    %broadcast_in_dim3A_1203 = vector.broadcast %jit3A_1202 : i32 to vector<256x128xi32>
    %select_n3A_1204 = arith.select %gt3A_1201, %broadcast_in_dim3A_1203, %select_n3A_1198 : vector<256x128xi1>, vector<256x128xi32>
    %max3A_1205 = arith.maximumf %max3A_1199, %slice3A_1200 : vector<256x128xf32>
    %slice3A_1206 = vector.extract_strided_slice %dot_general3A_858 {offsets = [0, 7296], sizes = [256, 128], strides = [1, 1]} : vector<256x8192xf32> to vector<256x128xf32>
    %gt3A_1207 = arith.cmpf ogt, %slice3A_1206, %max3A_1205 : vector<256x128xf32>
    %jit3A_1208 = arith.constant 57 : i32
    %broadcast_in_dim3A_1209 = vector.broadcast %jit3A_1208 : i32 to vector<256x128xi32>
    %select_n3A_1210 = arith.select %gt3A_1207, %broadcast_in_dim3A_1209, %select_n3A_1204 : vector<256x128xi1>, vector<256x128xi32>
    %max3A_1211 = arith.maximumf %max3A_1205, %slice3A_1206 : vector<256x128xf32>
    %slice3A_1212 = vector.extract_strided_slice %dot_general3A_858 {offsets = [0, 7424], sizes = [256, 128], strides = [1, 1]} : vector<256x8192xf32> to vector<256x128xf32>
    %gt3A_1213 = arith.cmpf ogt, %slice3A_1212, %max3A_1211 : vector<256x128xf32>
    %jit3A_1214 = arith.constant 58 : i32
    %broadcast_in_dim3A_1215 = vector.broadcast %jit3A_1214 : i32 to vector<256x128xi32>
    %select_n3A_1216 = arith.select %gt3A_1213, %broadcast_in_dim3A_1215, %select_n3A_1210 : vector<256x128xi1>, vector<256x128xi32>
    %max3A_1217 = arith.maximumf %max3A_1211, %slice3A_1212 : vector<256x128xf32>
    %slice3A_1218 = vector.extract_strided_slice %dot_general3A_858 {offsets = [0, 7552], sizes = [256, 128], strides = [1, 1]} : vector<256x8192xf32> to vector<256x128xf32>
    %gt3A_1219 = arith.cmpf ogt, %slice3A_1218, %max3A_1217 : vector<256x128xf32>
    %jit3A_1220 = arith.constant 59 : i32
    %broadcast_in_dim3A_1221 = vector.broadcast %jit3A_1220 : i32 to vector<256x128xi32>
    %select_n3A_1222 = arith.select %gt3A_1219, %broadcast_in_dim3A_1221, %select_n3A_1216 : vector<256x128xi1>, vector<256x128xi32>
    %max3A_1223 = arith.maximumf %max3A_1217, %slice3A_1218 : vector<256x128xf32>
    %slice3A_1224 = vector.extract_strided_slice %dot_general3A_858 {offsets = [0, 7680], sizes = [256, 128], strides = [1, 1]} : vector<256x8192xf32> to vector<256x128xf32>
    %gt3A_1225 = arith.cmpf ogt, %slice3A_1224, %max3A_1223 : vector<256x128xf32>
    %jit3A_1226 = arith.constant 60 : i32
    %broadcast_in_dim3A_1227 = vector.broadcast %jit3A_1226 : i32 to vector<256x128xi32>
    %select_n3A_1228 = arith.select %gt3A_1225, %broadcast_in_dim3A_1227, %select_n3A_1222 : vector<256x128xi1>, vector<256x128xi32>
    %max3A_1229 = arith.maximumf %max3A_1223, %slice3A_1224 : vector<256x128xf32>
    %slice3A_1230 = vector.extract_strided_slice %dot_general3A_858 {offsets = [0, 7808], sizes = [256, 128], strides = [1, 1]} : vector<256x8192xf32> to vector<256x128xf32>
    %gt3A_1231 = arith.cmpf ogt, %slice3A_1230, %max3A_1229 : vector<256x128xf32>
    %jit3A_1232 = arith.constant 61 : i32
    %broadcast_in_dim3A_1233 = vector.broadcast %jit3A_1232 : i32 to vector<256x128xi32>
    %select_n3A_1234 = arith.select %gt3A_1231, %broadcast_in_dim3A_1233, %select_n3A_1228 : vector<256x128xi1>, vector<256x128xi32>
    %max3A_1235 = arith.maximumf %max3A_1229, %slice3A_1230 : vector<256x128xf32>
    %slice3A_1236 = vector.extract_strided_slice %dot_general3A_858 {offsets = [0, 7936], sizes = [256, 128], strides = [1, 1]} : vector<256x8192xf32> to vector<256x128xf32>
    %gt3A_1237 = arith.cmpf ogt, %slice3A_1236, %max3A_1235 : vector<256x128xf32>
    %jit3A_1238 = arith.constant 62 : i32
    %broadcast_in_dim3A_1239 = vector.broadcast %jit3A_1238 : i32 to vector<256x128xi32>
    %select_n3A_1240 = arith.select %gt3A_1237, %broadcast_in_dim3A_1239, %select_n3A_1234 : vector<256x128xi1>, vector<256x128xi32>
    %max3A_1241 = arith.maximumf %max3A_1235, %slice3A_1236 : vector<256x128xf32>
    %slice3A_1242 = vector.extract_strided_slice %dot_general3A_858 {offsets = [0, 8064], sizes = [256, 128], strides = [1, 1]} : vector<256x8192xf32> to vector<256x128xf32>
    %gt3A_1243 = arith.cmpf ogt, %slice3A_1242, %max3A_1241 : vector<256x128xf32>
    %jit3A_1244 = arith.constant 63 : i32
    %broadcast_in_dim3A_1245 = vector.broadcast %jit3A_1244 : i32 to vector<256x128xi32>
    %select_n3A_1246 = arith.select %gt3A_1243, %broadcast_in_dim3A_1245, %select_n3A_1240 : vector<256x128xi1>, vector<256x128xi32>
    %max3A_1247 = arith.maximumf %max3A_1241, %slice3A_1242 : vector<256x128xf32>
    %reduce_max3A_1248 = arith.constant dense<0xFF800000> : vector<256xf32>
    %reduce_max3A_1249 = vector.multi_reduction <maximumf>, %max3A_1247, %reduce_max3A_1248 [1] : vector<256x128xf32> to vector<256xf32>
    %mul3A_1250 = arith.constant 128 : i32
    %mul3A_1251 = vector.broadcast %mul3A_1250 : i32 to vector<256x128xi32>
    %mul3A_1252 = arith.muli %select_n3A_1246, %mul3A_1251 : vector<256x128xi32>
    %add3A_1253 = arith.addi %mul3A_1252, %iota3A_859 : vector<256x128xi32>
    %broadcast_in_dim3A_1254 = vector.shape_cast %reduce_max3A_1249 : vector<256xf32> to vector<256x1xf32>
    %eq3A_1255 = vector.broadcast %broadcast_in_dim3A_1254 : vector<256x1xf32> to vector<256x128xf32>
    %eq3A_1256 = arith.cmpf oeq, %max3A_1247, %eq3A_1255 : vector<256x128xf32>
    %jit3A_1257 = arith.constant 8192 : i32
    %broadcast_in_dim3A_1258 = vector.broadcast %jit3A_1257 : i32 to vector<256x128xi32>
    %select_n3A_1259 = arith.select %eq3A_1256, %add3A_1253, %broadcast_in_dim3A_1258 : vector<256x128xi1>, vector<256x128xi32>
    %reduce_min3A_1260 = arith.constant dense<2147483647> : vector<256xi32>
    %reduce_min3A_1261 = vector.multi_reduction <minsi>, %select_n3A_1259, %reduce_min3A_1260 [1] : vector<256x128xi32> to vector<256xi32>
    %swap3A_1262 = arith.constant 0 : index
    %swap3A_1263 = arith.constant 0 : index
    %swap3A_1264 = arith.constant 512 : index
    %swap3A_1265 = vector.load %arg3[%swap3A_1262, %swap3A_1263, %swap3A_1264] : memref<1x1x2048xi32, #tpu.memory_space<vmem>>, vector<1x1x256xi32>
    %swap3A_1266 = vector.shape_cast %swap3A_1265 : vector<1x1x256xi32> to vector<256xi32>
    %swap3A_1267 = vector.shape_cast %reduce_min3A_1261 : vector<256xi32> to vector<1x1x256xi32>
    tpu.vector_store %arg3[%swap3A_1262, %swap3A_1263, %swap3A_1264], %swap3A_1267 {strides = array<i32>} : memref<1x1x2048xi32, #tpu.memory_space<vmem>>, vector<1x1x256xi32>,
    %mul3A_1268 = arith.constant 2.000000e+00 : f32
    %mul3A_1269 = vector.broadcast %mul3A_1268 : f32 to vector<256xf32>
    %mul3A_1270 = arith.mulf %mul3A_1269, %reduce_max3A_1249 : vector<256xf32>
    %sub3A_1271 = arith.constant 1.000000e+00 : f32
    %sub3A_1272 = vector.broadcast %sub3A_1271 : f32 to vector<256xf32>
    %sub3A_1273 = arith.subf %sub3A_1272, %mul3A_1270 : vector<256xf32>
    %slice3A_1274 = vector.extract_strided_slice %reduce_sum3A_8 {offsets = [512], sizes = [256], strides = [1]} : vector<2048xf32> to vector<256xf32>
    %add3A_1275 = arith.addf %sub3A_1273, %slice3A_1274 : vector<256xf32>
    %reduce_sum3A_1276 = vector.shape_cast %add3A_1275 : vector<256xf32> to vector<1x256xf32>
    %reduce_sum3A_1277 = arith.constant dense<0.000000e+00> : vector<1xf32>
    %reduce_sum3A_1278 = vector.multi_reduction <add>, %reduce_sum3A_1276, %reduce_sum3A_1277 [1] : vector<1x256xf32> to vector<1xf32>
    %reduce_sum3A_1279 = vector.shape_cast %reduce_sum3A_1278 : vector<1xf32> to vector<1x1xf32>
    %reduce_sum3A_1280 = vector.extract %reduce_sum3A_1279[0, 0] : f32 from vector<1x1xf32>
    %add3A_1281 = arith.addf %add3A_855, %reduce_sum3A_1280 : f32
    %slice3A_1282 = vector.extract_strided_slice %div3A_5 {offsets = [768, 0], sizes = [256, 64], strides = [1, 1]} : vector<2048x64xf32> to vector<256x64xf32>
    %dot_general3A_1283 = arith.constant dense<0.000000e+00> : vector<256x8192xf32>
    %dot_general3A_1284 = tpu.matmul %slice3A_1282, %get3A_11, %dot_general3A_1283 {dimension_numbers = #tpu.dot_dimension_numbers<[1], [1], [0], [0], [0, 0, 1, 0], [], []>, transpose_lhs_hint = false} : vector<256x64xf32>, vector<8192x64xf32>, vector<256x8192xf32> -> vector<256x8192xf32>
    %iota3A_1285 = tpu.iota {dimensions = array<i32: 1>} : vector<256x128xi32>
    %broadcast_in_dim3A_1286 = arith.constant -2.000000e+00 : f32
    %broadcast_in_dim3A_1287 = vector.broadcast %broadcast_in_dim3A_1286 : f32 to vector<256x128xf32>
    %broadcast_in_dim3A_1288 = arith.constant 0 : i32
    %broadcast_in_dim3A_1289 = vector.broadcast %broadcast_in_dim3A_1288 : i32 to vector<256x128xi32>
    %slice3A_1290 = vector.extract_strided_slice %dot_general3A_1284 {offsets = [0, 0], sizes = [256, 128], strides = [1, 1]} : vector<256x8192xf32> to vector<256x128xf32>
    %gt3A_1291 = arith.cmpf ogt, %slice3A_1290, %broadcast_in_dim3A_1287 : vector<256x128xf32>
    %jit3A_1292 = arith.constant 0 : i32
    %broadcast_in_dim3A_1293 = vector.broadcast %jit3A_1292 : i32 to vector<256x128xi32>
    %select_n3A_1294 = arith.select %gt3A_1291, %broadcast_in_dim3A_1293, %broadcast_in_dim3A_1289 : vector<256x128xi1>, vector<256x128xi32>
    %max3A_1295 = arith.maximumf %broadcast_in_dim3A_1287, %slice3A_1290 : vector<256x128xf32>
    %slice3A_1296 = vector.extract_strided_slice %dot_general3A_1284 {offsets = [0, 128], sizes = [256, 128], strides = [1, 1]} : vector<256x8192xf32> to vector<256x128xf32>
    %gt3A_1297 = arith.cmpf ogt, %slice3A_1296, %max3A_1295 : vector<256x128xf32>
    %jit3A_1298 = arith.constant 1 : i32
    %broadcast_in_dim3A_1299 = vector.broadcast %jit3A_1298 : i32 to vector<256x128xi32>
    %select_n3A_1300 = arith.select %gt3A_1297, %broadcast_in_dim3A_1299, %select_n3A_1294 : vector<256x128xi1>, vector<256x128xi32>
    %max3A_1301 = arith.maximumf %max3A_1295, %slice3A_1296 : vector<256x128xf32>
    %slice3A_1302 = vector.extract_strided_slice %dot_general3A_1284 {offsets = [0, 256], sizes = [256, 128], strides = [1, 1]} : vector<256x8192xf32> to vector<256x128xf32>
    %gt3A_1303 = arith.cmpf ogt, %slice3A_1302, %max3A_1301 : vector<256x128xf32>
    %jit3A_1304 = arith.constant 2 : i32
    %broadcast_in_dim3A_1305 = vector.broadcast %jit3A_1304 : i32 to vector<256x128xi32>
    %select_n3A_1306 = arith.select %gt3A_1303, %broadcast_in_dim3A_1305, %select_n3A_1300 : vector<256x128xi1>, vector<256x128xi32>
    %max3A_1307 = arith.maximumf %max3A_1301, %slice3A_1302 : vector<256x128xf32>
    %slice3A_1308 = vector.extract_strided_slice %dot_general3A_1284 {offsets = [0, 384], sizes = [256, 128], strides = [1, 1]} : vector<256x8192xf32> to vector<256x128xf32>
    %gt3A_1309 = arith.cmpf ogt, %slice3A_1308, %max3A_1307 : vector<256x128xf32>
    %jit3A_1310 = arith.constant 3 : i32
    %broadcast_in_dim3A_1311 = vector.broadcast %jit3A_1310 : i32 to vector<256x128xi32>
    %select_n3A_1312 = arith.select %gt3A_1309, %broadcast_in_dim3A_1311, %select_n3A_1306 : vector<256x128xi1>, vector<256x128xi32>
    %max3A_1313 = arith.maximumf %max3A_1307, %slice3A_1308 : vector<256x128xf32>
    %slice3A_1314 = vector.extract_strided_slice %dot_general3A_1284 {offsets = [0, 512], sizes = [256, 128], strides = [1, 1]} : vector<256x8192xf32> to vector<256x128xf32>
    %gt3A_1315 = arith.cmpf ogt, %slice3A_1314, %max3A_1313 : vector<256x128xf32>
    %jit3A_1316 = arith.constant 4 : i32
    %broadcast_in_dim3A_1317 = vector.broadcast %jit3A_1316 : i32 to vector<256x128xi32>
    %select_n3A_1318 = arith.select %gt3A_1315, %broadcast_in_dim3A_1317, %select_n3A_1312 : vector<256x128xi1>, vector<256x128xi32>
    %max3A_1319 = arith.maximumf %max3A_1313, %slice3A_1314 : vector<256x128xf32>
    %slice3A_1320 = vector.extract_strided_slice %dot_general3A_1284 {offsets = [0, 640], sizes = [256, 128], strides = [1, 1]} : vector<256x8192xf32> to vector<256x128xf32>
    %gt3A_1321 = arith.cmpf ogt, %slice3A_1320, %max3A_1319 : vector<256x128xf32>
    %jit3A_1322 = arith.constant 5 : i32
    %broadcast_in_dim3A_1323 = vector.broadcast %jit3A_1322 : i32 to vector<256x128xi32>
    %select_n3A_1324 = arith.select %gt3A_1321, %broadcast_in_dim3A_1323, %select_n3A_1318 : vector<256x128xi1>, vector<256x128xi32>
    %max3A_1325 = arith.maximumf %max3A_1319, %slice3A_1320 : vector<256x128xf32>
    %slice3A_1326 = vector.extract_strided_slice %dot_general3A_1284 {offsets = [0, 768], sizes = [256, 128], strides = [1, 1]} : vector<256x8192xf32> to vector<256x128xf32>
    %gt3A_1327 = arith.cmpf ogt, %slice3A_1326, %max3A_1325 : vector<256x128xf32>
    %jit3A_1328 = arith.constant 6 : i32
    %broadcast_in_dim3A_1329 = vector.broadcast %jit3A_1328 : i32 to vector<256x128xi32>
    %select_n3A_1330 = arith.select %gt3A_1327, %broadcast_in_dim3A_1329, %select_n3A_1324 : vector<256x128xi1>, vector<256x128xi32>
    %max3A_1331 = arith.maximumf %max3A_1325, %slice3A_1326 : vector<256x128xf32>
    %slice3A_1332 = vector.extract_strided_slice %dot_general3A_1284 {offsets = [0, 896], sizes = [256, 128], strides = [1, 1]} : vector<256x8192xf32> to vector<256x128xf32>
    %gt3A_1333 = arith.cmpf ogt, %slice3A_1332, %max3A_1331 : vector<256x128xf32>
    %jit3A_1334 = arith.constant 7 : i32
    %broadcast_in_dim3A_1335 = vector.broadcast %jit3A_1334 : i32 to vector<256x128xi32>
    %select_n3A_1336 = arith.select %gt3A_1333, %broadcast_in_dim3A_1335, %select_n3A_1330 : vector<256x128xi1>, vector<256x128xi32>
    %max3A_1337 = arith.maximumf %max3A_1331, %slice3A_1332 : vector<256x128xf32>
    %slice3A_1338 = vector.extract_strided_slice %dot_general3A_1284 {offsets = [0, 1024], sizes = [256, 128], strides = [1, 1]} : vector<256x8192xf32> to vector<256x128xf32>
    %gt3A_1339 = arith.cmpf ogt, %slice3A_1338, %max3A_1337 : vector<256x128xf32>
    %jit3A_1340 = arith.constant 8 : i32
    %broadcast_in_dim3A_1341 = vector.broadcast %jit3A_1340 : i32 to vector<256x128xi32>
    %select_n3A_1342 = arith.select %gt3A_1339, %broadcast_in_dim3A_1341, %select_n3A_1336 : vector<256x128xi1>, vector<256x128xi32>
    %max3A_1343 = arith.maximumf %max3A_1337, %slice3A_1338 : vector<256x128xf32>
    %slice3A_1344 = vector.extract_strided_slice %dot_general3A_1284 {offsets = [0, 1152], sizes = [256, 128], strides = [1, 1]} : vector<256x8192xf32> to vector<256x128xf32>
    %gt3A_1345 = arith.cmpf ogt, %slice3A_1344, %max3A_1343 : vector<256x128xf32>
    %jit3A_1346 = arith.constant 9 : i32
    %broadcast_in_dim3A_1347 = vector.broadcast %jit3A_1346 : i32 to vector<256x128xi32>
    %select_n3A_1348 = arith.select %gt3A_1345, %broadcast_in_dim3A_1347, %select_n3A_1342 : vector<256x128xi1>, vector<256x128xi32>
    %max3A_1349 = arith.maximumf %max3A_1343, %slice3A_1344 : vector<256x128xf32>
    %slice3A_1350 = vector.extract_strided_slice %dot_general3A_1284 {offsets = [0, 1280], sizes = [256, 128], strides = [1, 1]} : vector<256x8192xf32> to vector<256x128xf32>
    %gt3A_1351 = arith.cmpf ogt, %slice3A_1350, %max3A_1349 : vector<256x128xf32>
    %jit3A_1352 = arith.constant 10 : i32
    %broadcast_in_dim3A_1353 = vector.broadcast %jit3A_1352 : i32 to vector<256x128xi32>
    %select_n3A_1354 = arith.select %gt3A_1351, %broadcast_in_dim3A_1353, %select_n3A_1348 : vector<256x128xi1>, vector<256x128xi32>
    %max3A_1355 = arith.maximumf %max3A_1349, %slice3A_1350 : vector<256x128xf32>
    %slice3A_1356 = vector.extract_strided_slice %dot_general3A_1284 {offsets = [0, 1408], sizes = [256, 128], strides = [1, 1]} : vector<256x8192xf32> to vector<256x128xf32>
    %gt3A_1357 = arith.cmpf ogt, %slice3A_1356, %max3A_1355 : vector<256x128xf32>
    %jit3A_1358 = arith.constant 11 : i32
    %broadcast_in_dim3A_1359 = vector.broadcast %jit3A_1358 : i32 to vector<256x128xi32>
    %select_n3A_1360 = arith.select %gt3A_1357, %broadcast_in_dim3A_1359, %select_n3A_1354 : vector<256x128xi1>, vector<256x128xi32>
    %max3A_1361 = arith.maximumf %max3A_1355, %slice3A_1356 : vector<256x128xf32>
    %slice3A_1362 = vector.extract_strided_slice %dot_general3A_1284 {offsets = [0, 1536], sizes = [256, 128], strides = [1, 1]} : vector<256x8192xf32> to vector<256x128xf32>
    %gt3A_1363 = arith.cmpf ogt, %slice3A_1362, %max3A_1361 : vector<256x128xf32>
    %jit3A_1364 = arith.constant 12 : i32
    %broadcast_in_dim3A_1365 = vector.broadcast %jit3A_1364 : i32 to vector<256x128xi32>
    %select_n3A_1366 = arith.select %gt3A_1363, %broadcast_in_dim3A_1365, %select_n3A_1360 : vector<256x128xi1>, vector<256x128xi32>
    %max3A_1367 = arith.maximumf %max3A_1361, %slice3A_1362 : vector<256x128xf32>
    %slice3A_1368 = vector.extract_strided_slice %dot_general3A_1284 {offsets = [0, 1664], sizes = [256, 128], strides = [1, 1]} : vector<256x8192xf32> to vector<256x128xf32>
    %gt3A_1369 = arith.cmpf ogt, %slice3A_1368, %max3A_1367 : vector<256x128xf32>
    %jit3A_1370 = arith.constant 13 : i32
    %broadcast_in_dim3A_1371 = vector.broadcast %jit3A_1370 : i32 to vector<256x128xi32>
    %select_n3A_1372 = arith.select %gt3A_1369, %broadcast_in_dim3A_1371, %select_n3A_1366 : vector<256x128xi1>, vector<256x128xi32>
    %max3A_1373 = arith.maximumf %max3A_1367, %slice3A_1368 : vector<256x128xf32>
    %slice3A_1374 = vector.extract_strided_slice %dot_general3A_1284 {offsets = [0, 1792], sizes = [256, 128], strides = [1, 1]} : vector<256x8192xf32> to vector<256x128xf32>
    %gt3A_1375 = arith.cmpf ogt, %slice3A_1374, %max3A_1373 : vector<256x128xf32>
    %jit3A_1376 = arith.constant 14 : i32
    %broadcast_in_dim3A_1377 = vector.broadcast %jit3A_1376 : i32 to vector<256x128xi32>
    %select_n3A_1378 = arith.select %gt3A_1375, %broadcast_in_dim3A_1377, %select_n3A_1372 : vector<256x128xi1>, vector<256x128xi32>
    %max3A_1379 = arith.maximumf %max3A_1373, %slice3A_1374 : vector<256x128xf32>
    %slice3A_1380 = vector.extract_strided_slice %dot_general3A_1284 {offsets = [0, 1920], sizes = [256, 128], strides = [1, 1]} : vector<256x8192xf32> to vector<256x128xf32>
    %gt3A_1381 = arith.cmpf ogt, %slice3A_1380, %max3A_1379 : vector<256x128xf32>
    %jit3A_1382 = arith.constant 15 : i32
    %broadcast_in_dim3A_1383 = vector.broadcast %jit3A_1382 : i32 to vector<256x128xi32>
    %select_n3A_1384 = arith.select %gt3A_1381, %broadcast_in_dim3A_1383, %select_n3A_1378 : vector<256x128xi1>, vector<256x128xi32>
    %max3A_1385 = arith.maximumf %max3A_1379, %slice3A_1380 : vector<256x128xf32>
    %slice3A_1386 = vector.extract_strided_slice %dot_general3A_1284 {offsets = [0, 2048], sizes = [256, 128], strides = [1, 1]} : vector<256x8192xf32> to vector<256x128xf32>
    %gt3A_1387 = arith.cmpf ogt, %slice3A_1386, %max3A_1385 : vector<256x128xf32>
    %jit3A_1388 = arith.constant 16 : i32
    %broadcast_in_dim3A_1389 = vector.broadcast %jit3A_1388 : i32 to vector<256x128xi32>
    %select_n3A_1390 = arith.select %gt3A_1387, %broadcast_in_dim3A_1389, %select_n3A_1384 : vector<256x128xi1>, vector<256x128xi32>
    %max3A_1391 = arith.maximumf %max3A_1385, %slice3A_1386 : vector<256x128xf32>
    %slice3A_1392 = vector.extract_strided_slice %dot_general3A_1284 {offsets = [0, 2176], sizes = [256, 128], strides = [1, 1]} : vector<256x8192xf32> to vector<256x128xf32>
    %gt3A_1393 = arith.cmpf ogt, %slice3A_1392, %max3A_1391 : vector<256x128xf32>
    %jit3A_1394 = arith.constant 17 : i32
    %broadcast_in_dim3A_1395 = vector.broadcast %jit3A_1394 : i32 to vector<256x128xi32>
    %select_n3A_1396 = arith.select %gt3A_1393, %broadcast_in_dim3A_1395, %select_n3A_1390 : vector<256x128xi1>, vector<256x128xi32>
    %max3A_1397 = arith.maximumf %max3A_1391, %slice3A_1392 : vector<256x128xf32>
    %slice3A_1398 = vector.extract_strided_slice %dot_general3A_1284 {offsets = [0, 2304], sizes = [256, 128], strides = [1, 1]} : vector<256x8192xf32> to vector<256x128xf32>
    %gt3A_1399 = arith.cmpf ogt, %slice3A_1398, %max3A_1397 : vector<256x128xf32>
    %jit3A_1400 = arith.constant 18 : i32
    %broadcast_in_dim3A_1401 = vector.broadcast %jit3A_1400 : i32 to vector<256x128xi32>
    %select_n3A_1402 = arith.select %gt3A_1399, %broadcast_in_dim3A_1401, %select_n3A_1396 : vector<256x128xi1>, vector<256x128xi32>
    %max3A_1403 = arith.maximumf %max3A_1397, %slice3A_1398 : vector<256x128xf32>
    %slice3A_1404 = vector.extract_strided_slice %dot_general3A_1284 {offsets = [0, 2432], sizes = [256, 128], strides = [1, 1]} : vector<256x8192xf32> to vector<256x128xf32>
    %gt3A_1405 = arith.cmpf ogt, %slice3A_1404, %max3A_1403 : vector<256x128xf32>
    %jit3A_1406 = arith.constant 19 : i32
    %broadcast_in_dim3A_1407 = vector.broadcast %jit3A_1406 : i32 to vector<256x128xi32>
    %select_n3A_1408 = arith.select %gt3A_1405, %broadcast_in_dim3A_1407, %select_n3A_1402 : vector<256x128xi1>, vector<256x128xi32>
    %max3A_1409 = arith.maximumf %max3A_1403, %slice3A_1404 : vector<256x128xf32>
    %slice3A_1410 = vector.extract_strided_slice %dot_general3A_1284 {offsets = [0, 2560], sizes = [256, 128], strides = [1, 1]} : vector<256x8192xf32> to vector<256x128xf32>
    %gt3A_1411 = arith.cmpf ogt, %slice3A_1410, %max3A_1409 : vector<256x128xf32>
    %jit3A_1412 = arith.constant 20 : i32
    %broadcast_in_dim3A_1413 = vector.broadcast %jit3A_1412 : i32 to vector<256x128xi32>
    %select_n3A_1414 = arith.select %gt3A_1411, %broadcast_in_dim3A_1413, %select_n3A_1408 : vector<256x128xi1>, vector<256x128xi32>
    %max3A_1415 = arith.maximumf %max3A_1409, %slice3A_1410 : vector<256x128xf32>
    %slice3A_1416 = vector.extract_strided_slice %dot_general3A_1284 {offsets = [0, 2688], sizes = [256, 128], strides = [1, 1]} : vector<256x8192xf32> to vector<256x128xf32>
    %gt3A_1417 = arith.cmpf ogt, %slice3A_1416, %max3A_1415 : vector<256x128xf32>
    %jit3A_1418 = arith.constant 21 : i32
    %broadcast_in_dim3A_1419 = vector.broadcast %jit3A_1418 : i32 to vector<256x128xi32>
    %select_n3A_1420 = arith.select %gt3A_1417, %broadcast_in_dim3A_1419, %select_n3A_1414 : vector<256x128xi1>, vector<256x128xi32>
    %max3A_1421 = arith.maximumf %max3A_1415, %slice3A_1416 : vector<256x128xf32>
    %slice3A_1422 = vector.extract_strided_slice %dot_general3A_1284 {offsets = [0, 2816], sizes = [256, 128], strides = [1, 1]} : vector<256x8192xf32> to vector<256x128xf32>
    %gt3A_1423 = arith.cmpf ogt, %slice3A_1422, %max3A_1421 : vector<256x128xf32>
    %jit3A_1424 = arith.constant 22 : i32
    %broadcast_in_dim3A_1425 = vector.broadcast %jit3A_1424 : i32 to vector<256x128xi32>
    %select_n3A_1426 = arith.select %gt3A_1423, %broadcast_in_dim3A_1425, %select_n3A_1420 : vector<256x128xi1>, vector<256x128xi32>
    %max3A_1427 = arith.maximumf %max3A_1421, %slice3A_1422 : vector<256x128xf32>
    %slice3A_1428 = vector.extract_strided_slice %dot_general3A_1284 {offsets = [0, 2944], sizes = [256, 128], strides = [1, 1]} : vector<256x8192xf32> to vector<256x128xf32>
    %gt3A_1429 = arith.cmpf ogt, %slice3A_1428, %max3A_1427 : vector<256x128xf32>
    %jit3A_1430 = arith.constant 23 : i32
    %broadcast_in_dim3A_1431 = vector.broadcast %jit3A_1430 : i32 to vector<256x128xi32>
    %select_n3A_1432 = arith.select %gt3A_1429, %broadcast_in_dim3A_1431, %select_n3A_1426 : vector<256x128xi1>, vector<256x128xi32>
    %max3A_1433 = arith.maximumf %max3A_1427, %slice3A_1428 : vector<256x128xf32>
    %slice3A_1434 = vector.extract_strided_slice %dot_general3A_1284 {offsets = [0, 3072], sizes = [256, 128], strides = [1, 1]} : vector<256x8192xf32> to vector<256x128xf32>
    %gt3A_1435 = arith.cmpf ogt, %slice3A_1434, %max3A_1433 : vector<256x128xf32>
    %jit3A_1436 = arith.constant 24 : i32
    %broadcast_in_dim3A_1437 = vector.broadcast %jit3A_1436 : i32 to vector<256x128xi32>
    %select_n3A_1438 = arith.select %gt3A_1435, %broadcast_in_dim3A_1437, %select_n3A_1432 : vector<256x128xi1>, vector<256x128xi32>
    %max3A_1439 = arith.maximumf %max3A_1433, %slice3A_1434 : vector<256x128xf32>
    %slice3A_1440 = vector.extract_strided_slice %dot_general3A_1284 {offsets = [0, 3200], sizes = [256, 128], strides = [1, 1]} : vector<256x8192xf32> to vector<256x128xf32>
    %gt3A_1441 = arith.cmpf ogt, %slice3A_1440, %max3A_1439 : vector<256x128xf32>
    %jit3A_1442 = arith.constant 25 : i32
    %broadcast_in_dim3A_1443 = vector.broadcast %jit3A_1442 : i32 to vector<256x128xi32>
    %select_n3A_1444 = arith.select %gt3A_1441, %broadcast_in_dim3A_1443, %select_n3A_1438 : vector<256x128xi1>, vector<256x128xi32>
    %max3A_1445 = arith.maximumf %max3A_1439, %slice3A_1440 : vector<256x128xf32>
    %slice3A_1446 = vector.extract_strided_slice %dot_general3A_1284 {offsets = [0, 3328], sizes = [256, 128], strides = [1, 1]} : vector<256x8192xf32> to vector<256x128xf32>
    %gt3A_1447 = arith.cmpf ogt, %slice3A_1446, %max3A_1445 : vector<256x128xf32>
    %jit3A_1448 = arith.constant 26 : i32
    %broadcast_in_dim3A_1449 = vector.broadcast %jit3A_1448 : i32 to vector<256x128xi32>
    %select_n3A_1450 = arith.select %gt3A_1447, %broadcast_in_dim3A_1449, %select_n3A_1444 : vector<256x128xi1>, vector<256x128xi32>
    %max3A_1451 = arith.maximumf %max3A_1445, %slice3A_1446 : vector<256x128xf32>
    %slice3A_1452 = vector.extract_strided_slice %dot_general3A_1284 {offsets = [0, 3456], sizes = [256, 128], strides = [1, 1]} : vector<256x8192xf32> to vector<256x128xf32>
    %gt3A_1453 = arith.cmpf ogt, %slice3A_1452, %max3A_1451 : vector<256x128xf32>
    %jit3A_1454 = arith.constant 27 : i32
    %broadcast_in_dim3A_1455 = vector.broadcast %jit3A_1454 : i32 to vector<256x128xi32>
    %select_n3A_1456 = arith.select %gt3A_1453, %broadcast_in_dim3A_1455, %select_n3A_1450 : vector<256x128xi1>, vector<256x128xi32>
    %max3A_1457 = arith.maximumf %max3A_1451, %slice3A_1452 : vector<256x128xf32>
    %slice3A_1458 = vector.extract_strided_slice %dot_general3A_1284 {offsets = [0, 3584], sizes = [256, 128], strides = [1, 1]} : vector<256x8192xf32> to vector<256x128xf32>
    %gt3A_1459 = arith.cmpf ogt, %slice3A_1458, %max3A_1457 : vector<256x128xf32>
    %jit3A_1460 = arith.constant 28 : i32
    %broadcast_in_dim3A_1461 = vector.broadcast %jit3A_1460 : i32 to vector<256x128xi32>
    %select_n3A_1462 = arith.select %gt3A_1459, %broadcast_in_dim3A_1461, %select_n3A_1456 : vector<256x128xi1>, vector<256x128xi32>
    %max3A_1463 = arith.maximumf %max3A_1457, %slice3A_1458 : vector<256x128xf32>
    %slice3A_1464 = vector.extract_strided_slice %dot_general3A_1284 {offsets = [0, 3712], sizes = [256, 128], strides = [1, 1]} : vector<256x8192xf32> to vector<256x128xf32>
    %gt3A_1465 = arith.cmpf ogt, %slice3A_1464, %max3A_1463 : vector<256x128xf32>
    %jit3A_1466 = arith.constant 29 : i32
    %broadcast_in_dim3A_1467 = vector.broadcast %jit3A_1466 : i32 to vector<256x128xi32>
    %select_n3A_1468 = arith.select %gt3A_1465, %broadcast_in_dim3A_1467, %select_n3A_1462 : vector<256x128xi1>, vector<256x128xi32>
    %max3A_1469 = arith.maximumf %max3A_1463, %slice3A_1464 : vector<256x128xf32>
    %slice3A_1470 = vector.extract_strided_slice %dot_general3A_1284 {offsets = [0, 3840], sizes = [256, 128], strides = [1, 1]} : vector<256x8192xf32> to vector<256x128xf32>
    %gt3A_1471 = arith.cmpf ogt, %slice3A_1470, %max3A_1469 : vector<256x128xf32>
    %jit3A_1472 = arith.constant 30 : i32
    %broadcast_in_dim3A_1473 = vector.broadcast %jit3A_1472 : i32 to vector<256x128xi32>
    %select_n3A_1474 = arith.select %gt3A_1471, %broadcast_in_dim3A_1473, %select_n3A_1468 : vector<256x128xi1>, vector<256x128xi32>
    %max3A_1475 = arith.maximumf %max3A_1469, %slice3A_1470 : vector<256x128xf32>
    %slice3A_1476 = vector.extract_strided_slice %dot_general3A_1284 {offsets = [0, 3968], sizes = [256, 128], strides = [1, 1]} : vector<256x8192xf32> to vector<256x128xf32>
    %gt3A_1477 = arith.cmpf ogt, %slice3A_1476, %max3A_1475 : vector<256x128xf32>
    %jit3A_1478 = arith.constant 31 : i32
    %broadcast_in_dim3A_1479 = vector.broadcast %jit3A_1478 : i32 to vector<256x128xi32>
    %select_n3A_1480 = arith.select %gt3A_1477, %broadcast_in_dim3A_1479, %select_n3A_1474 : vector<256x128xi1>, vector<256x128xi32>
    %max3A_1481 = arith.maximumf %max3A_1475, %slice3A_1476 : vector<256x128xf32>
    %slice3A_1482 = vector.extract_strided_slice %dot_general3A_1284 {offsets = [0, 4096], sizes = [256, 128], strides = [1, 1]} : vector<256x8192xf32> to vector<256x128xf32>
    %gt3A_1483 = arith.cmpf ogt, %slice3A_1482, %max3A_1481 : vector<256x128xf32>
    %jit3A_1484 = arith.constant 32 : i32
    %broadcast_in_dim3A_1485 = vector.broadcast %jit3A_1484 : i32 to vector<256x128xi32>
    %select_n3A_1486 = arith.select %gt3A_1483, %broadcast_in_dim3A_1485, %select_n3A_1480 : vector<256x128xi1>, vector<256x128xi32>
    %max3A_1487 = arith.maximumf %max3A_1481, %slice3A_1482 : vector<256x128xf32>
    %slice3A_1488 = vector.extract_strided_slice %dot_general3A_1284 {offsets = [0, 4224], sizes = [256, 128], strides = [1, 1]} : vector<256x8192xf32> to vector<256x128xf32>
    %gt3A_1489 = arith.cmpf ogt, %slice3A_1488, %max3A_1487 : vector<256x128xf32>
    %jit3A_1490 = arith.constant 33 : i32
    %broadcast_in_dim3A_1491 = vector.broadcast %jit3A_1490 : i32 to vector<256x128xi32>
    %select_n3A_1492 = arith.select %gt3A_1489, %broadcast_in_dim3A_1491, %select_n3A_1486 : vector<256x128xi1>, vector<256x128xi32>
    %max3A_1493 = arith.maximumf %max3A_1487, %slice3A_1488 : vector<256x128xf32>
    %slice3A_1494 = vector.extract_strided_slice %dot_general3A_1284 {offsets = [0, 4352], sizes = [256, 128], strides = [1, 1]} : vector<256x8192xf32> to vector<256x128xf32>
    %gt3A_1495 = arith.cmpf ogt, %slice3A_1494, %max3A_1493 : vector<256x128xf32>
    %jit3A_1496 = arith.constant 34 : i32
    %broadcast_in_dim3A_1497 = vector.broadcast %jit3A_1496 : i32 to vector<256x128xi32>
    %select_n3A_1498 = arith.select %gt3A_1495, %broadcast_in_dim3A_1497, %select_n3A_1492 : vector<256x128xi1>, vector<256x128xi32>
    %max3A_1499 = arith.maximumf %max3A_1493, %slice3A_1494 : vector<256x128xf32>
    %slice3A_1500 = vector.extract_strided_slice %dot_general3A_1284 {offsets = [0, 4480], sizes = [256, 128], strides = [1, 1]} : vector<256x8192xf32> to vector<256x128xf32>
    %gt3A_1501 = arith.cmpf ogt, %slice3A_1500, %max3A_1499 : vector<256x128xf32>
    %jit3A_1502 = arith.constant 35 : i32
    %broadcast_in_dim3A_1503 = vector.broadcast %jit3A_1502 : i32 to vector<256x128xi32>
    %select_n3A_1504 = arith.select %gt3A_1501, %broadcast_in_dim3A_1503, %select_n3A_1498 : vector<256x128xi1>, vector<256x128xi32>
    %max3A_1505 = arith.maximumf %max3A_1499, %slice3A_1500 : vector<256x128xf32>
    %slice3A_1506 = vector.extract_strided_slice %dot_general3A_1284 {offsets = [0, 4608], sizes = [256, 128], strides = [1, 1]} : vector<256x8192xf32> to vector<256x128xf32>
    %gt3A_1507 = arith.cmpf ogt, %slice3A_1506, %max3A_1505 : vector<256x128xf32>
    %jit3A_1508 = arith.constant 36 : i32
    %broadcast_in_dim3A_1509 = vector.broadcast %jit3A_1508 : i32 to vector<256x128xi32>
    %select_n3A_1510 = arith.select %gt3A_1507, %broadcast_in_dim3A_1509, %select_n3A_1504 : vector<256x128xi1>, vector<256x128xi32>
    %max3A_1511 = arith.maximumf %max3A_1505, %slice3A_1506 : vector<256x128xf32>
    %slice3A_1512 = vector.extract_strided_slice %dot_general3A_1284 {offsets = [0, 4736], sizes = [256, 128], strides = [1, 1]} : vector<256x8192xf32> to vector<256x128xf32>
    %gt3A_1513 = arith.cmpf ogt, %slice3A_1512, %max3A_1511 : vector<256x128xf32>
    %jit3A_1514 = arith.constant 37 : i32
    %broadcast_in_dim3A_1515 = vector.broadcast %jit3A_1514 : i32 to vector<256x128xi32>
    %select_n3A_1516 = arith.select %gt3A_1513, %broadcast_in_dim3A_1515, %select_n3A_1510 : vector<256x128xi1>, vector<256x128xi32>
    %max3A_1517 = arith.maximumf %max3A_1511, %slice3A_1512 : vector<256x128xf32>
    %slice3A_1518 = vector.extract_strided_slice %dot_general3A_1284 {offsets = [0, 4864], sizes = [256, 128], strides = [1, 1]} : vector<256x8192xf32> to vector<256x128xf32>
    %gt3A_1519 = arith.cmpf ogt, %slice3A_1518, %max3A_1517 : vector<256x128xf32>
    %jit3A_1520 = arith.constant 38 : i32
    %broadcast_in_dim3A_1521 = vector.broadcast %jit3A_1520 : i32 to vector<256x128xi32>
    %select_n3A_1522 = arith.select %gt3A_1519, %broadcast_in_dim3A_1521, %select_n3A_1516 : vector<256x128xi1>, vector<256x128xi32>
    %max3A_1523 = arith.maximumf %max3A_1517, %slice3A_1518 : vector<256x128xf32>
    %slice3A_1524 = vector.extract_strided_slice %dot_general3A_1284 {offsets = [0, 4992], sizes = [256, 128], strides = [1, 1]} : vector<256x8192xf32> to vector<256x128xf32>
    %gt3A_1525 = arith.cmpf ogt, %slice3A_1524, %max3A_1523 : vector<256x128xf32>
    %jit3A_1526 = arith.constant 39 : i32
    %broadcast_in_dim3A_1527 = vector.broadcast %jit3A_1526 : i32 to vector<256x128xi32>
    %select_n3A_1528 = arith.select %gt3A_1525, %broadcast_in_dim3A_1527, %select_n3A_1522 : vector<256x128xi1>, vector<256x128xi32>
    %max3A_1529 = arith.maximumf %max3A_1523, %slice3A_1524 : vector<256x128xf32>
    %slice3A_1530 = vector.extract_strided_slice %dot_general3A_1284 {offsets = [0, 5120], sizes = [256, 128], strides = [1, 1]} : vector<256x8192xf32> to vector<256x128xf32>
    %gt3A_1531 = arith.cmpf ogt, %slice3A_1530, %max3A_1529 : vector<256x128xf32>
    %jit3A_1532 = arith.constant 40 : i32
    %broadcast_in_dim3A_1533 = vector.broadcast %jit3A_1532 : i32 to vector<256x128xi32>
    %select_n3A_1534 = arith.select %gt3A_1531, %broadcast_in_dim3A_1533, %select_n3A_1528 : vector<256x128xi1>, vector<256x128xi32>
    %max3A_1535 = arith.maximumf %max3A_1529, %slice3A_1530 : vector<256x128xf32>
    %slice3A_1536 = vector.extract_strided_slice %dot_general3A_1284 {offsets = [0, 5248], sizes = [256, 128], strides = [1, 1]} : vector<256x8192xf32> to vector<256x128xf32>
    %gt3A_1537 = arith.cmpf ogt, %slice3A_1536, %max3A_1535 : vector<256x128xf32>
    %jit3A_1538 = arith.constant 41 : i32
    %broadcast_in_dim3A_1539 = vector.broadcast %jit3A_1538 : i32 to vector<256x128xi32>
    %select_n3A_1540 = arith.select %gt3A_1537, %broadcast_in_dim3A_1539, %select_n3A_1534 : vector<256x128xi1>, vector<256x128xi32>
    %max3A_1541 = arith.maximumf %max3A_1535, %slice3A_1536 : vector<256x128xf32>
    %slice3A_1542 = vector.extract_strided_slice %dot_general3A_1284 {offsets = [0, 5376], sizes = [256, 128], strides = [1, 1]} : vector<256x8192xf32> to vector<256x128xf32>
    %gt3A_1543 = arith.cmpf ogt, %slice3A_1542, %max3A_1541 : vector<256x128xf32>
    %jit3A_1544 = arith.constant 42 : i32
    %broadcast_in_dim3A_1545 = vector.broadcast %jit3A_1544 : i32 to vector<256x128xi32>
    %select_n3A_1546 = arith.select %gt3A_1543, %broadcast_in_dim3A_1545, %select_n3A_1540 : vector<256x128xi1>, vector<256x128xi32>
    %max3A_1547 = arith.maximumf %max3A_1541, %slice3A_1542 : vector<256x128xf32>
    %slice3A_1548 = vector.extract_strided_slice %dot_general3A_1284 {offsets = [0, 5504], sizes = [256, 128], strides = [1, 1]} : vector<256x8192xf32> to vector<256x128xf32>
    %gt3A_1549 = arith.cmpf ogt, %slice3A_1548, %max3A_1547 : vector<256x128xf32>
    %jit3A_1550 = arith.constant 43 : i32
    %broadcast_in_dim3A_1551 = vector.broadcast %jit3A_1550 : i32 to vector<256x128xi32>
    %select_n3A_1552 = arith.select %gt3A_1549, %broadcast_in_dim3A_1551, %select_n3A_1546 : vector<256x128xi1>, vector<256x128xi32>
    %max3A_1553 = arith.maximumf %max3A_1547, %slice3A_1548 : vector<256x128xf32>
    %slice3A_1554 = vector.extract_strided_slice %dot_general3A_1284 {offsets = [0, 5632], sizes = [256, 128], strides = [1, 1]} : vector<256x8192xf32> to vector<256x128xf32>
    %gt3A_1555 = arith.cmpf ogt, %slice3A_1554, %max3A_1553 : vector<256x128xf32>
    %jit3A_1556 = arith.constant 44 : i32
    %broadcast_in_dim3A_1557 = vector.broadcast %jit3A_1556 : i32 to vector<256x128xi32>
    %select_n3A_1558 = arith.select %gt3A_1555, %broadcast_in_dim3A_1557, %select_n3A_1552 : vector<256x128xi1>, vector<256x128xi32>
    %max3A_1559 = arith.maximumf %max3A_1553, %slice3A_1554 : vector<256x128xf32>
    %slice3A_1560 = vector.extract_strided_slice %dot_general3A_1284 {offsets = [0, 5760], sizes = [256, 128], strides = [1, 1]} : vector<256x8192xf32> to vector<256x128xf32>
    %gt3A_1561 = arith.cmpf ogt, %slice3A_1560, %max3A_1559 : vector<256x128xf32>
    %jit3A_1562 = arith.constant 45 : i32
    %broadcast_in_dim3A_1563 = vector.broadcast %jit3A_1562 : i32 to vector<256x128xi32>
    %select_n3A_1564 = arith.select %gt3A_1561, %broadcast_in_dim3A_1563, %select_n3A_1558 : vector<256x128xi1>, vector<256x128xi32>
    %max3A_1565 = arith.maximumf %max3A_1559, %slice3A_1560 : vector<256x128xf32>
    %slice3A_1566 = vector.extract_strided_slice %dot_general3A_1284 {offsets = [0, 5888], sizes = [256, 128], strides = [1, 1]} : vector<256x8192xf32> to vector<256x128xf32>
    %gt3A_1567 = arith.cmpf ogt, %slice3A_1566, %max3A_1565 : vector<256x128xf32>
    %jit3A_1568 = arith.constant 46 : i32
    %broadcast_in_dim3A_1569 = vector.broadcast %jit3A_1568 : i32 to vector<256x128xi32>
    %select_n3A_1570 = arith.select %gt3A_1567, %broadcast_in_dim3A_1569, %select_n3A_1564 : vector<256x128xi1>, vector<256x128xi32>
    %max3A_1571 = arith.maximumf %max3A_1565, %slice3A_1566 : vector<256x128xf32>
    %slice3A_1572 = vector.extract_strided_slice %dot_general3A_1284 {offsets = [0, 6016], sizes = [256, 128], strides = [1, 1]} : vector<256x8192xf32> to vector<256x128xf32>
    %gt3A_1573 = arith.cmpf ogt, %slice3A_1572, %max3A_1571 : vector<256x128xf32>
    %jit3A_1574 = arith.constant 47 : i32
    %broadcast_in_dim3A_1575 = vector.broadcast %jit3A_1574 : i32 to vector<256x128xi32>
    %select_n3A_1576 = arith.select %gt3A_1573, %broadcast_in_dim3A_1575, %select_n3A_1570 : vector<256x128xi1>, vector<256x128xi32>
    %max3A_1577 = arith.maximumf %max3A_1571, %slice3A_1572 : vector<256x128xf32>
    %slice3A_1578 = vector.extract_strided_slice %dot_general3A_1284 {offsets = [0, 6144], sizes = [256, 128], strides = [1, 1]} : vector<256x8192xf32> to vector<256x128xf32>
    %gt3A_1579 = arith.cmpf ogt, %slice3A_1578, %max3A_1577 : vector<256x128xf32>
    %jit3A_1580 = arith.constant 48 : i32
    %broadcast_in_dim3A_1581 = vector.broadcast %jit3A_1580 : i32 to vector<256x128xi32>
    %select_n3A_1582 = arith.select %gt3A_1579, %broadcast_in_dim3A_1581, %select_n3A_1576 : vector<256x128xi1>, vector<256x128xi32>
    %max3A_1583 = arith.maximumf %max3A_1577, %slice3A_1578 : vector<256x128xf32>
    %slice3A_1584 = vector.extract_strided_slice %dot_general3A_1284 {offsets = [0, 6272], sizes = [256, 128], strides = [1, 1]} : vector<256x8192xf32> to vector<256x128xf32>
    %gt3A_1585 = arith.cmpf ogt, %slice3A_1584, %max3A_1583 : vector<256x128xf32>
    %jit3A_1586 = arith.constant 49 : i32
    %broadcast_in_dim3A_1587 = vector.broadcast %jit3A_1586 : i32 to vector<256x128xi32>
    %select_n3A_1588 = arith.select %gt3A_1585, %broadcast_in_dim3A_1587, %select_n3A_1582 : vector<256x128xi1>, vector<256x128xi32>
    %max3A_1589 = arith.maximumf %max3A_1583, %slice3A_1584 : vector<256x128xf32>
    %slice3A_1590 = vector.extract_strided_slice %dot_general3A_1284 {offsets = [0, 6400], sizes = [256, 128], strides = [1, 1]} : vector<256x8192xf32> to vector<256x128xf32>
    %gt3A_1591 = arith.cmpf ogt, %slice3A_1590, %max3A_1589 : vector<256x128xf32>
    %jit3A_1592 = arith.constant 50 : i32
    %broadcast_in_dim3A_1593 = vector.broadcast %jit3A_1592 : i32 to vector<256x128xi32>
    %select_n3A_1594 = arith.select %gt3A_1591, %broadcast_in_dim3A_1593, %select_n3A_1588 : vector<256x128xi1>, vector<256x128xi32>
    %max3A_1595 = arith.maximumf %max3A_1589, %slice3A_1590 : vector<256x128xf32>
    %slice3A_1596 = vector.extract_strided_slice %dot_general3A_1284 {offsets = [0, 6528], sizes = [256, 128], strides = [1, 1]} : vector<256x8192xf32> to vector<256x128xf32>
    %gt3A_1597 = arith.cmpf ogt, %slice3A_1596, %max3A_1595 : vector<256x128xf32>
    %jit3A_1598 = arith.constant 51 : i32
    %broadcast_in_dim3A_1599 = vector.broadcast %jit3A_1598 : i32 to vector<256x128xi32>
    %select_n3A_1600 = arith.select %gt3A_1597, %broadcast_in_dim3A_1599, %select_n3A_1594 : vector<256x128xi1>, vector<256x128xi32>
    %max3A_1601 = arith.maximumf %max3A_1595, %slice3A_1596 : vector<256x128xf32>
    %slice3A_1602 = vector.extract_strided_slice %dot_general3A_1284 {offsets = [0, 6656], sizes = [256, 128], strides = [1, 1]} : vector<256x8192xf32> to vector<256x128xf32>
    %gt3A_1603 = arith.cmpf ogt, %slice3A_1602, %max3A_1601 : vector<256x128xf32>
    %jit3A_1604 = arith.constant 52 : i32
    %broadcast_in_dim3A_1605 = vector.broadcast %jit3A_1604 : i32 to vector<256x128xi32>
    %select_n3A_1606 = arith.select %gt3A_1603, %broadcast_in_dim3A_1605, %select_n3A_1600 : vector<256x128xi1>, vector<256x128xi32>
    %max3A_1607 = arith.maximumf %max3A_1601, %slice3A_1602 : vector<256x128xf32>
    %slice3A_1608 = vector.extract_strided_slice %dot_general3A_1284 {offsets = [0, 6784], sizes = [256, 128], strides = [1, 1]} : vector<256x8192xf32> to vector<256x128xf32>
    %gt3A_1609 = arith.cmpf ogt, %slice3A_1608, %max3A_1607 : vector<256x128xf32>
    %jit3A_1610 = arith.constant 53 : i32
    %broadcast_in_dim3A_1611 = vector.broadcast %jit3A_1610 : i32 to vector<256x128xi32>
    %select_n3A_1612 = arith.select %gt3A_1609, %broadcast_in_dim3A_1611, %select_n3A_1606 : vector<256x128xi1>, vector<256x128xi32>
    %max3A_1613 = arith.maximumf %max3A_1607, %slice3A_1608 : vector<256x128xf32>
    %slice3A_1614 = vector.extract_strided_slice %dot_general3A_1284 {offsets = [0, 6912], sizes = [256, 128], strides = [1, 1]} : vector<256x8192xf32> to vector<256x128xf32>
    %gt3A_1615 = arith.cmpf ogt, %slice3A_1614, %max3A_1613 : vector<256x128xf32>
    %jit3A_1616 = arith.constant 54 : i32
    %broadcast_in_dim3A_1617 = vector.broadcast %jit3A_1616 : i32 to vector<256x128xi32>
    %select_n3A_1618 = arith.select %gt3A_1615, %broadcast_in_dim3A_1617, %select_n3A_1612 : vector<256x128xi1>, vector<256x128xi32>
    %max3A_1619 = arith.maximumf %max3A_1613, %slice3A_1614 : vector<256x128xf32>
    %slice3A_1620 = vector.extract_strided_slice %dot_general3A_1284 {offsets = [0, 7040], sizes = [256, 128], strides = [1, 1]} : vector<256x8192xf32> to vector<256x128xf32>
    %gt3A_1621 = arith.cmpf ogt, %slice3A_1620, %max3A_1619 : vector<256x128xf32>
    %jit3A_1622 = arith.constant 55 : i32
    %broadcast_in_dim3A_1623 = vector.broadcast %jit3A_1622 : i32 to vector<256x128xi32>
    %select_n3A_1624 = arith.select %gt3A_1621, %broadcast_in_dim3A_1623, %select_n3A_1618 : vector<256x128xi1>, vector<256x128xi32>
    %max3A_1625 = arith.maximumf %max3A_1619, %slice3A_1620 : vector<256x128xf32>
    %slice3A_1626 = vector.extract_strided_slice %dot_general3A_1284 {offsets = [0, 7168], sizes = [256, 128], strides = [1, 1]} : vector<256x8192xf32> to vector<256x128xf32>
    %gt3A_1627 = arith.cmpf ogt, %slice3A_1626, %max3A_1625 : vector<256x128xf32>
    %jit3A_1628 = arith.constant 56 : i32
    %broadcast_in_dim3A_1629 = vector.broadcast %jit3A_1628 : i32 to vector<256x128xi32>
    %select_n3A_1630 = arith.select %gt3A_1627, %broadcast_in_dim3A_1629, %select_n3A_1624 : vector<256x128xi1>, vector<256x128xi32>
    %max3A_1631 = arith.maximumf %max3A_1625, %slice3A_1626 : vector<256x128xf32>
    %slice3A_1632 = vector.extract_strided_slice %dot_general3A_1284 {offsets = [0, 7296], sizes = [256, 128], strides = [1, 1]} : vector<256x8192xf32> to vector<256x128xf32>
    %gt3A_1633 = arith.cmpf ogt, %slice3A_1632, %max3A_1631 : vector<256x128xf32>
    %jit3A_1634 = arith.constant 57 : i32
    %broadcast_in_dim3A_1635 = vector.broadcast %jit3A_1634 : i32 to vector<256x128xi32>
    %select_n3A_1636 = arith.select %gt3A_1633, %broadcast_in_dim3A_1635, %select_n3A_1630 : vector<256x128xi1>, vector<256x128xi32>
    %max3A_1637 = arith.maximumf %max3A_1631, %slice3A_1632 : vector<256x128xf32>
    %slice3A_1638 = vector.extract_strided_slice %dot_general3A_1284 {offsets = [0, 7424], sizes = [256, 128], strides = [1, 1]} : vector<256x8192xf32> to vector<256x128xf32>
    %gt3A_1639 = arith.cmpf ogt, %slice3A_1638, %max3A_1637 : vector<256x128xf32>
    %jit3A_1640 = arith.constant 58 : i32
    %broadcast_in_dim3A_1641 = vector.broadcast %jit3A_1640 : i32 to vector<256x128xi32>
    %select_n3A_1642 = arith.select %gt3A_1639, %broadcast_in_dim3A_1641, %select_n3A_1636 : vector<256x128xi1>, vector<256x128xi32>
    %max3A_1643 = arith.maximumf %max3A_1637, %slice3A_1638 : vector<256x128xf32>
    %slice3A_1644 = vector.extract_strided_slice %dot_general3A_1284 {offsets = [0, 7552], sizes = [256, 128], strides = [1, 1]} : vector<256x8192xf32> to vector<256x128xf32>
    %gt3A_1645 = arith.cmpf ogt, %slice3A_1644, %max3A_1643 : vector<256x128xf32>
    %jit3A_1646 = arith.constant 59 : i32
    %broadcast_in_dim3A_1647 = vector.broadcast %jit3A_1646 : i32 to vector<256x128xi32>
    %select_n3A_1648 = arith.select %gt3A_1645, %broadcast_in_dim3A_1647, %select_n3A_1642 : vector<256x128xi1>, vector<256x128xi32>
    %max3A_1649 = arith.maximumf %max3A_1643, %slice3A_1644 : vector<256x128xf32>
    %slice3A_1650 = vector.extract_strided_slice %dot_general3A_1284 {offsets = [0, 7680], sizes = [256, 128], strides = [1, 1]} : vector<256x8192xf32> to vector<256x128xf32>
    %gt3A_1651 = arith.cmpf ogt, %slice3A_1650, %max3A_1649 : vector<256x128xf32>
    %jit3A_1652 = arith.constant 60 : i32
    %broadcast_in_dim3A_1653 = vector.broadcast %jit3A_1652 : i32 to vector<256x128xi32>
    %select_n3A_1654 = arith.select %gt3A_1651, %broadcast_in_dim3A_1653, %select_n3A_1648 : vector<256x128xi1>, vector<256x128xi32>
    %max3A_1655 = arith.maximumf %max3A_1649, %slice3A_1650 : vector<256x128xf32>
    %slice3A_1656 = vector.extract_strided_slice %dot_general3A_1284 {offsets = [0, 7808], sizes = [256, 128], strides = [1, 1]} : vector<256x8192xf32> to vector<256x128xf32>
    %gt3A_1657 = arith.cmpf ogt, %slice3A_1656, %max3A_1655 : vector<256x128xf32>
    %jit3A_1658 = arith.constant 61 : i32
    %broadcast_in_dim3A_1659 = vector.broadcast %jit3A_1658 : i32 to vector<256x128xi32>
    %select_n3A_1660 = arith.select %gt3A_1657, %broadcast_in_dim3A_1659, %select_n3A_1654 : vector<256x128xi1>, vector<256x128xi32>
    %max3A_1661 = arith.maximumf %max3A_1655, %slice3A_1656 : vector<256x128xf32>
    %slice3A_1662 = vector.extract_strided_slice %dot_general3A_1284 {offsets = [0, 7936], sizes = [256, 128], strides = [1, 1]} : vector<256x8192xf32> to vector<256x128xf32>
    %gt3A_1663 = arith.cmpf ogt, %slice3A_1662, %max3A_1661 : vector<256x128xf32>
    %jit3A_1664 = arith.constant 62 : i32
    %broadcast_in_dim3A_1665 = vector.broadcast %jit3A_1664 : i32 to vector<256x128xi32>
    %select_n3A_1666 = arith.select %gt3A_1663, %broadcast_in_dim3A_1665, %select_n3A_1660 : vector<256x128xi1>, vector<256x128xi32>
    %max3A_1667 = arith.maximumf %max3A_1661, %slice3A_1662 : vector<256x128xf32>
    %slice3A_1668 = vector.extract_strided_slice %dot_general3A_1284 {offsets = [0, 8064], sizes = [256, 128], strides = [1, 1]} : vector<256x8192xf32> to vector<256x128xf32>
    %gt3A_1669 = arith.cmpf ogt, %slice3A_1668, %max3A_1667 : vector<256x128xf32>
    %jit3A_1670 = arith.constant 63 : i32
    %broadcast_in_dim3A_1671 = vector.broadcast %jit3A_1670 : i32 to vector<256x128xi32>
    %select_n3A_1672 = arith.select %gt3A_1669, %broadcast_in_dim3A_1671, %select_n3A_1666 : vector<256x128xi1>, vector<256x128xi32>
    %max3A_1673 = arith.maximumf %max3A_1667, %slice3A_1668 : vector<256x128xf32>
    %reduce_max3A_1674 = arith.constant dense<0xFF800000> : vector<256xf32>
    %reduce_max3A_1675 = vector.multi_reduction <maximumf>, %max3A_1673, %reduce_max3A_1674 [1] : vector<256x128xf32> to vector<256xf32>
    %mul3A_1676 = arith.constant 128 : i32
    %mul3A_1677 = vector.broadcast %mul3A_1676 : i32 to vector<256x128xi32>
    %mul3A_1678 = arith.muli %select_n3A_1672, %mul3A_1677 : vector<256x128xi32>
    %add3A_1679 = arith.addi %mul3A_1678, %iota3A_1285 : vector<256x128xi32>
    %broadcast_in_dim3A_1680 = vector.shape_cast %reduce_max3A_1675 : vector<256xf32> to vector<256x1xf32>
    %eq3A_1681 = vector.broadcast %broadcast_in_dim3A_1680 : vector<256x1xf32> to vector<256x128xf32>
    %eq3A_1682 = arith.cmpf oeq, %max3A_1673, %eq3A_1681 : vector<256x128xf32>
    %jit3A_1683 = arith.constant 8192 : i32
    %broadcast_in_dim3A_1684 = vector.broadcast %jit3A_1683 : i32 to vector<256x128xi32>
    %select_n3A_1685 = arith.select %eq3A_1682, %add3A_1679, %broadcast_in_dim3A_1684 : vector<256x128xi1>, vector<256x128xi32>
    %reduce_min3A_1686 = arith.constant dense<2147483647> : vector<256xi32>
    %reduce_min3A_1687 = vector.multi_reduction <minsi>, %select_n3A_1685, %reduce_min3A_1686 [1] : vector<256x128xi32> to vector<256xi32>
    %swap3A_1688 = arith.constant 0 : index
    %swap3A_1689 = arith.constant 0 : index
    %swap3A_1690 = arith.constant 768 : index
    %swap3A_1691 = vector.load %arg3[%swap3A_1688, %swap3A_1689, %swap3A_1690] : memref<1x1x2048xi32, #tpu.memory_space<vmem>>, vector<1x1x256xi32>
    %swap3A_1692 = vector.shape_cast %swap3A_1691 : vector<1x1x256xi32> to vector<256xi32>
    %swap3A_1693 = vector.shape_cast %reduce_min3A_1687 : vector<256xi32> to vector<1x1x256xi32>
    tpu.vector_store %arg3[%swap3A_1688, %swap3A_1689, %swap3A_1690], %swap3A_1693 {strides = array<i32>} : memref<1x1x2048xi32, #tpu.memory_space<vmem>>, vector<1x1x256xi32>,
    %mul3A_1694 = arith.constant 2.000000e+00 : f32
    %mul3A_1695 = vector.broadcast %mul3A_1694 : f32 to vector<256xf32>
    %mul3A_1696 = arith.mulf %mul3A_1695, %reduce_max3A_1675 : vector<256xf32>
    %sub3A_1697 = arith.constant 1.000000e+00 : f32
    %sub3A_1698 = vector.broadcast %sub3A_1697 : f32 to vector<256xf32>
    %sub3A_1699 = arith.subf %sub3A_1698, %mul3A_1696 : vector<256xf32>
    %slice3A_1700 = vector.extract_strided_slice %reduce_sum3A_8 {offsets = [768], sizes = [256], strides = [1]} : vector<2048xf32> to vector<256xf32>
    %add3A_1701 = arith.addf %sub3A_1699, %slice3A_1700 : vector<256xf32>
    %reduce_sum3A_1702 = vector.shape_cast %add3A_1701 : vector<256xf32> to vector<1x256xf32>
    %reduce_sum3A_1703 = arith.constant dense<0.000000e+00> : vector<1xf32>
    %reduce_sum3A_1704 = vector.multi_reduction <add>, %reduce_sum3A_1702, %reduce_sum3A_1703 [1] : vector<1x256xf32> to vector<1xf32>
    %reduce_sum3A_1705 = vector.shape_cast %reduce_sum3A_1704 : vector<1xf32> to vector<1x1xf32>
    %reduce_sum3A_1706 = vector.extract %reduce_sum3A_1705[0, 0] : f32 from vector<1x1xf32>
    %add3A_1707 = arith.addf %add3A_1281, %reduce_sum3A_1706 : f32
    %slice3A_1708 = vector.extract_strided_slice %div3A_5 {offsets = [1024, 0], sizes = [256, 64], strides = [1, 1]} : vector<2048x64xf32> to vector<256x64xf32>
    %dot_general3A_1709 = arith.constant dense<0.000000e+00> : vector<256x8192xf32>
    %dot_general3A_1710 = tpu.matmul %slice3A_1708, %get3A_11, %dot_general3A_1709 {dimension_numbers = #tpu.dot_dimension_numbers<[1], [1], [0], [0], [0, 0, 1, 0], [], []>, transpose_lhs_hint = false} : vector<256x64xf32>, vector<8192x64xf32>, vector<256x8192xf32> -> vector<256x8192xf32>
    %iota3A_1711 = tpu.iota {dimensions = array<i32: 1>} : vector<256x128xi32>
    %broadcast_in_dim3A_1712 = arith.constant -2.000000e+00 : f32
    %broadcast_in_dim3A_1713 = vector.broadcast %broadcast_in_dim3A_1712 : f32 to vector<256x128xf32>
    %broadcast_in_dim3A_1714 = arith.constant 0 : i32
    %broadcast_in_dim3A_1715 = vector.broadcast %broadcast_in_dim3A_1714 : i32 to vector<256x128xi32>
    %slice3A_1716 = vector.extract_strided_slice %dot_general3A_1710 {offsets = [0, 0], sizes = [256, 128], strides = [1, 1]} : vector<256x8192xf32> to vector<256x128xf32>
    %gt3A_1717 = arith.cmpf ogt, %slice3A_1716, %broadcast_in_dim3A_1713 : vector<256x128xf32>
    %jit3A_1718 = arith.constant 0 : i32
    %broadcast_in_dim3A_1719 = vector.broadcast %jit3A_1718 : i32 to vector<256x128xi32>
    %select_n3A_1720 = arith.select %gt3A_1717, %broadcast_in_dim3A_1719, %broadcast_in_dim3A_1715 : vector<256x128xi1>, vector<256x128xi32>
    %max3A_1721 = arith.maximumf %broadcast_in_dim3A_1713, %slice3A_1716 : vector<256x128xf32>
    %slice3A_1722 = vector.extract_strided_slice %dot_general3A_1710 {offsets = [0, 128], sizes = [256, 128], strides = [1, 1]} : vector<256x8192xf32> to vector<256x128xf32>
    %gt3A_1723 = arith.cmpf ogt, %slice3A_1722, %max3A_1721 : vector<256x128xf32>
    %jit3A_1724 = arith.constant 1 : i32
    %broadcast_in_dim3A_1725 = vector.broadcast %jit3A_1724 : i32 to vector<256x128xi32>
    %select_n3A_1726 = arith.select %gt3A_1723, %broadcast_in_dim3A_1725, %select_n3A_1720 : vector<256x128xi1>, vector<256x128xi32>
    %max3A_1727 = arith.maximumf %max3A_1721, %slice3A_1722 : vector<256x128xf32>
    %slice3A_1728 = vector.extract_strided_slice %dot_general3A_1710 {offsets = [0, 256], sizes = [256, 128], strides = [1, 1]} : vector<256x8192xf32> to vector<256x128xf32>
    %gt3A_1729 = arith.cmpf ogt, %slice3A_1728, %max3A_1727 : vector<256x128xf32>
    %jit3A_1730 = arith.constant 2 : i32
    %broadcast_in_dim3A_1731 = vector.broadcast %jit3A_1730 : i32 to vector<256x128xi32>
    %select_n3A_1732 = arith.select %gt3A_1729, %broadcast_in_dim3A_1731, %select_n3A_1726 : vector<256x128xi1>, vector<256x128xi32>
    %max3A_1733 = arith.maximumf %max3A_1727, %slice3A_1728 : vector<256x128xf32>
    %slice3A_1734 = vector.extract_strided_slice %dot_general3A_1710 {offsets = [0, 384], sizes = [256, 128], strides = [1, 1]} : vector<256x8192xf32> to vector<256x128xf32>
    %gt3A_1735 = arith.cmpf ogt, %slice3A_1734, %max3A_1733 : vector<256x128xf32>
    %jit3A_1736 = arith.constant 3 : i32
    %broadcast_in_dim3A_1737 = vector.broadcast %jit3A_1736 : i32 to vector<256x128xi32>
    %select_n3A_1738 = arith.select %gt3A_1735, %broadcast_in_dim3A_1737, %select_n3A_1732 : vector<256x128xi1>, vector<256x128xi32>
    %max3A_1739 = arith.maximumf %max3A_1733, %slice3A_1734 : vector<256x128xf32>
    %slice3A_1740 = vector.extract_strided_slice %dot_general3A_1710 {offsets = [0, 512], sizes = [256, 128], strides = [1, 1]} : vector<256x8192xf32> to vector<256x128xf32>
    %gt3A_1741 = arith.cmpf ogt, %slice3A_1740, %max3A_1739 : vector<256x128xf32>
    %jit3A_1742 = arith.constant 4 : i32
    %broadcast_in_dim3A_1743 = vector.broadcast %jit3A_1742 : i32 to vector<256x128xi32>
    %select_n3A_1744 = arith.select %gt3A_1741, %broadcast_in_dim3A_1743, %select_n3A_1738 : vector<256x128xi1>, vector<256x128xi32>
    %max3A_1745 = arith.maximumf %max3A_1739, %slice3A_1740 : vector<256x128xf32>
    %slice3A_1746 = vector.extract_strided_slice %dot_general3A_1710 {offsets = [0, 640], sizes = [256, 128], strides = [1, 1]} : vector<256x8192xf32> to vector<256x128xf32>
    %gt3A_1747 = arith.cmpf ogt, %slice3A_1746, %max3A_1745 : vector<256x128xf32>
    %jit3A_1748 = arith.constant 5 : i32
    %broadcast_in_dim3A_1749 = vector.broadcast %jit3A_1748 : i32 to vector<256x128xi32>
    %select_n3A_1750 = arith.select %gt3A_1747, %broadcast_in_dim3A_1749, %select_n3A_1744 : vector<256x128xi1>, vector<256x128xi32>
    %max3A_1751 = arith.maximumf %max3A_1745, %slice3A_1746 : vector<256x128xf32>
    %slice3A_1752 = vector.extract_strided_slice %dot_general3A_1710 {offsets = [0, 768], sizes = [256, 128], strides = [1, 1]} : vector<256x8192xf32> to vector<256x128xf32>
    %gt3A_1753 = arith.cmpf ogt, %slice3A_1752, %max3A_1751 : vector<256x128xf32>
    %jit3A_1754 = arith.constant 6 : i32
    %broadcast_in_dim3A_1755 = vector.broadcast %jit3A_1754 : i32 to vector<256x128xi32>
    %select_n3A_1756 = arith.select %gt3A_1753, %broadcast_in_dim3A_1755, %select_n3A_1750 : vector<256x128xi1>, vector<256x128xi32>
    %max3A_1757 = arith.maximumf %max3A_1751, %slice3A_1752 : vector<256x128xf32>
    %slice3A_1758 = vector.extract_strided_slice %dot_general3A_1710 {offsets = [0, 896], sizes = [256, 128], strides = [1, 1]} : vector<256x8192xf32> to vector<256x128xf32>
    %gt3A_1759 = arith.cmpf ogt, %slice3A_1758, %max3A_1757 : vector<256x128xf32>
    %jit3A_1760 = arith.constant 7 : i32
    %broadcast_in_dim3A_1761 = vector.broadcast %jit3A_1760 : i32 to vector<256x128xi32>
    %select_n3A_1762 = arith.select %gt3A_1759, %broadcast_in_dim3A_1761, %select_n3A_1756 : vector<256x128xi1>, vector<256x128xi32>
    %max3A_1763 = arith.maximumf %max3A_1757, %slice3A_1758 : vector<256x128xf32>
    %slice3A_1764 = vector.extract_strided_slice %dot_general3A_1710 {offsets = [0, 1024], sizes = [256, 128], strides = [1, 1]} : vector<256x8192xf32> to vector<256x128xf32>
    %gt3A_1765 = arith.cmpf ogt, %slice3A_1764, %max3A_1763 : vector<256x128xf32>
    %jit3A_1766 = arith.constant 8 : i32
    %broadcast_in_dim3A_1767 = vector.broadcast %jit3A_1766 : i32 to vector<256x128xi32>
    %select_n3A_1768 = arith.select %gt3A_1765, %broadcast_in_dim3A_1767, %select_n3A_1762 : vector<256x128xi1>, vector<256x128xi32>
    %max3A_1769 = arith.maximumf %max3A_1763, %slice3A_1764 : vector<256x128xf32>
    %slice3A_1770 = vector.extract_strided_slice %dot_general3A_1710 {offsets = [0, 1152], sizes = [256, 128], strides = [1, 1]} : vector<256x8192xf32> to vector<256x128xf32>
    %gt3A_1771 = arith.cmpf ogt, %slice3A_1770, %max3A_1769 : vector<256x128xf32>
    %jit3A_1772 = arith.constant 9 : i32
    %broadcast_in_dim3A_1773 = vector.broadcast %jit3A_1772 : i32 to vector<256x128xi32>
    %select_n3A_1774 = arith.select %gt3A_1771, %broadcast_in_dim3A_1773, %select_n3A_1768 : vector<256x128xi1>, vector<256x128xi32>
    %max3A_1775 = arith.maximumf %max3A_1769, %slice3A_1770 : vector<256x128xf32>
    %slice3A_1776 = vector.extract_strided_slice %dot_general3A_1710 {offsets = [0, 1280], sizes = [256, 128], strides = [1, 1]} : vector<256x8192xf32> to vector<256x128xf32>
    %gt3A_1777 = arith.cmpf ogt, %slice3A_1776, %max3A_1775 : vector<256x128xf32>
    %jit3A_1778 = arith.constant 10 : i32
    %broadcast_in_dim3A_1779 = vector.broadcast %jit3A_1778 : i32 to vector<256x128xi32>
    %select_n3A_1780 = arith.select %gt3A_1777, %broadcast_in_dim3A_1779, %select_n3A_1774 : vector<256x128xi1>, vector<256x128xi32>
    %max3A_1781 = arith.maximumf %max3A_1775, %slice3A_1776 : vector<256x128xf32>
    %slice3A_1782 = vector.extract_strided_slice %dot_general3A_1710 {offsets = [0, 1408], sizes = [256, 128], strides = [1, 1]} : vector<256x8192xf32> to vector<256x128xf32>
    %gt3A_1783 = arith.cmpf ogt, %slice3A_1782, %max3A_1781 : vector<256x128xf32>
    %jit3A_1784 = arith.constant 11 : i32
    %broadcast_in_dim3A_1785 = vector.broadcast %jit3A_1784 : i32 to vector<256x128xi32>
    %select_n3A_1786 = arith.select %gt3A_1783, %broadcast_in_dim3A_1785, %select_n3A_1780 : vector<256x128xi1>, vector<256x128xi32>
    %max3A_1787 = arith.maximumf %max3A_1781, %slice3A_1782 : vector<256x128xf32>
    %slice3A_1788 = vector.extract_strided_slice %dot_general3A_1710 {offsets = [0, 1536], sizes = [256, 128], strides = [1, 1]} : vector<256x8192xf32> to vector<256x128xf32>
    %gt3A_1789 = arith.cmpf ogt, %slice3A_1788, %max3A_1787 : vector<256x128xf32>
    %jit3A_1790 = arith.constant 12 : i32
    %broadcast_in_dim3A_1791 = vector.broadcast %jit3A_1790 : i32 to vector<256x128xi32>
    %select_n3A_1792 = arith.select %gt3A_1789, %broadcast_in_dim3A_1791, %select_n3A_1786 : vector<256x128xi1>, vector<256x128xi32>
    %max3A_1793 = arith.maximumf %max3A_1787, %slice3A_1788 : vector<256x128xf32>
    %slice3A_1794 = vector.extract_strided_slice %dot_general3A_1710 {offsets = [0, 1664], sizes = [256, 128], strides = [1, 1]} : vector<256x8192xf32> to vector<256x128xf32>
    %gt3A_1795 = arith.cmpf ogt, %slice3A_1794, %max3A_1793 : vector<256x128xf32>
    %jit3A_1796 = arith.constant 13 : i32
    %broadcast_in_dim3A_1797 = vector.broadcast %jit3A_1796 : i32 to vector<256x128xi32>
    %select_n3A_1798 = arith.select %gt3A_1795, %broadcast_in_dim3A_1797, %select_n3A_1792 : vector<256x128xi1>, vector<256x128xi32>
    %max3A_1799 = arith.maximumf %max3A_1793, %slice3A_1794 : vector<256x128xf32>
    %slice3A_1800 = vector.extract_strided_slice %dot_general3A_1710 {offsets = [0, 1792], sizes = [256, 128], strides = [1, 1]} : vector<256x8192xf32> to vector<256x128xf32>
    %gt3A_1801 = arith.cmpf ogt, %slice3A_1800, %max3A_1799 : vector<256x128xf32>
    %jit3A_1802 = arith.constant 14 : i32
    %broadcast_in_dim3A_1803 = vector.broadcast %jit3A_1802 : i32 to vector<256x128xi32>
    %select_n3A_1804 = arith.select %gt3A_1801, %broadcast_in_dim3A_1803, %select_n3A_1798 : vector<256x128xi1>, vector<256x128xi32>
    %max3A_1805 = arith.maximumf %max3A_1799, %slice3A_1800 : vector<256x128xf32>
    %slice3A_1806 = vector.extract_strided_slice %dot_general3A_1710 {offsets = [0, 1920], sizes = [256, 128], strides = [1, 1]} : vector<256x8192xf32> to vector<256x128xf32>
    %gt3A_1807 = arith.cmpf ogt, %slice3A_1806, %max3A_1805 : vector<256x128xf32>
    %jit3A_1808 = arith.constant 15 : i32
    %broadcast_in_dim3A_1809 = vector.broadcast %jit3A_1808 : i32 to vector<256x128xi32>
    %select_n3A_1810 = arith.select %gt3A_1807, %broadcast_in_dim3A_1809, %select_n3A_1804 : vector<256x128xi1>, vector<256x128xi32>
    %max3A_1811 = arith.maximumf %max3A_1805, %slice3A_1806 : vector<256x128xf32>
    %slice3A_1812 = vector.extract_strided_slice %dot_general3A_1710 {offsets = [0, 2048], sizes = [256, 128], strides = [1, 1]} : vector<256x8192xf32> to vector<256x128xf32>
    %gt3A_1813 = arith.cmpf ogt, %slice3A_1812, %max3A_1811 : vector<256x128xf32>
    %jit3A_1814 = arith.constant 16 : i32
    %broadcast_in_dim3A_1815 = vector.broadcast %jit3A_1814 : i32 to vector<256x128xi32>
    %select_n3A_1816 = arith.select %gt3A_1813, %broadcast_in_dim3A_1815, %select_n3A_1810 : vector<256x128xi1>, vector<256x128xi32>
    %max3A_1817 = arith.maximumf %max3A_1811, %slice3A_1812 : vector<256x128xf32>
    %slice3A_1818 = vector.extract_strided_slice %dot_general3A_1710 {offsets = [0, 2176], sizes = [256, 128], strides = [1, 1]} : vector<256x8192xf32> to vector<256x128xf32>
    %gt3A_1819 = arith.cmpf ogt, %slice3A_1818, %max3A_1817 : vector<256x128xf32>
    %jit3A_1820 = arith.constant 17 : i32
    %broadcast_in_dim3A_1821 = vector.broadcast %jit3A_1820 : i32 to vector<256x128xi32>
    %select_n3A_1822 = arith.select %gt3A_1819, %broadcast_in_dim3A_1821, %select_n3A_1816 : vector<256x128xi1>, vector<256x128xi32>
    %max3A_1823 = arith.maximumf %max3A_1817, %slice3A_1818 : vector<256x128xf32>
    %slice3A_1824 = vector.extract_strided_slice %dot_general3A_1710 {offsets = [0, 2304], sizes = [256, 128], strides = [1, 1]} : vector<256x8192xf32> to vector<256x128xf32>
    %gt3A_1825 = arith.cmpf ogt, %slice3A_1824, %max3A_1823 : vector<256x128xf32>
    %jit3A_1826 = arith.constant 18 : i32
    %broadcast_in_dim3A_1827 = vector.broadcast %jit3A_1826 : i32 to vector<256x128xi32>
    %select_n3A_1828 = arith.select %gt3A_1825, %broadcast_in_dim3A_1827, %select_n3A_1822 : vector<256x128xi1>, vector<256x128xi32>
    %max3A_1829 = arith.maximumf %max3A_1823, %slice3A_1824 : vector<256x128xf32>
    %slice3A_1830 = vector.extract_strided_slice %dot_general3A_1710 {offsets = [0, 2432], sizes = [256, 128], strides = [1, 1]} : vector<256x8192xf32> to vector<256x128xf32>
    %gt3A_1831 = arith.cmpf ogt, %slice3A_1830, %max3A_1829 : vector<256x128xf32>
    %jit3A_1832 = arith.constant 19 : i32
    %broadcast_in_dim3A_1833 = vector.broadcast %jit3A_1832 : i32 to vector<256x128xi32>
    %select_n3A_1834 = arith.select %gt3A_1831, %broadcast_in_dim3A_1833, %select_n3A_1828 : vector<256x128xi1>, vector<256x128xi32>
    %max3A_1835 = arith.maximumf %max3A_1829, %slice3A_1830 : vector<256x128xf32>
    %slice3A_1836 = vector.extract_strided_slice %dot_general3A_1710 {offsets = [0, 2560], sizes = [256, 128], strides = [1, 1]} : vector<256x8192xf32> to vector<256x128xf32>
    %gt3A_1837 = arith.cmpf ogt, %slice3A_1836, %max3A_1835 : vector<256x128xf32>
    %jit3A_1838 = arith.constant 20 : i32
    %broadcast_in_dim3A_1839 = vector.broadcast %jit3A_1838 : i32 to vector<256x128xi32>
    %select_n3A_1840 = arith.select %gt3A_1837, %broadcast_in_dim3A_1839, %select_n3A_1834 : vector<256x128xi1>, vector<256x128xi32>
    %max3A_1841 = arith.maximumf %max3A_1835, %slice3A_1836 : vector<256x128xf32>
    %slice3A_1842 = vector.extract_strided_slice %dot_general3A_1710 {offsets = [0, 2688], sizes = [256, 128], strides = [1, 1]} : vector<256x8192xf32> to vector<256x128xf32>
    %gt3A_1843 = arith.cmpf ogt, %slice3A_1842, %max3A_1841 : vector<256x128xf32>
    %jit3A_1844 = arith.constant 21 : i32
    %broadcast_in_dim3A_1845 = vector.broadcast %jit3A_1844 : i32 to vector<256x128xi32>
    %select_n3A_1846 = arith.select %gt3A_1843, %broadcast_in_dim3A_1845, %select_n3A_1840 : vector<256x128xi1>, vector<256x128xi32>
    %max3A_1847 = arith.maximumf %max3A_1841, %slice3A_1842 : vector<256x128xf32>
    %slice3A_1848 = vector.extract_strided_slice %dot_general3A_1710 {offsets = [0, 2816], sizes = [256, 128], strides = [1, 1]} : vector<256x8192xf32> to vector<256x128xf32>
    %gt3A_1849 = arith.cmpf ogt, %slice3A_1848, %max3A_1847 : vector<256x128xf32>
    %jit3A_1850 = arith.constant 22 : i32
    %broadcast_in_dim3A_1851 = vector.broadcast %jit3A_1850 : i32 to vector<256x128xi32>
    %select_n3A_1852 = arith.select %gt3A_1849, %broadcast_in_dim3A_1851, %select_n3A_1846 : vector<256x128xi1>, vector<256x128xi32>
    %max3A_1853 = arith.maximumf %max3A_1847, %slice3A_1848 : vector<256x128xf32>
    %slice3A_1854 = vector.extract_strided_slice %dot_general3A_1710 {offsets = [0, 2944], sizes = [256, 128], strides = [1, 1]} : vector<256x8192xf32> to vector<256x128xf32>
    %gt3A_1855 = arith.cmpf ogt, %slice3A_1854, %max3A_1853 : vector<256x128xf32>
    %jit3A_1856 = arith.constant 23 : i32
    %broadcast_in_dim3A_1857 = vector.broadcast %jit3A_1856 : i32 to vector<256x128xi32>
    %select_n3A_1858 = arith.select %gt3A_1855, %broadcast_in_dim3A_1857, %select_n3A_1852 : vector<256x128xi1>, vector<256x128xi32>
    %max3A_1859 = arith.maximumf %max3A_1853, %slice3A_1854 : vector<256x128xf32>
    %slice3A_1860 = vector.extract_strided_slice %dot_general3A_1710 {offsets = [0, 3072], sizes = [256, 128], strides = [1, 1]} : vector<256x8192xf32> to vector<256x128xf32>
    %gt3A_1861 = arith.cmpf ogt, %slice3A_1860, %max3A_1859 : vector<256x128xf32>
    %jit3A_1862 = arith.constant 24 : i32
    %broadcast_in_dim3A_1863 = vector.broadcast %jit3A_1862 : i32 to vector<256x128xi32>
    %select_n3A_1864 = arith.select %gt3A_1861, %broadcast_in_dim3A_1863, %select_n3A_1858 : vector<256x128xi1>, vector<256x128xi32>
    %max3A_1865 = arith.maximumf %max3A_1859, %slice3A_1860 : vector<256x128xf32>
    %slice3A_1866 = vector.extract_strided_slice %dot_general3A_1710 {offsets = [0, 3200], sizes = [256, 128], strides = [1, 1]} : vector<256x8192xf32> to vector<256x128xf32>
    %gt3A_1867 = arith.cmpf ogt, %slice3A_1866, %max3A_1865 : vector<256x128xf32>
    %jit3A_1868 = arith.constant 25 : i32
    %broadcast_in_dim3A_1869 = vector.broadcast %jit3A_1868 : i32 to vector<256x128xi32>
    %select_n3A_1870 = arith.select %gt3A_1867, %broadcast_in_dim3A_1869, %select_n3A_1864 : vector<256x128xi1>, vector<256x128xi32>
    %max3A_1871 = arith.maximumf %max3A_1865, %slice3A_1866 : vector<256x128xf32>
    %slice3A_1872 = vector.extract_strided_slice %dot_general3A_1710 {offsets = [0, 3328], sizes = [256, 128], strides = [1, 1]} : vector<256x8192xf32> to vector<256x128xf32>
    %gt3A_1873 = arith.cmpf ogt, %slice3A_1872, %max3A_1871 : vector<256x128xf32>
    %jit3A_1874 = arith.constant 26 : i32
    %broadcast_in_dim3A_1875 = vector.broadcast %jit3A_1874 : i32 to vector<256x128xi32>
    %select_n3A_1876 = arith.select %gt3A_1873, %broadcast_in_dim3A_1875, %select_n3A_1870 : vector<256x128xi1>, vector<256x128xi32>
    %max3A_1877 = arith.maximumf %max3A_1871, %slice3A_1872 : vector<256x128xf32>
    %slice3A_1878 = vector.extract_strided_slice %dot_general3A_1710 {offsets = [0, 3456], sizes = [256, 128], strides = [1, 1]} : vector<256x8192xf32> to vector<256x128xf32>
    %gt3A_1879 = arith.cmpf ogt, %slice3A_1878, %max3A_1877 : vector<256x128xf32>
    %jit3A_1880 = arith.constant 27 : i32
    %broadcast_in_dim3A_1881 = vector.broadcast %jit3A_1880 : i32 to vector<256x128xi32>
    %select_n3A_1882 = arith.select %gt3A_1879, %broadcast_in_dim3A_1881, %select_n3A_1876 : vector<256x128xi1>, vector<256x128xi32>
    %max3A_1883 = arith.maximumf %max3A_1877, %slice3A_1878 : vector<256x128xf32>
    %slice3A_1884 = vector.extract_strided_slice %dot_general3A_1710 {offsets = [0, 3584], sizes = [256, 128], strides = [1, 1]} : vector<256x8192xf32> to vector<256x128xf32>
    %gt3A_1885 = arith.cmpf ogt, %slice3A_1884, %max3A_1883 : vector<256x128xf32>
    %jit3A_1886 = arith.constant 28 : i32
    %broadcast_in_dim3A_1887 = vector.broadcast %jit3A_1886 : i32 to vector<256x128xi32>
    %select_n3A_1888 = arith.select %gt3A_1885, %broadcast_in_dim3A_1887, %select_n3A_1882 : vector<256x128xi1>, vector<256x128xi32>
    %max3A_1889 = arith.maximumf %max3A_1883, %slice3A_1884 : vector<256x128xf32>
    %slice3A_1890 = vector.extract_strided_slice %dot_general3A_1710 {offsets = [0, 3712], sizes = [256, 128], strides = [1, 1]} : vector<256x8192xf32> to vector<256x128xf32>
    %gt3A_1891 = arith.cmpf ogt, %slice3A_1890, %max3A_1889 : vector<256x128xf32>
    %jit3A_1892 = arith.constant 29 : i32
    %broadcast_in_dim3A_1893 = vector.broadcast %jit3A_1892 : i32 to vector<256x128xi32>
    %select_n3A_1894 = arith.select %gt3A_1891, %broadcast_in_dim3A_1893, %select_n3A_1888 : vector<256x128xi1>, vector<256x128xi32>
    %max3A_1895 = arith.maximumf %max3A_1889, %slice3A_1890 : vector<256x128xf32>
    %slice3A_1896 = vector.extract_strided_slice %dot_general3A_1710 {offsets = [0, 3840], sizes = [256, 128], strides = [1, 1]} : vector<256x8192xf32> to vector<256x128xf32>
    %gt3A_1897 = arith.cmpf ogt, %slice3A_1896, %max3A_1895 : vector<256x128xf32>
    %jit3A_1898 = arith.constant 30 : i32
    %broadcast_in_dim3A_1899 = vector.broadcast %jit3A_1898 : i32 to vector<256x128xi32>
    %select_n3A_1900 = arith.select %gt3A_1897, %broadcast_in_dim3A_1899, %select_n3A_1894 : vector<256x128xi1>, vector<256x128xi32>
    %max3A_1901 = arith.maximumf %max3A_1895, %slice3A_1896 : vector<256x128xf32>
    %slice3A_1902 = vector.extract_strided_slice %dot_general3A_1710 {offsets = [0, 3968], sizes = [256, 128], strides = [1, 1]} : vector<256x8192xf32> to vector<256x128xf32>
    %gt3A_1903 = arith.cmpf ogt, %slice3A_1902, %max3A_1901 : vector<256x128xf32>
    %jit3A_1904 = arith.constant 31 : i32
    %broadcast_in_dim3A_1905 = vector.broadcast %jit3A_1904 : i32 to vector<256x128xi32>
    %select_n3A_1906 = arith.select %gt3A_1903, %broadcast_in_dim3A_1905, %select_n3A_1900 : vector<256x128xi1>, vector<256x128xi32>
    %max3A_1907 = arith.maximumf %max3A_1901, %slice3A_1902 : vector<256x128xf32>
    %slice3A_1908 = vector.extract_strided_slice %dot_general3A_1710 {offsets = [0, 4096], sizes = [256, 128], strides = [1, 1]} : vector<256x8192xf32> to vector<256x128xf32>
    %gt3A_1909 = arith.cmpf ogt, %slice3A_1908, %max3A_1907 : vector<256x128xf32>
    %jit3A_1910 = arith.constant 32 : i32
    %broadcast_in_dim3A_1911 = vector.broadcast %jit3A_1910 : i32 to vector<256x128xi32>
    %select_n3A_1912 = arith.select %gt3A_1909, %broadcast_in_dim3A_1911, %select_n3A_1906 : vector<256x128xi1>, vector<256x128xi32>
    %max3A_1913 = arith.maximumf %max3A_1907, %slice3A_1908 : vector<256x128xf32>
    %slice3A_1914 = vector.extract_strided_slice %dot_general3A_1710 {offsets = [0, 4224], sizes = [256, 128], strides = [1, 1]} : vector<256x8192xf32> to vector<256x128xf32>
    %gt3A_1915 = arith.cmpf ogt, %slice3A_1914, %max3A_1913 : vector<256x128xf32>
    %jit3A_1916 = arith.constant 33 : i32
    %broadcast_in_dim3A_1917 = vector.broadcast %jit3A_1916 : i32 to vector<256x128xi32>
    %select_n3A_1918 = arith.select %gt3A_1915, %broadcast_in_dim3A_1917, %select_n3A_1912 : vector<256x128xi1>, vector<256x128xi32>
    %max3A_1919 = arith.maximumf %max3A_1913, %slice3A_1914 : vector<256x128xf32>
    %slice3A_1920 = vector.extract_strided_slice %dot_general3A_1710 {offsets = [0, 4352], sizes = [256, 128], strides = [1, 1]} : vector<256x8192xf32> to vector<256x128xf32>
    %gt3A_1921 = arith.cmpf ogt, %slice3A_1920, %max3A_1919 : vector<256x128xf32>
    %jit3A_1922 = arith.constant 34 : i32
    %broadcast_in_dim3A_1923 = vector.broadcast %jit3A_1922 : i32 to vector<256x128xi32>
    %select_n3A_1924 = arith.select %gt3A_1921, %broadcast_in_dim3A_1923, %select_n3A_1918 : vector<256x128xi1>, vector<256x128xi32>
    %max3A_1925 = arith.maximumf %max3A_1919, %slice3A_1920 : vector<256x128xf32>
    %slice3A_1926 = vector.extract_strided_slice %dot_general3A_1710 {offsets = [0, 4480], sizes = [256, 128], strides = [1, 1]} : vector<256x8192xf32> to vector<256x128xf32>
    %gt3A_1927 = arith.cmpf ogt, %slice3A_1926, %max3A_1925 : vector<256x128xf32>
    %jit3A_1928 = arith.constant 35 : i32
    %broadcast_in_dim3A_1929 = vector.broadcast %jit3A_1928 : i32 to vector<256x128xi32>
    %select_n3A_1930 = arith.select %gt3A_1927, %broadcast_in_dim3A_1929, %select_n3A_1924 : vector<256x128xi1>, vector<256x128xi32>
    %max3A_1931 = arith.maximumf %max3A_1925, %slice3A_1926 : vector<256x128xf32>
    %slice3A_1932 = vector.extract_strided_slice %dot_general3A_1710 {offsets = [0, 4608], sizes = [256, 128], strides = [1, 1]} : vector<256x8192xf32> to vector<256x128xf32>
    %gt3A_1933 = arith.cmpf ogt, %slice3A_1932, %max3A_1931 : vector<256x128xf32>
    %jit3A_1934 = arith.constant 36 : i32
    %broadcast_in_dim3A_1935 = vector.broadcast %jit3A_1934 : i32 to vector<256x128xi32>
    %select_n3A_1936 = arith.select %gt3A_1933, %broadcast_in_dim3A_1935, %select_n3A_1930 : vector<256x128xi1>, vector<256x128xi32>
    %max3A_1937 = arith.maximumf %max3A_1931, %slice3A_1932 : vector<256x128xf32>
    %slice3A_1938 = vector.extract_strided_slice %dot_general3A_1710 {offsets = [0, 4736], sizes = [256, 128], strides = [1, 1]} : vector<256x8192xf32> to vector<256x128xf32>
    %gt3A_1939 = arith.cmpf ogt, %slice3A_1938, %max3A_1937 : vector<256x128xf32>
    %jit3A_1940 = arith.constant 37 : i32
    %broadcast_in_dim3A_1941 = vector.broadcast %jit3A_1940 : i32 to vector<256x128xi32>
    %select_n3A_1942 = arith.select %gt3A_1939, %broadcast_in_dim3A_1941, %select_n3A_1936 : vector<256x128xi1>, vector<256x128xi32>
    %max3A_1943 = arith.maximumf %max3A_1937, %slice3A_1938 : vector<256x128xf32>
    %slice3A_1944 = vector.extract_strided_slice %dot_general3A_1710 {offsets = [0, 4864], sizes = [256, 128], strides = [1, 1]} : vector<256x8192xf32> to vector<256x128xf32>
    %gt3A_1945 = arith.cmpf ogt, %slice3A_1944, %max3A_1943 : vector<256x128xf32>
    %jit3A_1946 = arith.constant 38 : i32
    %broadcast_in_dim3A_1947 = vector.broadcast %jit3A_1946 : i32 to vector<256x128xi32>
    %select_n3A_1948 = arith.select %gt3A_1945, %broadcast_in_dim3A_1947, %select_n3A_1942 : vector<256x128xi1>, vector<256x128xi32>
    %max3A_1949 = arith.maximumf %max3A_1943, %slice3A_1944 : vector<256x128xf32>
    %slice3A_1950 = vector.extract_strided_slice %dot_general3A_1710 {offsets = [0, 4992], sizes = [256, 128], strides = [1, 1]} : vector<256x8192xf32> to vector<256x128xf32>
    %gt3A_1951 = arith.cmpf ogt, %slice3A_1950, %max3A_1949 : vector<256x128xf32>
    %jit3A_1952 = arith.constant 39 : i32
    %broadcast_in_dim3A_1953 = vector.broadcast %jit3A_1952 : i32 to vector<256x128xi32>
    %select_n3A_1954 = arith.select %gt3A_1951, %broadcast_in_dim3A_1953, %select_n3A_1948 : vector<256x128xi1>, vector<256x128xi32>
    %max3A_1955 = arith.maximumf %max3A_1949, %slice3A_1950 : vector<256x128xf32>
    %slice3A_1956 = vector.extract_strided_slice %dot_general3A_1710 {offsets = [0, 5120], sizes = [256, 128], strides = [1, 1]} : vector<256x8192xf32> to vector<256x128xf32>
    %gt3A_1957 = arith.cmpf ogt, %slice3A_1956, %max3A_1955 : vector<256x128xf32>
    %jit3A_1958 = arith.constant 40 : i32
    %broadcast_in_dim3A_1959 = vector.broadcast %jit3A_1958 : i32 to vector<256x128xi32>
    %select_n3A_1960 = arith.select %gt3A_1957, %broadcast_in_dim3A_1959, %select_n3A_1954 : vector<256x128xi1>, vector<256x128xi32>
    %max3A_1961 = arith.maximumf %max3A_1955, %slice3A_1956 : vector<256x128xf32>
    %slice3A_1962 = vector.extract_strided_slice %dot_general3A_1710 {offsets = [0, 5248], sizes = [256, 128], strides = [1, 1]} : vector<256x8192xf32> to vector<256x128xf32>
    %gt3A_1963 = arith.cmpf ogt, %slice3A_1962, %max3A_1961 : vector<256x128xf32>
    %jit3A_1964 = arith.constant 41 : i32
    %broadcast_in_dim3A_1965 = vector.broadcast %jit3A_1964 : i32 to vector<256x128xi32>
    %select_n3A_1966 = arith.select %gt3A_1963, %broadcast_in_dim3A_1965, %select_n3A_1960 : vector<256x128xi1>, vector<256x128xi32>
    %max3A_1967 = arith.maximumf %max3A_1961, %slice3A_1962 : vector<256x128xf32>
    %slice3A_1968 = vector.extract_strided_slice %dot_general3A_1710 {offsets = [0, 5376], sizes = [256, 128], strides = [1, 1]} : vector<256x8192xf32> to vector<256x128xf32>
    %gt3A_1969 = arith.cmpf ogt, %slice3A_1968, %max3A_1967 : vector<256x128xf32>
    %jit3A_1970 = arith.constant 42 : i32
    %broadcast_in_dim3A_1971 = vector.broadcast %jit3A_1970 : i32 to vector<256x128xi32>
    %select_n3A_1972 = arith.select %gt3A_1969, %broadcast_in_dim3A_1971, %select_n3A_1966 : vector<256x128xi1>, vector<256x128xi32>
    %max3A_1973 = arith.maximumf %max3A_1967, %slice3A_1968 : vector<256x128xf32>
    %slice3A_1974 = vector.extract_strided_slice %dot_general3A_1710 {offsets = [0, 5504], sizes = [256, 128], strides = [1, 1]} : vector<256x8192xf32> to vector<256x128xf32>
    %gt3A_1975 = arith.cmpf ogt, %slice3A_1974, %max3A_1973 : vector<256x128xf32>
    %jit3A_1976 = arith.constant 43 : i32
    %broadcast_in_dim3A_1977 = vector.broadcast %jit3A_1976 : i32 to vector<256x128xi32>
    %select_n3A_1978 = arith.select %gt3A_1975, %broadcast_in_dim3A_1977, %select_n3A_1972 : vector<256x128xi1>, vector<256x128xi32>
    %max3A_1979 = arith.maximumf %max3A_1973, %slice3A_1974 : vector<256x128xf32>
    %slice3A_1980 = vector.extract_strided_slice %dot_general3A_1710 {offsets = [0, 5632], sizes = [256, 128], strides = [1, 1]} : vector<256x8192xf32> to vector<256x128xf32>
    %gt3A_1981 = arith.cmpf ogt, %slice3A_1980, %max3A_1979 : vector<256x128xf32>
    %jit3A_1982 = arith.constant 44 : i32
    %broadcast_in_dim3A_1983 = vector.broadcast %jit3A_1982 : i32 to vector<256x128xi32>
    %select_n3A_1984 = arith.select %gt3A_1981, %broadcast_in_dim3A_1983, %select_n3A_1978 : vector<256x128xi1>, vector<256x128xi32>
    %max3A_1985 = arith.maximumf %max3A_1979, %slice3A_1980 : vector<256x128xf32>
    %slice3A_1986 = vector.extract_strided_slice %dot_general3A_1710 {offsets = [0, 5760], sizes = [256, 128], strides = [1, 1]} : vector<256x8192xf32> to vector<256x128xf32>
    %gt3A_1987 = arith.cmpf ogt, %slice3A_1986, %max3A_1985 : vector<256x128xf32>
    %jit3A_1988 = arith.constant 45 : i32
    %broadcast_in_dim3A_1989 = vector.broadcast %jit3A_1988 : i32 to vector<256x128xi32>
    %select_n3A_1990 = arith.select %gt3A_1987, %broadcast_in_dim3A_1989, %select_n3A_1984 : vector<256x128xi1>, vector<256x128xi32>
    %max3A_1991 = arith.maximumf %max3A_1985, %slice3A_1986 : vector<256x128xf32>
    %slice3A_1992 = vector.extract_strided_slice %dot_general3A_1710 {offsets = [0, 5888], sizes = [256, 128], strides = [1, 1]} : vector<256x8192xf32> to vector<256x128xf32>
    %gt3A_1993 = arith.cmpf ogt, %slice3A_1992, %max3A_1991 : vector<256x128xf32>
    %jit3A_1994 = arith.constant 46 : i32
    %broadcast_in_dim3A_1995 = vector.broadcast %jit3A_1994 : i32 to vector<256x128xi32>
    %select_n3A_1996 = arith.select %gt3A_1993, %broadcast_in_dim3A_1995, %select_n3A_1990 : vector<256x128xi1>, vector<256x128xi32>
    %max3A_1997 = arith.maximumf %max3A_1991, %slice3A_1992 : vector<256x128xf32>
    %slice3A_1998 = vector.extract_strided_slice %dot_general3A_1710 {offsets = [0, 6016], sizes = [256, 128], strides = [1, 1]} : vector<256x8192xf32> to vector<256x128xf32>
    %gt3A_1999 = arith.cmpf ogt, %slice3A_1998, %max3A_1997 : vector<256x128xf32>
    %jit3A_2000 = arith.constant 47 : i32
    %broadcast_in_dim3A_2001 = vector.broadcast %jit3A_2000 : i32 to vector<256x128xi32>
    %select_n3A_2002 = arith.select %gt3A_1999, %broadcast_in_dim3A_2001, %select_n3A_1996 : vector<256x128xi1>, vector<256x128xi32>
    %max3A_2003 = arith.maximumf %max3A_1997, %slice3A_1998 : vector<256x128xf32>
    %slice3A_2004 = vector.extract_strided_slice %dot_general3A_1710 {offsets = [0, 6144], sizes = [256, 128], strides = [1, 1]} : vector<256x8192xf32> to vector<256x128xf32>
    %gt3A_2005 = arith.cmpf ogt, %slice3A_2004, %max3A_2003 : vector<256x128xf32>
    %jit3A_2006 = arith.constant 48 : i32
    %broadcast_in_dim3A_2007 = vector.broadcast %jit3A_2006 : i32 to vector<256x128xi32>
    %select_n3A_2008 = arith.select %gt3A_2005, %broadcast_in_dim3A_2007, %select_n3A_2002 : vector<256x128xi1>, vector<256x128xi32>
    %max3A_2009 = arith.maximumf %max3A_2003, %slice3A_2004 : vector<256x128xf32>
    %slice3A_2010 = vector.extract_strided_slice %dot_general3A_1710 {offsets = [0, 6272], sizes = [256, 128], strides = [1, 1]} : vector<256x8192xf32> to vector<256x128xf32>
    %gt3A_2011 = arith.cmpf ogt, %slice3A_2010, %max3A_2009 : vector<256x128xf32>
    %jit3A_2012 = arith.constant 49 : i32
    %broadcast_in_dim3A_2013 = vector.broadcast %jit3A_2012 : i32 to vector<256x128xi32>
    %select_n3A_2014 = arith.select %gt3A_2011, %broadcast_in_dim3A_2013, %select_n3A_2008 : vector<256x128xi1>, vector<256x128xi32>
    %max3A_2015 = arith.maximumf %max3A_2009, %slice3A_2010 : vector<256x128xf32>
    %slice3A_2016 = vector.extract_strided_slice %dot_general3A_1710 {offsets = [0, 6400], sizes = [256, 128], strides = [1, 1]} : vector<256x8192xf32> to vector<256x128xf32>
    %gt3A_2017 = arith.cmpf ogt, %slice3A_2016, %max3A_2015 : vector<256x128xf32>
    %jit3A_2018 = arith.constant 50 : i32
    %broadcast_in_dim3A_2019 = vector.broadcast %jit3A_2018 : i32 to vector<256x128xi32>
    %select_n3A_2020 = arith.select %gt3A_2017, %broadcast_in_dim3A_2019, %select_n3A_2014 : vector<256x128xi1>, vector<256x128xi32>
    %max3A_2021 = arith.maximumf %max3A_2015, %slice3A_2016 : vector<256x128xf32>
    %slice3A_2022 = vector.extract_strided_slice %dot_general3A_1710 {offsets = [0, 6528], sizes = [256, 128], strides = [1, 1]} : vector<256x8192xf32> to vector<256x128xf32>
    %gt3A_2023 = arith.cmpf ogt, %slice3A_2022, %max3A_2021 : vector<256x128xf32>
    %jit3A_2024 = arith.constant 51 : i32
    %broadcast_in_dim3A_2025 = vector.broadcast %jit3A_2024 : i32 to vector<256x128xi32>
    %select_n3A_2026 = arith.select %gt3A_2023, %broadcast_in_dim3A_2025, %select_n3A_2020 : vector<256x128xi1>, vector<256x128xi32>
    %max3A_2027 = arith.maximumf %max3A_2021, %slice3A_2022 : vector<256x128xf32>
    %slice3A_2028 = vector.extract_strided_slice %dot_general3A_1710 {offsets = [0, 6656], sizes = [256, 128], strides = [1, 1]} : vector<256x8192xf32> to vector<256x128xf32>
    %gt3A_2029 = arith.cmpf ogt, %slice3A_2028, %max3A_2027 : vector<256x128xf32>
    %jit3A_2030 = arith.constant 52 : i32
    %broadcast_in_dim3A_2031 = vector.broadcast %jit3A_2030 : i32 to vector<256x128xi32>
    %select_n3A_2032 = arith.select %gt3A_2029, %broadcast_in_dim3A_2031, %select_n3A_2026 : vector<256x128xi1>, vector<256x128xi32>
    %max3A_2033 = arith.maximumf %max3A_2027, %slice3A_2028 : vector<256x128xf32>
    %slice3A_2034 = vector.extract_strided_slice %dot_general3A_1710 {offsets = [0, 6784], sizes = [256, 128], strides = [1, 1]} : vector<256x8192xf32> to vector<256x128xf32>
    %gt3A_2035 = arith.cmpf ogt, %slice3A_2034, %max3A_2033 : vector<256x128xf32>
    %jit3A_2036 = arith.constant 53 : i32
    %broadcast_in_dim3A_2037 = vector.broadcast %jit3A_2036 : i32 to vector<256x128xi32>
    %select_n3A_2038 = arith.select %gt3A_2035, %broadcast_in_dim3A_2037, %select_n3A_2032 : vector<256x128xi1>, vector<256x128xi32>
    %max3A_2039 = arith.maximumf %max3A_2033, %slice3A_2034 : vector<256x128xf32>
    %slice3A_2040 = vector.extract_strided_slice %dot_general3A_1710 {offsets = [0, 6912], sizes = [256, 128], strides = [1, 1]} : vector<256x8192xf32> to vector<256x128xf32>
    %gt3A_2041 = arith.cmpf ogt, %slice3A_2040, %max3A_2039 : vector<256x128xf32>
    %jit3A_2042 = arith.constant 54 : i32
    %broadcast_in_dim3A_2043 = vector.broadcast %jit3A_2042 : i32 to vector<256x128xi32>
    %select_n3A_2044 = arith.select %gt3A_2041, %broadcast_in_dim3A_2043, %select_n3A_2038 : vector<256x128xi1>, vector<256x128xi32>
    %max3A_2045 = arith.maximumf %max3A_2039, %slice3A_2040 : vector<256x128xf32>
    %slice3A_2046 = vector.extract_strided_slice %dot_general3A_1710 {offsets = [0, 7040], sizes = [256, 128], strides = [1, 1]} : vector<256x8192xf32> to vector<256x128xf32>
    %gt3A_2047 = arith.cmpf ogt, %slice3A_2046, %max3A_2045 : vector<256x128xf32>
    %jit3A_2048 = arith.constant 55 : i32
    %broadcast_in_dim3A_2049 = vector.broadcast %jit3A_2048 : i32 to vector<256x128xi32>
    %select_n3A_2050 = arith.select %gt3A_2047, %broadcast_in_dim3A_2049, %select_n3A_2044 : vector<256x128xi1>, vector<256x128xi32>
    %max3A_2051 = arith.maximumf %max3A_2045, %slice3A_2046 : vector<256x128xf32>
    %slice3A_2052 = vector.extract_strided_slice %dot_general3A_1710 {offsets = [0, 7168], sizes = [256, 128], strides = [1, 1]} : vector<256x8192xf32> to vector<256x128xf32>
    %gt3A_2053 = arith.cmpf ogt, %slice3A_2052, %max3A_2051 : vector<256x128xf32>
    %jit3A_2054 = arith.constant 56 : i32
    %broadcast_in_dim3A_2055 = vector.broadcast %jit3A_2054 : i32 to vector<256x128xi32>
    %select_n3A_2056 = arith.select %gt3A_2053, %broadcast_in_dim3A_2055, %select_n3A_2050 : vector<256x128xi1>, vector<256x128xi32>
    %max3A_2057 = arith.maximumf %max3A_2051, %slice3A_2052 : vector<256x128xf32>
    %slice3A_2058 = vector.extract_strided_slice %dot_general3A_1710 {offsets = [0, 7296], sizes = [256, 128], strides = [1, 1]} : vector<256x8192xf32> to vector<256x128xf32>
    %gt3A_2059 = arith.cmpf ogt, %slice3A_2058, %max3A_2057 : vector<256x128xf32>
    %jit3A_2060 = arith.constant 57 : i32
    %broadcast_in_dim3A_2061 = vector.broadcast %jit3A_2060 : i32 to vector<256x128xi32>
    %select_n3A_2062 = arith.select %gt3A_2059, %broadcast_in_dim3A_2061, %select_n3A_2056 : vector<256x128xi1>, vector<256x128xi32>
    %max3A_2063 = arith.maximumf %max3A_2057, %slice3A_2058 : vector<256x128xf32>
    %slice3A_2064 = vector.extract_strided_slice %dot_general3A_1710 {offsets = [0, 7424], sizes = [256, 128], strides = [1, 1]} : vector<256x8192xf32> to vector<256x128xf32>
    %gt3A_2065 = arith.cmpf ogt, %slice3A_2064, %max3A_2063 : vector<256x128xf32>
    %jit3A_2066 = arith.constant 58 : i32
    %broadcast_in_dim3A_2067 = vector.broadcast %jit3A_2066 : i32 to vector<256x128xi32>
    %select_n3A_2068 = arith.select %gt3A_2065, %broadcast_in_dim3A_2067, %select_n3A_2062 : vector<256x128xi1>, vector<256x128xi32>
    %max3A_2069 = arith.maximumf %max3A_2063, %slice3A_2064 : vector<256x128xf32>
    %slice3A_2070 = vector.extract_strided_slice %dot_general3A_1710 {offsets = [0, 7552], sizes = [256, 128], strides = [1, 1]} : vector<256x8192xf32> to vector<256x128xf32>
    %gt3A_2071 = arith.cmpf ogt, %slice3A_2070, %max3A_2069 : vector<256x128xf32>
    %jit3A_2072 = arith.constant 59 : i32
    %broadcast_in_dim3A_2073 = vector.broadcast %jit3A_2072 : i32 to vector<256x128xi32>
    %select_n3A_2074 = arith.select %gt3A_2071, %broadcast_in_dim3A_2073, %select_n3A_2068 : vector<256x128xi1>, vector<256x128xi32>
    %max3A_2075 = arith.maximumf %max3A_2069, %slice3A_2070 : vector<256x128xf32>
    %slice3A_2076 = vector.extract_strided_slice %dot_general3A_1710 {offsets = [0, 7680], sizes = [256, 128], strides = [1, 1]} : vector<256x8192xf32> to vector<256x128xf32>
    %gt3A_2077 = arith.cmpf ogt, %slice3A_2076, %max3A_2075 : vector<256x128xf32>
    %jit3A_2078 = arith.constant 60 : i32
    %broadcast_in_dim3A_2079 = vector.broadcast %jit3A_2078 : i32 to vector<256x128xi32>
    %select_n3A_2080 = arith.select %gt3A_2077, %broadcast_in_dim3A_2079, %select_n3A_2074 : vector<256x128xi1>, vector<256x128xi32>
    %max3A_2081 = arith.maximumf %max3A_2075, %slice3A_2076 : vector<256x128xf32>
    %slice3A_2082 = vector.extract_strided_slice %dot_general3A_1710 {offsets = [0, 7808], sizes = [256, 128], strides = [1, 1]} : vector<256x8192xf32> to vector<256x128xf32>
    %gt3A_2083 = arith.cmpf ogt, %slice3A_2082, %max3A_2081 : vector<256x128xf32>
    %jit3A_2084 = arith.constant 61 : i32
    %broadcast_in_dim3A_2085 = vector.broadcast %jit3A_2084 : i32 to vector<256x128xi32>
    %select_n3A_2086 = arith.select %gt3A_2083, %broadcast_in_dim3A_2085, %select_n3A_2080 : vector<256x128xi1>, vector<256x128xi32>
    %max3A_2087 = arith.maximumf %max3A_2081, %slice3A_2082 : vector<256x128xf32>
    %slice3A_2088 = vector.extract_strided_slice %dot_general3A_1710 {offsets = [0, 7936], sizes = [256, 128], strides = [1, 1]} : vector<256x8192xf32> to vector<256x128xf32>
    %gt3A_2089 = arith.cmpf ogt, %slice3A_2088, %max3A_2087 : vector<256x128xf32>
    %jit3A_2090 = arith.constant 62 : i32
    %broadcast_in_dim3A_2091 = vector.broadcast %jit3A_2090 : i32 to vector<256x128xi32>
    %select_n3A_2092 = arith.select %gt3A_2089, %broadcast_in_dim3A_2091, %select_n3A_2086 : vector<256x128xi1>, vector<256x128xi32>
    %max3A_2093 = arith.maximumf %max3A_2087, %slice3A_2088 : vector<256x128xf32>
    %slice3A_2094 = vector.extract_strided_slice %dot_general3A_1710 {offsets = [0, 8064], sizes = [256, 128], strides = [1, 1]} : vector<256x8192xf32> to vector<256x128xf32>
    %gt3A_2095 = arith.cmpf ogt, %slice3A_2094, %max3A_2093 : vector<256x128xf32>
    %jit3A_2096 = arith.constant 63 : i32
    %broadcast_in_dim3A_2097 = vector.broadcast %jit3A_2096 : i32 to vector<256x128xi32>
    %select_n3A_2098 = arith.select %gt3A_2095, %broadcast_in_dim3A_2097, %select_n3A_2092 : vector<256x128xi1>, vector<256x128xi32>
    %max3A_2099 = arith.maximumf %max3A_2093, %slice3A_2094 : vector<256x128xf32>
    %reduce_max3A_2100 = arith.constant dense<0xFF800000> : vector<256xf32>
    %reduce_max3A_2101 = vector.multi_reduction <maximumf>, %max3A_2099, %reduce_max3A_2100 [1] : vector<256x128xf32> to vector<256xf32>
    %mul3A_2102 = arith.constant 128 : i32
    %mul3A_2103 = vector.broadcast %mul3A_2102 : i32 to vector<256x128xi32>
    %mul3A_2104 = arith.muli %select_n3A_2098, %mul3A_2103 : vector<256x128xi32>
    %add3A_2105 = arith.addi %mul3A_2104, %iota3A_1711 : vector<256x128xi32>
    %broadcast_in_dim3A_2106 = vector.shape_cast %reduce_max3A_2101 : vector<256xf32> to vector<256x1xf32>
    %eq3A_2107 = vector.broadcast %broadcast_in_dim3A_2106 : vector<256x1xf32> to vector<256x128xf32>
    %eq3A_2108 = arith.cmpf oeq, %max3A_2099, %eq3A_2107 : vector<256x128xf32>
    %jit3A_2109 = arith.constant 8192 : i32
    %broadcast_in_dim3A_2110 = vector.broadcast %jit3A_2109 : i32 to vector<256x128xi32>
    %select_n3A_2111 = arith.select %eq3A_2108, %add3A_2105, %broadcast_in_dim3A_2110 : vector<256x128xi1>, vector<256x128xi32>
    %reduce_min3A_2112 = arith.constant dense<2147483647> : vector<256xi32>
    %reduce_min3A_2113 = vector.multi_reduction <minsi>, %select_n3A_2111, %reduce_min3A_2112 [1] : vector<256x128xi32> to vector<256xi32>
    %swap3A_2114 = arith.constant 0 : index
    %swap3A_2115 = arith.constant 0 : index
    %swap3A_2116 = arith.constant 1024 : index
    %swap3A_2117 = vector.load %arg3[%swap3A_2114, %swap3A_2115, %swap3A_2116] : memref<1x1x2048xi32, #tpu.memory_space<vmem>>, vector<1x1x256xi32>
    %swap3A_2118 = vector.shape_cast %swap3A_2117 : vector<1x1x256xi32> to vector<256xi32>
    %swap3A_2119 = vector.shape_cast %reduce_min3A_2113 : vector<256xi32> to vector<1x1x256xi32>
    tpu.vector_store %arg3[%swap3A_2114, %swap3A_2115, %swap3A_2116], %swap3A_2119 {strides = array<i32>} : memref<1x1x2048xi32, #tpu.memory_space<vmem>>, vector<1x1x256xi32>,
    %mul3A_2120 = arith.constant 2.000000e+00 : f32
    %mul3A_2121 = vector.broadcast %mul3A_2120 : f32 to vector<256xf32>
    %mul3A_2122 = arith.mulf %mul3A_2121, %reduce_max3A_2101 : vector<256xf32>
    %sub3A_2123 = arith.constant 1.000000e+00 : f32
    %sub3A_2124 = vector.broadcast %sub3A_2123 : f32 to vector<256xf32>
    %sub3A_2125 = arith.subf %sub3A_2124, %mul3A_2122 : vector<256xf32>
    %slice3A_2126 = vector.extract_strided_slice %reduce_sum3A_8 {offsets = [1024], sizes = [256], strides = [1]} : vector<2048xf32> to vector<256xf32>
    %add3A_2127 = arith.addf %sub3A_2125, %slice3A_2126 : vector<256xf32>
    %reduce_sum3A_2128 = vector.shape_cast %add3A_2127 : vector<256xf32> to vector<1x256xf32>
    %reduce_sum3A_2129 = arith.constant dense<0.000000e+00> : vector<1xf32>
    %reduce_sum3A_2130 = vector.multi_reduction <add>, %reduce_sum3A_2128, %reduce_sum3A_2129 [1] : vector<1x256xf32> to vector<1xf32>
    %reduce_sum3A_2131 = vector.shape_cast %reduce_sum3A_2130 : vector<1xf32> to vector<1x1xf32>
    %reduce_sum3A_2132 = vector.extract %reduce_sum3A_2131[0, 0] : f32 from vector<1x1xf32>
    %add3A_2133 = arith.addf %add3A_1707, %reduce_sum3A_2132 : f32
    %slice3A_2134 = vector.extract_strided_slice %div3A_5 {offsets = [1280, 0], sizes = [256, 64], strides = [1, 1]} : vector<2048x64xf32> to vector<256x64xf32>
    %dot_general3A_2135 = arith.constant dense<0.000000e+00> : vector<256x8192xf32>
    %dot_general3A_2136 = tpu.matmul %slice3A_2134, %get3A_11, %dot_general3A_2135 {dimension_numbers = #tpu.dot_dimension_numbers<[1], [1], [0], [0], [0, 0, 1, 0], [], []>, transpose_lhs_hint = false} : vector<256x64xf32>, vector<8192x64xf32>, vector<256x8192xf32> -> vector<256x8192xf32>
    %iota3A_2137 = tpu.iota {dimensions = array<i32: 1>} : vector<256x128xi32>
    %broadcast_in_dim3A_2138 = arith.constant -2.000000e+00 : f32
    %broadcast_in_dim3A_2139 = vector.broadcast %broadcast_in_dim3A_2138 : f32 to vector<256x128xf32>
    %broadcast_in_dim3A_2140 = arith.constant 0 : i32
    %broadcast_in_dim3A_2141 = vector.broadcast %broadcast_in_dim3A_2140 : i32 to vector<256x128xi32>
    %slice3A_2142 = vector.extract_strided_slice %dot_general3A_2136 {offsets = [0, 0], sizes = [256, 128], strides = [1, 1]} : vector<256x8192xf32> to vector<256x128xf32>
    %gt3A_2143 = arith.cmpf ogt, %slice3A_2142, %broadcast_in_dim3A_2139 : vector<256x128xf32>
    %jit3A_2144 = arith.constant 0 : i32
    %broadcast_in_dim3A_2145 = vector.broadcast %jit3A_2144 : i32 to vector<256x128xi32>
    %select_n3A_2146 = arith.select %gt3A_2143, %broadcast_in_dim3A_2145, %broadcast_in_dim3A_2141 : vector<256x128xi1>, vector<256x128xi32>
    %max3A_2147 = arith.maximumf %broadcast_in_dim3A_2139, %slice3A_2142 : vector<256x128xf32>
    %slice3A_2148 = vector.extract_strided_slice %dot_general3A_2136 {offsets = [0, 128], sizes = [256, 128], strides = [1, 1]} : vector<256x8192xf32> to vector<256x128xf32>
    %gt3A_2149 = arith.cmpf ogt, %slice3A_2148, %max3A_2147 : vector<256x128xf32>
    %jit3A_2150 = arith.constant 1 : i32
    %broadcast_in_dim3A_2151 = vector.broadcast %jit3A_2150 : i32 to vector<256x128xi32>
    %select_n3A_2152 = arith.select %gt3A_2149, %broadcast_in_dim3A_2151, %select_n3A_2146 : vector<256x128xi1>, vector<256x128xi32>
    %max3A_2153 = arith.maximumf %max3A_2147, %slice3A_2148 : vector<256x128xf32>
    %slice3A_2154 = vector.extract_strided_slice %dot_general3A_2136 {offsets = [0, 256], sizes = [256, 128], strides = [1, 1]} : vector<256x8192xf32> to vector<256x128xf32>
    %gt3A_2155 = arith.cmpf ogt, %slice3A_2154, %max3A_2153 : vector<256x128xf32>
    %jit3A_2156 = arith.constant 2 : i32
    %broadcast_in_dim3A_2157 = vector.broadcast %jit3A_2156 : i32 to vector<256x128xi32>
    %select_n3A_2158 = arith.select %gt3A_2155, %broadcast_in_dim3A_2157, %select_n3A_2152 : vector<256x128xi1>, vector<256x128xi32>
    %max3A_2159 = arith.maximumf %max3A_2153, %slice3A_2154 : vector<256x128xf32>
    %slice3A_2160 = vector.extract_strided_slice %dot_general3A_2136 {offsets = [0, 384], sizes = [256, 128], strides = [1, 1]} : vector<256x8192xf32> to vector<256x128xf32>
    %gt3A_2161 = arith.cmpf ogt, %slice3A_2160, %max3A_2159 : vector<256x128xf32>
    %jit3A_2162 = arith.constant 3 : i32
    %broadcast_in_dim3A_2163 = vector.broadcast %jit3A_2162 : i32 to vector<256x128xi32>
    %select_n3A_2164 = arith.select %gt3A_2161, %broadcast_in_dim3A_2163, %select_n3A_2158 : vector<256x128xi1>, vector<256x128xi32>
    %max3A_2165 = arith.maximumf %max3A_2159, %slice3A_2160 : vector<256x128xf32>
    %slice3A_2166 = vector.extract_strided_slice %dot_general3A_2136 {offsets = [0, 512], sizes = [256, 128], strides = [1, 1]} : vector<256x8192xf32> to vector<256x128xf32>
    %gt3A_2167 = arith.cmpf ogt, %slice3A_2166, %max3A_2165 : vector<256x128xf32>
    %jit3A_2168 = arith.constant 4 : i32
    %broadcast_in_dim3A_2169 = vector.broadcast %jit3A_2168 : i32 to vector<256x128xi32>
    %select_n3A_2170 = arith.select %gt3A_2167, %broadcast_in_dim3A_2169, %select_n3A_2164 : vector<256x128xi1>, vector<256x128xi32>
    %max3A_2171 = arith.maximumf %max3A_2165, %slice3A_2166 : vector<256x128xf32>
    %slice3A_2172 = vector.extract_strided_slice %dot_general3A_2136 {offsets = [0, 640], sizes = [256, 128], strides = [1, 1]} : vector<256x8192xf32> to vector<256x128xf32>
    %gt3A_2173 = arith.cmpf ogt, %slice3A_2172, %max3A_2171 : vector<256x128xf32>
    %jit3A_2174 = arith.constant 5 : i32
    %broadcast_in_dim3A_2175 = vector.broadcast %jit3A_2174 : i32 to vector<256x128xi32>
    %select_n3A_2176 = arith.select %gt3A_2173, %broadcast_in_dim3A_2175, %select_n3A_2170 : vector<256x128xi1>, vector<256x128xi32>
    %max3A_2177 = arith.maximumf %max3A_2171, %slice3A_2172 : vector<256x128xf32>
    %slice3A_2178 = vector.extract_strided_slice %dot_general3A_2136 {offsets = [0, 768], sizes = [256, 128], strides = [1, 1]} : vector<256x8192xf32> to vector<256x128xf32>
    %gt3A_2179 = arith.cmpf ogt, %slice3A_2178, %max3A_2177 : vector<256x128xf32>
    %jit3A_2180 = arith.constant 6 : i32
    %broadcast_in_dim3A_2181 = vector.broadcast %jit3A_2180 : i32 to vector<256x128xi32>
    %select_n3A_2182 = arith.select %gt3A_2179, %broadcast_in_dim3A_2181, %select_n3A_2176 : vector<256x128xi1>, vector<256x128xi32>
    %max3A_2183 = arith.maximumf %max3A_2177, %slice3A_2178 : vector<256x128xf32>
    %slice3A_2184 = vector.extract_strided_slice %dot_general3A_2136 {offsets = [0, 896], sizes = [256, 128], strides = [1, 1]} : vector<256x8192xf32> to vector<256x128xf32>
    %gt3A_2185 = arith.cmpf ogt, %slice3A_2184, %max3A_2183 : vector<256x128xf32>
    %jit3A_2186 = arith.constant 7 : i32
    %broadcast_in_dim3A_2187 = vector.broadcast %jit3A_2186 : i32 to vector<256x128xi32>
    %select_n3A_2188 = arith.select %gt3A_2185, %broadcast_in_dim3A_2187, %select_n3A_2182 : vector<256x128xi1>, vector<256x128xi32>
    %max3A_2189 = arith.maximumf %max3A_2183, %slice3A_2184 : vector<256x128xf32>
    %slice3A_2190 = vector.extract_strided_slice %dot_general3A_2136 {offsets = [0, 1024], sizes = [256, 128], strides = [1, 1]} : vector<256x8192xf32> to vector<256x128xf32>
    %gt3A_2191 = arith.cmpf ogt, %slice3A_2190, %max3A_2189 : vector<256x128xf32>
    %jit3A_2192 = arith.constant 8 : i32
    %broadcast_in_dim3A_2193 = vector.broadcast %jit3A_2192 : i32 to vector<256x128xi32>
    %select_n3A_2194 = arith.select %gt3A_2191, %broadcast_in_dim3A_2193, %select_n3A_2188 : vector<256x128xi1>, vector<256x128xi32>
    %max3A_2195 = arith.maximumf %max3A_2189, %slice3A_2190 : vector<256x128xf32>
    %slice3A_2196 = vector.extract_strided_slice %dot_general3A_2136 {offsets = [0, 1152], sizes = [256, 128], strides = [1, 1]} : vector<256x8192xf32> to vector<256x128xf32>
    %gt3A_2197 = arith.cmpf ogt, %slice3A_2196, %max3A_2195 : vector<256x128xf32>
    %jit3A_2198 = arith.constant 9 : i32
    %broadcast_in_dim3A_2199 = vector.broadcast %jit3A_2198 : i32 to vector<256x128xi32>
    %select_n3A_2200 = arith.select %gt3A_2197, %broadcast_in_dim3A_2199, %select_n3A_2194 : vector<256x128xi1>, vector<256x128xi32>
    %max3A_2201 = arith.maximumf %max3A_2195, %slice3A_2196 : vector<256x128xf32>
    %slice3A_2202 = vector.extract_strided_slice %dot_general3A_2136 {offsets = [0, 1280], sizes = [256, 128], strides = [1, 1]} : vector<256x8192xf32> to vector<256x128xf32>
    %gt3A_2203 = arith.cmpf ogt, %slice3A_2202, %max3A_2201 : vector<256x128xf32>
    %jit3A_2204 = arith.constant 10 : i32
    %broadcast_in_dim3A_2205 = vector.broadcast %jit3A_2204 : i32 to vector<256x128xi32>
    %select_n3A_2206 = arith.select %gt3A_2203, %broadcast_in_dim3A_2205, %select_n3A_2200 : vector<256x128xi1>, vector<256x128xi32>
    %max3A_2207 = arith.maximumf %max3A_2201, %slice3A_2202 : vector<256x128xf32>
    %slice3A_2208 = vector.extract_strided_slice %dot_general3A_2136 {offsets = [0, 1408], sizes = [256, 128], strides = [1, 1]} : vector<256x8192xf32> to vector<256x128xf32>
    %gt3A_2209 = arith.cmpf ogt, %slice3A_2208, %max3A_2207 : vector<256x128xf32>
    %jit3A_2210 = arith.constant 11 : i32
    %broadcast_in_dim3A_2211 = vector.broadcast %jit3A_2210 : i32 to vector<256x128xi32>
    %select_n3A_2212 = arith.select %gt3A_2209, %broadcast_in_dim3A_2211, %select_n3A_2206 : vector<256x128xi1>, vector<256x128xi32>
    %max3A_2213 = arith.maximumf %max3A_2207, %slice3A_2208 : vector<256x128xf32>
    %slice3A_2214 = vector.extract_strided_slice %dot_general3A_2136 {offsets = [0, 1536], sizes = [256, 128], strides = [1, 1]} : vector<256x8192xf32> to vector<256x128xf32>
    %gt3A_2215 = arith.cmpf ogt, %slice3A_2214, %max3A_2213 : vector<256x128xf32>
    %jit3A_2216 = arith.constant 12 : i32
    %broadcast_in_dim3A_2217 = vector.broadcast %jit3A_2216 : i32 to vector<256x128xi32>
    %select_n3A_2218 = arith.select %gt3A_2215, %broadcast_in_dim3A_2217, %select_n3A_2212 : vector<256x128xi1>, vector<256x128xi32>
    %max3A_2219 = arith.maximumf %max3A_2213, %slice3A_2214 : vector<256x128xf32>
    %slice3A_2220 = vector.extract_strided_slice %dot_general3A_2136 {offsets = [0, 1664], sizes = [256, 128], strides = [1, 1]} : vector<256x8192xf32> to vector<256x128xf32>
    %gt3A_2221 = arith.cmpf ogt, %slice3A_2220, %max3A_2219 : vector<256x128xf32>
    %jit3A_2222 = arith.constant 13 : i32
    %broadcast_in_dim3A_2223 = vector.broadcast %jit3A_2222 : i32 to vector<256x128xi32>
    %select_n3A_2224 = arith.select %gt3A_2221, %broadcast_in_dim3A_2223, %select_n3A_2218 : vector<256x128xi1>, vector<256x128xi32>
    %max3A_2225 = arith.maximumf %max3A_2219, %slice3A_2220 : vector<256x128xf32>
    %slice3A_2226 = vector.extract_strided_slice %dot_general3A_2136 {offsets = [0, 1792], sizes = [256, 128], strides = [1, 1]} : vector<256x8192xf32> to vector<256x128xf32>
    %gt3A_2227 = arith.cmpf ogt, %slice3A_2226, %max3A_2225 : vector<256x128xf32>
    %jit3A_2228 = arith.constant 14 : i32
    %broadcast_in_dim3A_2229 = vector.broadcast %jit3A_2228 : i32 to vector<256x128xi32>
    %select_n3A_2230 = arith.select %gt3A_2227, %broadcast_in_dim3A_2229, %select_n3A_2224 : vector<256x128xi1>, vector<256x128xi32>
    %max3A_2231 = arith.maximumf %max3A_2225, %slice3A_2226 : vector<256x128xf32>
    %slice3A_2232 = vector.extract_strided_slice %dot_general3A_2136 {offsets = [0, 1920], sizes = [256, 128], strides = [1, 1]} : vector<256x8192xf32> to vector<256x128xf32>
    %gt3A_2233 = arith.cmpf ogt, %slice3A_2232, %max3A_2231 : vector<256x128xf32>
    %jit3A_2234 = arith.constant 15 : i32
    %broadcast_in_dim3A_2235 = vector.broadcast %jit3A_2234 : i32 to vector<256x128xi32>
    %select_n3A_2236 = arith.select %gt3A_2233, %broadcast_in_dim3A_2235, %select_n3A_2230 : vector<256x128xi1>, vector<256x128xi32>
    %max3A_2237 = arith.maximumf %max3A_2231, %slice3A_2232 : vector<256x128xf32>
    %slice3A_2238 = vector.extract_strided_slice %dot_general3A_2136 {offsets = [0, 2048], sizes = [256, 128], strides = [1, 1]} : vector<256x8192xf32> to vector<256x128xf32>
    %gt3A_2239 = arith.cmpf ogt, %slice3A_2238, %max3A_2237 : vector<256x128xf32>
    %jit3A_2240 = arith.constant 16 : i32
    %broadcast_in_dim3A_2241 = vector.broadcast %jit3A_2240 : i32 to vector<256x128xi32>
    %select_n3A_2242 = arith.select %gt3A_2239, %broadcast_in_dim3A_2241, %select_n3A_2236 : vector<256x128xi1>, vector<256x128xi32>
    %max3A_2243 = arith.maximumf %max3A_2237, %slice3A_2238 : vector<256x128xf32>
    %slice3A_2244 = vector.extract_strided_slice %dot_general3A_2136 {offsets = [0, 2176], sizes = [256, 128], strides = [1, 1]} : vector<256x8192xf32> to vector<256x128xf32>
    %gt3A_2245 = arith.cmpf ogt, %slice3A_2244, %max3A_2243 : vector<256x128xf32>
    %jit3A_2246 = arith.constant 17 : i32
    %broadcast_in_dim3A_2247 = vector.broadcast %jit3A_2246 : i32 to vector<256x128xi32>
    %select_n3A_2248 = arith.select %gt3A_2245, %broadcast_in_dim3A_2247, %select_n3A_2242 : vector<256x128xi1>, vector<256x128xi32>
    %max3A_2249 = arith.maximumf %max3A_2243, %slice3A_2244 : vector<256x128xf32>
    %slice3A_2250 = vector.extract_strided_slice %dot_general3A_2136 {offsets = [0, 2304], sizes = [256, 128], strides = [1, 1]} : vector<256x8192xf32> to vector<256x128xf32>
    %gt3A_2251 = arith.cmpf ogt, %slice3A_2250, %max3A_2249 : vector<256x128xf32>
    %jit3A_2252 = arith.constant 18 : i32
    %broadcast_in_dim3A_2253 = vector.broadcast %jit3A_2252 : i32 to vector<256x128xi32>
    %select_n3A_2254 = arith.select %gt3A_2251, %broadcast_in_dim3A_2253, %select_n3A_2248 : vector<256x128xi1>, vector<256x128xi32>
    %max3A_2255 = arith.maximumf %max3A_2249, %slice3A_2250 : vector<256x128xf32>
    %slice3A_2256 = vector.extract_strided_slice %dot_general3A_2136 {offsets = [0, 2432], sizes = [256, 128], strides = [1, 1]} : vector<256x8192xf32> to vector<256x128xf32>
    %gt3A_2257 = arith.cmpf ogt, %slice3A_2256, %max3A_2255 : vector<256x128xf32>
    %jit3A_2258 = arith.constant 19 : i32
    %broadcast_in_dim3A_2259 = vector.broadcast %jit3A_2258 : i32 to vector<256x128xi32>
    %select_n3A_2260 = arith.select %gt3A_2257, %broadcast_in_dim3A_2259, %select_n3A_2254 : vector<256x128xi1>, vector<256x128xi32>
    %max3A_2261 = arith.maximumf %max3A_2255, %slice3A_2256 : vector<256x128xf32>
    %slice3A_2262 = vector.extract_strided_slice %dot_general3A_2136 {offsets = [0, 2560], sizes = [256, 128], strides = [1, 1]} : vector<256x8192xf32> to vector<256x128xf32>
    %gt3A_2263 = arith.cmpf ogt, %slice3A_2262, %max3A_2261 : vector<256x128xf32>
    %jit3A_2264 = arith.constant 20 : i32
    %broadcast_in_dim3A_2265 = vector.broadcast %jit3A_2264 : i32 to vector<256x128xi32>
    %select_n3A_2266 = arith.select %gt3A_2263, %broadcast_in_dim3A_2265, %select_n3A_2260 : vector<256x128xi1>, vector<256x128xi32>
    %max3A_2267 = arith.maximumf %max3A_2261, %slice3A_2262 : vector<256x128xf32>
    %slice3A_2268 = vector.extract_strided_slice %dot_general3A_2136 {offsets = [0, 2688], sizes = [256, 128], strides = [1, 1]} : vector<256x8192xf32> to vector<256x128xf32>
    %gt3A_2269 = arith.cmpf ogt, %slice3A_2268, %max3A_2267 : vector<256x128xf32>
    %jit3A_2270 = arith.constant 21 : i32
    %broadcast_in_dim3A_2271 = vector.broadcast %jit3A_2270 : i32 to vector<256x128xi32>
    %select_n3A_2272 = arith.select %gt3A_2269, %broadcast_in_dim3A_2271, %select_n3A_2266 : vector<256x128xi1>, vector<256x128xi32>
    %max3A_2273 = arith.maximumf %max3A_2267, %slice3A_2268 : vector<256x128xf32>
    %slice3A_2274 = vector.extract_strided_slice %dot_general3A_2136 {offsets = [0, 2816], sizes = [256, 128], strides = [1, 1]} : vector<256x8192xf32> to vector<256x128xf32>
    %gt3A_2275 = arith.cmpf ogt, %slice3A_2274, %max3A_2273 : vector<256x128xf32>
    %jit3A_2276 = arith.constant 22 : i32
    %broadcast_in_dim3A_2277 = vector.broadcast %jit3A_2276 : i32 to vector<256x128xi32>
    %select_n3A_2278 = arith.select %gt3A_2275, %broadcast_in_dim3A_2277, %select_n3A_2272 : vector<256x128xi1>, vector<256x128xi32>
    %max3A_2279 = arith.maximumf %max3A_2273, %slice3A_2274 : vector<256x128xf32>
    %slice3A_2280 = vector.extract_strided_slice %dot_general3A_2136 {offsets = [0, 2944], sizes = [256, 128], strides = [1, 1]} : vector<256x8192xf32> to vector<256x128xf32>
    %gt3A_2281 = arith.cmpf ogt, %slice3A_2280, %max3A_2279 : vector<256x128xf32>
    %jit3A_2282 = arith.constant 23 : i32
    %broadcast_in_dim3A_2283 = vector.broadcast %jit3A_2282 : i32 to vector<256x128xi32>
    %select_n3A_2284 = arith.select %gt3A_2281, %broadcast_in_dim3A_2283, %select_n3A_2278 : vector<256x128xi1>, vector<256x128xi32>
    %max3A_2285 = arith.maximumf %max3A_2279, %slice3A_2280 : vector<256x128xf32>
    %slice3A_2286 = vector.extract_strided_slice %dot_general3A_2136 {offsets = [0, 3072], sizes = [256, 128], strides = [1, 1]} : vector<256x8192xf32> to vector<256x128xf32>
    %gt3A_2287 = arith.cmpf ogt, %slice3A_2286, %max3A_2285 : vector<256x128xf32>
    %jit3A_2288 = arith.constant 24 : i32
    %broadcast_in_dim3A_2289 = vector.broadcast %jit3A_2288 : i32 to vector<256x128xi32>
    %select_n3A_2290 = arith.select %gt3A_2287, %broadcast_in_dim3A_2289, %select_n3A_2284 : vector<256x128xi1>, vector<256x128xi32>
    %max3A_2291 = arith.maximumf %max3A_2285, %slice3A_2286 : vector<256x128xf32>
    %slice3A_2292 = vector.extract_strided_slice %dot_general3A_2136 {offsets = [0, 3200], sizes = [256, 128], strides = [1, 1]} : vector<256x8192xf32> to vector<256x128xf32>
    %gt3A_2293 = arith.cmpf ogt, %slice3A_2292, %max3A_2291 : vector<256x128xf32>
    %jit3A_2294 = arith.constant 25 : i32
    %broadcast_in_dim3A_2295 = vector.broadcast %jit3A_2294 : i32 to vector<256x128xi32>
    %select_n3A_2296 = arith.select %gt3A_2293, %broadcast_in_dim3A_2295, %select_n3A_2290 : vector<256x128xi1>, vector<256x128xi32>
    %max3A_2297 = arith.maximumf %max3A_2291, %slice3A_2292 : vector<256x128xf32>
    %slice3A_2298 = vector.extract_strided_slice %dot_general3A_2136 {offsets = [0, 3328], sizes = [256, 128], strides = [1, 1]} : vector<256x8192xf32> to vector<256x128xf32>
    %gt3A_2299 = arith.cmpf ogt, %slice3A_2298, %max3A_2297 : vector<256x128xf32>
    %jit3A_2300 = arith.constant 26 : i32
    %broadcast_in_dim3A_2301 = vector.broadcast %jit3A_2300 : i32 to vector<256x128xi32>
    %select_n3A_2302 = arith.select %gt3A_2299, %broadcast_in_dim3A_2301, %select_n3A_2296 : vector<256x128xi1>, vector<256x128xi32>
    %max3A_2303 = arith.maximumf %max3A_2297, %slice3A_2298 : vector<256x128xf32>
    %slice3A_2304 = vector.extract_strided_slice %dot_general3A_2136 {offsets = [0, 3456], sizes = [256, 128], strides = [1, 1]} : vector<256x8192xf32> to vector<256x128xf32>
    %gt3A_2305 = arith.cmpf ogt, %slice3A_2304, %max3A_2303 : vector<256x128xf32>
    %jit3A_2306 = arith.constant 27 : i32
    %broadcast_in_dim3A_2307 = vector.broadcast %jit3A_2306 : i32 to vector<256x128xi32>
    %select_n3A_2308 = arith.select %gt3A_2305, %broadcast_in_dim3A_2307, %select_n3A_2302 : vector<256x128xi1>, vector<256x128xi32>
    %max3A_2309 = arith.maximumf %max3A_2303, %slice3A_2304 : vector<256x128xf32>
    %slice3A_2310 = vector.extract_strided_slice %dot_general3A_2136 {offsets = [0, 3584], sizes = [256, 128], strides = [1, 1]} : vector<256x8192xf32> to vector<256x128xf32>
    %gt3A_2311 = arith.cmpf ogt, %slice3A_2310, %max3A_2309 : vector<256x128xf32>
    %jit3A_2312 = arith.constant 28 : i32
    %broadcast_in_dim3A_2313 = vector.broadcast %jit3A_2312 : i32 to vector<256x128xi32>
    %select_n3A_2314 = arith.select %gt3A_2311, %broadcast_in_dim3A_2313, %select_n3A_2308 : vector<256x128xi1>, vector<256x128xi32>
    %max3A_2315 = arith.maximumf %max3A_2309, %slice3A_2310 : vector<256x128xf32>
    %slice3A_2316 = vector.extract_strided_slice %dot_general3A_2136 {offsets = [0, 3712], sizes = [256, 128], strides = [1, 1]} : vector<256x8192xf32> to vector<256x128xf32>
    %gt3A_2317 = arith.cmpf ogt, %slice3A_2316, %max3A_2315 : vector<256x128xf32>
    %jit3A_2318 = arith.constant 29 : i32
    %broadcast_in_dim3A_2319 = vector.broadcast %jit3A_2318 : i32 to vector<256x128xi32>
    %select_n3A_2320 = arith.select %gt3A_2317, %broadcast_in_dim3A_2319, %select_n3A_2314 : vector<256x128xi1>, vector<256x128xi32>
    %max3A_2321 = arith.maximumf %max3A_2315, %slice3A_2316 : vector<256x128xf32>
    %slice3A_2322 = vector.extract_strided_slice %dot_general3A_2136 {offsets = [0, 3840], sizes = [256, 128], strides = [1, 1]} : vector<256x8192xf32> to vector<256x128xf32>
    %gt3A_2323 = arith.cmpf ogt, %slice3A_2322, %max3A_2321 : vector<256x128xf32>
    %jit3A_2324 = arith.constant 30 : i32
    %broadcast_in_dim3A_2325 = vector.broadcast %jit3A_2324 : i32 to vector<256x128xi32>
    %select_n3A_2326 = arith.select %gt3A_2323, %broadcast_in_dim3A_2325, %select_n3A_2320 : vector<256x128xi1>, vector<256x128xi32>
    %max3A_2327 = arith.maximumf %max3A_2321, %slice3A_2322 : vector<256x128xf32>
    %slice3A_2328 = vector.extract_strided_slice %dot_general3A_2136 {offsets = [0, 3968], sizes = [256, 128], strides = [1, 1]} : vector<256x8192xf32> to vector<256x128xf32>
    %gt3A_2329 = arith.cmpf ogt, %slice3A_2328, %max3A_2327 : vector<256x128xf32>
    %jit3A_2330 = arith.constant 31 : i32
    %broadcast_in_dim3A_2331 = vector.broadcast %jit3A_2330 : i32 to vector<256x128xi32>
    %select_n3A_2332 = arith.select %gt3A_2329, %broadcast_in_dim3A_2331, %select_n3A_2326 : vector<256x128xi1>, vector<256x128xi32>
    %max3A_2333 = arith.maximumf %max3A_2327, %slice3A_2328 : vector<256x128xf32>
    %slice3A_2334 = vector.extract_strided_slice %dot_general3A_2136 {offsets = [0, 4096], sizes = [256, 128], strides = [1, 1]} : vector<256x8192xf32> to vector<256x128xf32>
    %gt3A_2335 = arith.cmpf ogt, %slice3A_2334, %max3A_2333 : vector<256x128xf32>
    %jit3A_2336 = arith.constant 32 : i32
    %broadcast_in_dim3A_2337 = vector.broadcast %jit3A_2336 : i32 to vector<256x128xi32>
    %select_n3A_2338 = arith.select %gt3A_2335, %broadcast_in_dim3A_2337, %select_n3A_2332 : vector<256x128xi1>, vector<256x128xi32>
    %max3A_2339 = arith.maximumf %max3A_2333, %slice3A_2334 : vector<256x128xf32>
    %slice3A_2340 = vector.extract_strided_slice %dot_general3A_2136 {offsets = [0, 4224], sizes = [256, 128], strides = [1, 1]} : vector<256x8192xf32> to vector<256x128xf32>
    %gt3A_2341 = arith.cmpf ogt, %slice3A_2340, %max3A_2339 : vector<256x128xf32>
    %jit3A_2342 = arith.constant 33 : i32
    %broadcast_in_dim3A_2343 = vector.broadcast %jit3A_2342 : i32 to vector<256x128xi32>
    %select_n3A_2344 = arith.select %gt3A_2341, %broadcast_in_dim3A_2343, %select_n3A_2338 : vector<256x128xi1>, vector<256x128xi32>
    %max3A_2345 = arith.maximumf %max3A_2339, %slice3A_2340 : vector<256x128xf32>
    %slice3A_2346 = vector.extract_strided_slice %dot_general3A_2136 {offsets = [0, 4352], sizes = [256, 128], strides = [1, 1]} : vector<256x8192xf32> to vector<256x128xf32>
    %gt3A_2347 = arith.cmpf ogt, %slice3A_2346, %max3A_2345 : vector<256x128xf32>
    %jit3A_2348 = arith.constant 34 : i32
    %broadcast_in_dim3A_2349 = vector.broadcast %jit3A_2348 : i32 to vector<256x128xi32>
    %select_n3A_2350 = arith.select %gt3A_2347, %broadcast_in_dim3A_2349, %select_n3A_2344 : vector<256x128xi1>, vector<256x128xi32>
    %max3A_2351 = arith.maximumf %max3A_2345, %slice3A_2346 : vector<256x128xf32>
    %slice3A_2352 = vector.extract_strided_slice %dot_general3A_2136 {offsets = [0, 4480], sizes = [256, 128], strides = [1, 1]} : vector<256x8192xf32> to vector<256x128xf32>
    %gt3A_2353 = arith.cmpf ogt, %slice3A_2352, %max3A_2351 : vector<256x128xf32>
    %jit3A_2354 = arith.constant 35 : i32
    %broadcast_in_dim3A_2355 = vector.broadcast %jit3A_2354 : i32 to vector<256x128xi32>
    %select_n3A_2356 = arith.select %gt3A_2353, %broadcast_in_dim3A_2355, %select_n3A_2350 : vector<256x128xi1>, vector<256x128xi32>
    %max3A_2357 = arith.maximumf %max3A_2351, %slice3A_2352 : vector<256x128xf32>
    %slice3A_2358 = vector.extract_strided_slice %dot_general3A_2136 {offsets = [0, 4608], sizes = [256, 128], strides = [1, 1]} : vector<256x8192xf32> to vector<256x128xf32>
    %gt3A_2359 = arith.cmpf ogt, %slice3A_2358, %max3A_2357 : vector<256x128xf32>
    %jit3A_2360 = arith.constant 36 : i32
    %broadcast_in_dim3A_2361 = vector.broadcast %jit3A_2360 : i32 to vector<256x128xi32>
    %select_n3A_2362 = arith.select %gt3A_2359, %broadcast_in_dim3A_2361, %select_n3A_2356 : vector<256x128xi1>, vector<256x128xi32>
    %max3A_2363 = arith.maximumf %max3A_2357, %slice3A_2358 : vector<256x128xf32>
    %slice3A_2364 = vector.extract_strided_slice %dot_general3A_2136 {offsets = [0, 4736], sizes = [256, 128], strides = [1, 1]} : vector<256x8192xf32> to vector<256x128xf32>
    %gt3A_2365 = arith.cmpf ogt, %slice3A_2364, %max3A_2363 : vector<256x128xf32>
    %jit3A_2366 = arith.constant 37 : i32
    %broadcast_in_dim3A_2367 = vector.broadcast %jit3A_2366 : i32 to vector<256x128xi32>
    %select_n3A_2368 = arith.select %gt3A_2365, %broadcast_in_dim3A_2367, %select_n3A_2362 : vector<256x128xi1>, vector<256x128xi32>
    %max3A_2369 = arith.maximumf %max3A_2363, %slice3A_2364 : vector<256x128xf32>
    %slice3A_2370 = vector.extract_strided_slice %dot_general3A_2136 {offsets = [0, 4864], sizes = [256, 128], strides = [1, 1]} : vector<256x8192xf32> to vector<256x128xf32>
    %gt3A_2371 = arith.cmpf ogt, %slice3A_2370, %max3A_2369 : vector<256x128xf32>
    %jit3A_2372 = arith.constant 38 : i32
    %broadcast_in_dim3A_2373 = vector.broadcast %jit3A_2372 : i32 to vector<256x128xi32>
    %select_n3A_2374 = arith.select %gt3A_2371, %broadcast_in_dim3A_2373, %select_n3A_2368 : vector<256x128xi1>, vector<256x128xi32>
    %max3A_2375 = arith.maximumf %max3A_2369, %slice3A_2370 : vector<256x128xf32>
    %slice3A_2376 = vector.extract_strided_slice %dot_general3A_2136 {offsets = [0, 4992], sizes = [256, 128], strides = [1, 1]} : vector<256x8192xf32> to vector<256x128xf32>
    %gt3A_2377 = arith.cmpf ogt, %slice3A_2376, %max3A_2375 : vector<256x128xf32>
    %jit3A_2378 = arith.constant 39 : i32
    %broadcast_in_dim3A_2379 = vector.broadcast %jit3A_2378 : i32 to vector<256x128xi32>
    %select_n3A_2380 = arith.select %gt3A_2377, %broadcast_in_dim3A_2379, %select_n3A_2374 : vector<256x128xi1>, vector<256x128xi32>
    %max3A_2381 = arith.maximumf %max3A_2375, %slice3A_2376 : vector<256x128xf32>
    %slice3A_2382 = vector.extract_strided_slice %dot_general3A_2136 {offsets = [0, 5120], sizes = [256, 128], strides = [1, 1]} : vector<256x8192xf32> to vector<256x128xf32>
    %gt3A_2383 = arith.cmpf ogt, %slice3A_2382, %max3A_2381 : vector<256x128xf32>
    %jit3A_2384 = arith.constant 40 : i32
    %broadcast_in_dim3A_2385 = vector.broadcast %jit3A_2384 : i32 to vector<256x128xi32>
    %select_n3A_2386 = arith.select %gt3A_2383, %broadcast_in_dim3A_2385, %select_n3A_2380 : vector<256x128xi1>, vector<256x128xi32>
    %max3A_2387 = arith.maximumf %max3A_2381, %slice3A_2382 : vector<256x128xf32>
    %slice3A_2388 = vector.extract_strided_slice %dot_general3A_2136 {offsets = [0, 5248], sizes = [256, 128], strides = [1, 1]} : vector<256x8192xf32> to vector<256x128xf32>
    %gt3A_2389 = arith.cmpf ogt, %slice3A_2388, %max3A_2387 : vector<256x128xf32>
    %jit3A_2390 = arith.constant 41 : i32
    %broadcast_in_dim3A_2391 = vector.broadcast %jit3A_2390 : i32 to vector<256x128xi32>
    %select_n3A_2392 = arith.select %gt3A_2389, %broadcast_in_dim3A_2391, %select_n3A_2386 : vector<256x128xi1>, vector<256x128xi32>
    %max3A_2393 = arith.maximumf %max3A_2387, %slice3A_2388 : vector<256x128xf32>
    %slice3A_2394 = vector.extract_strided_slice %dot_general3A_2136 {offsets = [0, 5376], sizes = [256, 128], strides = [1, 1]} : vector<256x8192xf32> to vector<256x128xf32>
    %gt3A_2395 = arith.cmpf ogt, %slice3A_2394, %max3A_2393 : vector<256x128xf32>
    %jit3A_2396 = arith.constant 42 : i32
    %broadcast_in_dim3A_2397 = vector.broadcast %jit3A_2396 : i32 to vector<256x128xi32>
    %select_n3A_2398 = arith.select %gt3A_2395, %broadcast_in_dim3A_2397, %select_n3A_2392 : vector<256x128xi1>, vector<256x128xi32>
    %max3A_2399 = arith.maximumf %max3A_2393, %slice3A_2394 : vector<256x128xf32>
    %slice3A_2400 = vector.extract_strided_slice %dot_general3A_2136 {offsets = [0, 5504], sizes = [256, 128], strides = [1, 1]} : vector<256x8192xf32> to vector<256x128xf32>
    %gt3A_2401 = arith.cmpf ogt, %slice3A_2400, %max3A_2399 : vector<256x128xf32>
    %jit3A_2402 = arith.constant 43 : i32
    %broadcast_in_dim3A_2403 = vector.broadcast %jit3A_2402 : i32 to vector<256x128xi32>
    %select_n3A_2404 = arith.select %gt3A_2401, %broadcast_in_dim3A_2403, %select_n3A_2398 : vector<256x128xi1>, vector<256x128xi32>
    %max3A_2405 = arith.maximumf %max3A_2399, %slice3A_2400 : vector<256x128xf32>
    %slice3A_2406 = vector.extract_strided_slice %dot_general3A_2136 {offsets = [0, 5632], sizes = [256, 128], strides = [1, 1]} : vector<256x8192xf32> to vector<256x128xf32>
    %gt3A_2407 = arith.cmpf ogt, %slice3A_2406, %max3A_2405 : vector<256x128xf32>
    %jit3A_2408 = arith.constant 44 : i32
    %broadcast_in_dim3A_2409 = vector.broadcast %jit3A_2408 : i32 to vector<256x128xi32>
    %select_n3A_2410 = arith.select %gt3A_2407, %broadcast_in_dim3A_2409, %select_n3A_2404 : vector<256x128xi1>, vector<256x128xi32>
    %max3A_2411 = arith.maximumf %max3A_2405, %slice3A_2406 : vector<256x128xf32>
    %slice3A_2412 = vector.extract_strided_slice %dot_general3A_2136 {offsets = [0, 5760], sizes = [256, 128], strides = [1, 1]} : vector<256x8192xf32> to vector<256x128xf32>
    %gt3A_2413 = arith.cmpf ogt, %slice3A_2412, %max3A_2411 : vector<256x128xf32>
    %jit3A_2414 = arith.constant 45 : i32
    %broadcast_in_dim3A_2415 = vector.broadcast %jit3A_2414 : i32 to vector<256x128xi32>
    %select_n3A_2416 = arith.select %gt3A_2413, %broadcast_in_dim3A_2415, %select_n3A_2410 : vector<256x128xi1>, vector<256x128xi32>
    %max3A_2417 = arith.maximumf %max3A_2411, %slice3A_2412 : vector<256x128xf32>
    %slice3A_2418 = vector.extract_strided_slice %dot_general3A_2136 {offsets = [0, 5888], sizes = [256, 128], strides = [1, 1]} : vector<256x8192xf32> to vector<256x128xf32>
    %gt3A_2419 = arith.cmpf ogt, %slice3A_2418, %max3A_2417 : vector<256x128xf32>
    %jit3A_2420 = arith.constant 46 : i32
    %broadcast_in_dim3A_2421 = vector.broadcast %jit3A_2420 : i32 to vector<256x128xi32>
    %select_n3A_2422 = arith.select %gt3A_2419, %broadcast_in_dim3A_2421, %select_n3A_2416 : vector<256x128xi1>, vector<256x128xi32>
    %max3A_2423 = arith.maximumf %max3A_2417, %slice3A_2418 : vector<256x128xf32>
    %slice3A_2424 = vector.extract_strided_slice %dot_general3A_2136 {offsets = [0, 6016], sizes = [256, 128], strides = [1, 1]} : vector<256x8192xf32> to vector<256x128xf32>
    %gt3A_2425 = arith.cmpf ogt, %slice3A_2424, %max3A_2423 : vector<256x128xf32>
    %jit3A_2426 = arith.constant 47 : i32
    %broadcast_in_dim3A_2427 = vector.broadcast %jit3A_2426 : i32 to vector<256x128xi32>
    %select_n3A_2428 = arith.select %gt3A_2425, %broadcast_in_dim3A_2427, %select_n3A_2422 : vector<256x128xi1>, vector<256x128xi32>
    %max3A_2429 = arith.maximumf %max3A_2423, %slice3A_2424 : vector<256x128xf32>
    %slice3A_2430 = vector.extract_strided_slice %dot_general3A_2136 {offsets = [0, 6144], sizes = [256, 128], strides = [1, 1]} : vector<256x8192xf32> to vector<256x128xf32>
    %gt3A_2431 = arith.cmpf ogt, %slice3A_2430, %max3A_2429 : vector<256x128xf32>
    %jit3A_2432 = arith.constant 48 : i32
    %broadcast_in_dim3A_2433 = vector.broadcast %jit3A_2432 : i32 to vector<256x128xi32>
    %select_n3A_2434 = arith.select %gt3A_2431, %broadcast_in_dim3A_2433, %select_n3A_2428 : vector<256x128xi1>, vector<256x128xi32>
    %max3A_2435 = arith.maximumf %max3A_2429, %slice3A_2430 : vector<256x128xf32>
    %slice3A_2436 = vector.extract_strided_slice %dot_general3A_2136 {offsets = [0, 6272], sizes = [256, 128], strides = [1, 1]} : vector<256x8192xf32> to vector<256x128xf32>
    %gt3A_2437 = arith.cmpf ogt, %slice3A_2436, %max3A_2435 : vector<256x128xf32>
    %jit3A_2438 = arith.constant 49 : i32
    %broadcast_in_dim3A_2439 = vector.broadcast %jit3A_2438 : i32 to vector<256x128xi32>
    %select_n3A_2440 = arith.select %gt3A_2437, %broadcast_in_dim3A_2439, %select_n3A_2434 : vector<256x128xi1>, vector<256x128xi32>
    %max3A_2441 = arith.maximumf %max3A_2435, %slice3A_2436 : vector<256x128xf32>
    %slice3A_2442 = vector.extract_strided_slice %dot_general3A_2136 {offsets = [0, 6400], sizes = [256, 128], strides = [1, 1]} : vector<256x8192xf32> to vector<256x128xf32>
    %gt3A_2443 = arith.cmpf ogt, %slice3A_2442, %max3A_2441 : vector<256x128xf32>
    %jit3A_2444 = arith.constant 50 : i32
    %broadcast_in_dim3A_2445 = vector.broadcast %jit3A_2444 : i32 to vector<256x128xi32>
    %select_n3A_2446 = arith.select %gt3A_2443, %broadcast_in_dim3A_2445, %select_n3A_2440 : vector<256x128xi1>, vector<256x128xi32>
    %max3A_2447 = arith.maximumf %max3A_2441, %slice3A_2442 : vector<256x128xf32>
    %slice3A_2448 = vector.extract_strided_slice %dot_general3A_2136 {offsets = [0, 6528], sizes = [256, 128], strides = [1, 1]} : vector<256x8192xf32> to vector<256x128xf32>
    %gt3A_2449 = arith.cmpf ogt, %slice3A_2448, %max3A_2447 : vector<256x128xf32>
    %jit3A_2450 = arith.constant 51 : i32
    %broadcast_in_dim3A_2451 = vector.broadcast %jit3A_2450 : i32 to vector<256x128xi32>
    %select_n3A_2452 = arith.select %gt3A_2449, %broadcast_in_dim3A_2451, %select_n3A_2446 : vector<256x128xi1>, vector<256x128xi32>
    %max3A_2453 = arith.maximumf %max3A_2447, %slice3A_2448 : vector<256x128xf32>
    %slice3A_2454 = vector.extract_strided_slice %dot_general3A_2136 {offsets = [0, 6656], sizes = [256, 128], strides = [1, 1]} : vector<256x8192xf32> to vector<256x128xf32>
    %gt3A_2455 = arith.cmpf ogt, %slice3A_2454, %max3A_2453 : vector<256x128xf32>
    %jit3A_2456 = arith.constant 52 : i32
    %broadcast_in_dim3A_2457 = vector.broadcast %jit3A_2456 : i32 to vector<256x128xi32>
    %select_n3A_2458 = arith.select %gt3A_2455, %broadcast_in_dim3A_2457, %select_n3A_2452 : vector<256x128xi1>, vector<256x128xi32>
    %max3A_2459 = arith.maximumf %max3A_2453, %slice3A_2454 : vector<256x128xf32>
    %slice3A_2460 = vector.extract_strided_slice %dot_general3A_2136 {offsets = [0, 6784], sizes = [256, 128], strides = [1, 1]} : vector<256x8192xf32> to vector<256x128xf32>
    %gt3A_2461 = arith.cmpf ogt, %slice3A_2460, %max3A_2459 : vector<256x128xf32>
    %jit3A_2462 = arith.constant 53 : i32
    %broadcast_in_dim3A_2463 = vector.broadcast %jit3A_2462 : i32 to vector<256x128xi32>
    %select_n3A_2464 = arith.select %gt3A_2461, %broadcast_in_dim3A_2463, %select_n3A_2458 : vector<256x128xi1>, vector<256x128xi32>
    %max3A_2465 = arith.maximumf %max3A_2459, %slice3A_2460 : vector<256x128xf32>
    %slice3A_2466 = vector.extract_strided_slice %dot_general3A_2136 {offsets = [0, 6912], sizes = [256, 128], strides = [1, 1]} : vector<256x8192xf32> to vector<256x128xf32>
    %gt3A_2467 = arith.cmpf ogt, %slice3A_2466, %max3A_2465 : vector<256x128xf32>
    %jit3A_2468 = arith.constant 54 : i32
    %broadcast_in_dim3A_2469 = vector.broadcast %jit3A_2468 : i32 to vector<256x128xi32>
    %select_n3A_2470 = arith.select %gt3A_2467, %broadcast_in_dim3A_2469, %select_n3A_2464 : vector<256x128xi1>, vector<256x128xi32>
    %max3A_2471 = arith.maximumf %max3A_2465, %slice3A_2466 : vector<256x128xf32>
    %slice3A_2472 = vector.extract_strided_slice %dot_general3A_2136 {offsets = [0, 7040], sizes = [256, 128], strides = [1, 1]} : vector<256x8192xf32> to vector<256x128xf32>
    %gt3A_2473 = arith.cmpf ogt, %slice3A_2472, %max3A_2471 : vector<256x128xf32>
    %jit3A_2474 = arith.constant 55 : i32
    %broadcast_in_dim3A_2475 = vector.broadcast %jit3A_2474 : i32 to vector<256x128xi32>
    %select_n3A_2476 = arith.select %gt3A_2473, %broadcast_in_dim3A_2475, %select_n3A_2470 : vector<256x128xi1>, vector<256x128xi32>
    %max3A_2477 = arith.maximumf %max3A_2471, %slice3A_2472 : vector<256x128xf32>
    %slice3A_2478 = vector.extract_strided_slice %dot_general3A_2136 {offsets = [0, 7168], sizes = [256, 128], strides = [1, 1]} : vector<256x8192xf32> to vector<256x128xf32>
    %gt3A_2479 = arith.cmpf ogt, %slice3A_2478, %max3A_2477 : vector<256x128xf32>
    %jit3A_2480 = arith.constant 56 : i32
    %broadcast_in_dim3A_2481 = vector.broadcast %jit3A_2480 : i32 to vector<256x128xi32>
    %select_n3A_2482 = arith.select %gt3A_2479, %broadcast_in_dim3A_2481, %select_n3A_2476 : vector<256x128xi1>, vector<256x128xi32>
    %max3A_2483 = arith.maximumf %max3A_2477, %slice3A_2478 : vector<256x128xf32>
    %slice3A_2484 = vector.extract_strided_slice %dot_general3A_2136 {offsets = [0, 7296], sizes = [256, 128], strides = [1, 1]} : vector<256x8192xf32> to vector<256x128xf32>
    %gt3A_2485 = arith.cmpf ogt, %slice3A_2484, %max3A_2483 : vector<256x128xf32>
    %jit3A_2486 = arith.constant 57 : i32
    %broadcast_in_dim3A_2487 = vector.broadcast %jit3A_2486 : i32 to vector<256x128xi32>
    %select_n3A_2488 = arith.select %gt3A_2485, %broadcast_in_dim3A_2487, %select_n3A_2482 : vector<256x128xi1>, vector<256x128xi32>
    %max3A_2489 = arith.maximumf %max3A_2483, %slice3A_2484 : vector<256x128xf32>
    %slice3A_2490 = vector.extract_strided_slice %dot_general3A_2136 {offsets = [0, 7424], sizes = [256, 128], strides = [1, 1]} : vector<256x8192xf32> to vector<256x128xf32>
    %gt3A_2491 = arith.cmpf ogt, %slice3A_2490, %max3A_2489 : vector<256x128xf32>
    %jit3A_2492 = arith.constant 58 : i32
    %broadcast_in_dim3A_2493 = vector.broadcast %jit3A_2492 : i32 to vector<256x128xi32>
    %select_n3A_2494 = arith.select %gt3A_2491, %broadcast_in_dim3A_2493, %select_n3A_2488 : vector<256x128xi1>, vector<256x128xi32>
    %max3A_2495 = arith.maximumf %max3A_2489, %slice3A_2490 : vector<256x128xf32>
    %slice3A_2496 = vector.extract_strided_slice %dot_general3A_2136 {offsets = [0, 7552], sizes = [256, 128], strides = [1, 1]} : vector<256x8192xf32> to vector<256x128xf32>
    %gt3A_2497 = arith.cmpf ogt, %slice3A_2496, %max3A_2495 : vector<256x128xf32>
    %jit3A_2498 = arith.constant 59 : i32
    %broadcast_in_dim3A_2499 = vector.broadcast %jit3A_2498 : i32 to vector<256x128xi32>
    %select_n3A_2500 = arith.select %gt3A_2497, %broadcast_in_dim3A_2499, %select_n3A_2494 : vector<256x128xi1>, vector<256x128xi32>
    %max3A_2501 = arith.maximumf %max3A_2495, %slice3A_2496 : vector<256x128xf32>
    %slice3A_2502 = vector.extract_strided_slice %dot_general3A_2136 {offsets = [0, 7680], sizes = [256, 128], strides = [1, 1]} : vector<256x8192xf32> to vector<256x128xf32>
    %gt3A_2503 = arith.cmpf ogt, %slice3A_2502, %max3A_2501 : vector<256x128xf32>
    %jit3A_2504 = arith.constant 60 : i32
    %broadcast_in_dim3A_2505 = vector.broadcast %jit3A_2504 : i32 to vector<256x128xi32>
    %select_n3A_2506 = arith.select %gt3A_2503, %broadcast_in_dim3A_2505, %select_n3A_2500 : vector<256x128xi1>, vector<256x128xi32>
    %max3A_2507 = arith.maximumf %max3A_2501, %slice3A_2502 : vector<256x128xf32>
    %slice3A_2508 = vector.extract_strided_slice %dot_general3A_2136 {offsets = [0, 7808], sizes = [256, 128], strides = [1, 1]} : vector<256x8192xf32> to vector<256x128xf32>
    %gt3A_2509 = arith.cmpf ogt, %slice3A_2508, %max3A_2507 : vector<256x128xf32>
    %jit3A_2510 = arith.constant 61 : i32
    %broadcast_in_dim3A_2511 = vector.broadcast %jit3A_2510 : i32 to vector<256x128xi32>
    %select_n3A_2512 = arith.select %gt3A_2509, %broadcast_in_dim3A_2511, %select_n3A_2506 : vector<256x128xi1>, vector<256x128xi32>
    %max3A_2513 = arith.maximumf %max3A_2507, %slice3A_2508 : vector<256x128xf32>
    %slice3A_2514 = vector.extract_strided_slice %dot_general3A_2136 {offsets = [0, 7936], sizes = [256, 128], strides = [1, 1]} : vector<256x8192xf32> to vector<256x128xf32>
    %gt3A_2515 = arith.cmpf ogt, %slice3A_2514, %max3A_2513 : vector<256x128xf32>
    %jit3A_2516 = arith.constant 62 : i32
    %broadcast_in_dim3A_2517 = vector.broadcast %jit3A_2516 : i32 to vector<256x128xi32>
    %select_n3A_2518 = arith.select %gt3A_2515, %broadcast_in_dim3A_2517, %select_n3A_2512 : vector<256x128xi1>, vector<256x128xi32>
    %max3A_2519 = arith.maximumf %max3A_2513, %slice3A_2514 : vector<256x128xf32>
    %slice3A_2520 = vector.extract_strided_slice %dot_general3A_2136 {offsets = [0, 8064], sizes = [256, 128], strides = [1, 1]} : vector<256x8192xf32> to vector<256x128xf32>
    %gt3A_2521 = arith.cmpf ogt, %slice3A_2520, %max3A_2519 : vector<256x128xf32>
    %jit3A_2522 = arith.constant 63 : i32
    %broadcast_in_dim3A_2523 = vector.broadcast %jit3A_2522 : i32 to vector<256x128xi32>
    %select_n3A_2524 = arith.select %gt3A_2521, %broadcast_in_dim3A_2523, %select_n3A_2518 : vector<256x128xi1>, vector<256x128xi32>
    %max3A_2525 = arith.maximumf %max3A_2519, %slice3A_2520 : vector<256x128xf32>
    %reduce_max3A_2526 = arith.constant dense<0xFF800000> : vector<256xf32>
    %reduce_max3A_2527 = vector.multi_reduction <maximumf>, %max3A_2525, %reduce_max3A_2526 [1] : vector<256x128xf32> to vector<256xf32>
    %mul3A_2528 = arith.constant 128 : i32
    %mul3A_2529 = vector.broadcast %mul3A_2528 : i32 to vector<256x128xi32>
    %mul3A_2530 = arith.muli %select_n3A_2524, %mul3A_2529 : vector<256x128xi32>
    %add3A_2531 = arith.addi %mul3A_2530, %iota3A_2137 : vector<256x128xi32>
    %broadcast_in_dim3A_2532 = vector.shape_cast %reduce_max3A_2527 : vector<256xf32> to vector<256x1xf32>
    %eq3A_2533 = vector.broadcast %broadcast_in_dim3A_2532 : vector<256x1xf32> to vector<256x128xf32>
    %eq3A_2534 = arith.cmpf oeq, %max3A_2525, %eq3A_2533 : vector<256x128xf32>
    %jit3A_2535 = arith.constant 8192 : i32
    %broadcast_in_dim3A_2536 = vector.broadcast %jit3A_2535 : i32 to vector<256x128xi32>
    %select_n3A_2537 = arith.select %eq3A_2534, %add3A_2531, %broadcast_in_dim3A_2536 : vector<256x128xi1>, vector<256x128xi32>
    %reduce_min3A_2538 = arith.constant dense<2147483647> : vector<256xi32>
    %reduce_min3A_2539 = vector.multi_reduction <minsi>, %select_n3A_2537, %reduce_min3A_2538 [1] : vector<256x128xi32> to vector<256xi32>
    %swap3A_2540 = arith.constant 0 : index
    %swap3A_2541 = arith.constant 0 : index
    %swap3A_2542 = arith.constant 1280 : index
    %swap3A_2543 = vector.load %arg3[%swap3A_2540, %swap3A_2541, %swap3A_2542] : memref<1x1x2048xi32, #tpu.memory_space<vmem>>, vector<1x1x256xi32>
    %swap3A_2544 = vector.shape_cast %swap3A_2543 : vector<1x1x256xi32> to vector<256xi32>
    %swap3A_2545 = vector.shape_cast %reduce_min3A_2539 : vector<256xi32> to vector<1x1x256xi32>
    tpu.vector_store %arg3[%swap3A_2540, %swap3A_2541, %swap3A_2542], %swap3A_2545 {strides = array<i32>} : memref<1x1x2048xi32, #tpu.memory_space<vmem>>, vector<1x1x256xi32>,
    %mul3A_2546 = arith.constant 2.000000e+00 : f32
    %mul3A_2547 = vector.broadcast %mul3A_2546 : f32 to vector<256xf32>
    %mul3A_2548 = arith.mulf %mul3A_2547, %reduce_max3A_2527 : vector<256xf32>
    %sub3A_2549 = arith.constant 1.000000e+00 : f32
    %sub3A_2550 = vector.broadcast %sub3A_2549 : f32 to vector<256xf32>
    %sub3A_2551 = arith.subf %sub3A_2550, %mul3A_2548 : vector<256xf32>
    %slice3A_2552 = vector.extract_strided_slice %reduce_sum3A_8 {offsets = [1280], sizes = [256], strides = [1]} : vector<2048xf32> to vector<256xf32>
    %add3A_2553 = arith.addf %sub3A_2551, %slice3A_2552 : vector<256xf32>
    %reduce_sum3A_2554 = vector.shape_cast %add3A_2553 : vector<256xf32> to vector<1x256xf32>
    %reduce_sum3A_2555 = arith.constant dense<0.000000e+00> : vector<1xf32>
    %reduce_sum3A_2556 = vector.multi_reduction <add>, %reduce_sum3A_2554, %reduce_sum3A_2555 [1] : vector<1x256xf32> to vector<1xf32>
    %reduce_sum3A_2557 = vector.shape_cast %reduce_sum3A_2556 : vector<1xf32> to vector<1x1xf32>
    %reduce_sum3A_2558 = vector.extract %reduce_sum3A_2557[0, 0] : f32 from vector<1x1xf32>
    %add3A_2559 = arith.addf %add3A_2133, %reduce_sum3A_2558 : f32
    %slice3A_2560 = vector.extract_strided_slice %div3A_5 {offsets = [1536, 0], sizes = [256, 64], strides = [1, 1]} : vector<2048x64xf32> to vector<256x64xf32>
    %dot_general3A_2561 = arith.constant dense<0.000000e+00> : vector<256x8192xf32>
    %dot_general3A_2562 = tpu.matmul %slice3A_2560, %get3A_11, %dot_general3A_2561 {dimension_numbers = #tpu.dot_dimension_numbers<[1], [1], [0], [0], [0, 0, 1, 0], [], []>, transpose_lhs_hint = false} : vector<256x64xf32>, vector<8192x64xf32>, vector<256x8192xf32> -> vector<256x8192xf32>
    %iota3A_2563 = tpu.iota {dimensions = array<i32: 1>} : vector<256x128xi32>
    %broadcast_in_dim3A_2564 = arith.constant -2.000000e+00 : f32
    %broadcast_in_dim3A_2565 = vector.broadcast %broadcast_in_dim3A_2564 : f32 to vector<256x128xf32>
    %broadcast_in_dim3A_2566 = arith.constant 0 : i32
    %broadcast_in_dim3A_2567 = vector.broadcast %broadcast_in_dim3A_2566 : i32 to vector<256x128xi32>
    %slice3A_2568 = vector.extract_strided_slice %dot_general3A_2562 {offsets = [0, 0], sizes = [256, 128], strides = [1, 1]} : vector<256x8192xf32> to vector<256x128xf32>
    %gt3A_2569 = arith.cmpf ogt, %slice3A_2568, %broadcast_in_dim3A_2565 : vector<256x128xf32>
    %jit3A_2570 = arith.constant 0 : i32
    %broadcast_in_dim3A_2571 = vector.broadcast %jit3A_2570 : i32 to vector<256x128xi32>
    %select_n3A_2572 = arith.select %gt3A_2569, %broadcast_in_dim3A_2571, %broadcast_in_dim3A_2567 : vector<256x128xi1>, vector<256x128xi32>
    %max3A_2573 = arith.maximumf %broadcast_in_dim3A_2565, %slice3A_2568 : vector<256x128xf32>
    %slice3A_2574 = vector.extract_strided_slice %dot_general3A_2562 {offsets = [0, 128], sizes = [256, 128], strides = [1, 1]} : vector<256x8192xf32> to vector<256x128xf32>
    %gt3A_2575 = arith.cmpf ogt, %slice3A_2574, %max3A_2573 : vector<256x128xf32>
    %jit3A_2576 = arith.constant 1 : i32
    %broadcast_in_dim3A_2577 = vector.broadcast %jit3A_2576 : i32 to vector<256x128xi32>
    %select_n3A_2578 = arith.select %gt3A_2575, %broadcast_in_dim3A_2577, %select_n3A_2572 : vector<256x128xi1>, vector<256x128xi32>
    %max3A_2579 = arith.maximumf %max3A_2573, %slice3A_2574 : vector<256x128xf32>
    %slice3A_2580 = vector.extract_strided_slice %dot_general3A_2562 {offsets = [0, 256], sizes = [256, 128], strides = [1, 1]} : vector<256x8192xf32> to vector<256x128xf32>
    %gt3A_2581 = arith.cmpf ogt, %slice3A_2580, %max3A_2579 : vector<256x128xf32>
    %jit3A_2582 = arith.constant 2 : i32
    %broadcast_in_dim3A_2583 = vector.broadcast %jit3A_2582 : i32 to vector<256x128xi32>
    %select_n3A_2584 = arith.select %gt3A_2581, %broadcast_in_dim3A_2583, %select_n3A_2578 : vector<256x128xi1>, vector<256x128xi32>
    %max3A_2585 = arith.maximumf %max3A_2579, %slice3A_2580 : vector<256x128xf32>
    %slice3A_2586 = vector.extract_strided_slice %dot_general3A_2562 {offsets = [0, 384], sizes = [256, 128], strides = [1, 1]} : vector<256x8192xf32> to vector<256x128xf32>
    %gt3A_2587 = arith.cmpf ogt, %slice3A_2586, %max3A_2585 : vector<256x128xf32>
    %jit3A_2588 = arith.constant 3 : i32
    %broadcast_in_dim3A_2589 = vector.broadcast %jit3A_2588 : i32 to vector<256x128xi32>
    %select_n3A_2590 = arith.select %gt3A_2587, %broadcast_in_dim3A_2589, %select_n3A_2584 : vector<256x128xi1>, vector<256x128xi32>
    %max3A_2591 = arith.maximumf %max3A_2585, %slice3A_2586 : vector<256x128xf32>
    %slice3A_2592 = vector.extract_strided_slice %dot_general3A_2562 {offsets = [0, 512], sizes = [256, 128], strides = [1, 1]} : vector<256x8192xf32> to vector<256x128xf32>
    %gt3A_2593 = arith.cmpf ogt, %slice3A_2592, %max3A_2591 : vector<256x128xf32>
    %jit3A_2594 = arith.constant 4 : i32
    %broadcast_in_dim3A_2595 = vector.broadcast %jit3A_2594 : i32 to vector<256x128xi32>
    %select_n3A_2596 = arith.select %gt3A_2593, %broadcast_in_dim3A_2595, %select_n3A_2590 : vector<256x128xi1>, vector<256x128xi32>
    %max3A_2597 = arith.maximumf %max3A_2591, %slice3A_2592 : vector<256x128xf32>
    %slice3A_2598 = vector.extract_strided_slice %dot_general3A_2562 {offsets = [0, 640], sizes = [256, 128], strides = [1, 1]} : vector<256x8192xf32> to vector<256x128xf32>
    %gt3A_2599 = arith.cmpf ogt, %slice3A_2598, %max3A_2597 : vector<256x128xf32>
    %jit3A_2600 = arith.constant 5 : i32
    %broadcast_in_dim3A_2601 = vector.broadcast %jit3A_2600 : i32 to vector<256x128xi32>
    %select_n3A_2602 = arith.select %gt3A_2599, %broadcast_in_dim3A_2601, %select_n3A_2596 : vector<256x128xi1>, vector<256x128xi32>
    %max3A_2603 = arith.maximumf %max3A_2597, %slice3A_2598 : vector<256x128xf32>
    %slice3A_2604 = vector.extract_strided_slice %dot_general3A_2562 {offsets = [0, 768], sizes = [256, 128], strides = [1, 1]} : vector<256x8192xf32> to vector<256x128xf32>
    %gt3A_2605 = arith.cmpf ogt, %slice3A_2604, %max3A_2603 : vector<256x128xf32>
    %jit3A_2606 = arith.constant 6 : i32
    %broadcast_in_dim3A_2607 = vector.broadcast %jit3A_2606 : i32 to vector<256x128xi32>
    %select_n3A_2608 = arith.select %gt3A_2605, %broadcast_in_dim3A_2607, %select_n3A_2602 : vector<256x128xi1>, vector<256x128xi32>
    %max3A_2609 = arith.maximumf %max3A_2603, %slice3A_2604 : vector<256x128xf32>
    %slice3A_2610 = vector.extract_strided_slice %dot_general3A_2562 {offsets = [0, 896], sizes = [256, 128], strides = [1, 1]} : vector<256x8192xf32> to vector<256x128xf32>
    %gt3A_2611 = arith.cmpf ogt, %slice3A_2610, %max3A_2609 : vector<256x128xf32>
    %jit3A_2612 = arith.constant 7 : i32
    %broadcast_in_dim3A_2613 = vector.broadcast %jit3A_2612 : i32 to vector<256x128xi32>
    %select_n3A_2614 = arith.select %gt3A_2611, %broadcast_in_dim3A_2613, %select_n3A_2608 : vector<256x128xi1>, vector<256x128xi32>
    %max3A_2615 = arith.maximumf %max3A_2609, %slice3A_2610 : vector<256x128xf32>
    %slice3A_2616 = vector.extract_strided_slice %dot_general3A_2562 {offsets = [0, 1024], sizes = [256, 128], strides = [1, 1]} : vector<256x8192xf32> to vector<256x128xf32>
    %gt3A_2617 = arith.cmpf ogt, %slice3A_2616, %max3A_2615 : vector<256x128xf32>
    %jit3A_2618 = arith.constant 8 : i32
    %broadcast_in_dim3A_2619 = vector.broadcast %jit3A_2618 : i32 to vector<256x128xi32>
    %select_n3A_2620 = arith.select %gt3A_2617, %broadcast_in_dim3A_2619, %select_n3A_2614 : vector<256x128xi1>, vector<256x128xi32>
    %max3A_2621 = arith.maximumf %max3A_2615, %slice3A_2616 : vector<256x128xf32>
    %slice3A_2622 = vector.extract_strided_slice %dot_general3A_2562 {offsets = [0, 1152], sizes = [256, 128], strides = [1, 1]} : vector<256x8192xf32> to vector<256x128xf32>
    %gt3A_2623 = arith.cmpf ogt, %slice3A_2622, %max3A_2621 : vector<256x128xf32>
    %jit3A_2624 = arith.constant 9 : i32
    %broadcast_in_dim3A_2625 = vector.broadcast %jit3A_2624 : i32 to vector<256x128xi32>
    %select_n3A_2626 = arith.select %gt3A_2623, %broadcast_in_dim3A_2625, %select_n3A_2620 : vector<256x128xi1>, vector<256x128xi32>
    %max3A_2627 = arith.maximumf %max3A_2621, %slice3A_2622 : vector<256x128xf32>
    %slice3A_2628 = vector.extract_strided_slice %dot_general3A_2562 {offsets = [0, 1280], sizes = [256, 128], strides = [1, 1]} : vector<256x8192xf32> to vector<256x128xf32>
    %gt3A_2629 = arith.cmpf ogt, %slice3A_2628, %max3A_2627 : vector<256x128xf32>
    %jit3A_2630 = arith.constant 10 : i32
    %broadcast_in_dim3A_2631 = vector.broadcast %jit3A_2630 : i32 to vector<256x128xi32>
    %select_n3A_2632 = arith.select %gt3A_2629, %broadcast_in_dim3A_2631, %select_n3A_2626 : vector<256x128xi1>, vector<256x128xi32>
    %max3A_2633 = arith.maximumf %max3A_2627, %slice3A_2628 : vector<256x128xf32>
    %slice3A_2634 = vector.extract_strided_slice %dot_general3A_2562 {offsets = [0, 1408], sizes = [256, 128], strides = [1, 1]} : vector<256x8192xf32> to vector<256x128xf32>
    %gt3A_2635 = arith.cmpf ogt, %slice3A_2634, %max3A_2633 : vector<256x128xf32>
    %jit3A_2636 = arith.constant 11 : i32
    %broadcast_in_dim3A_2637 = vector.broadcast %jit3A_2636 : i32 to vector<256x128xi32>
    %select_n3A_2638 = arith.select %gt3A_2635, %broadcast_in_dim3A_2637, %select_n3A_2632 : vector<256x128xi1>, vector<256x128xi32>
    %max3A_2639 = arith.maximumf %max3A_2633, %slice3A_2634 : vector<256x128xf32>
    %slice3A_2640 = vector.extract_strided_slice %dot_general3A_2562 {offsets = [0, 1536], sizes = [256, 128], strides = [1, 1]} : vector<256x8192xf32> to vector<256x128xf32>
    %gt3A_2641 = arith.cmpf ogt, %slice3A_2640, %max3A_2639 : vector<256x128xf32>
    %jit3A_2642 = arith.constant 12 : i32
    %broadcast_in_dim3A_2643 = vector.broadcast %jit3A_2642 : i32 to vector<256x128xi32>
    %select_n3A_2644 = arith.select %gt3A_2641, %broadcast_in_dim3A_2643, %select_n3A_2638 : vector<256x128xi1>, vector<256x128xi32>
    %max3A_2645 = arith.maximumf %max3A_2639, %slice3A_2640 : vector<256x128xf32>
    %slice3A_2646 = vector.extract_strided_slice %dot_general3A_2562 {offsets = [0, 1664], sizes = [256, 128], strides = [1, 1]} : vector<256x8192xf32> to vector<256x128xf32>
    %gt3A_2647 = arith.cmpf ogt, %slice3A_2646, %max3A_2645 : vector<256x128xf32>
    %jit3A_2648 = arith.constant 13 : i32
    %broadcast_in_dim3A_2649 = vector.broadcast %jit3A_2648 : i32 to vector<256x128xi32>
    %select_n3A_2650 = arith.select %gt3A_2647, %broadcast_in_dim3A_2649, %select_n3A_2644 : vector<256x128xi1>, vector<256x128xi32>
    %max3A_2651 = arith.maximumf %max3A_2645, %slice3A_2646 : vector<256x128xf32>
    %slice3A_2652 = vector.extract_strided_slice %dot_general3A_2562 {offsets = [0, 1792], sizes = [256, 128], strides = [1, 1]} : vector<256x8192xf32> to vector<256x128xf32>
    %gt3A_2653 = arith.cmpf ogt, %slice3A_2652, %max3A_2651 : vector<256x128xf32>
    %jit3A_2654 = arith.constant 14 : i32
    %broadcast_in_dim3A_2655 = vector.broadcast %jit3A_2654 : i32 to vector<256x128xi32>
    %select_n3A_2656 = arith.select %gt3A_2653, %broadcast_in_dim3A_2655, %select_n3A_2650 : vector<256x128xi1>, vector<256x128xi32>
    %max3A_2657 = arith.maximumf %max3A_2651, %slice3A_2652 : vector<256x128xf32>
    %slice3A_2658 = vector.extract_strided_slice %dot_general3A_2562 {offsets = [0, 1920], sizes = [256, 128], strides = [1, 1]} : vector<256x8192xf32> to vector<256x128xf32>
    %gt3A_2659 = arith.cmpf ogt, %slice3A_2658, %max3A_2657 : vector<256x128xf32>
    %jit3A_2660 = arith.constant 15 : i32
    %broadcast_in_dim3A_2661 = vector.broadcast %jit3A_2660 : i32 to vector<256x128xi32>
    %select_n3A_2662 = arith.select %gt3A_2659, %broadcast_in_dim3A_2661, %select_n3A_2656 : vector<256x128xi1>, vector<256x128xi32>
    %max3A_2663 = arith.maximumf %max3A_2657, %slice3A_2658 : vector<256x128xf32>
    %slice3A_2664 = vector.extract_strided_slice %dot_general3A_2562 {offsets = [0, 2048], sizes = [256, 128], strides = [1, 1]} : vector<256x8192xf32> to vector<256x128xf32>
    %gt3A_2665 = arith.cmpf ogt, %slice3A_2664, %max3A_2663 : vector<256x128xf32>
    %jit3A_2666 = arith.constant 16 : i32
    %broadcast_in_dim3A_2667 = vector.broadcast %jit3A_2666 : i32 to vector<256x128xi32>
    %select_n3A_2668 = arith.select %gt3A_2665, %broadcast_in_dim3A_2667, %select_n3A_2662 : vector<256x128xi1>, vector<256x128xi32>
    %max3A_2669 = arith.maximumf %max3A_2663, %slice3A_2664 : vector<256x128xf32>
    %slice3A_2670 = vector.extract_strided_slice %dot_general3A_2562 {offsets = [0, 2176], sizes = [256, 128], strides = [1, 1]} : vector<256x8192xf32> to vector<256x128xf32>
    %gt3A_2671 = arith.cmpf ogt, %slice3A_2670, %max3A_2669 : vector<256x128xf32>
    %jit3A_2672 = arith.constant 17 : i32
    %broadcast_in_dim3A_2673 = vector.broadcast %jit3A_2672 : i32 to vector<256x128xi32>
    %select_n3A_2674 = arith.select %gt3A_2671, %broadcast_in_dim3A_2673, %select_n3A_2668 : vector<256x128xi1>, vector<256x128xi32>
    %max3A_2675 = arith.maximumf %max3A_2669, %slice3A_2670 : vector<256x128xf32>
    %slice3A_2676 = vector.extract_strided_slice %dot_general3A_2562 {offsets = [0, 2304], sizes = [256, 128], strides = [1, 1]} : vector<256x8192xf32> to vector<256x128xf32>
    %gt3A_2677 = arith.cmpf ogt, %slice3A_2676, %max3A_2675 : vector<256x128xf32>
    %jit3A_2678 = arith.constant 18 : i32
    %broadcast_in_dim3A_2679 = vector.broadcast %jit3A_2678 : i32 to vector<256x128xi32>
    %select_n3A_2680 = arith.select %gt3A_2677, %broadcast_in_dim3A_2679, %select_n3A_2674 : vector<256x128xi1>, vector<256x128xi32>
    %max3A_2681 = arith.maximumf %max3A_2675, %slice3A_2676 : vector<256x128xf32>
    %slice3A_2682 = vector.extract_strided_slice %dot_general3A_2562 {offsets = [0, 2432], sizes = [256, 128], strides = [1, 1]} : vector<256x8192xf32> to vector<256x128xf32>
    %gt3A_2683 = arith.cmpf ogt, %slice3A_2682, %max3A_2681 : vector<256x128xf32>
    %jit3A_2684 = arith.constant 19 : i32
    %broadcast_in_dim3A_2685 = vector.broadcast %jit3A_2684 : i32 to vector<256x128xi32>
    %select_n3A_2686 = arith.select %gt3A_2683, %broadcast_in_dim3A_2685, %select_n3A_2680 : vector<256x128xi1>, vector<256x128xi32>
    %max3A_2687 = arith.maximumf %max3A_2681, %slice3A_2682 : vector<256x128xf32>
    %slice3A_2688 = vector.extract_strided_slice %dot_general3A_2562 {offsets = [0, 2560], sizes = [256, 128], strides = [1, 1]} : vector<256x8192xf32> to vector<256x128xf32>
    %gt3A_2689 = arith.cmpf ogt, %slice3A_2688, %max3A_2687 : vector<256x128xf32>
    %jit3A_2690 = arith.constant 20 : i32
    %broadcast_in_dim3A_2691 = vector.broadcast %jit3A_2690 : i32 to vector<256x128xi32>
    %select_n3A_2692 = arith.select %gt3A_2689, %broadcast_in_dim3A_2691, %select_n3A_2686 : vector<256x128xi1>, vector<256x128xi32>
    %max3A_2693 = arith.maximumf %max3A_2687, %slice3A_2688 : vector<256x128xf32>
    %slice3A_2694 = vector.extract_strided_slice %dot_general3A_2562 {offsets = [0, 2688], sizes = [256, 128], strides = [1, 1]} : vector<256x8192xf32> to vector<256x128xf32>
    %gt3A_2695 = arith.cmpf ogt, %slice3A_2694, %max3A_2693 : vector<256x128xf32>
    %jit3A_2696 = arith.constant 21 : i32
    %broadcast_in_dim3A_2697 = vector.broadcast %jit3A_2696 : i32 to vector<256x128xi32>
    %select_n3A_2698 = arith.select %gt3A_2695, %broadcast_in_dim3A_2697, %select_n3A_2692 : vector<256x128xi1>, vector<256x128xi32>
    %max3A_2699 = arith.maximumf %max3A_2693, %slice3A_2694 : vector<256x128xf32>
    %slice3A_2700 = vector.extract_strided_slice %dot_general3A_2562 {offsets = [0, 2816], sizes = [256, 128], strides = [1, 1]} : vector<256x8192xf32> to vector<256x128xf32>
    %gt3A_2701 = arith.cmpf ogt, %slice3A_2700, %max3A_2699 : vector<256x128xf32>
    %jit3A_2702 = arith.constant 22 : i32
    %broadcast_in_dim3A_2703 = vector.broadcast %jit3A_2702 : i32 to vector<256x128xi32>
    %select_n3A_2704 = arith.select %gt3A_2701, %broadcast_in_dim3A_2703, %select_n3A_2698 : vector<256x128xi1>, vector<256x128xi32>
    %max3A_2705 = arith.maximumf %max3A_2699, %slice3A_2700 : vector<256x128xf32>
    %slice3A_2706 = vector.extract_strided_slice %dot_general3A_2562 {offsets = [0, 2944], sizes = [256, 128], strides = [1, 1]} : vector<256x8192xf32> to vector<256x128xf32>
    %gt3A_2707 = arith.cmpf ogt, %slice3A_2706, %max3A_2705 : vector<256x128xf32>
    %jit3A_2708 = arith.constant 23 : i32
    %broadcast_in_dim3A_2709 = vector.broadcast %jit3A_2708 : i32 to vector<256x128xi32>
    %select_n3A_2710 = arith.select %gt3A_2707, %broadcast_in_dim3A_2709, %select_n3A_2704 : vector<256x128xi1>, vector<256x128xi32>
    %max3A_2711 = arith.maximumf %max3A_2705, %slice3A_2706 : vector<256x128xf32>
    %slice3A_2712 = vector.extract_strided_slice %dot_general3A_2562 {offsets = [0, 3072], sizes = [256, 128], strides = [1, 1]} : vector<256x8192xf32> to vector<256x128xf32>
    %gt3A_2713 = arith.cmpf ogt, %slice3A_2712, %max3A_2711 : vector<256x128xf32>
    %jit3A_2714 = arith.constant 24 : i32
    %broadcast_in_dim3A_2715 = vector.broadcast %jit3A_2714 : i32 to vector<256x128xi32>
    %select_n3A_2716 = arith.select %gt3A_2713, %broadcast_in_dim3A_2715, %select_n3A_2710 : vector<256x128xi1>, vector<256x128xi32>
    %max3A_2717 = arith.maximumf %max3A_2711, %slice3A_2712 : vector<256x128xf32>
    %slice3A_2718 = vector.extract_strided_slice %dot_general3A_2562 {offsets = [0, 3200], sizes = [256, 128], strides = [1, 1]} : vector<256x8192xf32> to vector<256x128xf32>
    %gt3A_2719 = arith.cmpf ogt, %slice3A_2718, %max3A_2717 : vector<256x128xf32>
    %jit3A_2720 = arith.constant 25 : i32
    %broadcast_in_dim3A_2721 = vector.broadcast %jit3A_2720 : i32 to vector<256x128xi32>
    %select_n3A_2722 = arith.select %gt3A_2719, %broadcast_in_dim3A_2721, %select_n3A_2716 : vector<256x128xi1>, vector<256x128xi32>
    %max3A_2723 = arith.maximumf %max3A_2717, %slice3A_2718 : vector<256x128xf32>
    %slice3A_2724 = vector.extract_strided_slice %dot_general3A_2562 {offsets = [0, 3328], sizes = [256, 128], strides = [1, 1]} : vector<256x8192xf32> to vector<256x128xf32>
    %gt3A_2725 = arith.cmpf ogt, %slice3A_2724, %max3A_2723 : vector<256x128xf32>
    %jit3A_2726 = arith.constant 26 : i32
    %broadcast_in_dim3A_2727 = vector.broadcast %jit3A_2726 : i32 to vector<256x128xi32>
    %select_n3A_2728 = arith.select %gt3A_2725, %broadcast_in_dim3A_2727, %select_n3A_2722 : vector<256x128xi1>, vector<256x128xi32>
    %max3A_2729 = arith.maximumf %max3A_2723, %slice3A_2724 : vector<256x128xf32>
    %slice3A_2730 = vector.extract_strided_slice %dot_general3A_2562 {offsets = [0, 3456], sizes = [256, 128], strides = [1, 1]} : vector<256x8192xf32> to vector<256x128xf32>
    %gt3A_2731 = arith.cmpf ogt, %slice3A_2730, %max3A_2729 : vector<256x128xf32>
    %jit3A_2732 = arith.constant 27 : i32
    %broadcast_in_dim3A_2733 = vector.broadcast %jit3A_2732 : i32 to vector<256x128xi32>
    %select_n3A_2734 = arith.select %gt3A_2731, %broadcast_in_dim3A_2733, %select_n3A_2728 : vector<256x128xi1>, vector<256x128xi32>
    %max3A_2735 = arith.maximumf %max3A_2729, %slice3A_2730 : vector<256x128xf32>
    %slice3A_2736 = vector.extract_strided_slice %dot_general3A_2562 {offsets = [0, 3584], sizes = [256, 128], strides = [1, 1]} : vector<256x8192xf32> to vector<256x128xf32>
    %gt3A_2737 = arith.cmpf ogt, %slice3A_2736, %max3A_2735 : vector<256x128xf32>
    %jit3A_2738 = arith.constant 28 : i32
    %broadcast_in_dim3A_2739 = vector.broadcast %jit3A_2738 : i32 to vector<256x128xi32>
    %select_n3A_2740 = arith.select %gt3A_2737, %broadcast_in_dim3A_2739, %select_n3A_2734 : vector<256x128xi1>, vector<256x128xi32>
    %max3A_2741 = arith.maximumf %max3A_2735, %slice3A_2736 : vector<256x128xf32>
    %slice3A_2742 = vector.extract_strided_slice %dot_general3A_2562 {offsets = [0, 3712], sizes = [256, 128], strides = [1, 1]} : vector<256x8192xf32> to vector<256x128xf32>
    %gt3A_2743 = arith.cmpf ogt, %slice3A_2742, %max3A_2741 : vector<256x128xf32>
    %jit3A_2744 = arith.constant 29 : i32
    %broadcast_in_dim3A_2745 = vector.broadcast %jit3A_2744 : i32 to vector<256x128xi32>
    %select_n3A_2746 = arith.select %gt3A_2743, %broadcast_in_dim3A_2745, %select_n3A_2740 : vector<256x128xi1>, vector<256x128xi32>
    %max3A_2747 = arith.maximumf %max3A_2741, %slice3A_2742 : vector<256x128xf32>
    %slice3A_2748 = vector.extract_strided_slice %dot_general3A_2562 {offsets = [0, 3840], sizes = [256, 128], strides = [1, 1]} : vector<256x8192xf32> to vector<256x128xf32>
    %gt3A_2749 = arith.cmpf ogt, %slice3A_2748, %max3A_2747 : vector<256x128xf32>
    %jit3A_2750 = arith.constant 30 : i32
    %broadcast_in_dim3A_2751 = vector.broadcast %jit3A_2750 : i32 to vector<256x128xi32>
    %select_n3A_2752 = arith.select %gt3A_2749, %broadcast_in_dim3A_2751, %select_n3A_2746 : vector<256x128xi1>, vector<256x128xi32>
    %max3A_2753 = arith.maximumf %max3A_2747, %slice3A_2748 : vector<256x128xf32>
    %slice3A_2754 = vector.extract_strided_slice %dot_general3A_2562 {offsets = [0, 3968], sizes = [256, 128], strides = [1, 1]} : vector<256x8192xf32> to vector<256x128xf32>
    %gt3A_2755 = arith.cmpf ogt, %slice3A_2754, %max3A_2753 : vector<256x128xf32>
    %jit3A_2756 = arith.constant 31 : i32
    %broadcast_in_dim3A_2757 = vector.broadcast %jit3A_2756 : i32 to vector<256x128xi32>
    %select_n3A_2758 = arith.select %gt3A_2755, %broadcast_in_dim3A_2757, %select_n3A_2752 : vector<256x128xi1>, vector<256x128xi32>
    %max3A_2759 = arith.maximumf %max3A_2753, %slice3A_2754 : vector<256x128xf32>
    %slice3A_2760 = vector.extract_strided_slice %dot_general3A_2562 {offsets = [0, 4096], sizes = [256, 128], strides = [1, 1]} : vector<256x8192xf32> to vector<256x128xf32>
    %gt3A_2761 = arith.cmpf ogt, %slice3A_2760, %max3A_2759 : vector<256x128xf32>
    %jit3A_2762 = arith.constant 32 : i32
    %broadcast_in_dim3A_2763 = vector.broadcast %jit3A_2762 : i32 to vector<256x128xi32>
    %select_n3A_2764 = arith.select %gt3A_2761, %broadcast_in_dim3A_2763, %select_n3A_2758 : vector<256x128xi1>, vector<256x128xi32>
    %max3A_2765 = arith.maximumf %max3A_2759, %slice3A_2760 : vector<256x128xf32>
    %slice3A_2766 = vector.extract_strided_slice %dot_general3A_2562 {offsets = [0, 4224], sizes = [256, 128], strides = [1, 1]} : vector<256x8192xf32> to vector<256x128xf32>
    %gt3A_2767 = arith.cmpf ogt, %slice3A_2766, %max3A_2765 : vector<256x128xf32>
    %jit3A_2768 = arith.constant 33 : i32
    %broadcast_in_dim3A_2769 = vector.broadcast %jit3A_2768 : i32 to vector<256x128xi32>
    %select_n3A_2770 = arith.select %gt3A_2767, %broadcast_in_dim3A_2769, %select_n3A_2764 : vector<256x128xi1>, vector<256x128xi32>
    %max3A_2771 = arith.maximumf %max3A_2765, %slice3A_2766 : vector<256x128xf32>
    %slice3A_2772 = vector.extract_strided_slice %dot_general3A_2562 {offsets = [0, 4352], sizes = [256, 128], strides = [1, 1]} : vector<256x8192xf32> to vector<256x128xf32>
    %gt3A_2773 = arith.cmpf ogt, %slice3A_2772, %max3A_2771 : vector<256x128xf32>
    %jit3A_2774 = arith.constant 34 : i32
    %broadcast_in_dim3A_2775 = vector.broadcast %jit3A_2774 : i32 to vector<256x128xi32>
    %select_n3A_2776 = arith.select %gt3A_2773, %broadcast_in_dim3A_2775, %select_n3A_2770 : vector<256x128xi1>, vector<256x128xi32>
    %max3A_2777 = arith.maximumf %max3A_2771, %slice3A_2772 : vector<256x128xf32>
    %slice3A_2778 = vector.extract_strided_slice %dot_general3A_2562 {offsets = [0, 4480], sizes = [256, 128], strides = [1, 1]} : vector<256x8192xf32> to vector<256x128xf32>
    %gt3A_2779 = arith.cmpf ogt, %slice3A_2778, %max3A_2777 : vector<256x128xf32>
    %jit3A_2780 = arith.constant 35 : i32
    %broadcast_in_dim3A_2781 = vector.broadcast %jit3A_2780 : i32 to vector<256x128xi32>
    %select_n3A_2782 = arith.select %gt3A_2779, %broadcast_in_dim3A_2781, %select_n3A_2776 : vector<256x128xi1>, vector<256x128xi32>
    %max3A_2783 = arith.maximumf %max3A_2777, %slice3A_2778 : vector<256x128xf32>
    %slice3A_2784 = vector.extract_strided_slice %dot_general3A_2562 {offsets = [0, 4608], sizes = [256, 128], strides = [1, 1]} : vector<256x8192xf32> to vector<256x128xf32>
    %gt3A_2785 = arith.cmpf ogt, %slice3A_2784, %max3A_2783 : vector<256x128xf32>
    %jit3A_2786 = arith.constant 36 : i32
    %broadcast_in_dim3A_2787 = vector.broadcast %jit3A_2786 : i32 to vector<256x128xi32>
    %select_n3A_2788 = arith.select %gt3A_2785, %broadcast_in_dim3A_2787, %select_n3A_2782 : vector<256x128xi1>, vector<256x128xi32>
    %max3A_2789 = arith.maximumf %max3A_2783, %slice3A_2784 : vector<256x128xf32>
    %slice3A_2790 = vector.extract_strided_slice %dot_general3A_2562 {offsets = [0, 4736], sizes = [256, 128], strides = [1, 1]} : vector<256x8192xf32> to vector<256x128xf32>
    %gt3A_2791 = arith.cmpf ogt, %slice3A_2790, %max3A_2789 : vector<256x128xf32>
    %jit3A_2792 = arith.constant 37 : i32
    %broadcast_in_dim3A_2793 = vector.broadcast %jit3A_2792 : i32 to vector<256x128xi32>
    %select_n3A_2794 = arith.select %gt3A_2791, %broadcast_in_dim3A_2793, %select_n3A_2788 : vector<256x128xi1>, vector<256x128xi32>
    %max3A_2795 = arith.maximumf %max3A_2789, %slice3A_2790 : vector<256x128xf32>
    %slice3A_2796 = vector.extract_strided_slice %dot_general3A_2562 {offsets = [0, 4864], sizes = [256, 128], strides = [1, 1]} : vector<256x8192xf32> to vector<256x128xf32>
    %gt3A_2797 = arith.cmpf ogt, %slice3A_2796, %max3A_2795 : vector<256x128xf32>
    %jit3A_2798 = arith.constant 38 : i32
    %broadcast_in_dim3A_2799 = vector.broadcast %jit3A_2798 : i32 to vector<256x128xi32>
    %select_n3A_2800 = arith.select %gt3A_2797, %broadcast_in_dim3A_2799, %select_n3A_2794 : vector<256x128xi1>, vector<256x128xi32>
    %max3A_2801 = arith.maximumf %max3A_2795, %slice3A_2796 : vector<256x128xf32>
    %slice3A_2802 = vector.extract_strided_slice %dot_general3A_2562 {offsets = [0, 4992], sizes = [256, 128], strides = [1, 1]} : vector<256x8192xf32> to vector<256x128xf32>
    %gt3A_2803 = arith.cmpf ogt, %slice3A_2802, %max3A_2801 : vector<256x128xf32>
    %jit3A_2804 = arith.constant 39 : i32
    %broadcast_in_dim3A_2805 = vector.broadcast %jit3A_2804 : i32 to vector<256x128xi32>
    %select_n3A_2806 = arith.select %gt3A_2803, %broadcast_in_dim3A_2805, %select_n3A_2800 : vector<256x128xi1>, vector<256x128xi32>
    %max3A_2807 = arith.maximumf %max3A_2801, %slice3A_2802 : vector<256x128xf32>
    %slice3A_2808 = vector.extract_strided_slice %dot_general3A_2562 {offsets = [0, 5120], sizes = [256, 128], strides = [1, 1]} : vector<256x8192xf32> to vector<256x128xf32>
    %gt3A_2809 = arith.cmpf ogt, %slice3A_2808, %max3A_2807 : vector<256x128xf32>
    %jit3A_2810 = arith.constant 40 : i32
    %broadcast_in_dim3A_2811 = vector.broadcast %jit3A_2810 : i32 to vector<256x128xi32>
    %select_n3A_2812 = arith.select %gt3A_2809, %broadcast_in_dim3A_2811, %select_n3A_2806 : vector<256x128xi1>, vector<256x128xi32>
    %max3A_2813 = arith.maximumf %max3A_2807, %slice3A_2808 : vector<256x128xf32>
    %slice3A_2814 = vector.extract_strided_slice %dot_general3A_2562 {offsets = [0, 5248], sizes = [256, 128], strides = [1, 1]} : vector<256x8192xf32> to vector<256x128xf32>
    %gt3A_2815 = arith.cmpf ogt, %slice3A_2814, %max3A_2813 : vector<256x128xf32>
    %jit3A_2816 = arith.constant 41 : i32
    %broadcast_in_dim3A_2817 = vector.broadcast %jit3A_2816 : i32 to vector<256x128xi32>
    %select_n3A_2818 = arith.select %gt3A_2815, %broadcast_in_dim3A_2817, %select_n3A_2812 : vector<256x128xi1>, vector<256x128xi32>
    %max3A_2819 = arith.maximumf %max3A_2813, %slice3A_2814 : vector<256x128xf32>
    %slice3A_2820 = vector.extract_strided_slice %dot_general3A_2562 {offsets = [0, 5376], sizes = [256, 128], strides = [1, 1]} : vector<256x8192xf32> to vector<256x128xf32>
    %gt3A_2821 = arith.cmpf ogt, %slice3A_2820, %max3A_2819 : vector<256x128xf32>
    %jit3A_2822 = arith.constant 42 : i32
    %broadcast_in_dim3A_2823 = vector.broadcast %jit3A_2822 : i32 to vector<256x128xi32>
    %select_n3A_2824 = arith.select %gt3A_2821, %broadcast_in_dim3A_2823, %select_n3A_2818 : vector<256x128xi1>, vector<256x128xi32>
    %max3A_2825 = arith.maximumf %max3A_2819, %slice3A_2820 : vector<256x128xf32>
    %slice3A_2826 = vector.extract_strided_slice %dot_general3A_2562 {offsets = [0, 5504], sizes = [256, 128], strides = [1, 1]} : vector<256x8192xf32> to vector<256x128xf32>
    %gt3A_2827 = arith.cmpf ogt, %slice3A_2826, %max3A_2825 : vector<256x128xf32>
    %jit3A_2828 = arith.constant 43 : i32
    %broadcast_in_dim3A_2829 = vector.broadcast %jit3A_2828 : i32 to vector<256x128xi32>
    %select_n3A_2830 = arith.select %gt3A_2827, %broadcast_in_dim3A_2829, %select_n3A_2824 : vector<256x128xi1>, vector<256x128xi32>
    %max3A_2831 = arith.maximumf %max3A_2825, %slice3A_2826 : vector<256x128xf32>
    %slice3A_2832 = vector.extract_strided_slice %dot_general3A_2562 {offsets = [0, 5632], sizes = [256, 128], strides = [1, 1]} : vector<256x8192xf32> to vector<256x128xf32>
    %gt3A_2833 = arith.cmpf ogt, %slice3A_2832, %max3A_2831 : vector<256x128xf32>
    %jit3A_2834 = arith.constant 44 : i32
    %broadcast_in_dim3A_2835 = vector.broadcast %jit3A_2834 : i32 to vector<256x128xi32>
    %select_n3A_2836 = arith.select %gt3A_2833, %broadcast_in_dim3A_2835, %select_n3A_2830 : vector<256x128xi1>, vector<256x128xi32>
    %max3A_2837 = arith.maximumf %max3A_2831, %slice3A_2832 : vector<256x128xf32>
    %slice3A_2838 = vector.extract_strided_slice %dot_general3A_2562 {offsets = [0, 5760], sizes = [256, 128], strides = [1, 1]} : vector<256x8192xf32> to vector<256x128xf32>
    %gt3A_2839 = arith.cmpf ogt, %slice3A_2838, %max3A_2837 : vector<256x128xf32>
    %jit3A_2840 = arith.constant 45 : i32
    %broadcast_in_dim3A_2841 = vector.broadcast %jit3A_2840 : i32 to vector<256x128xi32>
    %select_n3A_2842 = arith.select %gt3A_2839, %broadcast_in_dim3A_2841, %select_n3A_2836 : vector<256x128xi1>, vector<256x128xi32>
    %max3A_2843 = arith.maximumf %max3A_2837, %slice3A_2838 : vector<256x128xf32>
    %slice3A_2844 = vector.extract_strided_slice %dot_general3A_2562 {offsets = [0, 5888], sizes = [256, 128], strides = [1, 1]} : vector<256x8192xf32> to vector<256x128xf32>
    %gt3A_2845 = arith.cmpf ogt, %slice3A_2844, %max3A_2843 : vector<256x128xf32>
    %jit3A_2846 = arith.constant 46 : i32
    %broadcast_in_dim3A_2847 = vector.broadcast %jit3A_2846 : i32 to vector<256x128xi32>
    %select_n3A_2848 = arith.select %gt3A_2845, %broadcast_in_dim3A_2847, %select_n3A_2842 : vector<256x128xi1>, vector<256x128xi32>
    %max3A_2849 = arith.maximumf %max3A_2843, %slice3A_2844 : vector<256x128xf32>
    %slice3A_2850 = vector.extract_strided_slice %dot_general3A_2562 {offsets = [0, 6016], sizes = [256, 128], strides = [1, 1]} : vector<256x8192xf32> to vector<256x128xf32>
    %gt3A_2851 = arith.cmpf ogt, %slice3A_2850, %max3A_2849 : vector<256x128xf32>
    %jit3A_2852 = arith.constant 47 : i32
    %broadcast_in_dim3A_2853 = vector.broadcast %jit3A_2852 : i32 to vector<256x128xi32>
    %select_n3A_2854 = arith.select %gt3A_2851, %broadcast_in_dim3A_2853, %select_n3A_2848 : vector<256x128xi1>, vector<256x128xi32>
    %max3A_2855 = arith.maximumf %max3A_2849, %slice3A_2850 : vector<256x128xf32>
    %slice3A_2856 = vector.extract_strided_slice %dot_general3A_2562 {offsets = [0, 6144], sizes = [256, 128], strides = [1, 1]} : vector<256x8192xf32> to vector<256x128xf32>
    %gt3A_2857 = arith.cmpf ogt, %slice3A_2856, %max3A_2855 : vector<256x128xf32>
    %jit3A_2858 = arith.constant 48 : i32
    %broadcast_in_dim3A_2859 = vector.broadcast %jit3A_2858 : i32 to vector<256x128xi32>
    %select_n3A_2860 = arith.select %gt3A_2857, %broadcast_in_dim3A_2859, %select_n3A_2854 : vector<256x128xi1>, vector<256x128xi32>
    %max3A_2861 = arith.maximumf %max3A_2855, %slice3A_2856 : vector<256x128xf32>
    %slice3A_2862 = vector.extract_strided_slice %dot_general3A_2562 {offsets = [0, 6272], sizes = [256, 128], strides = [1, 1]} : vector<256x8192xf32> to vector<256x128xf32>
    %gt3A_2863 = arith.cmpf ogt, %slice3A_2862, %max3A_2861 : vector<256x128xf32>
    %jit3A_2864 = arith.constant 49 : i32
    %broadcast_in_dim3A_2865 = vector.broadcast %jit3A_2864 : i32 to vector<256x128xi32>
    %select_n3A_2866 = arith.select %gt3A_2863, %broadcast_in_dim3A_2865, %select_n3A_2860 : vector<256x128xi1>, vector<256x128xi32>
    %max3A_2867 = arith.maximumf %max3A_2861, %slice3A_2862 : vector<256x128xf32>
    %slice3A_2868 = vector.extract_strided_slice %dot_general3A_2562 {offsets = [0, 6400], sizes = [256, 128], strides = [1, 1]} : vector<256x8192xf32> to vector<256x128xf32>
    %gt3A_2869 = arith.cmpf ogt, %slice3A_2868, %max3A_2867 : vector<256x128xf32>
    %jit3A_2870 = arith.constant 50 : i32
    %broadcast_in_dim3A_2871 = vector.broadcast %jit3A_2870 : i32 to vector<256x128xi32>
    %select_n3A_2872 = arith.select %gt3A_2869, %broadcast_in_dim3A_2871, %select_n3A_2866 : vector<256x128xi1>, vector<256x128xi32>
    %max3A_2873 = arith.maximumf %max3A_2867, %slice3A_2868 : vector<256x128xf32>
    %slice3A_2874 = vector.extract_strided_slice %dot_general3A_2562 {offsets = [0, 6528], sizes = [256, 128], strides = [1, 1]} : vector<256x8192xf32> to vector<256x128xf32>
    %gt3A_2875 = arith.cmpf ogt, %slice3A_2874, %max3A_2873 : vector<256x128xf32>
    %jit3A_2876 = arith.constant 51 : i32
    %broadcast_in_dim3A_2877 = vector.broadcast %jit3A_2876 : i32 to vector<256x128xi32>
    %select_n3A_2878 = arith.select %gt3A_2875, %broadcast_in_dim3A_2877, %select_n3A_2872 : vector<256x128xi1>, vector<256x128xi32>
    %max3A_2879 = arith.maximumf %max3A_2873, %slice3A_2874 : vector<256x128xf32>
    %slice3A_2880 = vector.extract_strided_slice %dot_general3A_2562 {offsets = [0, 6656], sizes = [256, 128], strides = [1, 1]} : vector<256x8192xf32> to vector<256x128xf32>
    %gt3A_2881 = arith.cmpf ogt, %slice3A_2880, %max3A_2879 : vector<256x128xf32>
    %jit3A_2882 = arith.constant 52 : i32
    %broadcast_in_dim3A_2883 = vector.broadcast %jit3A_2882 : i32 to vector<256x128xi32>
    %select_n3A_2884 = arith.select %gt3A_2881, %broadcast_in_dim3A_2883, %select_n3A_2878 : vector<256x128xi1>, vector<256x128xi32>
    %max3A_2885 = arith.maximumf %max3A_2879, %slice3A_2880 : vector<256x128xf32>
    %slice3A_2886 = vector.extract_strided_slice %dot_general3A_2562 {offsets = [0, 6784], sizes = [256, 128], strides = [1, 1]} : vector<256x8192xf32> to vector<256x128xf32>
    %gt3A_2887 = arith.cmpf ogt, %slice3A_2886, %max3A_2885 : vector<256x128xf32>
    %jit3A_2888 = arith.constant 53 : i32
    %broadcast_in_dim3A_2889 = vector.broadcast %jit3A_2888 : i32 to vector<256x128xi32>
    %select_n3A_2890 = arith.select %gt3A_2887, %broadcast_in_dim3A_2889, %select_n3A_2884 : vector<256x128xi1>, vector<256x128xi32>
    %max3A_2891 = arith.maximumf %max3A_2885, %slice3A_2886 : vector<256x128xf32>
    %slice3A_2892 = vector.extract_strided_slice %dot_general3A_2562 {offsets = [0, 6912], sizes = [256, 128], strides = [1, 1]} : vector<256x8192xf32> to vector<256x128xf32>
    %gt3A_2893 = arith.cmpf ogt, %slice3A_2892, %max3A_2891 : vector<256x128xf32>
    %jit3A_2894 = arith.constant 54 : i32
    %broadcast_in_dim3A_2895 = vector.broadcast %jit3A_2894 : i32 to vector<256x128xi32>
    %select_n3A_2896 = arith.select %gt3A_2893, %broadcast_in_dim3A_2895, %select_n3A_2890 : vector<256x128xi1>, vector<256x128xi32>
    %max3A_2897 = arith.maximumf %max3A_2891, %slice3A_2892 : vector<256x128xf32>
    %slice3A_2898 = vector.extract_strided_slice %dot_general3A_2562 {offsets = [0, 7040], sizes = [256, 128], strides = [1, 1]} : vector<256x8192xf32> to vector<256x128xf32>
    %gt3A_2899 = arith.cmpf ogt, %slice3A_2898, %max3A_2897 : vector<256x128xf32>
    %jit3A_2900 = arith.constant 55 : i32
    %broadcast_in_dim3A_2901 = vector.broadcast %jit3A_2900 : i32 to vector<256x128xi32>
    %select_n3A_2902 = arith.select %gt3A_2899, %broadcast_in_dim3A_2901, %select_n3A_2896 : vector<256x128xi1>, vector<256x128xi32>
    %max3A_2903 = arith.maximumf %max3A_2897, %slice3A_2898 : vector<256x128xf32>
    %slice3A_2904 = vector.extract_strided_slice %dot_general3A_2562 {offsets = [0, 7168], sizes = [256, 128], strides = [1, 1]} : vector<256x8192xf32> to vector<256x128xf32>
    %gt3A_2905 = arith.cmpf ogt, %slice3A_2904, %max3A_2903 : vector<256x128xf32>
    %jit3A_2906 = arith.constant 56 : i32
    %broadcast_in_dim3A_2907 = vector.broadcast %jit3A_2906 : i32 to vector<256x128xi32>
    %select_n3A_2908 = arith.select %gt3A_2905, %broadcast_in_dim3A_2907, %select_n3A_2902 : vector<256x128xi1>, vector<256x128xi32>
    %max3A_2909 = arith.maximumf %max3A_2903, %slice3A_2904 : vector<256x128xf32>
    %slice3A_2910 = vector.extract_strided_slice %dot_general3A_2562 {offsets = [0, 7296], sizes = [256, 128], strides = [1, 1]} : vector<256x8192xf32> to vector<256x128xf32>
    %gt3A_2911 = arith.cmpf ogt, %slice3A_2910, %max3A_2909 : vector<256x128xf32>
    %jit3A_2912 = arith.constant 57 : i32
    %broadcast_in_dim3A_2913 = vector.broadcast %jit3A_2912 : i32 to vector<256x128xi32>
    %select_n3A_2914 = arith.select %gt3A_2911, %broadcast_in_dim3A_2913, %select_n3A_2908 : vector<256x128xi1>, vector<256x128xi32>
    %max3A_2915 = arith.maximumf %max3A_2909, %slice3A_2910 : vector<256x128xf32>
    %slice3A_2916 = vector.extract_strided_slice %dot_general3A_2562 {offsets = [0, 7424], sizes = [256, 128], strides = [1, 1]} : vector<256x8192xf32> to vector<256x128xf32>
    %gt3A_2917 = arith.cmpf ogt, %slice3A_2916, %max3A_2915 : vector<256x128xf32>
    %jit3A_2918 = arith.constant 58 : i32
    %broadcast_in_dim3A_2919 = vector.broadcast %jit3A_2918 : i32 to vector<256x128xi32>
    %select_n3A_2920 = arith.select %gt3A_2917, %broadcast_in_dim3A_2919, %select_n3A_2914 : vector<256x128xi1>, vector<256x128xi32>
    %max3A_2921 = arith.maximumf %max3A_2915, %slice3A_2916 : vector<256x128xf32>
    %slice3A_2922 = vector.extract_strided_slice %dot_general3A_2562 {offsets = [0, 7552], sizes = [256, 128], strides = [1, 1]} : vector<256x8192xf32> to vector<256x128xf32>
    %gt3A_2923 = arith.cmpf ogt, %slice3A_2922, %max3A_2921 : vector<256x128xf32>
    %jit3A_2924 = arith.constant 59 : i32
    %broadcast_in_dim3A_2925 = vector.broadcast %jit3A_2924 : i32 to vector<256x128xi32>
    %select_n3A_2926 = arith.select %gt3A_2923, %broadcast_in_dim3A_2925, %select_n3A_2920 : vector<256x128xi1>, vector<256x128xi32>
    %max3A_2927 = arith.maximumf %max3A_2921, %slice3A_2922 : vector<256x128xf32>
    %slice3A_2928 = vector.extract_strided_slice %dot_general3A_2562 {offsets = [0, 7680], sizes = [256, 128], strides = [1, 1]} : vector<256x8192xf32> to vector<256x128xf32>
    %gt3A_2929 = arith.cmpf ogt, %slice3A_2928, %max3A_2927 : vector<256x128xf32>
    %jit3A_2930 = arith.constant 60 : i32
    %broadcast_in_dim3A_2931 = vector.broadcast %jit3A_2930 : i32 to vector<256x128xi32>
    %select_n3A_2932 = arith.select %gt3A_2929, %broadcast_in_dim3A_2931, %select_n3A_2926 : vector<256x128xi1>, vector<256x128xi32>
    %max3A_2933 = arith.maximumf %max3A_2927, %slice3A_2928 : vector<256x128xf32>
    %slice3A_2934 = vector.extract_strided_slice %dot_general3A_2562 {offsets = [0, 7808], sizes = [256, 128], strides = [1, 1]} : vector<256x8192xf32> to vector<256x128xf32>
    %gt3A_2935 = arith.cmpf ogt, %slice3A_2934, %max3A_2933 : vector<256x128xf32>
    %jit3A_2936 = arith.constant 61 : i32
    %broadcast_in_dim3A_2937 = vector.broadcast %jit3A_2936 : i32 to vector<256x128xi32>
    %select_n3A_2938 = arith.select %gt3A_2935, %broadcast_in_dim3A_2937, %select_n3A_2932 : vector<256x128xi1>, vector<256x128xi32>
    %max3A_2939 = arith.maximumf %max3A_2933, %slice3A_2934 : vector<256x128xf32>
    %slice3A_2940 = vector.extract_strided_slice %dot_general3A_2562 {offsets = [0, 7936], sizes = [256, 128], strides = [1, 1]} : vector<256x8192xf32> to vector<256x128xf32>
    %gt3A_2941 = arith.cmpf ogt, %slice3A_2940, %max3A_2939 : vector<256x128xf32>
    %jit3A_2942 = arith.constant 62 : i32
    %broadcast_in_dim3A_2943 = vector.broadcast %jit3A_2942 : i32 to vector<256x128xi32>
    %select_n3A_2944 = arith.select %gt3A_2941, %broadcast_in_dim3A_2943, %select_n3A_2938 : vector<256x128xi1>, vector<256x128xi32>
    %max3A_2945 = arith.maximumf %max3A_2939, %slice3A_2940 : vector<256x128xf32>
    %slice3A_2946 = vector.extract_strided_slice %dot_general3A_2562 {offsets = [0, 8064], sizes = [256, 128], strides = [1, 1]} : vector<256x8192xf32> to vector<256x128xf32>
    %gt3A_2947 = arith.cmpf ogt, %slice3A_2946, %max3A_2945 : vector<256x128xf32>
    %jit3A_2948 = arith.constant 63 : i32
    %broadcast_in_dim3A_2949 = vector.broadcast %jit3A_2948 : i32 to vector<256x128xi32>
    %select_n3A_2950 = arith.select %gt3A_2947, %broadcast_in_dim3A_2949, %select_n3A_2944 : vector<256x128xi1>, vector<256x128xi32>
    %max3A_2951 = arith.maximumf %max3A_2945, %slice3A_2946 : vector<256x128xf32>
    %reduce_max3A_2952 = arith.constant dense<0xFF800000> : vector<256xf32>
    %reduce_max3A_2953 = vector.multi_reduction <maximumf>, %max3A_2951, %reduce_max3A_2952 [1] : vector<256x128xf32> to vector<256xf32>
    %mul3A_2954 = arith.constant 128 : i32
    %mul3A_2955 = vector.broadcast %mul3A_2954 : i32 to vector<256x128xi32>
    %mul3A_2956 = arith.muli %select_n3A_2950, %mul3A_2955 : vector<256x128xi32>
    %add3A_2957 = arith.addi %mul3A_2956, %iota3A_2563 : vector<256x128xi32>
    %broadcast_in_dim3A_2958 = vector.shape_cast %reduce_max3A_2953 : vector<256xf32> to vector<256x1xf32>
    %eq3A_2959 = vector.broadcast %broadcast_in_dim3A_2958 : vector<256x1xf32> to vector<256x128xf32>
    %eq3A_2960 = arith.cmpf oeq, %max3A_2951, %eq3A_2959 : vector<256x128xf32>
    %jit3A_2961 = arith.constant 8192 : i32
    %broadcast_in_dim3A_2962 = vector.broadcast %jit3A_2961 : i32 to vector<256x128xi32>
    %select_n3A_2963 = arith.select %eq3A_2960, %add3A_2957, %broadcast_in_dim3A_2962 : vector<256x128xi1>, vector<256x128xi32>
    %reduce_min3A_2964 = arith.constant dense<2147483647> : vector<256xi32>
    %reduce_min3A_2965 = vector.multi_reduction <minsi>, %select_n3A_2963, %reduce_min3A_2964 [1] : vector<256x128xi32> to vector<256xi32>
    %swap3A_2966 = arith.constant 0 : index
    %swap3A_2967 = arith.constant 0 : index
    %swap3A_2968 = arith.constant 1536 : index
    %swap3A_2969 = vector.load %arg3[%swap3A_2966, %swap3A_2967, %swap3A_2968] : memref<1x1x2048xi32, #tpu.memory_space<vmem>>, vector<1x1x256xi32>
    %swap3A_2970 = vector.shape_cast %swap3A_2969 : vector<1x1x256xi32> to vector<256xi32>
    %swap3A_2971 = vector.shape_cast %reduce_min3A_2965 : vector<256xi32> to vector<1x1x256xi32>
    tpu.vector_store %arg3[%swap3A_2966, %swap3A_2967, %swap3A_2968], %swap3A_2971 {strides = array<i32>} : memref<1x1x2048xi32, #tpu.memory_space<vmem>>, vector<1x1x256xi32>,
    %mul3A_2972 = arith.constant 2.000000e+00 : f32
    %mul3A_2973 = vector.broadcast %mul3A_2972 : f32 to vector<256xf32>
    %mul3A_2974 = arith.mulf %mul3A_2973, %reduce_max3A_2953 : vector<256xf32>
    %sub3A_2975 = arith.constant 1.000000e+00 : f32
    %sub3A_2976 = vector.broadcast %sub3A_2975 : f32 to vector<256xf32>
    %sub3A_2977 = arith.subf %sub3A_2976, %mul3A_2974 : vector<256xf32>
    %slice3A_2978 = vector.extract_strided_slice %reduce_sum3A_8 {offsets = [1536], sizes = [256], strides = [1]} : vector<2048xf32> to vector<256xf32>
    %add3A_2979 = arith.addf %sub3A_2977, %slice3A_2978 : vector<256xf32>
    %reduce_sum3A_2980 = vector.shape_cast %add3A_2979 : vector<256xf32> to vector<1x256xf32>
    %reduce_sum3A_2981 = arith.constant dense<0.000000e+00> : vector<1xf32>
    %reduce_sum3A_2982 = vector.multi_reduction <add>, %reduce_sum3A_2980, %reduce_sum3A_2981 [1] : vector<1x256xf32> to vector<1xf32>
    %reduce_sum3A_2983 = vector.shape_cast %reduce_sum3A_2982 : vector<1xf32> to vector<1x1xf32>
    %reduce_sum3A_2984 = vector.extract %reduce_sum3A_2983[0, 0] : f32 from vector<1x1xf32>
    %add3A_2985 = arith.addf %add3A_2559, %reduce_sum3A_2984 : f32
    %slice3A_2986 = vector.extract_strided_slice %div3A_5 {offsets = [1792, 0], sizes = [256, 64], strides = [1, 1]} : vector<2048x64xf32> to vector<256x64xf32>
    %dot_general3A_2987 = arith.constant dense<0.000000e+00> : vector<256x8192xf32>
    %dot_general3A_2988 = tpu.matmul %slice3A_2986, %get3A_11, %dot_general3A_2987 {dimension_numbers = #tpu.dot_dimension_numbers<[1], [1], [0], [0], [0, 0, 1, 0], [], []>, transpose_lhs_hint = false} : vector<256x64xf32>, vector<8192x64xf32>, vector<256x8192xf32> -> vector<256x8192xf32>
    %iota3A_2989 = tpu.iota {dimensions = array<i32: 1>} : vector<256x128xi32>
    %broadcast_in_dim3A_2990 = arith.constant -2.000000e+00 : f32
    %broadcast_in_dim3A_2991 = vector.broadcast %broadcast_in_dim3A_2990 : f32 to vector<256x128xf32>
    %broadcast_in_dim3A_2992 = arith.constant 0 : i32
    %broadcast_in_dim3A_2993 = vector.broadcast %broadcast_in_dim3A_2992 : i32 to vector<256x128xi32>
    %slice3A_2994 = vector.extract_strided_slice %dot_general3A_2988 {offsets = [0, 0], sizes = [256, 128], strides = [1, 1]} : vector<256x8192xf32> to vector<256x128xf32>
    %gt3A_2995 = arith.cmpf ogt, %slice3A_2994, %broadcast_in_dim3A_2991 : vector<256x128xf32>
    %jit3A_2996 = arith.constant 0 : i32
    %broadcast_in_dim3A_2997 = vector.broadcast %jit3A_2996 : i32 to vector<256x128xi32>
    %select_n3A_2998 = arith.select %gt3A_2995, %broadcast_in_dim3A_2997, %broadcast_in_dim3A_2993 : vector<256x128xi1>, vector<256x128xi32>
    %max3A_2999 = arith.maximumf %broadcast_in_dim3A_2991, %slice3A_2994 : vector<256x128xf32>
    %slice3A_3000 = vector.extract_strided_slice %dot_general3A_2988 {offsets = [0, 128], sizes = [256, 128], strides = [1, 1]} : vector<256x8192xf32> to vector<256x128xf32>
    %gt3A_3001 = arith.cmpf ogt, %slice3A_3000, %max3A_2999 : vector<256x128xf32>
    %jit3A_3002 = arith.constant 1 : i32
    %broadcast_in_dim3A_3003 = vector.broadcast %jit3A_3002 : i32 to vector<256x128xi32>
    %select_n3A_3004 = arith.select %gt3A_3001, %broadcast_in_dim3A_3003, %select_n3A_2998 : vector<256x128xi1>, vector<256x128xi32>
    %max3A_3005 = arith.maximumf %max3A_2999, %slice3A_3000 : vector<256x128xf32>
    %slice3A_3006 = vector.extract_strided_slice %dot_general3A_2988 {offsets = [0, 256], sizes = [256, 128], strides = [1, 1]} : vector<256x8192xf32> to vector<256x128xf32>
    %gt3A_3007 = arith.cmpf ogt, %slice3A_3006, %max3A_3005 : vector<256x128xf32>
    %jit3A_3008 = arith.constant 2 : i32
    %broadcast_in_dim3A_3009 = vector.broadcast %jit3A_3008 : i32 to vector<256x128xi32>
    %select_n3A_3010 = arith.select %gt3A_3007, %broadcast_in_dim3A_3009, %select_n3A_3004 : vector<256x128xi1>, vector<256x128xi32>
    %max3A_3011 = arith.maximumf %max3A_3005, %slice3A_3006 : vector<256x128xf32>
    %slice3A_3012 = vector.extract_strided_slice %dot_general3A_2988 {offsets = [0, 384], sizes = [256, 128], strides = [1, 1]} : vector<256x8192xf32> to vector<256x128xf32>
    %gt3A_3013 = arith.cmpf ogt, %slice3A_3012, %max3A_3011 : vector<256x128xf32>
    %jit3A_3014 = arith.constant 3 : i32
    %broadcast_in_dim3A_3015 = vector.broadcast %jit3A_3014 : i32 to vector<256x128xi32>
    %select_n3A_3016 = arith.select %gt3A_3013, %broadcast_in_dim3A_3015, %select_n3A_3010 : vector<256x128xi1>, vector<256x128xi32>
    %max3A_3017 = arith.maximumf %max3A_3011, %slice3A_3012 : vector<256x128xf32>
    %slice3A_3018 = vector.extract_strided_slice %dot_general3A_2988 {offsets = [0, 512], sizes = [256, 128], strides = [1, 1]} : vector<256x8192xf32> to vector<256x128xf32>
    %gt3A_3019 = arith.cmpf ogt, %slice3A_3018, %max3A_3017 : vector<256x128xf32>
    %jit3A_3020 = arith.constant 4 : i32
    %broadcast_in_dim3A_3021 = vector.broadcast %jit3A_3020 : i32 to vector<256x128xi32>
    %select_n3A_3022 = arith.select %gt3A_3019, %broadcast_in_dim3A_3021, %select_n3A_3016 : vector<256x128xi1>, vector<256x128xi32>
    %max3A_3023 = arith.maximumf %max3A_3017, %slice3A_3018 : vector<256x128xf32>
    %slice3A_3024 = vector.extract_strided_slice %dot_general3A_2988 {offsets = [0, 640], sizes = [256, 128], strides = [1, 1]} : vector<256x8192xf32> to vector<256x128xf32>
    %gt3A_3025 = arith.cmpf ogt, %slice3A_3024, %max3A_3023 : vector<256x128xf32>
    %jit3A_3026 = arith.constant 5 : i32
    %broadcast_in_dim3A_3027 = vector.broadcast %jit3A_3026 : i32 to vector<256x128xi32>
    %select_n3A_3028 = arith.select %gt3A_3025, %broadcast_in_dim3A_3027, %select_n3A_3022 : vector<256x128xi1>, vector<256x128xi32>
    %max3A_3029 = arith.maximumf %max3A_3023, %slice3A_3024 : vector<256x128xf32>
    %slice3A_3030 = vector.extract_strided_slice %dot_general3A_2988 {offsets = [0, 768], sizes = [256, 128], strides = [1, 1]} : vector<256x8192xf32> to vector<256x128xf32>
    %gt3A_3031 = arith.cmpf ogt, %slice3A_3030, %max3A_3029 : vector<256x128xf32>
    %jit3A_3032 = arith.constant 6 : i32
    %broadcast_in_dim3A_3033 = vector.broadcast %jit3A_3032 : i32 to vector<256x128xi32>
    %select_n3A_3034 = arith.select %gt3A_3031, %broadcast_in_dim3A_3033, %select_n3A_3028 : vector<256x128xi1>, vector<256x128xi32>
    %max3A_3035 = arith.maximumf %max3A_3029, %slice3A_3030 : vector<256x128xf32>
    %slice3A_3036 = vector.extract_strided_slice %dot_general3A_2988 {offsets = [0, 896], sizes = [256, 128], strides = [1, 1]} : vector<256x8192xf32> to vector<256x128xf32>
    %gt3A_3037 = arith.cmpf ogt, %slice3A_3036, %max3A_3035 : vector<256x128xf32>
    %jit3A_3038 = arith.constant 7 : i32
    %broadcast_in_dim3A_3039 = vector.broadcast %jit3A_3038 : i32 to vector<256x128xi32>
    %select_n3A_3040 = arith.select %gt3A_3037, %broadcast_in_dim3A_3039, %select_n3A_3034 : vector<256x128xi1>, vector<256x128xi32>
    %max3A_3041 = arith.maximumf %max3A_3035, %slice3A_3036 : vector<256x128xf32>
    %slice3A_3042 = vector.extract_strided_slice %dot_general3A_2988 {offsets = [0, 1024], sizes = [256, 128], strides = [1, 1]} : vector<256x8192xf32> to vector<256x128xf32>
    %gt3A_3043 = arith.cmpf ogt, %slice3A_3042, %max3A_3041 : vector<256x128xf32>
    %jit3A_3044 = arith.constant 8 : i32
    %broadcast_in_dim3A_3045 = vector.broadcast %jit3A_3044 : i32 to vector<256x128xi32>
    %select_n3A_3046 = arith.select %gt3A_3043, %broadcast_in_dim3A_3045, %select_n3A_3040 : vector<256x128xi1>, vector<256x128xi32>
    %max3A_3047 = arith.maximumf %max3A_3041, %slice3A_3042 : vector<256x128xf32>
    %slice3A_3048 = vector.extract_strided_slice %dot_general3A_2988 {offsets = [0, 1152], sizes = [256, 128], strides = [1, 1]} : vector<256x8192xf32> to vector<256x128xf32>
    %gt3A_3049 = arith.cmpf ogt, %slice3A_3048, %max3A_3047 : vector<256x128xf32>
    %jit3A_3050 = arith.constant 9 : i32
    %broadcast_in_dim3A_3051 = vector.broadcast %jit3A_3050 : i32 to vector<256x128xi32>
    %select_n3A_3052 = arith.select %gt3A_3049, %broadcast_in_dim3A_3051, %select_n3A_3046 : vector<256x128xi1>, vector<256x128xi32>
    %max3A_3053 = arith.maximumf %max3A_3047, %slice3A_3048 : vector<256x128xf32>
    %slice3A_3054 = vector.extract_strided_slice %dot_general3A_2988 {offsets = [0, 1280], sizes = [256, 128], strides = [1, 1]} : vector<256x8192xf32> to vector<256x128xf32>
    %gt3A_3055 = arith.cmpf ogt, %slice3A_3054, %max3A_3053 : vector<256x128xf32>
    %jit3A_3056 = arith.constant 10 : i32
    %broadcast_in_dim3A_3057 = vector.broadcast %jit3A_3056 : i32 to vector<256x128xi32>
    %select_n3A_3058 = arith.select %gt3A_3055, %broadcast_in_dim3A_3057, %select_n3A_3052 : vector<256x128xi1>, vector<256x128xi32>
    %max3A_3059 = arith.maximumf %max3A_3053, %slice3A_3054 : vector<256x128xf32>
    %slice3A_3060 = vector.extract_strided_slice %dot_general3A_2988 {offsets = [0, 1408], sizes = [256, 128], strides = [1, 1]} : vector<256x8192xf32> to vector<256x128xf32>
    %gt3A_3061 = arith.cmpf ogt, %slice3A_3060, %max3A_3059 : vector<256x128xf32>
    %jit3A_3062 = arith.constant 11 : i32
    %broadcast_in_dim3A_3063 = vector.broadcast %jit3A_3062 : i32 to vector<256x128xi32>
    %select_n3A_3064 = arith.select %gt3A_3061, %broadcast_in_dim3A_3063, %select_n3A_3058 : vector<256x128xi1>, vector<256x128xi32>
    %max3A_3065 = arith.maximumf %max3A_3059, %slice3A_3060 : vector<256x128xf32>
    %slice3A_3066 = vector.extract_strided_slice %dot_general3A_2988 {offsets = [0, 1536], sizes = [256, 128], strides = [1, 1]} : vector<256x8192xf32> to vector<256x128xf32>
    %gt3A_3067 = arith.cmpf ogt, %slice3A_3066, %max3A_3065 : vector<256x128xf32>
    %jit3A_3068 = arith.constant 12 : i32
    %broadcast_in_dim3A_3069 = vector.broadcast %jit3A_3068 : i32 to vector<256x128xi32>
    %select_n3A_3070 = arith.select %gt3A_3067, %broadcast_in_dim3A_3069, %select_n3A_3064 : vector<256x128xi1>, vector<256x128xi32>
    %max3A_3071 = arith.maximumf %max3A_3065, %slice3A_3066 : vector<256x128xf32>
    %slice3A_3072 = vector.extract_strided_slice %dot_general3A_2988 {offsets = [0, 1664], sizes = [256, 128], strides = [1, 1]} : vector<256x8192xf32> to vector<256x128xf32>
    %gt3A_3073 = arith.cmpf ogt, %slice3A_3072, %max3A_3071 : vector<256x128xf32>
    %jit3A_3074 = arith.constant 13 : i32
    %broadcast_in_dim3A_3075 = vector.broadcast %jit3A_3074 : i32 to vector<256x128xi32>
    %select_n3A_3076 = arith.select %gt3A_3073, %broadcast_in_dim3A_3075, %select_n3A_3070 : vector<256x128xi1>, vector<256x128xi32>
    %max3A_3077 = arith.maximumf %max3A_3071, %slice3A_3072 : vector<256x128xf32>
    %slice3A_3078 = vector.extract_strided_slice %dot_general3A_2988 {offsets = [0, 1792], sizes = [256, 128], strides = [1, 1]} : vector<256x8192xf32> to vector<256x128xf32>
    %gt3A_3079 = arith.cmpf ogt, %slice3A_3078, %max3A_3077 : vector<256x128xf32>
    %jit3A_3080 = arith.constant 14 : i32
    %broadcast_in_dim3A_3081 = vector.broadcast %jit3A_3080 : i32 to vector<256x128xi32>
    %select_n3A_3082 = arith.select %gt3A_3079, %broadcast_in_dim3A_3081, %select_n3A_3076 : vector<256x128xi1>, vector<256x128xi32>
    %max3A_3083 = arith.maximumf %max3A_3077, %slice3A_3078 : vector<256x128xf32>
    %slice3A_3084 = vector.extract_strided_slice %dot_general3A_2988 {offsets = [0, 1920], sizes = [256, 128], strides = [1, 1]} : vector<256x8192xf32> to vector<256x128xf32>
    %gt3A_3085 = arith.cmpf ogt, %slice3A_3084, %max3A_3083 : vector<256x128xf32>
    %jit3A_3086 = arith.constant 15 : i32
    %broadcast_in_dim3A_3087 = vector.broadcast %jit3A_3086 : i32 to vector<256x128xi32>
    %select_n3A_3088 = arith.select %gt3A_3085, %broadcast_in_dim3A_3087, %select_n3A_3082 : vector<256x128xi1>, vector<256x128xi32>
    %max3A_3089 = arith.maximumf %max3A_3083, %slice3A_3084 : vector<256x128xf32>
    %slice3A_3090 = vector.extract_strided_slice %dot_general3A_2988 {offsets = [0, 2048], sizes = [256, 128], strides = [1, 1]} : vector<256x8192xf32> to vector<256x128xf32>
    %gt3A_3091 = arith.cmpf ogt, %slice3A_3090, %max3A_3089 : vector<256x128xf32>
    %jit3A_3092 = arith.constant 16 : i32
    %broadcast_in_dim3A_3093 = vector.broadcast %jit3A_3092 : i32 to vector<256x128xi32>
    %select_n3A_3094 = arith.select %gt3A_3091, %broadcast_in_dim3A_3093, %select_n3A_3088 : vector<256x128xi1>, vector<256x128xi32>
    %max3A_3095 = arith.maximumf %max3A_3089, %slice3A_3090 : vector<256x128xf32>
    %slice3A_3096 = vector.extract_strided_slice %dot_general3A_2988 {offsets = [0, 2176], sizes = [256, 128], strides = [1, 1]} : vector<256x8192xf32> to vector<256x128xf32>
    %gt3A_3097 = arith.cmpf ogt, %slice3A_3096, %max3A_3095 : vector<256x128xf32>
    %jit3A_3098 = arith.constant 17 : i32
    %broadcast_in_dim3A_3099 = vector.broadcast %jit3A_3098 : i32 to vector<256x128xi32>
    %select_n3A_3100 = arith.select %gt3A_3097, %broadcast_in_dim3A_3099, %select_n3A_3094 : vector<256x128xi1>, vector<256x128xi32>
    %max3A_3101 = arith.maximumf %max3A_3095, %slice3A_3096 : vector<256x128xf32>
    %slice3A_3102 = vector.extract_strided_slice %dot_general3A_2988 {offsets = [0, 2304], sizes = [256, 128], strides = [1, 1]} : vector<256x8192xf32> to vector<256x128xf32>
    %gt3A_3103 = arith.cmpf ogt, %slice3A_3102, %max3A_3101 : vector<256x128xf32>
    %jit3A_3104 = arith.constant 18 : i32
    %broadcast_in_dim3A_3105 = vector.broadcast %jit3A_3104 : i32 to vector<256x128xi32>
    %select_n3A_3106 = arith.select %gt3A_3103, %broadcast_in_dim3A_3105, %select_n3A_3100 : vector<256x128xi1>, vector<256x128xi32>
    %max3A_3107 = arith.maximumf %max3A_3101, %slice3A_3102 : vector<256x128xf32>
    %slice3A_3108 = vector.extract_strided_slice %dot_general3A_2988 {offsets = [0, 2432], sizes = [256, 128], strides = [1, 1]} : vector<256x8192xf32> to vector<256x128xf32>
    %gt3A_3109 = arith.cmpf ogt, %slice3A_3108, %max3A_3107 : vector<256x128xf32>
    %jit3A_3110 = arith.constant 19 : i32
    %broadcast_in_dim3A_3111 = vector.broadcast %jit3A_3110 : i32 to vector<256x128xi32>
    %select_n3A_3112 = arith.select %gt3A_3109, %broadcast_in_dim3A_3111, %select_n3A_3106 : vector<256x128xi1>, vector<256x128xi32>
    %max3A_3113 = arith.maximumf %max3A_3107, %slice3A_3108 : vector<256x128xf32>
    %slice3A_3114 = vector.extract_strided_slice %dot_general3A_2988 {offsets = [0, 2560], sizes = [256, 128], strides = [1, 1]} : vector<256x8192xf32> to vector<256x128xf32>
    %gt3A_3115 = arith.cmpf ogt, %slice3A_3114, %max3A_3113 : vector<256x128xf32>
    %jit3A_3116 = arith.constant 20 : i32
    %broadcast_in_dim3A_3117 = vector.broadcast %jit3A_3116 : i32 to vector<256x128xi32>
    %select_n3A_3118 = arith.select %gt3A_3115, %broadcast_in_dim3A_3117, %select_n3A_3112 : vector<256x128xi1>, vector<256x128xi32>
    %max3A_3119 = arith.maximumf %max3A_3113, %slice3A_3114 : vector<256x128xf32>
    %slice3A_3120 = vector.extract_strided_slice %dot_general3A_2988 {offsets = [0, 2688], sizes = [256, 128], strides = [1, 1]} : vector<256x8192xf32> to vector<256x128xf32>
    %gt3A_3121 = arith.cmpf ogt, %slice3A_3120, %max3A_3119 : vector<256x128xf32>
    %jit3A_3122 = arith.constant 21 : i32
    %broadcast_in_dim3A_3123 = vector.broadcast %jit3A_3122 : i32 to vector<256x128xi32>
    %select_n3A_3124 = arith.select %gt3A_3121, %broadcast_in_dim3A_3123, %select_n3A_3118 : vector<256x128xi1>, vector<256x128xi32>
    %max3A_3125 = arith.maximumf %max3A_3119, %slice3A_3120 : vector<256x128xf32>
    %slice3A_3126 = vector.extract_strided_slice %dot_general3A_2988 {offsets = [0, 2816], sizes = [256, 128], strides = [1, 1]} : vector<256x8192xf32> to vector<256x128xf32>
    %gt3A_3127 = arith.cmpf ogt, %slice3A_3126, %max3A_3125 : vector<256x128xf32>
    %jit3A_3128 = arith.constant 22 : i32
    %broadcast_in_dim3A_3129 = vector.broadcast %jit3A_3128 : i32 to vector<256x128xi32>
    %select_n3A_3130 = arith.select %gt3A_3127, %broadcast_in_dim3A_3129, %select_n3A_3124 : vector<256x128xi1>, vector<256x128xi32>
    %max3A_3131 = arith.maximumf %max3A_3125, %slice3A_3126 : vector<256x128xf32>
    %slice3A_3132 = vector.extract_strided_slice %dot_general3A_2988 {offsets = [0, 2944], sizes = [256, 128], strides = [1, 1]} : vector<256x8192xf32> to vector<256x128xf32>
    %gt3A_3133 = arith.cmpf ogt, %slice3A_3132, %max3A_3131 : vector<256x128xf32>
    %jit3A_3134 = arith.constant 23 : i32
    %broadcast_in_dim3A_3135 = vector.broadcast %jit3A_3134 : i32 to vector<256x128xi32>
    %select_n3A_3136 = arith.select %gt3A_3133, %broadcast_in_dim3A_3135, %select_n3A_3130 : vector<256x128xi1>, vector<256x128xi32>
    %max3A_3137 = arith.maximumf %max3A_3131, %slice3A_3132 : vector<256x128xf32>
    %slice3A_3138 = vector.extract_strided_slice %dot_general3A_2988 {offsets = [0, 3072], sizes = [256, 128], strides = [1, 1]} : vector<256x8192xf32> to vector<256x128xf32>
    %gt3A_3139 = arith.cmpf ogt, %slice3A_3138, %max3A_3137 : vector<256x128xf32>
    %jit3A_3140 = arith.constant 24 : i32
    %broadcast_in_dim3A_3141 = vector.broadcast %jit3A_3140 : i32 to vector<256x128xi32>
    %select_n3A_3142 = arith.select %gt3A_3139, %broadcast_in_dim3A_3141, %select_n3A_3136 : vector<256x128xi1>, vector<256x128xi32>
    %max3A_3143 = arith.maximumf %max3A_3137, %slice3A_3138 : vector<256x128xf32>
    %slice3A_3144 = vector.extract_strided_slice %dot_general3A_2988 {offsets = [0, 3200], sizes = [256, 128], strides = [1, 1]} : vector<256x8192xf32> to vector<256x128xf32>
    %gt3A_3145 = arith.cmpf ogt, %slice3A_3144, %max3A_3143 : vector<256x128xf32>
    %jit3A_3146 = arith.constant 25 : i32
    %broadcast_in_dim3A_3147 = vector.broadcast %jit3A_3146 : i32 to vector<256x128xi32>
    %select_n3A_3148 = arith.select %gt3A_3145, %broadcast_in_dim3A_3147, %select_n3A_3142 : vector<256x128xi1>, vector<256x128xi32>
    %max3A_3149 = arith.maximumf %max3A_3143, %slice3A_3144 : vector<256x128xf32>
    %slice3A_3150 = vector.extract_strided_slice %dot_general3A_2988 {offsets = [0, 3328], sizes = [256, 128], strides = [1, 1]} : vector<256x8192xf32> to vector<256x128xf32>
    %gt3A_3151 = arith.cmpf ogt, %slice3A_3150, %max3A_3149 : vector<256x128xf32>
    %jit3A_3152 = arith.constant 26 : i32
    %broadcast_in_dim3A_3153 = vector.broadcast %jit3A_3152 : i32 to vector<256x128xi32>
    %select_n3A_3154 = arith.select %gt3A_3151, %broadcast_in_dim3A_3153, %select_n3A_3148 : vector<256x128xi1>, vector<256x128xi32>
    %max3A_3155 = arith.maximumf %max3A_3149, %slice3A_3150 : vector<256x128xf32>
    %slice3A_3156 = vector.extract_strided_slice %dot_general3A_2988 {offsets = [0, 3456], sizes = [256, 128], strides = [1, 1]} : vector<256x8192xf32> to vector<256x128xf32>
    %gt3A_3157 = arith.cmpf ogt, %slice3A_3156, %max3A_3155 : vector<256x128xf32>
    %jit3A_3158 = arith.constant 27 : i32
    %broadcast_in_dim3A_3159 = vector.broadcast %jit3A_3158 : i32 to vector<256x128xi32>
    %select_n3A_3160 = arith.select %gt3A_3157, %broadcast_in_dim3A_3159, %select_n3A_3154 : vector<256x128xi1>, vector<256x128xi32>
    %max3A_3161 = arith.maximumf %max3A_3155, %slice3A_3156 : vector<256x128xf32>
    %slice3A_3162 = vector.extract_strided_slice %dot_general3A_2988 {offsets = [0, 3584], sizes = [256, 128], strides = [1, 1]} : vector<256x8192xf32> to vector<256x128xf32>
    %gt3A_3163 = arith.cmpf ogt, %slice3A_3162, %max3A_3161 : vector<256x128xf32>
    %jit3A_3164 = arith.constant 28 : i32
    %broadcast_in_dim3A_3165 = vector.broadcast %jit3A_3164 : i32 to vector<256x128xi32>
    %select_n3A_3166 = arith.select %gt3A_3163, %broadcast_in_dim3A_3165, %select_n3A_3160 : vector<256x128xi1>, vector<256x128xi32>
    %max3A_3167 = arith.maximumf %max3A_3161, %slice3A_3162 : vector<256x128xf32>
    %slice3A_3168 = vector.extract_strided_slice %dot_general3A_2988 {offsets = [0, 3712], sizes = [256, 128], strides = [1, 1]} : vector<256x8192xf32> to vector<256x128xf32>
    %gt3A_3169 = arith.cmpf ogt, %slice3A_3168, %max3A_3167 : vector<256x128xf32>
    %jit3A_3170 = arith.constant 29 : i32
    %broadcast_in_dim3A_3171 = vector.broadcast %jit3A_3170 : i32 to vector<256x128xi32>
    %select_n3A_3172 = arith.select %gt3A_3169, %broadcast_in_dim3A_3171, %select_n3A_3166 : vector<256x128xi1>, vector<256x128xi32>
    %max3A_3173 = arith.maximumf %max3A_3167, %slice3A_3168 : vector<256x128xf32>
    %slice3A_3174 = vector.extract_strided_slice %dot_general3A_2988 {offsets = [0, 3840], sizes = [256, 128], strides = [1, 1]} : vector<256x8192xf32> to vector<256x128xf32>
    %gt3A_3175 = arith.cmpf ogt, %slice3A_3174, %max3A_3173 : vector<256x128xf32>
    %jit3A_3176 = arith.constant 30 : i32
    %broadcast_in_dim3A_3177 = vector.broadcast %jit3A_3176 : i32 to vector<256x128xi32>
    %select_n3A_3178 = arith.select %gt3A_3175, %broadcast_in_dim3A_3177, %select_n3A_3172 : vector<256x128xi1>, vector<256x128xi32>
    %max3A_3179 = arith.maximumf %max3A_3173, %slice3A_3174 : vector<256x128xf32>
    %slice3A_3180 = vector.extract_strided_slice %dot_general3A_2988 {offsets = [0, 3968], sizes = [256, 128], strides = [1, 1]} : vector<256x8192xf32> to vector<256x128xf32>
    %gt3A_3181 = arith.cmpf ogt, %slice3A_3180, %max3A_3179 : vector<256x128xf32>
    %jit3A_3182 = arith.constant 31 : i32
    %broadcast_in_dim3A_3183 = vector.broadcast %jit3A_3182 : i32 to vector<256x128xi32>
    %select_n3A_3184 = arith.select %gt3A_3181, %broadcast_in_dim3A_3183, %select_n3A_3178 : vector<256x128xi1>, vector<256x128xi32>
    %max3A_3185 = arith.maximumf %max3A_3179, %slice3A_3180 : vector<256x128xf32>
    %slice3A_3186 = vector.extract_strided_slice %dot_general3A_2988 {offsets = [0, 4096], sizes = [256, 128], strides = [1, 1]} : vector<256x8192xf32> to vector<256x128xf32>
    %gt3A_3187 = arith.cmpf ogt, %slice3A_3186, %max3A_3185 : vector<256x128xf32>
    %jit3A_3188 = arith.constant 32 : i32
    %broadcast_in_dim3A_3189 = vector.broadcast %jit3A_3188 : i32 to vector<256x128xi32>
    %select_n3A_3190 = arith.select %gt3A_3187, %broadcast_in_dim3A_3189, %select_n3A_3184 : vector<256x128xi1>, vector<256x128xi32>
    %max3A_3191 = arith.maximumf %max3A_3185, %slice3A_3186 : vector<256x128xf32>
    %slice3A_3192 = vector.extract_strided_slice %dot_general3A_2988 {offsets = [0, 4224], sizes = [256, 128], strides = [1, 1]} : vector<256x8192xf32> to vector<256x128xf32>
    %gt3A_3193 = arith.cmpf ogt, %slice3A_3192, %max3A_3191 : vector<256x128xf32>
    %jit3A_3194 = arith.constant 33 : i32
    %broadcast_in_dim3A_3195 = vector.broadcast %jit3A_3194 : i32 to vector<256x128xi32>
    %select_n3A_3196 = arith.select %gt3A_3193, %broadcast_in_dim3A_3195, %select_n3A_3190 : vector<256x128xi1>, vector<256x128xi32>
    %max3A_3197 = arith.maximumf %max3A_3191, %slice3A_3192 : vector<256x128xf32>
    %slice3A_3198 = vector.extract_strided_slice %dot_general3A_2988 {offsets = [0, 4352], sizes = [256, 128], strides = [1, 1]} : vector<256x8192xf32> to vector<256x128xf32>
    %gt3A_3199 = arith.cmpf ogt, %slice3A_3198, %max3A_3197 : vector<256x128xf32>
    %jit3A_3200 = arith.constant 34 : i32
    %broadcast_in_dim3A_3201 = vector.broadcast %jit3A_3200 : i32 to vector<256x128xi32>
    %select_n3A_3202 = arith.select %gt3A_3199, %broadcast_in_dim3A_3201, %select_n3A_3196 : vector<256x128xi1>, vector<256x128xi32>
    %max3A_3203 = arith.maximumf %max3A_3197, %slice3A_3198 : vector<256x128xf32>
    %slice3A_3204 = vector.extract_strided_slice %dot_general3A_2988 {offsets = [0, 4480], sizes = [256, 128], strides = [1, 1]} : vector<256x8192xf32> to vector<256x128xf32>
    %gt3A_3205 = arith.cmpf ogt, %slice3A_3204, %max3A_3203 : vector<256x128xf32>
    %jit3A_3206 = arith.constant 35 : i32
    %broadcast_in_dim3A_3207 = vector.broadcast %jit3A_3206 : i32 to vector<256x128xi32>
    %select_n3A_3208 = arith.select %gt3A_3205, %broadcast_in_dim3A_3207, %select_n3A_3202 : vector<256x128xi1>, vector<256x128xi32>
    %max3A_3209 = arith.maximumf %max3A_3203, %slice3A_3204 : vector<256x128xf32>
    %slice3A_3210 = vector.extract_strided_slice %dot_general3A_2988 {offsets = [0, 4608], sizes = [256, 128], strides = [1, 1]} : vector<256x8192xf32> to vector<256x128xf32>
    %gt3A_3211 = arith.cmpf ogt, %slice3A_3210, %max3A_3209 : vector<256x128xf32>
    %jit3A_3212 = arith.constant 36 : i32
    %broadcast_in_dim3A_3213 = vector.broadcast %jit3A_3212 : i32 to vector<256x128xi32>
    %select_n3A_3214 = arith.select %gt3A_3211, %broadcast_in_dim3A_3213, %select_n3A_3208 : vector<256x128xi1>, vector<256x128xi32>
    %max3A_3215 = arith.maximumf %max3A_3209, %slice3A_3210 : vector<256x128xf32>
    %slice3A_3216 = vector.extract_strided_slice %dot_general3A_2988 {offsets = [0, 4736], sizes = [256, 128], strides = [1, 1]} : vector<256x8192xf32> to vector<256x128xf32>
    %gt3A_3217 = arith.cmpf ogt, %slice3A_3216, %max3A_3215 : vector<256x128xf32>
    %jit3A_3218 = arith.constant 37 : i32
    %broadcast_in_dim3A_3219 = vector.broadcast %jit3A_3218 : i32 to vector<256x128xi32>
    %select_n3A_3220 = arith.select %gt3A_3217, %broadcast_in_dim3A_3219, %select_n3A_3214 : vector<256x128xi1>, vector<256x128xi32>
    %max3A_3221 = arith.maximumf %max3A_3215, %slice3A_3216 : vector<256x128xf32>
    %slice3A_3222 = vector.extract_strided_slice %dot_general3A_2988 {offsets = [0, 4864], sizes = [256, 128], strides = [1, 1]} : vector<256x8192xf32> to vector<256x128xf32>
    %gt3A_3223 = arith.cmpf ogt, %slice3A_3222, %max3A_3221 : vector<256x128xf32>
    %jit3A_3224 = arith.constant 38 : i32
    %broadcast_in_dim3A_3225 = vector.broadcast %jit3A_3224 : i32 to vector<256x128xi32>
    %select_n3A_3226 = arith.select %gt3A_3223, %broadcast_in_dim3A_3225, %select_n3A_3220 : vector<256x128xi1>, vector<256x128xi32>
    %max3A_3227 = arith.maximumf %max3A_3221, %slice3A_3222 : vector<256x128xf32>
    %slice3A_3228 = vector.extract_strided_slice %dot_general3A_2988 {offsets = [0, 4992], sizes = [256, 128], strides = [1, 1]} : vector<256x8192xf32> to vector<256x128xf32>
    %gt3A_3229 = arith.cmpf ogt, %slice3A_3228, %max3A_3227 : vector<256x128xf32>
    %jit3A_3230 = arith.constant 39 : i32
    %broadcast_in_dim3A_3231 = vector.broadcast %jit3A_3230 : i32 to vector<256x128xi32>
    %select_n3A_3232 = arith.select %gt3A_3229, %broadcast_in_dim3A_3231, %select_n3A_3226 : vector<256x128xi1>, vector<256x128xi32>
    %max3A_3233 = arith.maximumf %max3A_3227, %slice3A_3228 : vector<256x128xf32>
    %slice3A_3234 = vector.extract_strided_slice %dot_general3A_2988 {offsets = [0, 5120], sizes = [256, 128], strides = [1, 1]} : vector<256x8192xf32> to vector<256x128xf32>
    %gt3A_3235 = arith.cmpf ogt, %slice3A_3234, %max3A_3233 : vector<256x128xf32>
    %jit3A_3236 = arith.constant 40 : i32
    %broadcast_in_dim3A_3237 = vector.broadcast %jit3A_3236 : i32 to vector<256x128xi32>
    %select_n3A_3238 = arith.select %gt3A_3235, %broadcast_in_dim3A_3237, %select_n3A_3232 : vector<256x128xi1>, vector<256x128xi32>
    %max3A_3239 = arith.maximumf %max3A_3233, %slice3A_3234 : vector<256x128xf32>
    %slice3A_3240 = vector.extract_strided_slice %dot_general3A_2988 {offsets = [0, 5248], sizes = [256, 128], strides = [1, 1]} : vector<256x8192xf32> to vector<256x128xf32>
    %gt3A_3241 = arith.cmpf ogt, %slice3A_3240, %max3A_3239 : vector<256x128xf32>
    %jit3A_3242 = arith.constant 41 : i32
    %broadcast_in_dim3A_3243 = vector.broadcast %jit3A_3242 : i32 to vector<256x128xi32>
    %select_n3A_3244 = arith.select %gt3A_3241, %broadcast_in_dim3A_3243, %select_n3A_3238 : vector<256x128xi1>, vector<256x128xi32>
    %max3A_3245 = arith.maximumf %max3A_3239, %slice3A_3240 : vector<256x128xf32>
    %slice3A_3246 = vector.extract_strided_slice %dot_general3A_2988 {offsets = [0, 5376], sizes = [256, 128], strides = [1, 1]} : vector<256x8192xf32> to vector<256x128xf32>
    %gt3A_3247 = arith.cmpf ogt, %slice3A_3246, %max3A_3245 : vector<256x128xf32>
    %jit3A_3248 = arith.constant 42 : i32
    %broadcast_in_dim3A_3249 = vector.broadcast %jit3A_3248 : i32 to vector<256x128xi32>
    %select_n3A_3250 = arith.select %gt3A_3247, %broadcast_in_dim3A_3249, %select_n3A_3244 : vector<256x128xi1>, vector<256x128xi32>
    %max3A_3251 = arith.maximumf %max3A_3245, %slice3A_3246 : vector<256x128xf32>
    %slice3A_3252 = vector.extract_strided_slice %dot_general3A_2988 {offsets = [0, 5504], sizes = [256, 128], strides = [1, 1]} : vector<256x8192xf32> to vector<256x128xf32>
    %gt3A_3253 = arith.cmpf ogt, %slice3A_3252, %max3A_3251 : vector<256x128xf32>
    %jit3A_3254 = arith.constant 43 : i32
    %broadcast_in_dim3A_3255 = vector.broadcast %jit3A_3254 : i32 to vector<256x128xi32>
    %select_n3A_3256 = arith.select %gt3A_3253, %broadcast_in_dim3A_3255, %select_n3A_3250 : vector<256x128xi1>, vector<256x128xi32>
    %max3A_3257 = arith.maximumf %max3A_3251, %slice3A_3252 : vector<256x128xf32>
    %slice3A_3258 = vector.extract_strided_slice %dot_general3A_2988 {offsets = [0, 5632], sizes = [256, 128], strides = [1, 1]} : vector<256x8192xf32> to vector<256x128xf32>
    %gt3A_3259 = arith.cmpf ogt, %slice3A_3258, %max3A_3257 : vector<256x128xf32>
    %jit3A_3260 = arith.constant 44 : i32
    %broadcast_in_dim3A_3261 = vector.broadcast %jit3A_3260 : i32 to vector<256x128xi32>
    %select_n3A_3262 = arith.select %gt3A_3259, %broadcast_in_dim3A_3261, %select_n3A_3256 : vector<256x128xi1>, vector<256x128xi32>
    %max3A_3263 = arith.maximumf %max3A_3257, %slice3A_3258 : vector<256x128xf32>
    %slice3A_3264 = vector.extract_strided_slice %dot_general3A_2988 {offsets = [0, 5760], sizes = [256, 128], strides = [1, 1]} : vector<256x8192xf32> to vector<256x128xf32>
    %gt3A_3265 = arith.cmpf ogt, %slice3A_3264, %max3A_3263 : vector<256x128xf32>
    %jit3A_3266 = arith.constant 45 : i32
    %broadcast_in_dim3A_3267 = vector.broadcast %jit3A_3266 : i32 to vector<256x128xi32>
    %select_n3A_3268 = arith.select %gt3A_3265, %broadcast_in_dim3A_3267, %select_n3A_3262 : vector<256x128xi1>, vector<256x128xi32>
    %max3A_3269 = arith.maximumf %max3A_3263, %slice3A_3264 : vector<256x128xf32>
    %slice3A_3270 = vector.extract_strided_slice %dot_general3A_2988 {offsets = [0, 5888], sizes = [256, 128], strides = [1, 1]} : vector<256x8192xf32> to vector<256x128xf32>
    %gt3A_3271 = arith.cmpf ogt, %slice3A_3270, %max3A_3269 : vector<256x128xf32>
    %jit3A_3272 = arith.constant 46 : i32
    %broadcast_in_dim3A_3273 = vector.broadcast %jit3A_3272 : i32 to vector<256x128xi32>
    %select_n3A_3274 = arith.select %gt3A_3271, %broadcast_in_dim3A_3273, %select_n3A_3268 : vector<256x128xi1>, vector<256x128xi32>
    %max3A_3275 = arith.maximumf %max3A_3269, %slice3A_3270 : vector<256x128xf32>
    %slice3A_3276 = vector.extract_strided_slice %dot_general3A_2988 {offsets = [0, 6016], sizes = [256, 128], strides = [1, 1]} : vector<256x8192xf32> to vector<256x128xf32>
    %gt3A_3277 = arith.cmpf ogt, %slice3A_3276, %max3A_3275 : vector<256x128xf32>
    %jit3A_3278 = arith.constant 47 : i32
    %broadcast_in_dim3A_3279 = vector.broadcast %jit3A_3278 : i32 to vector<256x128xi32>
    %select_n3A_3280 = arith.select %gt3A_3277, %broadcast_in_dim3A_3279, %select_n3A_3274 : vector<256x128xi1>, vector<256x128xi32>
    %max3A_3281 = arith.maximumf %max3A_3275, %slice3A_3276 : vector<256x128xf32>
    %slice3A_3282 = vector.extract_strided_slice %dot_general3A_2988 {offsets = [0, 6144], sizes = [256, 128], strides = [1, 1]} : vector<256x8192xf32> to vector<256x128xf32>
    %gt3A_3283 = arith.cmpf ogt, %slice3A_3282, %max3A_3281 : vector<256x128xf32>
    %jit3A_3284 = arith.constant 48 : i32
    %broadcast_in_dim3A_3285 = vector.broadcast %jit3A_3284 : i32 to vector<256x128xi32>
    %select_n3A_3286 = arith.select %gt3A_3283, %broadcast_in_dim3A_3285, %select_n3A_3280 : vector<256x128xi1>, vector<256x128xi32>
    %max3A_3287 = arith.maximumf %max3A_3281, %slice3A_3282 : vector<256x128xf32>
    %slice3A_3288 = vector.extract_strided_slice %dot_general3A_2988 {offsets = [0, 6272], sizes = [256, 128], strides = [1, 1]} : vector<256x8192xf32> to vector<256x128xf32>
    %gt3A_3289 = arith.cmpf ogt, %slice3A_3288, %max3A_3287 : vector<256x128xf32>
    %jit3A_3290 = arith.constant 49 : i32
    %broadcast_in_dim3A_3291 = vector.broadcast %jit3A_3290 : i32 to vector<256x128xi32>
    %select_n3A_3292 = arith.select %gt3A_3289, %broadcast_in_dim3A_3291, %select_n3A_3286 : vector<256x128xi1>, vector<256x128xi32>
    %max3A_3293 = arith.maximumf %max3A_3287, %slice3A_3288 : vector<256x128xf32>
    %slice3A_3294 = vector.extract_strided_slice %dot_general3A_2988 {offsets = [0, 6400], sizes = [256, 128], strides = [1, 1]} : vector<256x8192xf32> to vector<256x128xf32>
    %gt3A_3295 = arith.cmpf ogt, %slice3A_3294, %max3A_3293 : vector<256x128xf32>
    %jit3A_3296 = arith.constant 50 : i32
    %broadcast_in_dim3A_3297 = vector.broadcast %jit3A_3296 : i32 to vector<256x128xi32>
    %select_n3A_3298 = arith.select %gt3A_3295, %broadcast_in_dim3A_3297, %select_n3A_3292 : vector<256x128xi1>, vector<256x128xi32>
    %max3A_3299 = arith.maximumf %max3A_3293, %slice3A_3294 : vector<256x128xf32>
    %slice3A_3300 = vector.extract_strided_slice %dot_general3A_2988 {offsets = [0, 6528], sizes = [256, 128], strides = [1, 1]} : vector<256x8192xf32> to vector<256x128xf32>
    %gt3A_3301 = arith.cmpf ogt, %slice3A_3300, %max3A_3299 : vector<256x128xf32>
    %jit3A_3302 = arith.constant 51 : i32
    %broadcast_in_dim3A_3303 = vector.broadcast %jit3A_3302 : i32 to vector<256x128xi32>
    %select_n3A_3304 = arith.select %gt3A_3301, %broadcast_in_dim3A_3303, %select_n3A_3298 : vector<256x128xi1>, vector<256x128xi32>
    %max3A_3305 = arith.maximumf %max3A_3299, %slice3A_3300 : vector<256x128xf32>
    %slice3A_3306 = vector.extract_strided_slice %dot_general3A_2988 {offsets = [0, 6656], sizes = [256, 128], strides = [1, 1]} : vector<256x8192xf32> to vector<256x128xf32>
    %gt3A_3307 = arith.cmpf ogt, %slice3A_3306, %max3A_3305 : vector<256x128xf32>
    %jit3A_3308 = arith.constant 52 : i32
    %broadcast_in_dim3A_3309 = vector.broadcast %jit3A_3308 : i32 to vector<256x128xi32>
    %select_n3A_3310 = arith.select %gt3A_3307, %broadcast_in_dim3A_3309, %select_n3A_3304 : vector<256x128xi1>, vector<256x128xi32>
    %max3A_3311 = arith.maximumf %max3A_3305, %slice3A_3306 : vector<256x128xf32>
    %slice3A_3312 = vector.extract_strided_slice %dot_general3A_2988 {offsets = [0, 6784], sizes = [256, 128], strides = [1, 1]} : vector<256x8192xf32> to vector<256x128xf32>
    %gt3A_3313 = arith.cmpf ogt, %slice3A_3312, %max3A_3311 : vector<256x128xf32>
    %jit3A_3314 = arith.constant 53 : i32
    %broadcast_in_dim3A_3315 = vector.broadcast %jit3A_3314 : i32 to vector<256x128xi32>
    %select_n3A_3316 = arith.select %gt3A_3313, %broadcast_in_dim3A_3315, %select_n3A_3310 : vector<256x128xi1>, vector<256x128xi32>
    %max3A_3317 = arith.maximumf %max3A_3311, %slice3A_3312 : vector<256x128xf32>
    %slice3A_3318 = vector.extract_strided_slice %dot_general3A_2988 {offsets = [0, 6912], sizes = [256, 128], strides = [1, 1]} : vector<256x8192xf32> to vector<256x128xf32>
    %gt3A_3319 = arith.cmpf ogt, %slice3A_3318, %max3A_3317 : vector<256x128xf32>
    %jit3A_3320 = arith.constant 54 : i32
    %broadcast_in_dim3A_3321 = vector.broadcast %jit3A_3320 : i32 to vector<256x128xi32>
    %select_n3A_3322 = arith.select %gt3A_3319, %broadcast_in_dim3A_3321, %select_n3A_3316 : vector<256x128xi1>, vector<256x128xi32>
    %max3A_3323 = arith.maximumf %max3A_3317, %slice3A_3318 : vector<256x128xf32>
    %slice3A_3324 = vector.extract_strided_slice %dot_general3A_2988 {offsets = [0, 7040], sizes = [256, 128], strides = [1, 1]} : vector<256x8192xf32> to vector<256x128xf32>
    %gt3A_3325 = arith.cmpf ogt, %slice3A_3324, %max3A_3323 : vector<256x128xf32>
    %jit3A_3326 = arith.constant 55 : i32
    %broadcast_in_dim3A_3327 = vector.broadcast %jit3A_3326 : i32 to vector<256x128xi32>
    %select_n3A_3328 = arith.select %gt3A_3325, %broadcast_in_dim3A_3327, %select_n3A_3322 : vector<256x128xi1>, vector<256x128xi32>
    %max3A_3329 = arith.maximumf %max3A_3323, %slice3A_3324 : vector<256x128xf32>
    %slice3A_3330 = vector.extract_strided_slice %dot_general3A_2988 {offsets = [0, 7168], sizes = [256, 128], strides = [1, 1]} : vector<256x8192xf32> to vector<256x128xf32>
    %gt3A_3331 = arith.cmpf ogt, %slice3A_3330, %max3A_3329 : vector<256x128xf32>
    %jit3A_3332 = arith.constant 56 : i32
    %broadcast_in_dim3A_3333 = vector.broadcast %jit3A_3332 : i32 to vector<256x128xi32>
    %select_n3A_3334 = arith.select %gt3A_3331, %broadcast_in_dim3A_3333, %select_n3A_3328 : vector<256x128xi1>, vector<256x128xi32>
    %max3A_3335 = arith.maximumf %max3A_3329, %slice3A_3330 : vector<256x128xf32>
    %slice3A_3336 = vector.extract_strided_slice %dot_general3A_2988 {offsets = [0, 7296], sizes = [256, 128], strides = [1, 1]} : vector<256x8192xf32> to vector<256x128xf32>
    %gt3A_3337 = arith.cmpf ogt, %slice3A_3336, %max3A_3335 : vector<256x128xf32>
    %jit3A_3338 = arith.constant 57 : i32
    %broadcast_in_dim3A_3339 = vector.broadcast %jit3A_3338 : i32 to vector<256x128xi32>
    %select_n3A_3340 = arith.select %gt3A_3337, %broadcast_in_dim3A_3339, %select_n3A_3334 : vector<256x128xi1>, vector<256x128xi32>
    %max3A_3341 = arith.maximumf %max3A_3335, %slice3A_3336 : vector<256x128xf32>
    %slice3A_3342 = vector.extract_strided_slice %dot_general3A_2988 {offsets = [0, 7424], sizes = [256, 128], strides = [1, 1]} : vector<256x8192xf32> to vector<256x128xf32>
    %gt3A_3343 = arith.cmpf ogt, %slice3A_3342, %max3A_3341 : vector<256x128xf32>
    %jit3A_3344 = arith.constant 58 : i32
    %broadcast_in_dim3A_3345 = vector.broadcast %jit3A_3344 : i32 to vector<256x128xi32>
    %select_n3A_3346 = arith.select %gt3A_3343, %broadcast_in_dim3A_3345, %select_n3A_3340 : vector<256x128xi1>, vector<256x128xi32>
    %max3A_3347 = arith.maximumf %max3A_3341, %slice3A_3342 : vector<256x128xf32>
    %slice3A_3348 = vector.extract_strided_slice %dot_general3A_2988 {offsets = [0, 7552], sizes = [256, 128], strides = [1, 1]} : vector<256x8192xf32> to vector<256x128xf32>
    %gt3A_3349 = arith.cmpf ogt, %slice3A_3348, %max3A_3347 : vector<256x128xf32>
    %jit3A_3350 = arith.constant 59 : i32
    %broadcast_in_dim3A_3351 = vector.broadcast %jit3A_3350 : i32 to vector<256x128xi32>
    %select_n3A_3352 = arith.select %gt3A_3349, %broadcast_in_dim3A_3351, %select_n3A_3346 : vector<256x128xi1>, vector<256x128xi32>
    %max3A_3353 = arith.maximumf %max3A_3347, %slice3A_3348 : vector<256x128xf32>
    %slice3A_3354 = vector.extract_strided_slice %dot_general3A_2988 {offsets = [0, 7680], sizes = [256, 128], strides = [1, 1]} : vector<256x8192xf32> to vector<256x128xf32>
    %gt3A_3355 = arith.cmpf ogt, %slice3A_3354, %max3A_3353 : vector<256x128xf32>
    %jit3A_3356 = arith.constant 60 : i32
    %broadcast_in_dim3A_3357 = vector.broadcast %jit3A_3356 : i32 to vector<256x128xi32>
    %select_n3A_3358 = arith.select %gt3A_3355, %broadcast_in_dim3A_3357, %select_n3A_3352 : vector<256x128xi1>, vector<256x128xi32>
    %max3A_3359 = arith.maximumf %max3A_3353, %slice3A_3354 : vector<256x128xf32>
    %slice3A_3360 = vector.extract_strided_slice %dot_general3A_2988 {offsets = [0, 7808], sizes = [256, 128], strides = [1, 1]} : vector<256x8192xf32> to vector<256x128xf32>
    %gt3A_3361 = arith.cmpf ogt, %slice3A_3360, %max3A_3359 : vector<256x128xf32>
    %jit3A_3362 = arith.constant 61 : i32
    %broadcast_in_dim3A_3363 = vector.broadcast %jit3A_3362 : i32 to vector<256x128xi32>
    %select_n3A_3364 = arith.select %gt3A_3361, %broadcast_in_dim3A_3363, %select_n3A_3358 : vector<256x128xi1>, vector<256x128xi32>
    %max3A_3365 = arith.maximumf %max3A_3359, %slice3A_3360 : vector<256x128xf32>
    %slice3A_3366 = vector.extract_strided_slice %dot_general3A_2988 {offsets = [0, 7936], sizes = [256, 128], strides = [1, 1]} : vector<256x8192xf32> to vector<256x128xf32>
    %gt3A_3367 = arith.cmpf ogt, %slice3A_3366, %max3A_3365 : vector<256x128xf32>
    %jit3A_3368 = arith.constant 62 : i32
    %broadcast_in_dim3A_3369 = vector.broadcast %jit3A_3368 : i32 to vector<256x128xi32>
    %select_n3A_3370 = arith.select %gt3A_3367, %broadcast_in_dim3A_3369, %select_n3A_3364 : vector<256x128xi1>, vector<256x128xi32>
    %max3A_3371 = arith.maximumf %max3A_3365, %slice3A_3366 : vector<256x128xf32>
    %slice3A_3372 = vector.extract_strided_slice %dot_general3A_2988 {offsets = [0, 8064], sizes = [256, 128], strides = [1, 1]} : vector<256x8192xf32> to vector<256x128xf32>
    %gt3A_3373 = arith.cmpf ogt, %slice3A_3372, %max3A_3371 : vector<256x128xf32>
    %jit3A_3374 = arith.constant 63 : i32
    %broadcast_in_dim3A_3375 = vector.broadcast %jit3A_3374 : i32 to vector<256x128xi32>
    %select_n3A_3376 = arith.select %gt3A_3373, %broadcast_in_dim3A_3375, %select_n3A_3370 : vector<256x128xi1>, vector<256x128xi32>
    %max3A_3377 = arith.maximumf %max3A_3371, %slice3A_3372 : vector<256x128xf32>
    %reduce_max3A_3378 = arith.constant dense<0xFF800000> : vector<256xf32>
    %reduce_max3A_3379 = vector.multi_reduction <maximumf>, %max3A_3377, %reduce_max3A_3378 [1] : vector<256x128xf32> to vector<256xf32>
    %mul3A_3380 = arith.constant 128 : i32
    %mul3A_3381 = vector.broadcast %mul3A_3380 : i32 to vector<256x128xi32>
    %mul3A_3382 = arith.muli %select_n3A_3376, %mul3A_3381 : vector<256x128xi32>
    %add3A_3383 = arith.addi %mul3A_3382, %iota3A_2989 : vector<256x128xi32>
    %broadcast_in_dim3A_3384 = vector.shape_cast %reduce_max3A_3379 : vector<256xf32> to vector<256x1xf32>
    %eq3A_3385 = vector.broadcast %broadcast_in_dim3A_3384 : vector<256x1xf32> to vector<256x128xf32>
    %eq3A_3386 = arith.cmpf oeq, %max3A_3377, %eq3A_3385 : vector<256x128xf32>
    %jit3A_3387 = arith.constant 8192 : i32
    %broadcast_in_dim3A_3388 = vector.broadcast %jit3A_3387 : i32 to vector<256x128xi32>
    %select_n3A_3389 = arith.select %eq3A_3386, %add3A_3383, %broadcast_in_dim3A_3388 : vector<256x128xi1>, vector<256x128xi32>
    %reduce_min3A_3390 = arith.constant dense<2147483647> : vector<256xi32>
    %reduce_min3A_3391 = vector.multi_reduction <minsi>, %select_n3A_3389, %reduce_min3A_3390 [1] : vector<256x128xi32> to vector<256xi32>
    %swap3A_3392 = arith.constant 0 : index
    %swap3A_3393 = arith.constant 0 : index
    %swap3A_3394 = arith.constant 1792 : index
    %swap3A_3395 = vector.load %arg3[%swap3A_3392, %swap3A_3393, %swap3A_3394] : memref<1x1x2048xi32, #tpu.memory_space<vmem>>, vector<1x1x256xi32>
    %swap3A_3396 = vector.shape_cast %swap3A_3395 : vector<1x1x256xi32> to vector<256xi32>
    %swap3A_3397 = vector.shape_cast %reduce_min3A_3391 : vector<256xi32> to vector<1x1x256xi32>
    tpu.vector_store %arg3[%swap3A_3392, %swap3A_3393, %swap3A_3394], %swap3A_3397 {strides = array<i32>} : memref<1x1x2048xi32, #tpu.memory_space<vmem>>, vector<1x1x256xi32>,
    %mul3A_3398 = arith.constant 2.000000e+00 : f32
    %mul3A_3399 = vector.broadcast %mul3A_3398 : f32 to vector<256xf32>
    %mul3A_3400 = arith.mulf %mul3A_3399, %reduce_max3A_3379 : vector<256xf32>
    %sub3A_3401 = arith.constant 1.000000e+00 : f32
    %sub3A_3402 = vector.broadcast %sub3A_3401 : f32 to vector<256xf32>
    %sub3A_3403 = arith.subf %sub3A_3402, %mul3A_3400 : vector<256xf32>
    %slice3A_3404 = vector.extract_strided_slice %reduce_sum3A_8 {offsets = [1792], sizes = [256], strides = [1]} : vector<2048xf32> to vector<256xf32>
    %add3A_3405 = arith.addf %sub3A_3403, %slice3A_3404 : vector<256xf32>
    %reduce_sum3A_3406 = vector.shape_cast %add3A_3405 : vector<256xf32> to vector<1x256xf32>
    %reduce_sum3A_3407 = arith.constant dense<0.000000e+00> : vector<1xf32>
    %reduce_sum3A_3408 = vector.multi_reduction <add>, %reduce_sum3A_3406, %reduce_sum3A_3407 [1] : vector<1x256xf32> to vector<1xf32>
    %reduce_sum3A_3409 = vector.shape_cast %reduce_sum3A_3408 : vector<1xf32> to vector<1x1xf32>
    %reduce_sum3A_3410 = vector.extract %reduce_sum3A_3409[0, 0] : f32 from vector<1x1xf32>
    %add3A_3411 = arith.addf %add3A_2985, %reduce_sum3A_3410 : f32
    %get3A_3412 = arith.constant 0 : index
    %get3A_3413 = arith.constant 0 : index
    %get3A_3414 = memref.load %arg4[%get3A_3412, %get3A_3413] : memref<1x1xf32, #tpu.memory_space<smem>>
    %add3A_3415 = arith.addf %get3A_3414, %add3A_3411 : f32
    %swap3A_3416 = arith.constant 0 : index
    %swap3A_3417 = arith.constant 0 : index
    %swap3A_3418 = memref.load %arg4[%swap3A_3416, %swap3A_3417] : memref<1x1xf32, #tpu.memory_space<smem>>
    memref.store %add3A_3415, %arg4[%swap3A_3416, %swap3A_3417] : memref<1x1xf32, #tpu.memory_space<smem>>
    return
  }
  func.func @transform_0(%arg0: i32) -> (i32, i32) {
    %c0_i32 = arith.constant 0 : i32
    %c0_i32_0 = arith.constant 0 : i32
    return %arg0, %c0_i32 : i32, i32
  }
  func.func @transform_1(%arg0: i32) -> (i32, i32) {
    %c0_i32 = arith.constant 0 : i32
    %c0_i32_0 = arith.constant 0 : i32
    %c0_i32_1 = arith.constant 0 : i32
    return %c0_i32, %c0_i32_0 : i32, i32
  }
  func.func @transform_2(%arg0: i32) -> (i32, i32, i32) {
    %c0_i32 = arith.constant 0 : i32
    %c0_i32_0 = arith.constant 0 : i32
    %c0_i32_1 = arith.constant 0 : i32
    return %arg0, %c0_i32, %c0_i32_0 : i32, i32, i32
  }
  func.func @transform_3(%arg0: i32) -> (i32, i32) {
    %c0_i32 = arith.constant 0 : i32
    %c0_i32_0 = arith.constant 0 : i32
    %c0_i32_1 = arith.constant 0 : i32
    return %c0_i32, %c0_i32_0 : i32, i32
  }
}

</mosaic_0001>

<sc_bundles>
// kernel: kernel.4.cloned.1.call-start
scs
__scs_entry_jumppad:
0x0: {  	(pc) =	sbr.rel $0x88, $3  }
0x1: {  	(tag) =	ssettag $0x0;
	lr =	simm.s32 $0x1  }
0x2: {  	[smem:$0x3F9F] =	sst lr;
	_ =	strace $0xD0000000  }
0x3: {  	_ = 	snop  }
0x4: {  	_ = 	snop  }
0x5: {  	_ = 	snop  }
0x6: {  	_ = 	snop  }
0x7: {  	_ = 	snop  }
__scs_overlays_trampoline_lowered:
0x8: {  	[smem:$0x3FAE] =	sst s0  }
0x9: {  	[smem:$0x3FAF] =	sst s1  }
0xa: {  	[smem:$0x3FB0] =	sst s2  }
0xb: {  	[smem:$0x3FB1] =	sst s3  }
0xc: {  	[smem:$0x3FB2] =	sst s4  }
0xd: {  	[smem:$0x3FB3] =	sst s5  }
0xe: {  	[smem:$0x3FB4] =	sst s6  }
0xf: {  	[smem:$0x3FB5] =	sst s7  }
0x10: {  	[smem:$0x3FB6] =	sst s8  }
0x11: {  	[smem:$0x3FB7] =	sst s9;
	s0 =	simm.s32 @!p0 $0x0  }
0x12: {  	s1 =	sld [smem:$0x3F9D];
	s0 =	simm.s32 @p0 $0x1  }
0x13: {  	[smem:$0x3FB8] =	sst s0;
	s0 =	simm.s32 @!p1 $0x0  }
0x14: {  	s2 =	sld [smem:$0x3F9C];
	s0 =	simm.s32 @p1 $0x1  }
0x15: {  	[smem:$0x3FB9] =	sst s0;
	s0 =	simm.s32 @!p2 $0x0  }
0x16: {  	s3 =	sld [smem:$0x3FDB];
	s0 =	simm.s32 @p2 $0x1  }
0x17: {  	s4 =	simm.s32 $0x1BF5;
	[smem:$0x3FBB] =	sst s0  }
0x18: {  	s0 =	sld [smem:$0x3F9E];
	_ =	swait.ge [sflag:s4], $0x0  }
0x19: {  	s7 =	sld [smem:$0x3F9F]  }
0x1a: {  	s8 =	sadd.s32 $0xFFFFE003, lr  }
0x1b: {  	s9 =	sadd.s32 $0xFFFFFEF7, lr;
	s5 =	simm.s32 $0xFFFFFFFF;
	p2 =	slt.u32 s8, $0xFFFFF086  }
0x1c: {  	p1 =	slt.u32 s9, $0xF7A;
	s5 =	simm.s32 @!p2 $0x0  }
0x1d: {  	s5 =	simm.s32 @p1 $0x1;
	p0 =	seq.s32 s7, s2  }
0x1e: {  	s7 =	smul.u32 @!p0 $0xF7A, s2;
	p2 =	seq.s32 @!p0 s5, $0x0  }
0x1f: {  	s9 =	smul.u32 $0xF7A, s1;
	s8 =	simm.s32 @!p0 $0x1BF5;
	p2 =	por !p2, p0  }
0x20: {  	[sflag:s8] =	ssyncset.s32 @!p0 $0xFFFFF086;
	s6 =	sadd.s32 @!p0 s3, s7;
	s7 =	simm.s32 @!p0 $0x108  }
0x21: {  	s3 =	sadd.s32 s3, s9;
	s6 =	sadd.s32 @!p0 $0x88, s6;
	s7 =	simm.s32 @p2 $0x1082  }
0x22: {  	[simem:s7], [sflag:s8] =	dma.local @!p0 [hbm:s6], $0xF7A  }
0x23: {  	s9 =	sor.u32 $0xD0000000, s2;
	s6 =	simm.s32 $0x108;
	_ =	swait.ge @!p0 [sflag:s8], $0x0  }
0x24: {  	s3 =	sadd.s32 $0x88, s3;
	s6 =	simm.s32 @!p1 $0x1082;
	[sflag:s4] =	ssyncset.s32 $0xFFFFF086  }
0x25: {  	[simem:s6], [sflag:s4] =	dma.local [hbm:s3], $0xF7A  }
0x26: {  	[smem:$0x3F9F] =	sst s1;
	(tag) =	ssettag s2;
	_ =	strace s9  }
0x27: {  	s1 =	sld [smem:$0x3FAF]  }
0x28: {  	s2 =	sld [smem:$0x3FB0]  }
0x29: {  	s4 =	sld [smem:$0x3FB2]  }
0x2a: {  	p0 =	seq.s32 s5, $0x0;
	s5 =	sld [smem:$0x3FB3]  }
0x2b: {  	s6 =	sld [smem:$0x3FB4]  }
0x2c: {  	s7 =	sld [smem:$0x3FB5]  }
0x2d: {  	s3 =	simm.s32 $0x108;
	s8 =	sld [smem:$0x3FB6]  }
0x2e: {  	s3 =	simm.s32 @!p0 $0x1082;
	s9 =	sld [smem:$0x3FB7]  }
0x2f: {  	lr =	sadd.s32 s0, s3;
	s0 =	sld [smem:$0x3FAE]  }
0x30: {  	s3 =	sld [smem:$0x3FB1]  }
0x31: {  	[smem:$0x3FBA] =	sst s10  }
0x32: {  	s10 =	sld [smem:$0x3FB8];
	_ =	sdelay $0x3  }
0x33: {  	p0 =	seq.s32 s10, $0x1;
	s10 =	sld [smem:$0x3FBA];
	_ =	sdelay $0x3  }
0x34: {  	[smem:$0x3FBA] =	sst s10  }
0x35: {  	s10 =	sld [smem:$0x3FB9];
	_ =	sdelay $0x3  }
0x36: {  	p1 =	seq.s32 s10, $0x1;
	s10 =	sld [smem:$0x3FBA];
	_ =	sdelay $0x3  }
0x37: {  	[smem:$0x3FBA] =	sst s10  }
0x38: {  	s10 =	sld [smem:$0x3FBB]  }
0x39: {  	_ = 	snop;
	(pc) =	sbr.ind lr, $3  }
0x3a: {  	_ = 	snop  }
0x3b: {  	_ = 	snop  }
0x3c: {  	p2 =	seq.s32 s10, $0x1;
	s10 =	sld [smem:$0x3FBA]  }
0x3d: {  	_ =	shalt  }
0x3e: {  	_ =	shalt  }
0x3f: {  	_ =	shalt  }
0x40: {  	_ =	shalt  }
0x41: {  	_ =	shalt  }
0x42: {  	_ =	shalt  }
0x43: {  	_ =	shalt  }
0x44: {  	_ =	shalt  }
0x45: {  	_ =	shalt  }
0x46: {  	_ =	shalt  }
0x47: {  	_ =	shalt  }
0x48: {  	_ =	shalt  }
0x49: {  	_ =	shalt  }
0x4a: {  	_ =	shalt  }
0x4b: {  	_ =	shalt  }
0x4c: {  	_ =	shalt  }
0x4d: {  	_ =	shalt  }
0x4e: {  	_ =	shalt  }
0x4f: {  	_ =	shalt  }
0x50: {  	_ =	shalt  }
0x51: {  	_ =	shalt  }
0x52: {  	_ =	shalt  }
0x53: {  	_ =	shalt  }
0x54: {  	_ =	shalt  }
0x55: {  	_ =	shalt  }
0x56: {  	_ =	shalt  }
0x57: {  	_ =	shalt  }
0x58: {  	_ =	shalt  }
0x59: {  	_ =	shalt  }
0x5a: {  	_ =	shalt  }
0x5b: {  	_ =	shalt  }
0x5c: {  	_ =	shalt  }
0x5d: {  	_ =	shalt  }
0x5e: {  	_ =	shalt  }
0x5f: {  	_ =	shalt  }
0x60: {  	_ =	shalt  }
0x61: {  	_ =	shalt  }
0x62: {  	_ =	shalt  }
0x63: {  	_ =	shalt  }
0x64: {  	_ =	shalt  }
0x65: {  	_ =	shalt  }
0x66: {  	_ =	shalt  }
0x67: {  	_ =	shalt  }
0x68: {  	_ =	shalt  }
0x69: {  	_ =	shalt  }
0x6a: {  	_ =	shalt  }
0x6b: {  	_ =	shalt  }
0x6c: {  	_ =	shalt  }
0x6d: {  	_ =	shalt  }
0x6e: {  	_ =	shalt  }
0x6f: {  	_ =	shalt  }
0x70: {  	_ =	shalt  }
0x71: {  	_ =	shalt  }
0x72: {  	_ =	shalt  }
0x73: {  	_ =	shalt  }
0x74: {  	_ =	shalt  }
0x75: {  	_ =	shalt  }
0x76: {  	_ =	shalt  }
0x77: {  	_ =	shalt  }
0x78: {  	_ =	shalt  }
0x79: {  	_ =	shalt  }
0x7a: {  	_ =	shalt  }
0x7b: {  	_ =	shalt  }
0x7c: {  	_ =	shalt  }
0x7d: {  	_ =	shalt  }
0x7e: {  	_ =	shalt  }
0x7f: {  	_ =	shalt  }
0x80: {  	_ =	shalt  }
0x81: {  	_ =	shalt  }
0x82: {  	_ =	shalt  }
0x83: {  	_ =	shalt  }
0x84: {  	_ =	shalt  }
0x85: {  	_ =	shalt  }
0x86: {  	_ =	shalt  }
0x87: {  	_ =	shalt  }
.Lfunc_end0:
.L_simem_size_0:
called_computation_lowered:
.L_overlay_start_0:
0x88: {  	s2 =	sld [smem:$0x3FD9]  }
0x89: {  	s3 =	sld [smem:$0x3FFE];
	_ =	sdelay $0x1  }
0x8a: {  	s1 =	srdreg.scid  }
0x8b: {  	s0 =	sand.u32 $0x1, s1  }
0x8c: {  	s14 =	sshll.u32 s0, $0xA;
	s2 =	sadd.s32 s3, s2  }
0x8d: {  	s2 =	sadd.s32 s2, s14  }
0x8e: {  	[smem:$0x3FC6] =	sst s2  }
0x8f: {  	_ = 	snop  }
0x90: {  	s2 =	sld [smem:$0x3FD0];
	_ =	sdelay $0x2  }
0x91: {  	s15 =	simm.s32 $0xA;
	s4 =	simm.s32 $0x10  }
0x92: {  	[smem:s4], [sflag:s15] =	dma.local [hbm:s2], $0x1  }
0x93: {  	_ =	swait.eq [sflag:s15], $0x1  }
0x94: {  	[sflag:s15] =	ssyncset.done $0x0  }
0x95: {  	[sflag:s15] =	ssyncadd.s32 $0xFFFFFFFF  }
0x96: {  	s16 =	sld [smem:$0x10];
	(tm) =	ssettm $0x1  }
0x97: {  	s17 =	sld [smem:$0x3FFB];
	_ =	sdelay $0x3  }
0x98: {  	_ =	strace s17  }
0x99: {  	s3 =	sld [smem:$0x3FFC];
	_ =	sdelay $0x3  }
0x9a: {  	_ =	strace s3  }
0x9b: {  	s3 =	sld [smem:$0x3FFD];
	_ =	sdelay $0x3  }
0x9c: {  	_ =	strace s3  }
0x9d: {  	_ =	strace $0x8FFFFFFF  }
0x9e: {  	s18 =	sld [smem:$0x3FDB];
	_ =	sdelay $0x1  }
0x9f: {  	s19 =	simm.s32 $_scs_section_size  }
0xa0: {  	s5 =	simm.s32 $_size__tile_overlayer_lowered;
	s6 =	simm.s32 $_tile_overlayer_lowered  }
0xa1: {  	s22 =	simm.s32 $0x1BFF;
	s21 =	sshll.u32 s6, $0x1;
	s3 =	sadd.s32 s19, s18  }
0xa2: {  	s7 =	simm.s32 $0x0;
	s20 =	sshll.u32 s5, $0x1;
	s5 =	sadd.s32 s21, s3  }
0xa3: {  	[timem:s7], [sflag:s22] =	dma.local [hbm:s5], s20  }
0xa4: {  	_ =	swait.ge [sflag:s22], s20  }
0xa5: {  	s4 =	ssub.s32 $0x0, s20;
	[sflag:s22] =	ssyncset.done $0x0  }
0xa6: {  	[sflag:s22] =	ssyncadd.s32 s4;
	_ =	sdelay $0x1  }
0xa7: {  	s23 =	simm.s32 $0x1B8B  }
0xa8: {  	_ =	swait.ge [sflag:s23], $0x1  }
0xa9: {  	[sflag:s23] =	ssyncset.done $0x0  }
0xaa: {  	s25 =	simm.s32 $0x1B8E;
	s24 =	sld [smem:$0x3FFE];
	[sflag:s23] =	ssyncadd.s32 $0xFFFFFFFF  }
0xab: {  	s26 =	simm.s32 $execute0_lowered;
	[smem:$0x3FD2] =	sst s25  }
0xac: {  	s5 =	sshll.u32 s26, $0x1;
	_ =	strace $0x80000046;
	[dreg:$0x1] =	wrdreg $0xFFFFFFFF  }
0xad: {  	s28 =	simm.s32 $_size_execute0_lowered;
	s3 =	sadd.s32 s3, s5;
	[dreg:$0x0] =	wrdreg $0x0  }
0xae: {  	s5 =	sshll.u32 s28, $0x1;
	[dreg:$0x2] =	wrdreg s3  }
0xaf: {  	[dreg:$0x3] =	wrdreg s5  }
0xb0: {  	[dreg:$0x4] =	wrdreg $0xC0  }
0xb1: {  	_ =	task [dreg:s7], $0x5FFFF  }
0xb2: {  	[dreg:$0x1] =	wrdreg $0xFFFFFFFF  }
0xb3: {  	[dreg:$0x0] =	wrdreg $0x60  }
0xb4: {  	[dreg:$0x2] =	wrdreg s24  }
0xb5: {  	[dreg:$0x3] =	wrdreg s16  }
0xb6: {  	[dreg:$0x4] =	wrdreg $0x9  }
0xb7: {  	_ =	task.clear_ibuf [dreg:s7], $0x5FFFF;
	_ =	strace $0x90000046  }
0xb8: {  	s29 =	simm.s32 $0x9;
	_ =	strace $0x80000048  }
0xb9: {  	_ =	swait.ge [sflag:s29], $0x1  }
0xba: {  	[sflag:s29] =	ssyncadd.s32 $0xFFFFFFFF  }
0xbb: {  	_ =	strace $0x90000048  }
0xbc: {  	_ =	sfence  }
0xbd: {  	s30 =	sld [smem:$0x0];
	_ =	sdelay $0x2  }
0xbe: {  	s31 =	sshll.u32 s1, $0xD;
	s1 =	sshrl.u32 s1, $0x2  }
0xbf: {  	s3 =	sand.u32 $0x4000, s31;
	s1 =	sadd.s32 s1, s30  }
0xc0: {  	s0 =	sor.u32 s3, s0;
	s1 =	sshll.u32 s1, $0x11  }
0xc1: {  	s0 =	sor.u32 s1, s0  }
0xc2: {  	s0 =	sadd.s32 $0x8F2B, s0  }
0xc3: {  	[sflag:s0] =	ssyncadd.remote.s32 $0x1  }
0xc4: {  	_ =	sfence.sel $0xFFFF  }
0xc5: {  	[dreg:$0x0] =	wrdreg $0xFFFFFFFF;
	(pc) =	sbr.abs _section_cstart, $3  }
0xc6: {  	[dreg:$0x1] =	wrdreg $0xFFFFFFFF  }
0xc7: {  	_ =	task.clear_ibuf [dreg:s7], $0x2FFFF;
	_ =	strace $0x9FFFFFFF  }
0xc8: {  	(tm) =	ssettm $0x7FFFFFFF  }
0xc9: {  	_ =	shalt  }
tec
execute0_lowered:
.L_overlay_start_1:
0x0: {  	(tag) =	ssettag $0x1  }
0x1: {  	s1 =	srdreg.scid;
	s0 =	stileid.u32  }
0x2: {  	s5 =	rddreg [dreg:$0x0];
	s14 =	sand.u32 $0x1, s1;
	s29 =	sshll.u32 s0, $0x1  }
0x3: {  	s15 =	rddreg [dreg:$0x1];
	s16 =	sor.u32 s14, s29  }
0x4: {  	s2 =	simm.s32 $0x0;
	s1 =	rddreg [dreg:$0x2];
	s3 =	sshll.u32 s16, $0x6  }
0x5: {  	[smem:$0x7FF] =	sst s2;
	s3 =	sadd.s32 s3, s5  }
0x6: {  	_ =	strace $0x80000047;
	s4 =	sadd.s32 $0x10800, s3;
	s3 =	simm.s32 $0x2  }
0x7: {  	[tilespmem:s2], [sflag:$0x2] =	stream.linear.gather [hbm4b:s4+s2], $0x200, $0x38;
	[tilespmem:$0x8200] =	vst v63  }
0x8: {  	_ =	swait.ge [sflag:s3], $0x200  }
0x9: {  	s6 =	simm.s32 $0x80;
	[sflag:s3] =	ssyncset.done $0x0  }
0xa: {  	s7 =	simm.s32 $0x200;
	s5 =	sadd.s32 $0x800, s5;
	[sflag:s3] =	ssyncadd.s32 $0xFFFFFE00  }
0xb: {  	[tilespmem:s7], [sflag:$0x1] =	stream.indirect.gather [hbm4b:s5+s6], $0x40, s2, s6, $0xb8;
	[tilespmem:$0x8200] =	vst v63  }
0xc: {  	s8 =	simm.s32 $0x2200  }
0xd: {  	[tilespmem:s8], [sflag:$0x1] =	stream.indirect.gather [hbm4b:s5+s6], $0x40, s6, s6, $0xb8;
	[tilespmem:$0x8200] =	vst v63  }
0xe: {  	s9 =	simm.s32 $0x100;
	s10 =	simm.s32 $0x4200  }
0xf: {  	[tilespmem:s10], [sflag:$0x1] =	stream.indirect.gather [hbm4b:s5+s6], $0x40, s9, s6, $0xb8;
	[tilespmem:$0x8200] =	vst v63  }
0x10: {  	s11 =	simm.s32 $0x180;
	s12 =	simm.s32 $0x6200;
	s13 =	simm.s32 $0x1  }
0x11: {  	[tilespmem:s12], [sflag:$0x1] =	stream.indirect.gather [hbm4b:s5+s6], $0x40, s11, s6, $0xb8;
	[tilespmem:$0x8200] =	vst v63  }
0x12: {  	_ =	swait.ge [sflag:s13], $0x2000  }
0x13: {  	[sflag:s13] =	ssyncset.done $0x0  }
0x14: {  	[sflag:s13] =	ssyncadd.s32 $0xFFFFE000  }
0x15: {  	_ =	swait.ge [sflag:s13], $0x2000  }
0x16: {  	[sflag:s13] =	ssyncset.done $0x0  }
0x17: {  	s14 =	ssub.s32 $0x2, s14;
	[sflag:s13] =	ssyncadd.s32 $0xFFFFE000  }
0x18: {  	s17 =	sshrl.u32 s14, $0x1;
	_ =	swait.ge [sflag:s13], $0x2000  }
0x19: {  	s17 =	ssub.s32 s14, s17;
	[sflag:s13] =	ssyncset.done $0x0  }
0x1a: {  	s31 =	smax.u32 s17, $0x1;
	[sflag:s13] =	ssyncadd.s32 $0xFFFFE000  }
0x1b: {  	p0 =	sne.s32 s31, $0x1;
	_ =	swait.ge [sflag:s13], $0x2000  }
.Ltmp0:
0x1c: {  	s30 =	sshll.u32 s16, $0xC;
	[sflag:s13] =	ssyncset.done $0x0;
	(pc) =	sbr.rel @!p0 .LBB2_2-.Ltmp0, $4  }
0x1d: {  	s14 =	sadd.s32 s15, s30;
	[sflag:s13] =	ssyncadd.s32 $0xFFFFE000  }
0x1e: {  	[hbm4b:s14+s2] =	stream.linear.scatter [tilespmem:s7], [sflag:$0x2], $0x8000, $0x38;
	[tilespmem:$0x8200] =	vst v63  }
0x1f: {  	_ =	swait.ge [sflag:s3], $0x8000  }
0x20: {  	s15 =	sadd.s32 $0xFFFFFFFF, s31;
	[sflag:s3] =	ssyncset.done $0x0  }
.LBB2_1:
0x21: {  	p0 =	sne.s32 s15, $0x1;
	s15 =	sadd.s32 $0xFFFFFFFF, s15;
	[sflag:s3] =	ssyncadd.s32 $0xFFFF8000  }
0x22: {  	[tilespmem:s2], [sflag:$0x2] =	stream.linear.gather [hbm4b:s4+s2], $0x200, $0x38;
	[tilespmem:$0x8200] =	vst v63  }
0x23: {  	_ =	swait.ge [sflag:s3], $0x200  }
0x24: {  	[sflag:s3] =	ssyncset.done $0x0  }
0x25: {  	[sflag:s3] =	ssyncadd.s32 $0xFFFFFE00  }
0x26: {  	[tilespmem:s7], [sflag:$0x1] =	stream.indirect.gather [hbm4b:s5+s6], $0x40, s2, s6, $0xb8;
	[tilespmem:$0x8200] =	vst v63  }
0x27: {  	_ = 	snop  }
0x28: {  	[tilespmem:s8], [sflag:$0x1] =	stream.indirect.gather [hbm4b:s5+s6], $0x40, s6, s6, $0xb8;
	[tilespmem:$0x8200] =	vst v63  }
0x29: {  	_ = 	snop  }
0x2a: {  	[tilespmem:s10], [sflag:$0x1] =	stream.indirect.gather [hbm4b:s5+s6], $0x40, s9, s6, $0xb8;
	[tilespmem:$0x8200] =	vst v63  }
0x2b: {  	_ = 	snop  }
0x2c: {  	[tilespmem:s12], [sflag:$0x1] =	stream.indirect.gather [hbm4b:s5+s6], $0x40, s11, s6, $0xb8;
	[tilespmem:$0x8200] =	vst v63  }
0x2d: {  	_ =	swait.ge [sflag:s13], $0x2000  }
0x2e: {  	[sflag:s13] =	ssyncset.done $0x0  }
0x2f: {  	[sflag:s13] =	ssyncadd.s32 $0xFFFFE000  }
0x30: {  	_ =	swait.ge [sflag:s13], $0x2000  }
0x31: {  	[sflag:s13] =	ssyncset.done $0x0  }
0x32: {  	[sflag:s13] =	ssyncadd.s32 $0xFFFFE000  }
0x33: {  	_ =	swait.ge [sflag:s13], $0x2000  }
0x34: {  	[sflag:s13] =	ssyncset.done $0x0  }
0x35: {  	[sflag:s13] =	ssyncadd.s32 $0xFFFFE000  }
0x36: {  	_ =	swait.ge [sflag:s13], $0x2000  }
.Ltmp1:
0x37: {  	[sflag:s13] =	ssyncset.done $0x0;
	(pc) =	sbr.rel @p0 .LBB2_1-.Ltmp1, $4  }
0x38: {  	[sflag:s13] =	ssyncadd.s32 $0xFFFFE000  }
0x39: {  	[hbm4b:s14+s2] =	stream.linear.scatter [tilespmem:s7], [sflag:$0x2], $0x8000, $0x38;
	[tilespmem:$0x8200] =	vst v63  }
0x3a: {  	_ =	swait.ge [sflag:s3], $0x8000  }
0x3b: {  	[sflag:s3] =	ssyncset.done $0x0  }
.LBB2_2:
0x3c: {  	[sflag:s3] =	ssyncadd.s32 $0xFFFF8000  }
0x3d: {  	_ =	sfence.sel $0x180000  }
0x3e: {  	[bflag:$0x0] =	sbarrier.arrive $0xFFFF  }
0x3f: {  	p0 =	sne.s32 s0, $0x0;
	_ =	strace $0x90000047  }
0x40: {  	s0 =	sadd.s32 @!p0 $0x100000, s1;
	[bflag:$0x2] =	sbarrier.arrive $0xFFFF  }
0x41: {  	[sflag:s0] =	ssyncadd.tile.s32 @!p0 $0x1;
	_ =	shalt  }
.Lfunc_end2:
_tile_overlayer_lowered:
.L_overlay_start_2:
0x42: {  	(tag) =	ssettag $0x2  }
0x43: {  	s0 =	rddreg [dreg:$0x0];
	s2 =	stileid.u32  }
0x44: {  	s1 =	rddreg [dreg:$0x1];
	p0 =	sne.s32 s2, $0x0  }
0x45: {  	s3 =	rddreg [dreg:$0x2];
	[bflag:$0x3] =	sbarrier.arrive $0xFFFF;
	s2 =	simm.s32 @!p0 $0x1C02  }
0x46: {  	[timem:s3], [sflag:s2] =	dma.local @!p0 [hbm:s0], s1  }
0x47: {  	s0 =	simm.s32 @!p0 $0x2  }
0x48: {  	_ =	swait.ge @!p0 [sflag:s0], s1  }
0x49: {  	s1 =	ssub.s32 @!p0 $0x0, s1;
	[sflag:s0] =	ssyncset.done @!p0 $0x0  }
0x4a: {  	[sflag:s0] =	ssyncadd.s32 @!p0 s1  }
0x4b: {  	[bflag:$0x3] =	sbarrier.arrive $0xFFFF  }
0x4c: {  	_ =	shalt  }

</sc_bundles>
